<compile_context>
chip_gen: v7x
topology: tpu7x:2x2x1
jax: 0.10.2.dev20260603
libtpu: 0.0.44.dev20260713+nightly
codegen_flags: <defaults>
</compile_context>

<pallas_src>
import functools

import jax
import jax.numpy as jnp
from jax.experimental import pallas as pl
from jax.experimental.pallas import tpu as pltpu
from jax.experimental.pallas import tpu_sc as plsc

_GCN_K = 16
_PPF_K = 32
_R2 = 0.3 ** 2
_EPS = 1e-5


def _leaky(x):
    return jnp.where(x >= 0.0, x, 0.2 * x)


def _knn_bq_body(crow_ref, call_ref, knn_ref, bq_ref,
                 sq_ref, hit_ref, kn_s, bq_s,
                 *, n_tot, nc, cw, rows):
    f32 = jnp.float32
    i32 = jnp.int32
    bigi = i32(nc * cw + 1)
    ax = crow_ref[:, 0:1]
    ay = crow_ref[:, 1:2]
    az = crow_ref[:, 2:3]
    aa = ax * ax + ay * ay + az * az
    rx = ax.astype(jnp.bfloat16).astype(jnp.float32)
    ry = ay.astype(jnp.bfloat16).astype(jnp.float32)
    rz = az.astype(jnp.bfloat16).astype(jnp.float32)

    def _fold(x, acc):
        return jnp.minimum(acc, x)

    def _lanemin(acc):
        return jnp.min(acc, axis=-1, keepdims=True)

    def fill_body(j, macc):
        bx = call_ref[j, 0:1, :]
        by = call_ref[j, 1:2, :]
        bz = call_ref[j, 2:3, :]
        sx = bx.astype(jnp.bfloat16).astype(jnp.float32)
        sy = by.astype(jnp.bfloat16).astype(jnp.float32)
        sz = bz.astype(jnp.bfloat16).astype(jnp.float32)
        ab = rx * sx + ry * sy + rz * sz
        bb = bx * bx + by * by + bz * bz
        sq = aa - 2.0 * ab + bb
        sq_ref[j] = sq
        col = j * cw + jax.lax.broadcasted_iota(i32, (rows, cw), 1)
        hit_ref[j] = jnp.where(sq < f32(_R2), col, n_tot)
        return _fold(sq, macc)

    m0 = _lanemin(jax.lax.fori_loop(0, nc, fill_body,
                                    jnp.full((rows, cw), jnp.inf, f32)))

    def bq_body(t, lastc):
        def mn(j, acc):
            h = hit_ref[j]
            return _fold(jnp.where(h > lastc, h, n_tot), acc)
        m = _lanemin(jax.lax.fori_loop(0, nc, mn,
                                       jnp.full((rows, cw), n_tot, i32)))
        bq_s[t] = m
        return m

    jax.lax.fori_loop(0, _PPF_K, bq_body,
                      jnp.full((rows, 1), -1, i32))

    def ix_pass(m):
        def ix(j, acc):
            ch = sq_ref[j]
            col = j * cw + jax.lax.broadcasted_iota(i32, (rows, cw), 1)
            return _fold(jnp.where(ch == m, col, bigi), acc)
        return _lanemin(jax.lax.fori_loop(0, nc, ix,
                                          jnp.full((rows, cw), bigi, i32)))

    def kn_body(t, m):
        ii = ix_pass(m)
        kn_s[t] = ii

        def mskmin(j, acc):
            col = j * cw + jax.lax.broadcasted_iota(i32, (rows, cw), 1)
            v = jnp.where(col == ii, jnp.inf, sq_ref[j])
            sq_ref[j] = v
            return _fold(v, acc)

        return _lanemin(jax.lax.fori_loop(0, nc, mskmin,
                                          jnp.full((rows, cw), jnp.inf, f32)))

    m_last = jax.lax.fori_loop(0, _GCN_K, kn_body, m0)
    kn_s[_GCN_K] = ix_pass(m_last)

    first = bq_s[0]
    for s in range(_PPF_K):
        v = bq_s[s]
        bq_ref[:, s:s + 1] = jnp.where(v == n_tot, first, v)
    for t in range(1, _GCN_K + 1):
        knn_ref[:, t - 1:t] = kn_s[t]


def _knn_ballquery(c_pad8, call3, *, n_tot, rows, nc, cw):
    nblk = n_tot // rows
    body = functools.partial(_knn_bq_body, n_tot=n_tot, nc=nc, cw=cw,
                             rows=rows)
    return pl.pallas_call(
        body,
        grid=(nblk,),
        in_specs=[
            pl.BlockSpec((rows, 8), lambda i: (i, 0)),
            pl.BlockSpec((nc, 8, cw), lambda i: (0, 0, 0)),
        ],
        out_specs=[
            pl.BlockSpec((rows, _GCN_K), lambda i: (i, 0)),
            pl.BlockSpec((rows, _PPF_K), lambda i: (i, 0)),
        ],
        out_shape=[
            jax.ShapeDtypeStruct((n_tot, _GCN_K), jnp.int32),
            jax.ShapeDtypeStruct((n_tot, _PPF_K), jnp.int32),
        ],
        scratch_shapes=[
            pltpu.VMEM((nc, rows, cw), jnp.float32),
            pltpu.VMEM((nc, rows, cw), jnp.int32),
            pltpu.VMEM((_GCN_K + 1, rows, 1), jnp.int32),
            pltpu.VMEM((_PPF_K, rows, 1), jnp.int32),
        ],
    )(c_pad8, call3)


def _sc_gather(data, idx_flat, window):
    ni = idx_flat.shape[0]
    d = data.shape[1]
    assert ni % window == 0
    mesh = plsc.VectorSubcoreMesh(core_axis_name="c", subcore_axis_name="s")
    idx2 = idx_flat.reshape(1, ni)

    @functools.partial(
        pl.kernel,
        out_type=jax.ShapeDtypeStruct((ni, d), data.dtype),
        mesh=mesh,
    )
    def gather_kernel(x_hbm, i_hbm, o_hbm):
        def body(i_vmem, o_vmem):
            pltpu.sync_copy(x_hbm.at[i_vmem.at[0]], o_vmem)

        pltpu.emit_pipeline(
            body,
            grid=(ni // window,),
            in_specs=[pl.BlockSpec((1, window), index_map=lambda i: (0, i))],
            out_specs=[pl.BlockSpec((window, d), index_map=lambda i: (i, 0))],
            core_axis_name=("c", "s"),
            dimension_semantics=(pltpu.PARALLEL,),
        )(i_hbm, o_hbm)

    return gather_kernel(data, idx2)


def _nbr_reduce_body(qg_ref, p_ref, m_ref, s_ref):
    qg = qg_ref[...]
    mx = jnp.max(qg, axis=1)
    sm = jnp.sum(qg, axis=1)
    s2 = jnp.sum(qg * qg, axis=1)
    m_ref[...] = mx
    p = p_ref[...]

    @pl.when(pl.program_id(0) == 0)
    def _():
        s_ref[...] = jnp.zeros_like(s_ref)

    s_ref[0:1, :] += jnp.sum(p, axis=0, keepdims=True)
    s_ref[1:2, :] += jnp.sum(p * p, axis=0, keepdims=True)
    s_ref[2:3, :] += jnp.sum(p * sm, axis=0, keepdims=True)
    s_ref[3:4, :] += jnp.sum(sm, axis=0, keepdims=True)
    s_ref[4:5, :] += jnp.sum(s2, axis=0, keepdims=True)


def _nbr_reduce2_body(qa_ref, qb_ref, p_ref, m_ref, s_ref):
    c = qa_ref.shape[2]
    p = p_ref[...]

    @pl.when(pl.program_id(0) == 0)
    def _():
        s_ref[...] = jnp.zeros_like(s_ref)

    for h, qref in ((0, qa_ref), (1, qb_ref)):
        lo, hi = h * c, (h + 1) * c
        qg = qref[...]
        mx = jnp.max(qg, axis=1)
        sm = jnp.sum(qg, axis=1)
        s2 = jnp.sum(qg * qg, axis=1)
        m_ref[:, lo:hi] = mx
        ph = p[:, lo:hi]
        s_ref[0:1, lo:hi] += jnp.sum(ph, axis=0, keepdims=True)
        s_ref[1:2, lo:hi] += jnp.sum(ph * ph, axis=0, keepdims=True)
        s_ref[2:3, lo:hi] += jnp.sum(ph * sm, axis=0, keepdims=True)
        s_ref[3:4, lo:hi] += jnp.sum(sm, axis=0, keepdims=True)
        s_ref[4:5, lo:hi] += jnp.sum(s2, axis=0, keepdims=True)


def _nbr_reduce2(qa, qb, p, *, rows):
    n, k, c = qa.shape
    return pl.pallas_call(
        _nbr_reduce2_body,
        grid=(n // rows,),
        in_specs=[
            pl.BlockSpec((rows, k, c), lambda i: (i, 0, 0)),
            pl.BlockSpec((rows, k, c), lambda i: (i, 0, 0)),
            pl.BlockSpec((rows, 2 * c), lambda i: (i, 0)),
        ],
        out_specs=[
            pl.BlockSpec((rows, 2 * c), lambda i: (i, 0)),
            pl.BlockSpec((8, 2 * c), lambda i: (0, 0)),
        ],
        out_shape=[
            jax.ShapeDtypeStruct((n, 2 * c), jnp.float32),
            jax.ShapeDtypeStruct((8, 2 * c), jnp.float32),
        ],
    )(qa, qb, p)


def _nbr_reduce(qg, p, *, rows):
    n, k, c = qg.shape
    return pl.pallas_call(
        _nbr_reduce_body,
        grid=(n // rows,),
        in_specs=[
            pl.BlockSpec((rows, k, c), lambda i: (i, 0, 0)),
            pl.BlockSpec((rows, c), lambda i: (i, 0)),
        ],
        out_specs=[
            pl.BlockSpec((rows, c), lambda i: (i, 0)),
            pl.BlockSpec((8, c), lambda i: (0, 0)),
        ],
        out_shape=[
            jax.ShapeDtypeStruct((n, c), jnp.float32),
            jax.ShapeDtypeStruct((8, c), jnp.float32),
        ],
    )(qg, p)


def _edge_norm_consts(stats, n, k):
    cnt = jnp.float32(n * k)
    sp, sp2, sps, sq, sq2 = (stats[0], stats[1], stats[2], stats[3], stats[4])
    mean = (k * sp + sq) / cnt
    e2 = (k * sp2 + 2.0 * sps + sq2) / cnt
    var = e2 - mean * mean
    inv = jax.lax.rsqrt(var + _EPS)
    z = jnp.zeros_like(mean)
    return jnp.stack([mean, inv, z, z, z, z, z, z], axis=0)


def _plain_norm_consts(stats, n):
    cnt = jnp.float32(n)
    mean = stats[0] / cnt
    var = stats[1] / cnt - mean * mean
    inv = jax.lax.rsqrt(var + _EPS)
    z = jnp.zeros_like(mean)
    return jnp.stack([mean, inv, z, z, z, z, z, z], axis=0)


def _ppf_body(gc_ref, c_ref, n_ref, p_ref):
    gx = gc_ref[:, :, 0] - c_ref[:, 0:1]
    gy = gc_ref[:, :, 1] - c_ref[:, 1:2]
    gz = gc_ref[:, :, 2] - c_ref[:, 2:3]
    nx = n_ref[:, 0:1]
    ny = n_ref[:, 1:2]
    nz = n_ref[:, 2:3]
    cx = ny * gz - nz * gy
    cy = nz * gx - nx * gz
    cz = nx * gy - ny * gx
    ss = cx * cx + cy * cy + cz * cz
    pos = (ss > 0.0).astype(jnp.float32)
    nr = jnp.sqrt(jnp.where(ss > 0.0, ss, 1.0)) * pos
    dt = nx * gx + ny * gy + nz * gz
    bz = jnp.logical_and(ss == 0.0, dt == 0.0)
    ang = jnp.arctan2(nr, jnp.where(bz, 1.0, dt))
    amax = jnp.max(ang, axis=1, keepdims=True)
    p_ref[...] = jnp.broadcast_to(amax, p_ref.shape)


def _ppf(gc3, c_pad, n_pad, *, rows):
    n = c_pad.shape[0]
    return pl.pallas_call(
        _ppf_body,
        grid=(n // rows,),
        in_specs=[
            pl.BlockSpec((rows, _PPF_K, 128), lambda i: (i, 0, 0)),
            pl.BlockSpec((rows, 16), lambda i: (i, 0)),
            pl.BlockSpec((rows, 16), lambda i: (i, 0)),
        ],
        out_specs=pl.BlockSpec((rows, 128), lambda i: (i, 0)),
        out_shape=jax.ShapeDtypeStruct((n, 128), jnp.float32),
    )(gc3, c_pad, n_pad)


def _mm2_body(x_ref, wa_ref, wb_ref, oa_ref, ob_ref):
    x = x_ref[...]
    oa_ref[...] = jnp.dot(x, wa_ref[...], preferred_element_type=jnp.float32)
    ob_ref[...] = jnp.dot(x, wb_ref[...], preferred_element_type=jnp.float32)


def _mm2(x, wa, wb, *, rows):
    n, c = x.shape
    ca = wa.shape[1]
    cb = wb.shape[1]
    return pl.pallas_call(
        _mm2_body,
        grid=(n // rows,),
        in_specs=[
            pl.BlockSpec((rows, c), lambda i: (i, 0)),
            pl.BlockSpec(wa.shape, lambda i: (0, 0)),
            pl.BlockSpec(wb.shape, lambda i: (0, 0)),
        ],
        out_specs=[
            pl.BlockSpec((rows, ca), lambda i: (i, 0)),
            pl.BlockSpec((rows, cb), lambda i: (i, 0)),
        ],
        out_shape=[
            jax.ShapeDtypeStruct((n, ca), jnp.float32),
            jax.ShapeDtypeStruct((n, cb), jnp.float32),
        ],
    )(x, wa, wb)


def _edge_mm_body(p_ref, m_ref, st_ref, wa_ref, wb_ref, f_ref, oa_ref,
                  ob_ref):
    mean = st_ref[0:1, :]
    inv = st_ref[1:2, :]
    f = _leaky((p_ref[...] + m_ref[...] - mean) * inv)
    f_ref[...] = f
    oa_ref[...] = jnp.dot(f, wa_ref[...], preferred_element_type=jnp.float32)
    ob_ref[...] = jnp.dot(f, wb_ref[...], preferred_element_type=jnp.float32)


def _edge_mm(p, m, st, wa, wb, *, rows):
    n, c = p.shape
    ca = wa.shape[1]
    cb = wb.shape[1]
    return pl.pallas_call(
        _edge_mm_body,
        grid=(n // rows,),
        in_specs=[
            pl.BlockSpec((rows, c), lambda i: (i, 0)),
            pl.BlockSpec((rows, c), lambda i: (i, 0)),
            pl.BlockSpec((8, c), lambda i: (0, 0)),
            pl.BlockSpec(wa.shape, lambda i: (0, 0)),
            pl.BlockSpec(wb.shape, lambda i: (0, 0)),
        ],
        out_specs=[
            pl.BlockSpec((rows, c), lambda i: (i, 0)),
            pl.BlockSpec((rows, ca), lambda i: (i, 0)),
            pl.BlockSpec((rows, cb), lambda i: (i, 0)),
        ],
        out_shape=[
            jax.ShapeDtypeStruct((n, c), jnp.float32),
            jax.ShapeDtypeStruct((n, ca), jnp.float32),
            jax.ShapeDtypeStruct((n, cb), jnp.float32),
        ],
    )(p, m, st, wa, wb)


def _stats_accum(s_ref, h, pid):
    @pl.when(pid == 0)
    def _():
        s_ref[...] = jnp.zeros_like(s_ref)

    s_ref[0:1, :] += jnp.sum(h, axis=0, keepdims=True)
    s_ref[1:2, :] += jnp.sum(h * h, axis=0, keepdims=True)


def _conv3_body(p2_ref, m2_ref, st2_ref, x_ref, f1_ref, w3a_ref, w3b_ref,
                w3c_ref, h3_ref, s_ref):
    mean = st2_ref[0:1, :]
    inv = st2_ref[1:2, :]
    f2 = _leaky((p2_ref[...] + m2_ref[...] - mean) * inv)
    h3 = (jnp.dot(x_ref[...], w3a_ref[...], preferred_element_type=jnp.float32)
          + jnp.dot(f1_ref[...], w3b_ref[...],
                    preferred_element_type=jnp.float32)
          + jnp.dot(f2, w3c_ref[...], preferred_element_type=jnp.float32))
    h3_ref[...] = h3
    _stats_accum(s_ref, h3, pl.program_id(0))


def _conv3(p2, m2, st2, x, f1, w3a, w3b, w3c, *, rows):
    n, c2 = p2.shape
    c = x.shape[1]
    co = w3a.shape[1]
    return pl.pallas_call(
        _conv3_body,
        grid=(n // rows,),
        in_specs=[
            pl.BlockSpec((rows, c2), lambda i: (i, 0)),
            pl.BlockSpec((rows, c2), lambda i: (i, 0)),
            pl.BlockSpec((8, c2), lambda i: (0, 0)),
            pl.BlockSpec((rows, c), lambda i: (i, 0)),
            pl.BlockSpec((rows, c), lambda i: (i, 0)),
            pl.BlockSpec(w3a.shape, lambda i: (0, 0)),
            pl.BlockSpec(w3b.shape, lambda i: (0, 0)),
            pl.BlockSpec(w3c.shape, lambda i: (0, 0)),
        ],
        out_specs=[
            pl.BlockSpec((rows, co), lambda i: (i, 0)),
            pl.BlockSpec((8, co), lambda i: (0, 0)),
        ],
        out_shape=[
            jax.ShapeDtypeStruct((n, co), jnp.float32),
            jax.ShapeDtypeStruct((8, co), jnp.float32),
        ],
    )(p2, m2, st2, x, f1, w3a, w3b, w3c)


def _fc1_body(h3_ref, st_ref, p_ref, w_ref, wp_ref, b_ref, h4_ref, s_ref):
    mean = st_ref[0:1, :]
    inv = st_ref[1:2, :]
    g = _leaky((h3_ref[...] - mean) * inv)
    h4 = (jnp.dot(g, w_ref[...], preferred_element_type=jnp.float32)
          + p_ref[:, 0:1] * wp_ref[0:1, :] + b_ref[0:1, :])
    h4_ref[...] = h4
    _stats_accum(s_ref, h4, pl.program_id(0))


def _fc1(h3, st, p, w, wp, b, *, rows):
    n, c = h3.shape
    co = w.shape[1]
    return pl.pallas_call(
        _fc1_body,
        grid=(n // rows,),
        in_specs=[
            pl.BlockSpec((rows, c), lambda i: (i, 0)),
            pl.BlockSpec((8, c), lambda i: (0, 0)),
            pl.BlockSpec((rows, 128), lambda i: (i, 0)),
            pl.BlockSpec(w.shape, lambda i: (0, 0)),
            pl.BlockSpec(wp.shape, lambda i: (0, 0)),
            pl.BlockSpec(b.shape, lambda i: (0, 0)),
        ],
        out_specs=[
            pl.BlockSpec((rows, co), lambda i: (i, 0)),
            pl.BlockSpec((8, co), lambda i: (0, 0)),
        ],
        out_shape=[
            jax.ShapeDtypeStruct((n, co), jnp.float32),
            jax.ShapeDtypeStruct((8, co), jnp.float32),
        ],
    )(h3, st, p, w, wp, b)


def _fc2_body(h4_ref, st_ref, w_ref, b_ref, h5_ref, s_ref):
    mean = st_ref[0:1, :]
    inv = st_ref[1:2, :]
    g = _leaky((h4_ref[...] - mean) * inv)
    h5 = jnp.dot(g, w_ref[...], preferred_element_type=jnp.float32) + b_ref[0:1, :]
    h5_ref[...] = h5
    _stats_accum(s_ref, h5, pl.program_id(0))


def _fc2(h4, st, w, b, *, rows):
    n, c = h4.shape
    co = w.shape[1]
    return pl.pallas_call(
        _fc2_body,
        grid=(n // rows,),
        in_specs=[
            pl.BlockSpec((rows, c), lambda i: (i, 0)),
            pl.BlockSpec((8, c), lambda i: (0, 0)),
            pl.BlockSpec(w.shape, lambda i: (0, 0)),
            pl.BlockSpec(b.shape, lambda i: (0, 0)),
        ],
        out_specs=[
            pl.BlockSpec((rows, co), lambda i: (i, 0)),
            pl.BlockSpec((8, co), lambda i: (0, 0)),
        ],
        out_shape=[
            jax.ShapeDtypeStruct((n, co), jnp.float32),
            jax.ShapeDtypeStruct((8, co), jnp.float32),
        ],
    )(h4, st, w, b)


def _final_body(h5_ref, st_ref, o_ref):
    mean = st_ref[0:1, :]
    inv = st_ref[1:2, :]
    o_ref[...] = _leaky((h5_ref[...] - mean) * inv)


def _final(h5, st, *, rows):
    n, c = h5.shape
    return pl.pallas_call(
        _final_body,
        grid=(n // rows,),
        in_specs=[
            pl.BlockSpec((rows, c), lambda i: (i, 0)),
            pl.BlockSpec((8, c), lambda i: (0, 0)),
        ],
        out_specs=pl.BlockSpec((rows, c), lambda i: (i, 0)),
        out_shape=jax.ShapeDtypeStruct((n, c), jnp.float32),
    )(h5, st)


def kernel(coords, feats, normals, W1, W2, W3, Wf1, bf1, Wf2, bf2):
    b, _, n = coords.shape
    c = feats.shape[1]
    assert b == 1
    rows = 200 if n % 200 == 0 else 8
    cw = 512 if n > 512 else 128
    nc = -(-n // cw)
    npad = nc * cw

    cT = coords[0].T
    fT = feats[0].T
    nT = normals[0].T

    c_pad8 = jnp.pad(cT, ((0, 0), (0, 5)))
    c_pad16 = jnp.pad(cT, ((0, 0), (0, 13)))
    c_pad128 = jnp.pad(cT, ((0, 0), (0, 125)))
    n_pad16 = jnp.pad(nT, ((0, 0), (0, 13)))
    call = jnp.pad(cT.T, ((0, 0), (0, npad - n)), constant_values=1e6)
    call = jnp.pad(call, ((0, 5), (0, 0)))
    call3 = call.reshape(8, nc, cw).transpose(1, 0, 2)

    knn, bq = _knn_ballquery(c_pad8, call3, n_tot=n, rows=rows, nc=nc, cw=cw)

    gc = _sc_gather(c_pad128, bq.reshape(n * _PPF_K), 128)
    p = _ppf(gc.reshape(n, _PPF_K, 128), c_pad16, n_pad16, rows=rows)

    w1d = (W1[:, :c] - W1[:, c:]).T
    w1b = W1[:, c:].T
    p1, q1 = _mm2(fT, w1d, w1b, rows=rows)
    qg1 = _sc_gather(q1, knn.reshape(n * _GCN_K), 128)
    m1, st1 = _nbr_reduce(qg1.reshape(n, _GCN_K, c), p1, rows=rows)
    ncs1 = _edge_norm_consts(st1, n, _GCN_K)

    w2d = (W2[:, :c] - W2[:, c:]).T
    w2b = W2[:, c:].T
    f1, p2, q2 = _edge_mm(p1, m1, ncs1, w2d, w2b, rows=rows)
    knn_flat = knn.reshape(n * _GCN_K)
    qg2a = _sc_gather(q2[:, :c], knn_flat, 128)
    qg2b = _sc_gather(q2[:, c:], knn_flat, 128)
    m2, st2 = _nbr_reduce2(qg2a.reshape(n, _GCN_K, c),
                           qg2b.reshape(n, _GCN_K, c), p2, rows=rows)
    ncs2 = _edge_norm_consts(st2, n, _GCN_K)

    w3a = W3[:, :c].T
    w3b = W3[:, c:2 * c].T
    w3c = W3[:, 2 * c:].T
    h3, st3 = _conv3(p2, m2, ncs2, fT, f1, w3a, w3b, w3c, rows=rows)
    ncs3 = _plain_norm_consts(st3, n)

    wp = Wf1[:, 0:1].T
    wf1g = Wf1[:, 1:].T
    bf1r = bf1.reshape(1, -1)
    h4, st4 = _fc1(h3, ncs3, p, wf1g, wp, bf1r, rows=rows)
    ncs4 = _plain_norm_consts(st4, n)

    h5, st5 = _fc2(h4, ncs4, Wf2.T, bf2.reshape(1, -1), rows=rows)
    ncs5 = _plain_norm_consts(st5, n)

    out = _final(h5, ncs5, rows=rows)
    return out.T[None]

# --- scband reference (transcript-rebuilt; emitter-appended) ---
"""Pipeline reference for scband-gge-11957188952712 (READ-ONLY COPY).

The authoritative reference and input builder live on the scoring server;
editing this copy changes nothing except your own understanding.
"""

import jax, jax.numpy as jnp
import numpy as np

B, N, C = 1, 10000, 256
GCN_K, PPF_K, RADIUS = 16, 32, 0.3


def square_dists(a, b):
    # a: (B,M,3), b: (B,N,3) -> (B,M,N)
    aa = jnp.sum(a * a, axis=-1, keepdims=True)
    bb = jnp.sum(b * b, axis=-1)[:, None, :]
    return aa - 2.0 * jnp.einsum('bmd,bnd->bmn', a, b) + bb


def gather_points(feats, inds):
    # feats: (B,N,C), inds: (B,M,K) -> (B,M,K,C)
    return jax.vmap(lambda f, i: f[i])(feats, inds)


def inorm(x, axes, eps=1e-5):
    m = jnp.mean(x, axis=axes, keepdims=True)
    v = jnp.var(x, axis=axes, keepdims=True)
    return (x - m) / jnp.sqrt(v + eps)


def leaky(x):
    return jnp.where(x >= 0.0, x, 0.2 * x)


def get_graph_features(feats, coords, k):
    # feats: (B,N,C), coords: (B,N,3) -> (B,N,k,2C)
    sq = square_dists(coords, coords)
    n = coords.shape[1]
    kk = min(n, k + 1)
    _, inds = jax.lax.top_k(-sq, kk)
    inds = inds[:, :, 1:]
    neigh = gather_points(feats, inds)
    f = jnp.broadcast_to(feats[:, :, None, :], neigh.shape)
    return jnp.concatenate([f, neigh - f], axis=-1)


def ball_query(xyz, radius, K):
    # xyz: (B,N,3) -> (B,N,K) int indices of first K points within radius (padded with first hit)
    sq = square_dists(xyz, xyz)
    n = xyz.shape[1]
    ar = jnp.arange(n, dtype=jnp.int32)[None, None, :]
    idx = jnp.where(sq < radius ** 2, ar, n)
    idx = jnp.sort(idx, axis=-1)[:, :, :K]
    first = idx[:, :, :1]
    return jnp.where(idx == n, first, idx)


def ppf_forward(coords, normals):
    # coords, normals: (B,3,N) -> (B,1,N)
    cT = coords.transpose(0, 2, 1)
    nT = normals.transpose(0, 2, 1)
    inds = ball_query(cT, RADIUS, PPF_K)
    grouped = gather_points(cT, inds) - cT[:, :, None, :]  # (B,N,K,3) relative xyz
    nexp = jnp.broadcast_to(nT[:, :, None, :], grouped.shape)
    cr = jnp.cross(nexp, grouped)
    sumsq = jnp.sum(cr * cr, axis=-1)
    pos = (sumsq > 0).astype(cr.dtype)
    nr = jnp.sqrt(jnp.where(sumsq > 0, sumsq, 1.0)) * pos
    dot = jnp.sum(nexp * grouped, axis=-1)
    bz = jnp.logical_and(sumsq == 0, dot == 0)
    ang = jnp.arctan2(nr, jnp.where(bz, 1.0, dot))  # (B,N,K)
    ang = jnp.max(ang, axis=2)
    return ang[:, None, :]


def gcn_forward(coords, feats, W1, W2, W3):
    # coords: (B,3,N), feats: (B,C,N) -> (B,C,N)
    cT = coords.transpose(0, 2, 1)
    fT = feats.transpose(0, 2, 1)
    g1 = get_graph_features(fT, cT, GCN_K)            # (B,N,k,2C)
    h1 = jnp.einsum('bnkc,oc->bonk', g1, W1)          # conv1 1x1, no bias
    h1 = leaky(inorm(h1, (2, 3)))
    f1 = jnp.max(h1, axis=-1)                         # (B,C,N)
    g2 = get_graph_features(f1.transpose(0, 2, 1), cT, GCN_K)
    h2 = jnp.einsum('bnkc,oc->bonk', g2, W2)          # conv2 1x1, no bias
    h2 = leaky(inorm(h2, (2, 3)))
    f2 = jnp.max(h2, axis=-1)                         # (B,2C,N)
    f3 = jnp.concatenate([feats, f1, f2], axis=1)     # (B,4C,N)
    h3 = jnp.einsum('bcn,oc->bon', f3, W3)            # conv3 1x1, no bias
    return leaky(inorm(h3, (2,)))


def setup_inputs(seed: int = 0):
    key = jax.random.key(seed)
    ks = jax.random.split(key, 10)
    coords = jax.random.normal(ks[0], (B, 3, N), dtype=jnp.float32)
    feats = jax.random.normal(ks[1], (B, C, N), dtype=jnp.float32)
    normals = jax.random.normal(ks[2], (B, 3, N), dtype=jnp.float32)
    W1 = jax.random.normal(ks[3], (C, 2 * C), dtype=jnp.float32) * 0.05
    W2 = jax.random.normal(ks[4], (2 * C, 2 * C), dtype=jnp.float32) * 0.05
    W3 = jax.random.normal(ks[5], (C, 4 * C), dtype=jnp.float32) * 0.05
    Wf1 = jax.random.normal(ks[6], (512, C + 1), dtype=jnp.float32) * 0.05
    bf1 = jax.random.normal(ks[7], (512,), dtype=jnp.float32) * 0.05
    Wf2 = jax.random.normal(ks[8], (C, 512), dtype=jnp.float32) * 0.05
    bf2 = jax.random.normal(ks[9], (C,), dtype=jnp.float32) * 0.05
    return {'coords': coords, 'feats': feats, 'normals': normals,
            'W1': W1, 'W2': W2, 'W3': W3,
            'Wf1': Wf1, 'bf1': bf1, 'Wf2': Wf2, 'bf2': bf2}


def reference(coords, feats, normals, W1, W2, W3, Wf1, bf1, Wf2, bf2):
    p = ppf_forward(coords, normals)                  # (B,1,N)
    g = gcn_forward(coords, feats, W1, W2, W3)        # (B,C,N)
    x = jnp.concatenate([p, g], axis=1)               # (B,C+1,N)
    h = jnp.einsum('bcn,oc->bon', x, Wf1) + bf1[None, :, None]
    h = leaky(inorm(h, (2,)))
    h = jnp.einsum('bcn,oc->bon', h, Wf2) + bf2[None, :, None]
    return leaky(inorm(h, (2,)))

if __name__ == "__main__":
    import jax
    _d = setup_inputs()
    print(jax.jit(kernel)(*tuple(_d.values())))

</pallas_src>

<mosaic_0001>
#map = affine_map<(d0, d1) -> (0, 0)>
module attributes {stable_mosaic.version = 14 : i64} {
  func.func @gather_kernel(%arg0: i32, %arg1: i32, %arg2: memref<10000x128xf32, #tpu.memory_space<hbm>>, %arg3: memref<1x320000xi32, #tpu.memory_space<hbm>>, %arg4: memref<320000x128xf32, #tpu.memory_space<hbm>>) attributes {dimension_semantics = [#tpu.dimension_semantics<core_parallel>, #tpu.dimension_semantics<subcore_parallel>], iteration_bounds = array<i64: 2, 16>, scalar_prefetch = 0 : i64, scratch_operands = 0 : i64, tpu.core_type = #tpu.core_type<sc_vector_subcore>, window_params = [{transform_indices = #map}, {transform_indices = #map}, {transform_indices = #map}]} {
    %mul3A = arith.constant 1 : i32
    %mul3A_0 = arith.muli %arg1, %mul3A : i32
    %add3A = arith.constant 0 : i32
    %add3A_1 = arith.addi %add3A, %mul3A_0 : i32
    %mul3A_2 = arith.constant 16 : i32
    %mul3A_3 = arith.muli %arg0, %mul3A_2 : i32
    %add3A_4 = arith.addi %add3A_1, %mul3A_3 : i32
    %lt3A = arith.constant 4 : i32
    %lt3A_5 = arith.cmpi slt, %add3A_4, %lt3A : i32
    %jit3A = arith.constant 79 : i32
    %jit3A_6 = arith.constant 78 : i32
    %select_n3A = arith.select %lt3A_5, %jit3A, %jit3A_6 : i32
    %lt3A_7 = arith.constant 4 : i32
    %lt3A_8 = arith.cmpi slt, %add3A_4, %lt3A_7 : i32
    %mul3A_9 = arith.muli %add3A_4, %select_n3A : i32
    %mul3A_10 = arith.constant 78 : i32
    %mul3A_11 = arith.muli %add3A_4, %mul3A_10 : i32
    %add3A_12 = arith.constant 4 : i32
    %add3A_13 = arith.addi %mul3A_11, %add3A_12 : i32
    %select_n3A_14 = arith.select %lt3A_8, %mul3A_9, %add3A_13 : i32
    %mul3A_15 = arith.constant 1 : i32
    %mul3A_16 = arith.muli %mul3A_15, %select_n3A : i32
    "tpu.region"() ({
      %run_scoped3A = memref.alloca() : memref<2x1x128xi32, #tpu.memory_space<vmem>>
      %run_scoped3A_17 = tpu.sem_alloc : memref<2x!tpu.dma_semaphore, #tpu.memory_space<semaphore_mem>>
      %run_scoped3A_18 = memref.alloca() : memref<2x128x128xf32, #tpu.memory_space<vmem>>
      %run_scoped3A_19 = tpu.sem_alloc : memref<2x!tpu.dma_semaphore, #tpu.memory_space<semaphore_mem>>
      %gt3A = arith.constant 0 : i32
      %gt3A_20 = arith.cmpi sgt, %mul3A_16, %gt3A : i32
      %convert_element_type3A = arith.extui %gt3A_20 : i1 to i32
      %cond3A = arith.constant 0 : i32
      %cond3A_21 = arith.cmpi ne, %convert_element_type3A, %cond3A : i32
      scf.if %cond3A_21 {
        %mul3A_22 = arith.constant 1 : i32
        %mul3A_23 = arith.muli %mul3A_22, %select_n3A : i32
        %sub3A = arith.constant 1 : i32
        %sub3A_24 = arith.subi %mul3A_23, %sub3A : i32
        %eq3A = arith.constant 0 : i32
        %eq3A_25 = arith.cmpi eq, %sub3A_24, %eq3A : i32
        %add3A_26 = arith.constant 0 : i32
        %add3A_27 = arith.addi %add3A_26, %select_n3A_14 : i32
        %select_n3A_28 = arith.constant true
        %select_n3A_29 = arith.constant 0 : i32
        %select_n3A_30 = arith.constant -1 : i32
        %select_n3A_31 = arith.select %select_n3A_28, %select_n3A_30, %select_n3A_29 : i32
        %eq3A_32 = arith.constant -1 : i32
        %eq3A_33 = arith.cmpi eq, %select_n3A_31, %eq3A_32 : i32
        %sub3A_34 = arith.constant 1 : i32
        %sub3A_35 = arith.subi %select_n3A, %sub3A_34 : i32
        %select_n3A_36 = arith.select %eq3A_33, %sub3A_35, %select_n3A_31 : i32
        %add3A_37 = arith.addi %select_n3A_36, %select_n3A_14 : i32
        %select_n3A_38 = arith.constant true
        %select_n3A_39 = arith.constant 0 : i32
        %select_n3A_40 = arith.constant 1 : i32
        %select_n3A_41 = arith.select %select_n3A_38, %select_n3A_40, %select_n3A_39 : i32
        %eq3A_42 = arith.cmpi eq, %select_n3A_41, %select_n3A : i32
        %select_n3A_43 = arith.constant 0 : i32
        %select_n3A_44 = arith.select %eq3A_42, %select_n3A_43, %select_n3A_41 : i32
        %add3A_45 = arith.addi %select_n3A_44, %select_n3A_14 : i32
        %add3A_46 = arith.constant 1 : i32
        %add3A_47 = arith.addi %select_n3A_44, %add3A_46 : i32
        %select_n3A_48 = arith.constant true
        %select_n3A_49 = arith.select %select_n3A_48, %add3A_47, %select_n3A_44 : i32
        %eq3A_50 = arith.cmpi eq, %select_n3A_49, %select_n3A : i32
        %select_n3A_51 = arith.constant 0 : i32
        %select_n3A_52 = arith.select %eq3A_50, %select_n3A_51, %select_n3A_49 : i32
        %add3A_53 = arith.addi %select_n3A_52, %select_n3A_14 : i32
        "tpu.trace_start"() <{level = 10 : i32, message = "ep_initialize_0"}> : () -> ()
        %rem3A = arith.constant 0 : i32
        %rem3A_54 = arith.constant 2 : i32
        %rem3A_55 = arith.remui %rem3A, %rem3A_54 : i32
        %mul3A_56 = arith.constant 128 : i32
        %mul3A_57 = arith.muli %mul3A_56, %add3A_27 : i32
        %dma_start3A = arith.constant 0 : i32
        %dma_start3A_58 = arith.constant 0 : i32
        %dma_start3A_59 = tpu.memref_slice %run_scoped3A[%rem3A_55, %dma_start3A, %dma_start3A_58] : memref<2x1x128xi32, #tpu.memory_space<vmem>> -> memref<1x1x128xi32, #tpu.memory_space<vmem>>
        %dma_start3A_60 = tpu.memref_squeeze %dma_start3A_59 : memref<1x1x128xi32, #tpu.memory_space<vmem>> -> memref<1x128xi32, #tpu.memory_space<vmem>>
        %dma_start3A_61 = arith.constant 0 : i32
        %dma_start3A_62 = tpu.memref_slice %arg3[%dma_start3A_61, %mul3A_57] : memref<1x320000xi32, #tpu.memory_space<hbm>> -> memref<1x128xi32, #tpu.memory_space<hbm>>
        %dma_start3A_63 = tpu.memref_slice %run_scoped3A_17[%rem3A_55] : memref<2x!tpu.dma_semaphore, #tpu.memory_space<semaphore_mem>> -> memref<1x!tpu.dma_semaphore, #tpu.memory_space<semaphore_mem>>
        %dma_start3A_64 = tpu.memref_squeeze %dma_start3A_63 : memref<1x!tpu.dma_semaphore, #tpu.memory_space<semaphore_mem>> -> memref<!tpu.dma_semaphore, #tpu.memory_space<semaphore_mem>>
        %dma_start3A_65 = arith.constant 0 : i32
        %dma_start3A_66 = arith.constant 0 : i32
        %dma_start3A_67 = tpu.memref_slice %run_scoped3A[%rem3A_55, %dma_start3A_65, %dma_start3A_66] : memref<2x1x128xi32, #tpu.memory_space<vmem>> -> memref<1x1x128xi32, #tpu.memory_space<vmem>>
        %dma_start3A_68 = tpu.memref_squeeze %dma_start3A_67 : memref<1x1x128xi32, #tpu.memory_space<vmem>> -> memref<1x128xi32, #tpu.memory_space<vmem>>
        %dma_start3A_69 = arith.constant 0 : i32
        %dma_start3A_70 = tpu.memref_slice %arg3[%dma_start3A_69, %mul3A_57] : memref<1x320000xi32, #tpu.memory_space<hbm>> -> memref<1x128xi32, #tpu.memory_space<hbm>>
        tpu.enqueue_dma source(%dma_start3A_70 : memref<1x128xi32, #tpu.memory_space<hbm>>) target(%dma_start3A_68 : memref<1x128xi32, #tpu.memory_space<vmem>>) target_semaphore(%dma_start3A_64 : memref<!tpu.dma_semaphore, #tpu.memory_space<semaphore_mem>>)
        %add3A_71 = arith.constant 0 : i32
        %add3A_72 = arith.constant 1 : i32
        %add3A_73 = arith.addi %add3A_71, %add3A_72 : i32
        %select_n3A_74 = arith.constant true
        %select_n3A_75 = arith.constant 0 : i32
        %select_n3A_76 = arith.select %select_n3A_74, %add3A_73, %select_n3A_75 : i32
        %while3A = arith.constant 0 : i32
        %while3A_77 = arith.constant 0 : i32
        %while3A_78 = arith.constant 0 : i32
        %while3A_79 = arith.constant 0 : i32
        %while3A_80 = arith.constant 0 : i32
        "tpu.trace_stop"() : () -> ()
        %while3A_81 = arith.subi %mul3A_16, %while3A : i32
        %while3A_82 = arith.addi %while3A, %while3A_81 : i32
        %while3A_83 = arith.constant 1 : i32
        %while3A_84 = arith.divsi %while3A_81, %while3A_83 : i32
        %while3A_85 = arith.muli %while3A_84, %while3A_83 : i32
        %while3A_86 = arith.addi %while3A, %while3A_85 : i32
        %while3A_87 = arith.constant 1 : i32
        %while3A_88:5 = scf.for %while3A_142 = %while3A to %while3A_86 step %while3A_87 iter_args(%while3A_143 = %select_n3A_76, %while3A_144 = %while3A_77, %while3A_145 = %while3A_78, %while3A_146 = %while3A_79, %while3A_147 = %while3A_80) -> (i32, i32, i32, i32, i32)  : i32 {
          %mul3A_148 = arith.constant 1 : i32
          %mul3A_149 = arith.muli %mul3A_148, %select_n3A : i32
          %eq3A_150 = arith.constant 0 : i32
          %eq3A_151 = arith.cmpi eq, %while3A_142, %eq3A_150 : i32
          %sub3A_152 = arith.constant 1 : i32
          %sub3A_153 = arith.subi %mul3A_149, %sub3A_152 : i32
          %eq3A_154 = arith.cmpi eq, %while3A_142, %sub3A_153 : i32
          %add3A_155 = arith.addi %while3A_147, %select_n3A_14 : i32
          %sub3A_156 = arith.constant 1 : i32
          %sub3A_157 = arith.subi %while3A_147, %sub3A_156 : i32
          %select_n3A_158 = arith.constant true
          %select_n3A_159 = arith.select %select_n3A_158, %sub3A_157, %while3A_147 : i32
          %eq3A_160 = arith.constant -1 : i32
          %eq3A_161 = arith.cmpi eq, %select_n3A_159, %eq3A_160 : i32
          %sub3A_162 = arith.constant 1 : i32
          %sub3A_163 = arith.subi %select_n3A, %sub3A_162 : i32
          %select_n3A_164 = arith.select %eq3A_161, %sub3A_163, %select_n3A_159 : i32
          %add3A_165 = arith.addi %select_n3A_164, %select_n3A_14 : i32
          %add3A_166 = arith.constant 1 : i32
          %add3A_167 = arith.addi %while3A_147, %add3A_166 : i32
          %select_n3A_168 = arith.constant true
          %select_n3A_169 = arith.select %select_n3A_168, %add3A_167, %while3A_147 : i32
          %eq3A_170 = arith.cmpi eq, %select_n3A_169, %select_n3A : i32
          %select_n3A_171 = arith.constant 0 : i32
          %select_n3A_172 = arith.select %eq3A_170, %select_n3A_171, %select_n3A_169 : i32
          %add3A_173 = arith.addi %select_n3A_172, %select_n3A_14 : i32
          %add3A_174 = arith.constant 1 : i32
          %add3A_175 = arith.addi %select_n3A_172, %add3A_174 : i32
          %select_n3A_176 = arith.constant true
          %select_n3A_177 = arith.select %select_n3A_176, %add3A_175, %select_n3A_172 : i32
          %eq3A_178 = arith.cmpi eq, %select_n3A_177, %select_n3A : i32
          %select_n3A_179 = arith.constant 0 : i32
          %select_n3A_180 = arith.select %eq3A_178, %select_n3A_179, %select_n3A_177 : i32
          %add3A_181 = arith.addi %select_n3A_180, %select_n3A_14 : i32
          %ne3A = arith.cmpi ne, %add3A_155, %add3A_173 : i32
          %or3A = arith.constant false
          %or3A_182 = arith.ori %or3A, %ne3A : i1
          %sub3A_183 = arith.constant 2 : i32
          %sub3A_184 = arith.subi %mul3A_149, %sub3A_183 : i32
          %add3A_185 = arith.constant 1 : i32
          %add3A_186 = arith.addi %sub3A_184, %add3A_185 : i32
          %ge3A = arith.cmpi sge, %while3A_142, %add3A_186 : i32
          %not3A = arith.constant true
          %not3A_187 = arith.xori %ge3A, %not3A : i1
          %and3A = arith.andi %or3A_182, %not3A_187 : i1
          %convert_element_type3A_188 = arith.extui %and3A : i1 to i32
          %cond3A_189 = arith.constant 0 : i32
          %cond3A_190 = arith.cmpi ne, %convert_element_type3A_188, %cond3A_189 : i32
          scf.if %cond3A_190 {
            "tpu.trace_start"() <{level = 10 : i32, message = "ep_copy_in"}> : () -> ()
            %rem3A_294 = arith.constant 2 : i32
            %rem3A_295 = arith.remui %while3A_143, %rem3A_294 : i32
            %mul3A_296 = arith.constant 128 : i32
            %mul3A_297 = arith.muli %mul3A_296, %add3A_173 : i32
            %dma_start3A_298 = arith.constant 0 : i32
            %dma_start3A_299 = arith.constant 0 : i32
            %dma_start3A_300 = tpu.memref_slice %run_scoped3A[%rem3A_295, %dma_start3A_298, %dma_start3A_299] : memref<2x1x128xi32, #tpu.memory_space<vmem>> -> memref<1x1x128xi32, #tpu.memory_space<vmem>>
            %dma_start3A_301 = tpu.memref_squeeze %dma_start3A_300 : memref<1x1x128xi32, #tpu.memory_space<vmem>> -> memref<1x128xi32, #tpu.memory_space<vmem>>
            %dma_start3A_302 = arith.constant 0 : i32
            %dma_start3A_303 = tpu.memref_slice %arg3[%dma_start3A_302, %mul3A_297] : memref<1x320000xi32, #tpu.memory_space<hbm>> -> memref<1x128xi32, #tpu.memory_space<hbm>>
            %dma_start3A_304 = tpu.memref_slice %run_scoped3A_17[%rem3A_295] : memref<2x!tpu.dma_semaphore, #tpu.memory_space<semaphore_mem>> -> memref<1x!tpu.dma_semaphore, #tpu.memory_space<semaphore_mem>>
            %dma_start3A_305 = tpu.memref_squeeze %dma_start3A_304 : memref<1x!tpu.dma_semaphore, #tpu.memory_space<semaphore_mem>> -> memref<!tpu.dma_semaphore, #tpu.memory_space<semaphore_mem>>
            %dma_start3A_306 = arith.constant 0 : i32
            %dma_start3A_307 = arith.constant 0 : i32
            %dma_start3A_308 = tpu.memref_slice %run_scoped3A[%rem3A_295, %dma_start3A_306, %dma_start3A_307] : memref<2x1x128xi32, #tpu.memory_space<vmem>> -> memref<1x1x128xi32, #tpu.memory_space<vmem>>
            %dma_start3A_309 = tpu.memref_squeeze %dma_start3A_308 : memref<1x1x128xi32, #tpu.memory_space<vmem>> -> memref<1x128xi32, #tpu.memory_space<vmem>>
            %dma_start3A_310 = arith.constant 0 : i32
            %dma_start3A_311 = tpu.memref_slice %arg3[%dma_start3A_310, %mul3A_297] : memref<1x320000xi32, #tpu.memory_space<hbm>> -> memref<1x128xi32, #tpu.memory_space<hbm>>
            tpu.enqueue_dma source(%dma_start3A_311 : memref<1x128xi32, #tpu.memory_space<hbm>>) target(%dma_start3A_309 : memref<1x128xi32, #tpu.memory_space<vmem>>) target_semaphore(%dma_start3A_305 : memref<!tpu.dma_semaphore, #tpu.memory_space<semaphore_mem>>)
            "tpu.trace_stop"() : () -> ()
          } else {
          }
          %and3A_191 = arith.constant true
          %and3A_192 = arith.andi %and3A, %and3A_191 : i1
          %add3A_193 = arith.constant 1 : i32
          %add3A_194 = arith.addi %while3A_143, %add3A_193 : i32
          %select_n3A_195 = arith.select %and3A_192, %add3A_194, %while3A_143 : i32
          %ne3A_196 = arith.cmpi ne, %add3A_155, %add3A_173 : i32
          %or3A_197 = arith.constant false
          %or3A_198 = arith.ori %or3A_197, %ne3A_196 : i1
          %or3A_199 = arith.constant false
          %or3A_200 = arith.ori %or3A_198, %or3A_199 : i1
          %sub3A_201 = arith.constant 2 : i32
          %sub3A_202 = arith.subi %mul3A_149, %sub3A_201 : i32
          %add3A_203 = arith.constant 1 : i32
          %add3A_204 = arith.addi %sub3A_202, %add3A_203 : i32
          %ge3A_205 = arith.cmpi sge, %while3A_142, %add3A_204 : i32
          %not3A_206 = arith.constant true
          %not3A_207 = arith.xori %ge3A_205, %not3A_206 : i1
          %and3A_208 = arith.andi %or3A_200, %not3A_207 : i1
          %ne3A_209 = arith.cmpi ne, %add3A_155, %add3A_165 : i32
          %or3A_210 = arith.constant false
          %or3A_211 = arith.ori %or3A_210, %ne3A_209 : i1
          %or3A_212 = arith.ori %or3A_211, %eq3A_151 : i1
          %convert_element_type3A_213 = arith.extui %or3A_212 : i1 to i32
          %cond3A_214 = arith.constant 0 : i32
          %cond3A_215 = arith.cmpi ne, %convert_element_type3A_213, %cond3A_214 : i32
          scf.if %cond3A_215 {
            "tpu.trace_start"() <{level = 10 : i32, message = "ep_wait_in"}> : () -> ()
            %mul3A_294 = arith.constant 128 : i32
            %mul3A_295 = arith.muli %mul3A_294, %add3A_155 : i32
            %rem3A_296 = arith.constant 2 : i32
            %rem3A_297 = arith.remui %while3A_144, %rem3A_296 : i32
            %dma_wait3A = arith.constant 0 : i32
            %dma_wait3A_298 = arith.constant 0 : i32
            %dma_wait3A_299 = tpu.memref_slice %run_scoped3A[%rem3A_297, %dma_wait3A, %dma_wait3A_298] : memref<2x1x128xi32, #tpu.memory_space<vmem>> -> memref<1x1x128xi32, #tpu.memory_space<vmem>>
            %dma_wait3A_300 = tpu.memref_squeeze %dma_wait3A_299 : memref<1x1x128xi32, #tpu.memory_space<vmem>> -> memref<1x128xi32, #tpu.memory_space<vmem>>
            %dma_wait3A_301 = arith.constant 0 : i32
            %dma_wait3A_302 = tpu.memref_slice %arg3[%dma_wait3A_301, %mul3A_295] : memref<1x320000xi32, #tpu.memory_space<hbm>> -> memref<1x128xi32, #tpu.memory_space<hbm>>
            %dma_wait3A_303 = tpu.memref_slice %run_scoped3A_17[%rem3A_297] : memref<2x!tpu.dma_semaphore, #tpu.memory_space<semaphore_mem>> -> memref<1x!tpu.dma_semaphore, #tpu.memory_space<semaphore_mem>>
            %dma_wait3A_304 = tpu.memref_squeeze %dma_wait3A_303 : memref<1x!tpu.dma_semaphore, #tpu.memory_space<semaphore_mem>> -> memref<!tpu.dma_semaphore, #tpu.memory_space<semaphore_mem>>
            %dma_wait3A_305 = arith.constant 0 : i32
            %dma_wait3A_306 = arith.constant 0 : i32
            %dma_wait3A_307 = tpu.memref_slice %run_scoped3A[%rem3A_297, %dma_wait3A_305, %dma_wait3A_306] : memref<2x1x128xi32, #tpu.memory_space<vmem>> -> memref<1x1x128xi32, #tpu.memory_space<vmem>>
            %dma_wait3A_308 = tpu.memref_squeeze %dma_wait3A_307 : memref<1x1x128xi32, #tpu.memory_space<vmem>> -> memref<1x128xi32, #tpu.memory_space<vmem>>
            %dma_wait3A_309 = arith.constant 0 : i32
            %dma_wait3A_310 = tpu.memref_slice %arg3[%dma_wait3A_309, %mul3A_295] : memref<1x320000xi32, #tpu.memory_space<hbm>> -> memref<1x128xi32, #tpu.memory_space<hbm>>
            tpu.wait_dma2 semaphore(%dma_wait3A_304 : memref<!tpu.dma_semaphore, #tpu.memory_space<semaphore_mem>>) src(%dma_wait3A_310 : memref<1x128xi32, #tpu.memory_space<hbm>>) dst(%dma_wait3A_308 : memref<1x128xi32, #tpu.memory_space<vmem>>)
            "tpu.trace_stop"() : () -> ()
          } else {
          }
          %ne3A_216 = arith.cmpi ne, %add3A_155, %add3A_165 : i32
          %or3A_217 = arith.constant false
          %or3A_218 = arith.ori %or3A_217, %ne3A_216 : i1
          %or3A_219 = arith.constant false
          %or3A_220 = arith.ori %or3A_218, %or3A_219 : i1
          %or3A_221 = arith.ori %or3A_220, %eq3A_151 : i1
          %convert_element_type3A_222 = arith.extui %or3A_221 : i1 to i32
          %cond3A_223 = arith.constant 0 : i32
          %cond3A_224 = arith.cmpi ne, %convert_element_type3A_222, %cond3A_223 : i32
          scf.if %cond3A_224 {
          } else {
          }
          %rem3A_225 = arith.constant 2 : i32
          %rem3A_226 = arith.remui %while3A_144, %rem3A_225 : i32
          %rem3A_227 = arith.constant 2 : i32
          %rem3A_228 = arith.remui %while3A_145, %rem3A_227 : i32
          %run_scoped3A_229 = arith.constant 0 : i32
          "tpu.trace_start"() <{level = 10 : i32, message = "ep_run_kernel"}> : () -> ()
          "tpu.region"() ({
            %run_scoped3A_294 = tpu.sem_alloc : memref<!tpu.dma_semaphore, #tpu.memory_space<semaphore_mem>>
            %dma_start3A_295 = arith.constant 0 : i32
            %dma_start3A_296 = arith.constant 0 : i32
            %dma_start3A_297 = tpu.memref_slice %run_scoped3A_18[%rem3A_228, %dma_start3A_295, %dma_start3A_296] : memref<2x128x128xf32, #tpu.memory_space<vmem>> -> memref<1x128x128xf32, #tpu.memory_space<vmem>>
            %dma_start3A_298 = tpu.memref_squeeze %dma_start3A_297 : memref<1x128x128xf32, #tpu.memory_space<vmem>> -> memref<128x128xf32, #tpu.memory_space<vmem>>
            %dma_start3A_299 = arith.constant 0 : i32
            %dma_start3A_300 = arith.constant 0 : i32
            %dma_start3A_301 = tpu.memref_slice %run_scoped3A[%rem3A_226, %dma_start3A_299, %dma_start3A_300] : memref<2x1x128xi32, #tpu.memory_space<vmem>> -> memref<1x1x128xi32, #tpu.memory_space<vmem>>
            %dma_start3A_302 = tpu.memref_squeeze %dma_start3A_301 : memref<1x1x128xi32, #tpu.memory_space<vmem>> -> memref<1x128xi32, #tpu.memory_space<vmem>>
            %dma_start3A_303 = arith.constant 0 : i32
            %dma_start3A_304 = tpu.memref_slice %dma_start3A_302[%run_scoped3A_229, %dma_start3A_303] : memref<1x128xi32, #tpu.memory_space<vmem>> -> memref<1x128xi32, #tpu.memory_space<vmem>>
            %dma_start3A_305 = tpu.memref_squeeze %dma_start3A_304 : memref<1x128xi32, #tpu.memory_space<vmem>> -> memref<128xi32, #tpu.memory_space<vmem>>
            %dma_start3A_306 = arith.constant 0 : i32
            %dma_start3A_307 = arith.constant 0 : i32
            %dma_start3A_308 = tpu.memref_slice %arg2[%dma_start3A_306, %dma_start3A_307] : memref<10000x128xf32, #tpu.memory_space<hbm>> -> memref<10000x128xf32, #tpu.memory_space<hbm>>
            tpu.enqueue_indirect_dma source(%dma_start3A_308 : memref<10000x128xf32, #tpu.memory_space<hbm>>) target(%dma_start3A_298 : memref<128x128xf32, #tpu.memory_space<vmem>>) offsets(%dma_start3A_305 : memref<128xi32, #tpu.memory_space<vmem>>) semaphore(%run_scoped3A_294 : memref<!tpu.dma_semaphore, #tpu.memory_space<semaphore_mem>>)
            %dma_wait3A = arith.constant 0 : i32
            %dma_wait3A_309 = arith.constant 0 : i32
            %dma_wait3A_310 = tpu.memref_slice %run_scoped3A_18[%rem3A_228, %dma_wait3A, %dma_wait3A_309] : memref<2x128x128xf32, #tpu.memory_space<vmem>> -> memref<1x128x128xf32, #tpu.memory_space<vmem>>
            %dma_wait3A_311 = tpu.memref_squeeze %dma_wait3A_310 : memref<1x128x128xf32, #tpu.memory_space<vmem>> -> memref<128x128xf32, #tpu.memory_space<vmem>>
            %dma_wait3A_312 = arith.constant 0 : i32
            %dma_wait3A_313 = arith.constant 0 : i32
            %dma_wait3A_314 = tpu.memref_slice %run_scoped3A[%rem3A_226, %dma_wait3A_312, %dma_wait3A_313] : memref<2x1x128xi32, #tpu.memory_space<vmem>> -> memref<1x1x128xi32, #tpu.memory_space<vmem>>
            %dma_wait3A_315 = tpu.memref_squeeze %dma_wait3A_314 : memref<1x1x128xi32, #tpu.memory_space<vmem>> -> memref<1x128xi32, #tpu.memory_space<vmem>>
            %dma_wait3A_316 = arith.constant 0 : i32
            %dma_wait3A_317 = tpu.memref_slice %dma_wait3A_315[%run_scoped3A_229, %dma_wait3A_316] : memref<1x128xi32, #tpu.memory_space<vmem>> -> memref<1x128xi32, #tpu.memory_space<vmem>>
            %dma_wait3A_318 = tpu.memref_squeeze %dma_wait3A_317 : memref<1x128xi32, #tpu.memory_space<vmem>> -> memref<128xi32, #tpu.memory_space<vmem>>
            %dma_wait3A_319 = arith.constant 0 : i32
            %dma_wait3A_320 = arith.constant 0 : i32
            %dma_wait3A_321 = tpu.memref_slice %arg2[%dma_wait3A_319, %dma_wait3A_320] : memref<10000x128xf32, #tpu.memory_space<hbm>> -> memref<10000x128xf32, #tpu.memory_space<hbm>>
            tpu.wait_indirect_dma semaphore(%run_scoped3A_294 : memref<!tpu.dma_semaphore, #tpu.memory_space<semaphore_mem>>) src(%dma_wait3A_321 : memref<10000x128xf32, #tpu.memory_space<hbm>>) dst(%dma_wait3A_311 : memref<128x128xf32, #tpu.memory_space<vmem>>)
            tpu.yield
          }) : () -> ()
          "tpu.trace_stop"() : () -> ()
          %ne3A_230 = arith.cmpi ne, %add3A_155, %add3A_173 : i32
          %or3A_231 = arith.constant false
          %or3A_232 = arith.ori %or3A_231, %ne3A_230 : i1
          %or3A_233 = arith.ori %or3A_232, %eq3A_154 : i1
          %convert_element_type3A_234 = arith.extui %or3A_233 : i1 to i32
          %cond3A_235 = arith.constant 0 : i32
          %cond3A_236 = arith.cmpi ne, %convert_element_type3A_234, %cond3A_235 : i32
          scf.if %cond3A_236 {
          } else {
          }
          %and3A_237 = arith.constant false
          %and3A_238 = arith.andi %or3A_233, %and3A_237 : i1
          %ne3A_239 = arith.cmpi ne, %add3A_155, %add3A_173 : i32
          %or3A_240 = arith.constant false
          %or3A_241 = arith.ori %or3A_240, %ne3A_239 : i1
          %or3A_242 = arith.constant false
          %or3A_243 = arith.ori %or3A_241, %or3A_242 : i1
          %or3A_244 = arith.ori %or3A_243, %eq3A_154 : i1
          %convert_element_type3A_245 = arith.extui %or3A_244 : i1 to i32
          %cond3A_246 = arith.constant 0 : i32
          %cond3A_247 = arith.cmpi ne, %convert_element_type3A_245, %cond3A_246 : i32
          scf.if %cond3A_247 {
            "tpu.trace_start"() <{level = 10 : i32, message = "ep_copy_out"}> : () -> ()
            %rem3A_294 = arith.constant 2 : i32
            %rem3A_295 = arith.remui %while3A_145, %rem3A_294 : i32
            %mul3A_296 = arith.constant 128 : i32
            %mul3A_297 = arith.muli %mul3A_296, %add3A_155 : i32
            %dma_start3A_298 = arith.constant 0 : i32
            %dma_start3A_299 = arith.constant 0 : i32
            %dma_start3A_300 = tpu.memref_slice %run_scoped3A_18[%rem3A_295, %dma_start3A_298, %dma_start3A_299] : memref<2x128x128xf32, #tpu.memory_space<vmem>> -> memref<1x128x128xf32, #tpu.memory_space<vmem>>
            %dma_start3A_301 = tpu.memref_squeeze %dma_start3A_300 : memref<1x128x128xf32, #tpu.memory_space<vmem>> -> memref<128x128xf32, #tpu.memory_space<vmem>>
            %dma_start3A_302 = arith.constant 0 : i32
            %dma_start3A_303 = tpu.memref_slice %arg4[%mul3A_297, %dma_start3A_302] : memref<320000x128xf32, #tpu.memory_space<hbm>> -> memref<128x128xf32, #tpu.memory_space<hbm>>
            %dma_start3A_304 = tpu.memref_slice %run_scoped3A_19[%rem3A_295] : memref<2x!tpu.dma_semaphore, #tpu.memory_space<semaphore_mem>> -> memref<1x!tpu.dma_semaphore, #tpu.memory_space<semaphore_mem>>
            %dma_start3A_305 = tpu.memref_squeeze %dma_start3A_304 : memref<1x!tpu.dma_semaphore, #tpu.memory_space<semaphore_mem>> -> memref<!tpu.dma_semaphore, #tpu.memory_space<semaphore_mem>>
            %dma_start3A_306 = arith.constant 0 : i32
            %dma_start3A_307 = tpu.memref_slice %arg4[%mul3A_297, %dma_start3A_306] : memref<320000x128xf32, #tpu.memory_space<hbm>> -> memref<128x128xf32, #tpu.memory_space<hbm>>
            %dma_start3A_308 = arith.constant 0 : i32
            %dma_start3A_309 = arith.constant 0 : i32
            %dma_start3A_310 = tpu.memref_slice %run_scoped3A_18[%rem3A_295, %dma_start3A_308, %dma_start3A_309] : memref<2x128x128xf32, #tpu.memory_space<vmem>> -> memref<1x128x128xf32, #tpu.memory_space<vmem>>
            %dma_start3A_311 = tpu.memref_squeeze %dma_start3A_310 : memref<1x128x128xf32, #tpu.memory_space<vmem>> -> memref<128x128xf32, #tpu.memory_space<vmem>>
            tpu.enqueue_dma source(%dma_start3A_311 : memref<128x128xf32, #tpu.memory_space<vmem>>) target(%dma_start3A_307 : memref<128x128xf32, #tpu.memory_space<hbm>>) target_semaphore(%dma_start3A_305 : memref<!tpu.dma_semaphore, #tpu.memory_space<semaphore_mem>>)
            "tpu.trace_stop"() : () -> ()
          } else {
          }
          %and3A_248 = arith.constant true
          %and3A_249 = arith.andi %or3A_244, %and3A_248 : i1
          %add3A_250 = arith.constant 1 : i32
          %add3A_251 = arith.addi %while3A_145, %add3A_250 : i32
          %select_n3A_252 = arith.select %and3A_249, %add3A_251, %while3A_145 : i32
          %ne3A_253 = arith.cmpi ne, %add3A_155, %add3A_165 : i32
          %or3A_254 = arith.constant false
          %or3A_255 = arith.ori %or3A_254, %ne3A_253 : i1
          %not3A_256 = arith.constant true
          %not3A_257 = arith.xori %eq3A_151, %not3A_256 : i1
          %and3A_258 = arith.andi %or3A_255, %not3A_257 : i1
          %convert_element_type3A_259 = arith.extui %and3A_258 : i1 to i32
          %cond3A_260 = arith.constant 0 : i32
          %cond3A_261 = arith.cmpi ne, %convert_element_type3A_259, %cond3A_260 : i32
          scf.if %cond3A_261 {
          } else {
          }
          %and3A_262 = arith.constant false
          %and3A_263 = arith.andi %and3A_258, %and3A_262 : i1
          %ne3A_264 = arith.cmpi ne, %add3A_155, %add3A_165 : i32
          %or3A_265 = arith.constant false
          %or3A_266 = arith.ori %or3A_265, %ne3A_264 : i1
          %or3A_267 = arith.constant false
          %or3A_268 = arith.ori %or3A_266, %or3A_267 : i1
          %not3A_269 = arith.constant true
          %not3A_270 = arith.xori %eq3A_151, %not3A_269 : i1
          %and3A_271 = arith.andi %or3A_268, %not3A_270 : i1
          %convert_element_type3A_272 = arith.extui %and3A_271 : i1 to i32
          %cond3A_273 = arith.constant 0 : i32
          %cond3A_274 = arith.cmpi ne, %convert_element_type3A_272, %cond3A_273 : i32
          scf.if %cond3A_274 {
            "tpu.trace_start"() <{level = 10 : i32, message = "ep_wait_out"}> : () -> ()
            %rem3A_294 = arith.constant 2 : i32
            %rem3A_295 = arith.remui %while3A_146, %rem3A_294 : i32
            %mul3A_296 = arith.constant 128 : i32
            %mul3A_297 = arith.muli %mul3A_296, %add3A_165 : i32
            %dma_wait3A = arith.constant 0 : i32
            %dma_wait3A_298 = arith.constant 0 : i32
            %dma_wait3A_299 = tpu.memref_slice %run_scoped3A_18[%rem3A_295, %dma_wait3A, %dma_wait3A_298] : memref<2x128x128xf32, #tpu.memory_space<vmem>> -> memref<1x128x128xf32, #tpu.memory_space<vmem>>
            %dma_wait3A_300 = tpu.memref_squeeze %dma_wait3A_299 : memref<1x128x128xf32, #tpu.memory_space<vmem>> -> memref<128x128xf32, #tpu.memory_space<vmem>>
            %dma_wait3A_301 = arith.constant 0 : i32
            %dma_wait3A_302 = tpu.memref_slice %arg4[%mul3A_297, %dma_wait3A_301] : memref<320000x128xf32, #tpu.memory_space<hbm>> -> memref<128x128xf32, #tpu.memory_space<hbm>>
            %dma_wait3A_303 = tpu.memref_slice %run_scoped3A_19[%rem3A_295] : memref<2x!tpu.dma_semaphore, #tpu.memory_space<semaphore_mem>> -> memref<1x!tpu.dma_semaphore, #tpu.memory_space<semaphore_mem>>
            %dma_wait3A_304 = tpu.memref_squeeze %dma_wait3A_303 : memref<1x!tpu.dma_semaphore, #tpu.memory_space<semaphore_mem>> -> memref<!tpu.dma_semaphore, #tpu.memory_space<semaphore_mem>>
            %dma_wait3A_305 = arith.constant 0 : i32
            %dma_wait3A_306 = tpu.memref_slice %arg4[%mul3A_297, %dma_wait3A_305] : memref<320000x128xf32, #tpu.memory_space<hbm>> -> memref<128x128xf32, #tpu.memory_space<hbm>>
            %dma_wait3A_307 = arith.constant 0 : i32
            %dma_wait3A_308 = arith.constant 0 : i32
            %dma_wait3A_309 = tpu.memref_slice %run_scoped3A_18[%rem3A_295, %dma_wait3A_307, %dma_wait3A_308] : memref<2x128x128xf32, #tpu.memory_space<vmem>> -> memref<1x128x128xf32, #tpu.memory_space<vmem>>
            %dma_wait3A_310 = tpu.memref_squeeze %dma_wait3A_309 : memref<1x128x128xf32, #tpu.memory_space<vmem>> -> memref<128x128xf32, #tpu.memory_space<vmem>>
            tpu.wait_dma2 semaphore(%dma_wait3A_304 : memref<!tpu.dma_semaphore, #tpu.memory_space<semaphore_mem>>) src(%dma_wait3A_310 : memref<128x128xf32, #tpu.memory_space<vmem>>) dst(%dma_wait3A_306 : memref<128x128xf32, #tpu.memory_space<hbm>>)
            "tpu.trace_stop"() : () -> ()
          } else {
          }
          %and3A_275 = arith.constant true
          %and3A_276 = arith.andi %and3A_271, %and3A_275 : i1
          %add3A_277 = arith.constant 1 : i32
          %add3A_278 = arith.addi %while3A_146, %add3A_277 : i32
          %select_n3A_279 = arith.select %and3A_276, %add3A_278, %while3A_146 : i32
          %ne3A_280 = arith.cmpi ne, %add3A_155, %add3A_173 : i32
          %or3A_281 = arith.constant false
          %or3A_282 = arith.ori %or3A_281, %ne3A_280 : i1
          %or3A_283 = arith.ori %or3A_282, %eq3A_154 : i1
          %add3A_284 = arith.constant 1 : i32
          %add3A_285 = arith.addi %while3A_144, %add3A_284 : i32
          %select_n3A_286 = arith.select %or3A_283, %add3A_285, %while3A_144 : i32
          %add3A_287 = arith.constant 1 : i32
          %add3A_288 = arith.addi %while3A_147, %add3A_287 : i32
          %select_n3A_289 = arith.constant true
          %select_n3A_290 = arith.select %select_n3A_289, %add3A_288, %while3A_147 : i32
          %eq3A_291 = arith.cmpi eq, %select_n3A_290, %select_n3A : i32
          %select_n3A_292 = arith.constant 0 : i32
          %select_n3A_293 = arith.select %eq3A_291, %select_n3A_292, %select_n3A_290 : i32
          scf.yield %select_n3A_195, %select_n3A_286, %select_n3A_252, %select_n3A_279, %select_n3A_293 : i32, i32, i32, i32, i32
        }
        %while3A_89 = arith.constant 1 : i32
        %while3A_90:5 = scf.for %while3A_142 = %while3A_86 to %while3A_82 step %while3A_89 iter_args(%while3A_143 = %while3A_88#0, %while3A_144 = %while3A_88#1, %while3A_145 = %while3A_88#2, %while3A_146 = %while3A_88#3, %while3A_147 = %while3A_88#4) -> (i32, i32, i32, i32, i32)  : i32 {
          %mul3A_148 = arith.constant 1 : i32
          %mul3A_149 = arith.muli %mul3A_148, %select_n3A : i32
          %eq3A_150 = arith.constant 0 : i32
          %eq3A_151 = arith.cmpi eq, %while3A_142, %eq3A_150 : i32
          %sub3A_152 = arith.constant 1 : i32
          %sub3A_153 = arith.subi %mul3A_149, %sub3A_152 : i32
          %eq3A_154 = arith.cmpi eq, %while3A_142, %sub3A_153 : i32
          %add3A_155 = arith.addi %while3A_147, %select_n3A_14 : i32
          %sub3A_156 = arith.constant 1 : i32
          %sub3A_157 = arith.subi %while3A_147, %sub3A_156 : i32
          %select_n3A_158 = arith.constant true
          %select_n3A_159 = arith.select %select_n3A_158, %sub3A_157, %while3A_147 : i32
          %eq3A_160 = arith.constant -1 : i32
          %eq3A_161 = arith.cmpi eq, %select_n3A_159, %eq3A_160 : i32
          %sub3A_162 = arith.constant 1 : i32
          %sub3A_163 = arith.subi %select_n3A, %sub3A_162 : i32
          %select_n3A_164 = arith.select %eq3A_161, %sub3A_163, %select_n3A_159 : i32
          %add3A_165 = arith.addi %select_n3A_164, %select_n3A_14 : i32
          %add3A_166 = arith.constant 1 : i32
          %add3A_167 = arith.addi %while3A_147, %add3A_166 : i32
          %select_n3A_168 = arith.constant true
          %select_n3A_169 = arith.select %select_n3A_168, %add3A_167, %while3A_147 : i32
          %eq3A_170 = arith.cmpi eq, %select_n3A_169, %select_n3A : i32
          %select_n3A_171 = arith.constant 0 : i32
          %select_n3A_172 = arith.select %eq3A_170, %select_n3A_171, %select_n3A_169 : i32
          %add3A_173 = arith.addi %select_n3A_172, %select_n3A_14 : i32
          %add3A_174 = arith.constant 1 : i32
          %add3A_175 = arith.addi %select_n3A_172, %add3A_174 : i32
          %select_n3A_176 = arith.constant true
          %select_n3A_177 = arith.select %select_n3A_176, %add3A_175, %select_n3A_172 : i32
          %eq3A_178 = arith.cmpi eq, %select_n3A_177, %select_n3A : i32
          %select_n3A_179 = arith.constant 0 : i32
          %select_n3A_180 = arith.select %eq3A_178, %select_n3A_179, %select_n3A_177 : i32
          %add3A_181 = arith.addi %select_n3A_180, %select_n3A_14 : i32
          %ne3A = arith.cmpi ne, %add3A_155, %add3A_173 : i32
          %or3A = arith.constant false
          %or3A_182 = arith.ori %or3A, %ne3A : i1
          %sub3A_183 = arith.constant 2 : i32
          %sub3A_184 = arith.subi %mul3A_149, %sub3A_183 : i32
          %add3A_185 = arith.constant 1 : i32
          %add3A_186 = arith.addi %sub3A_184, %add3A_185 : i32
          %ge3A = arith.cmpi sge, %while3A_142, %add3A_186 : i32
          %not3A = arith.constant true
          %not3A_187 = arith.xori %ge3A, %not3A : i1
          %and3A = arith.andi %or3A_182, %not3A_187 : i1
          %convert_element_type3A_188 = arith.extui %and3A : i1 to i32
          %cond3A_189 = arith.constant 0 : i32
          %cond3A_190 = arith.cmpi ne, %convert_element_type3A_188, %cond3A_189 : i32
          scf.if %cond3A_190 {
            "tpu.trace_start"() <{level = 10 : i32, message = "ep_copy_in"}> : () -> ()
            %rem3A_294 = arith.constant 2 : i32
            %rem3A_295 = arith.remui %while3A_143, %rem3A_294 : i32
            %mul3A_296 = arith.constant 128 : i32
            %mul3A_297 = arith.muli %mul3A_296, %add3A_173 : i32
            %dma_start3A_298 = arith.constant 0 : i32
            %dma_start3A_299 = arith.constant 0 : i32
            %dma_start3A_300 = tpu.memref_slice %run_scoped3A[%rem3A_295, %dma_start3A_298, %dma_start3A_299] : memref<2x1x128xi32, #tpu.memory_space<vmem>> -> memref<1x1x128xi32, #tpu.memory_space<vmem>>
            %dma_start3A_301 = tpu.memref_squeeze %dma_start3A_300 : memref<1x1x128xi32, #tpu.memory_space<vmem>> -> memref<1x128xi32, #tpu.memory_space<vmem>>
            %dma_start3A_302 = arith.constant 0 : i32
            %dma_start3A_303 = tpu.memref_slice %arg3[%dma_start3A_302, %mul3A_297] : memref<1x320000xi32, #tpu.memory_space<hbm>> -> memref<1x128xi32, #tpu.memory_space<hbm>>
            %dma_start3A_304 = tpu.memref_slice %run_scoped3A_17[%rem3A_295] : memref<2x!tpu.dma_semaphore, #tpu.memory_space<semaphore_mem>> -> memref<1x!tpu.dma_semaphore, #tpu.memory_space<semaphore_mem>>
            %dma_start3A_305 = tpu.memref_squeeze %dma_start3A_304 : memref<1x!tpu.dma_semaphore, #tpu.memory_space<semaphore_mem>> -> memref<!tpu.dma_semaphore, #tpu.memory_space<semaphore_mem>>
            %dma_start3A_306 = arith.constant 0 : i32
            %dma_start3A_307 = arith.constant 0 : i32
            %dma_start3A_308 = tpu.memref_slice %run_scoped3A[%rem3A_295, %dma_start3A_306, %dma_start3A_307] : memref<2x1x128xi32, #tpu.memory_space<vmem>> -> memref<1x1x128xi32, #tpu.memory_space<vmem>>
            %dma_start3A_309 = tpu.memref_squeeze %dma_start3A_308 : memref<1x1x128xi32, #tpu.memory_space<vmem>> -> memref<1x128xi32, #tpu.memory_space<vmem>>
            %dma_start3A_310 = arith.constant 0 : i32
            %dma_start3A_311 = tpu.memref_slice %arg3[%dma_start3A_310, %mul3A_297] : memref<1x320000xi32, #tpu.memory_space<hbm>> -> memref<1x128xi32, #tpu.memory_space<hbm>>
            tpu.enqueue_dma source(%dma_start3A_311 : memref<1x128xi32, #tpu.memory_space<hbm>>) target(%dma_start3A_309 : memref<1x128xi32, #tpu.memory_space<vmem>>) target_semaphore(%dma_start3A_305 : memref<!tpu.dma_semaphore, #tpu.memory_space<semaphore_mem>>)
            "tpu.trace_stop"() : () -> ()
          } else {
          }
          %and3A_191 = arith.constant true
          %and3A_192 = arith.andi %and3A, %and3A_191 : i1
          %add3A_193 = arith.constant 1 : i32
          %add3A_194 = arith.addi %while3A_143, %add3A_193 : i32
          %select_n3A_195 = arith.select %and3A_192, %add3A_194, %while3A_143 : i32
          %ne3A_196 = arith.cmpi ne, %add3A_155, %add3A_173 : i32
          %or3A_197 = arith.constant false
          %or3A_198 = arith.ori %or3A_197, %ne3A_196 : i1
          %or3A_199 = arith.constant false
          %or3A_200 = arith.ori %or3A_198, %or3A_199 : i1
          %sub3A_201 = arith.constant 2 : i32
          %sub3A_202 = arith.subi %mul3A_149, %sub3A_201 : i32
          %add3A_203 = arith.constant 1 : i32
          %add3A_204 = arith.addi %sub3A_202, %add3A_203 : i32
          %ge3A_205 = arith.cmpi sge, %while3A_142, %add3A_204 : i32
          %not3A_206 = arith.constant true
          %not3A_207 = arith.xori %ge3A_205, %not3A_206 : i1
          %and3A_208 = arith.andi %or3A_200, %not3A_207 : i1
          %ne3A_209 = arith.cmpi ne, %add3A_155, %add3A_165 : i32
          %or3A_210 = arith.constant false
          %or3A_211 = arith.ori %or3A_210, %ne3A_209 : i1
          %or3A_212 = arith.ori %or3A_211, %eq3A_151 : i1
          %convert_element_type3A_213 = arith.extui %or3A_212 : i1 to i32
          %cond3A_214 = arith.constant 0 : i32
          %cond3A_215 = arith.cmpi ne, %convert_element_type3A_213, %cond3A_214 : i32
          scf.if %cond3A_215 {
            "tpu.trace_start"() <{level = 10 : i32, message = "ep_wait_in"}> : () -> ()
            %mul3A_294 = arith.constant 128 : i32
            %mul3A_295 = arith.muli %mul3A_294, %add3A_155 : i32
            %rem3A_296 = arith.constant 2 : i32
            %rem3A_297 = arith.remui %while3A_144, %rem3A_296 : i32
            %dma_wait3A = arith.constant 0 : i32
            %dma_wait3A_298 = arith.constant 0 : i32
            %dma_wait3A_299 = tpu.memref_slice %run_scoped3A[%rem3A_297, %dma_wait3A, %dma_wait3A_298] : memref<2x1x128xi32, #tpu.memory_space<vmem>> -> memref<1x1x128xi32, #tpu.memory_space<vmem>>
            %dma_wait3A_300 = tpu.memref_squeeze %dma_wait3A_299 : memref<1x1x128xi32, #tpu.memory_space<vmem>> -> memref<1x128xi32, #tpu.memory_space<vmem>>
            %dma_wait3A_301 = arith.constant 0 : i32
            %dma_wait3A_302 = tpu.memref_slice %arg3[%dma_wait3A_301, %mul3A_295] : memref<1x320000xi32, #tpu.memory_space<hbm>> -> memref<1x128xi32, #tpu.memory_space<hbm>>
            %dma_wait3A_303 = tpu.memref_slice %run_scoped3A_17[%rem3A_297] : memref<2x!tpu.dma_semaphore, #tpu.memory_space<semaphore_mem>> -> memref<1x!tpu.dma_semaphore, #tpu.memory_space<semaphore_mem>>
            %dma_wait3A_304 = tpu.memref_squeeze %dma_wait3A_303 : memref<1x!tpu.dma_semaphore, #tpu.memory_space<semaphore_mem>> -> memref<!tpu.dma_semaphore, #tpu.memory_space<semaphore_mem>>
            %dma_wait3A_305 = arith.constant 0 : i32
            %dma_wait3A_306 = arith.constant 0 : i32
            %dma_wait3A_307 = tpu.memref_slice %run_scoped3A[%rem3A_297, %dma_wait3A_305, %dma_wait3A_306] : memref<2x1x128xi32, #tpu.memory_space<vmem>> -> memref<1x1x128xi32, #tpu.memory_space<vmem>>
            %dma_wait3A_308 = tpu.memref_squeeze %dma_wait3A_307 : memref<1x1x128xi32, #tpu.memory_space<vmem>> -> memref<1x128xi32, #tpu.memory_space<vmem>>
            %dma_wait3A_309 = arith.constant 0 : i32
            %dma_wait3A_310 = tpu.memref_slice %arg3[%dma_wait3A_309, %mul3A_295] : memref<1x320000xi32, #tpu.memory_space<hbm>> -> memref<1x128xi32, #tpu.memory_space<hbm>>
            tpu.wait_dma2 semaphore(%dma_wait3A_304 : memref<!tpu.dma_semaphore, #tpu.memory_space<semaphore_mem>>) src(%dma_wait3A_310 : memref<1x128xi32, #tpu.memory_space<hbm>>) dst(%dma_wait3A_308 : memref<1x128xi32, #tpu.memory_space<vmem>>)
            "tpu.trace_stop"() : () -> ()
          } else {
          }
          %ne3A_216 = arith.cmpi ne, %add3A_155, %add3A_165 : i32
          %or3A_217 = arith.constant false
          %or3A_218 = arith.ori %or3A_217, %ne3A_216 : i1
          %or3A_219 = arith.constant false
          %or3A_220 = arith.ori %or3A_218, %or3A_219 : i1
          %or3A_221 = arith.ori %or3A_220, %eq3A_151 : i1
          %convert_element_type3A_222 = arith.extui %or3A_221 : i1 to i32
          %cond3A_223 = arith.constant 0 : i32
          %cond3A_224 = arith.cmpi ne, %convert_element_type3A_222, %cond3A_223 : i32
          scf.if %cond3A_224 {
          } else {
          }
          %rem3A_225 = arith.constant 2 : i32
          %rem3A_226 = arith.remui %while3A_144, %rem3A_225 : i32
          %rem3A_227 = arith.constant 2 : i32
          %rem3A_228 = arith.remui %while3A_145, %rem3A_227 : i32
          %run_scoped3A_229 = arith.constant 0 : i32
          "tpu.trace_start"() <{level = 10 : i32, message = "ep_run_kernel"}> : () -> ()
          "tpu.region"() ({
            %run_scoped3A_294 = tpu.sem_alloc : memref<!tpu.dma_semaphore, #tpu.memory_space<semaphore_mem>>
            %dma_start3A_295 = arith.constant 0 : i32
            %dma_start3A_296 = arith.constant 0 : i32
            %dma_start3A_297 = tpu.memref_slice %run_scoped3A_18[%rem3A_228, %dma_start3A_295, %dma_start3A_296] : memref<2x128x128xf32, #tpu.memory_space<vmem>> -> memref<1x128x128xf32, #tpu.memory_space<vmem>>
            %dma_start3A_298 = tpu.memref_squeeze %dma_start3A_297 : memref<1x128x128xf32, #tpu.memory_space<vmem>> -> memref<128x128xf32, #tpu.memory_space<vmem>>
            %dma_start3A_299 = arith.constant 0 : i32
            %dma_start3A_300 = arith.constant 0 : i32
            %dma_start3A_301 = tpu.memref_slice %run_scoped3A[%rem3A_226, %dma_start3A_299, %dma_start3A_300] : memref<2x1x128xi32, #tpu.memory_space<vmem>> -> memref<1x1x128xi32, #tpu.memory_space<vmem>>
            %dma_start3A_302 = tpu.memref_squeeze %dma_start3A_301 : memref<1x1x128xi32, #tpu.memory_space<vmem>> -> memref<1x128xi32, #tpu.memory_space<vmem>>
            %dma_start3A_303 = arith.constant 0 : i32
            %dma_start3A_304 = tpu.memref_slice %dma_start3A_302[%run_scoped3A_229, %dma_start3A_303] : memref<1x128xi32, #tpu.memory_space<vmem>> -> memref<1x128xi32, #tpu.memory_space<vmem>>
            %dma_start3A_305 = tpu.memref_squeeze %dma_start3A_304 : memref<1x128xi32, #tpu.memory_space<vmem>> -> memref<128xi32, #tpu.memory_space<vmem>>
            %dma_start3A_306 = arith.constant 0 : i32
            %dma_start3A_307 = arith.constant 0 : i32
            %dma_start3A_308 = tpu.memref_slice %arg2[%dma_start3A_306, %dma_start3A_307] : memref<10000x128xf32, #tpu.memory_space<hbm>> -> memref<10000x128xf32, #tpu.memory_space<hbm>>
            tpu.enqueue_indirect_dma source(%dma_start3A_308 : memref<10000x128xf32, #tpu.memory_space<hbm>>) target(%dma_start3A_298 : memref<128x128xf32, #tpu.memory_space<vmem>>) offsets(%dma_start3A_305 : memref<128xi32, #tpu.memory_space<vmem>>) semaphore(%run_scoped3A_294 : memref<!tpu.dma_semaphore, #tpu.memory_space<semaphore_mem>>)
            %dma_wait3A = arith.constant 0 : i32
            %dma_wait3A_309 = arith.constant 0 : i32
            %dma_wait3A_310 = tpu.memref_slice %run_scoped3A_18[%rem3A_228, %dma_wait3A, %dma_wait3A_309] : memref<2x128x128xf32, #tpu.memory_space<vmem>> -> memref<1x128x128xf32, #tpu.memory_space<vmem>>
            %dma_wait3A_311 = tpu.memref_squeeze %dma_wait3A_310 : memref<1x128x128xf32, #tpu.memory_space<vmem>> -> memref<128x128xf32, #tpu.memory_space<vmem>>
            %dma_wait3A_312 = arith.constant 0 : i32
            %dma_wait3A_313 = arith.constant 0 : i32
            %dma_wait3A_314 = tpu.memref_slice %run_scoped3A[%rem3A_226, %dma_wait3A_312, %dma_wait3A_313] : memref<2x1x128xi32, #tpu.memory_space<vmem>> -> memref<1x1x128xi32, #tpu.memory_space<vmem>>
            %dma_wait3A_315 = tpu.memref_squeeze %dma_wait3A_314 : memref<1x1x128xi32, #tpu.memory_space<vmem>> -> memref<1x128xi32, #tpu.memory_space<vmem>>
            %dma_wait3A_316 = arith.constant 0 : i32
            %dma_wait3A_317 = tpu.memref_slice %dma_wait3A_315[%run_scoped3A_229, %dma_wait3A_316] : memref<1x128xi32, #tpu.memory_space<vmem>> -> memref<1x128xi32, #tpu.memory_space<vmem>>
            %dma_wait3A_318 = tpu.memref_squeeze %dma_wait3A_317 : memref<1x128xi32, #tpu.memory_space<vmem>> -> memref<128xi32, #tpu.memory_space<vmem>>
            %dma_wait3A_319 = arith.constant 0 : i32
            %dma_wait3A_320 = arith.constant 0 : i32
            %dma_wait3A_321 = tpu.memref_slice %arg2[%dma_wait3A_319, %dma_wait3A_320] : memref<10000x128xf32, #tpu.memory_space<hbm>> -> memref<10000x128xf32, #tpu.memory_space<hbm>>
            tpu.wait_indirect_dma semaphore(%run_scoped3A_294 : memref<!tpu.dma_semaphore, #tpu.memory_space<semaphore_mem>>) src(%dma_wait3A_321 : memref<10000x128xf32, #tpu.memory_space<hbm>>) dst(%dma_wait3A_311 : memref<128x128xf32, #tpu.memory_space<vmem>>)
            tpu.yield
          }) : () -> ()
          "tpu.trace_stop"() : () -> ()
          %ne3A_230 = arith.cmpi ne, %add3A_155, %add3A_173 : i32
          %or3A_231 = arith.constant false
          %or3A_232 = arith.ori %or3A_231, %ne3A_230 : i1
          %or3A_233 = arith.ori %or3A_232, %eq3A_154 : i1
          %convert_element_type3A_234 = arith.extui %or3A_233 : i1 to i32
          %cond3A_235 = arith.constant 0 : i32
          %cond3A_236 = arith.cmpi ne, %convert_element_type3A_234, %cond3A_235 : i32
          scf.if %cond3A_236 {
          } else {
          }
          %and3A_237 = arith.constant false
          %and3A_238 = arith.andi %or3A_233, %and3A_237 : i1
          %ne3A_239 = arith.cmpi ne, %add3A_155, %add3A_173 : i32
          %or3A_240 = arith.constant false
          %or3A_241 = arith.ori %or3A_240, %ne3A_239 : i1
          %or3A_242 = arith.constant false
          %or3A_243 = arith.ori %or3A_241, %or3A_242 : i1
          %or3A_244 = arith.ori %or3A_243, %eq3A_154 : i1
          %convert_element_type3A_245 = arith.extui %or3A_244 : i1 to i32
          %cond3A_246 = arith.constant 0 : i32
          %cond3A_247 = arith.cmpi ne, %convert_element_type3A_245, %cond3A_246 : i32
          scf.if %cond3A_247 {
            "tpu.trace_start"() <{level = 10 : i32, message = "ep_copy_out"}> : () -> ()
            %rem3A_294 = arith.constant 2 : i32
            %rem3A_295 = arith.remui %while3A_145, %rem3A_294 : i32
            %mul3A_296 = arith.constant 128 : i32
            %mul3A_297 = arith.muli %mul3A_296, %add3A_155 : i32
            %dma_start3A_298 = arith.constant 0 : i32
            %dma_start3A_299 = arith.constant 0 : i32
            %dma_start3A_300 = tpu.memref_slice %run_scoped3A_18[%rem3A_295, %dma_start3A_298, %dma_start3A_299] : memref<2x128x128xf32, #tpu.memory_space<vmem>> -> memref<1x128x128xf32, #tpu.memory_space<vmem>>
            %dma_start3A_301 = tpu.memref_squeeze %dma_start3A_300 : memref<1x128x128xf32, #tpu.memory_space<vmem>> -> memref<128x128xf32, #tpu.memory_space<vmem>>
            %dma_start3A_302 = arith.constant 0 : i32
            %dma_start3A_303 = tpu.memref_slice %arg4[%mul3A_297, %dma_start3A_302] : memref<320000x128xf32, #tpu.memory_space<hbm>> -> memref<128x128xf32, #tpu.memory_space<hbm>>
            %dma_start3A_304 = tpu.memref_slice %run_scoped3A_19[%rem3A_295] : memref<2x!tpu.dma_semaphore, #tpu.memory_space<semaphore_mem>> -> memref<1x!tpu.dma_semaphore, #tpu.memory_space<semaphore_mem>>
            %dma_start3A_305 = tpu.memref_squeeze %dma_start3A_304 : memref<1x!tpu.dma_semaphore, #tpu.memory_space<semaphore_mem>> -> memref<!tpu.dma_semaphore, #tpu.memory_space<semaphore_mem>>
            %dma_start3A_306 = arith.constant 0 : i32
            %dma_start3A_307 = tpu.memref_slice %arg4[%mul3A_297, %dma_start3A_306] : memref<320000x128xf32, #tpu.memory_space<hbm>> -> memref<128x128xf32, #tpu.memory_space<hbm>>
            %dma_start3A_308 = arith.constant 0 : i32
            %dma_start3A_309 = arith.constant 0 : i32
            %dma_start3A_310 = tpu.memref_slice %run_scoped3A_18[%rem3A_295, %dma_start3A_308, %dma_start3A_309] : memref<2x128x128xf32, #tpu.memory_space<vmem>> -> memref<1x128x128xf32, #tpu.memory_space<vmem>>
            %dma_start3A_311 = tpu.memref_squeeze %dma_start3A_310 : memref<1x128x128xf32, #tpu.memory_space<vmem>> -> memref<128x128xf32, #tpu.memory_space<vmem>>
            tpu.enqueue_dma source(%dma_start3A_311 : memref<128x128xf32, #tpu.memory_space<vmem>>) target(%dma_start3A_307 : memref<128x128xf32, #tpu.memory_space<hbm>>) target_semaphore(%dma_start3A_305 : memref<!tpu.dma_semaphore, #tpu.memory_space<semaphore_mem>>)
            "tpu.trace_stop"() : () -> ()
          } else {
          }
          %and3A_248 = arith.constant true
          %and3A_249 = arith.andi %or3A_244, %and3A_248 : i1
          %add3A_250 = arith.constant 1 : i32
          %add3A_251 = arith.addi %while3A_145, %add3A_250 : i32
          %select_n3A_252 = arith.select %and3A_249, %add3A_251, %while3A_145 : i32
          %ne3A_253 = arith.cmpi ne, %add3A_155, %add3A_165 : i32
          %or3A_254 = arith.constant false
          %or3A_255 = arith.ori %or3A_254, %ne3A_253 : i1
          %not3A_256 = arith.constant true
          %not3A_257 = arith.xori %eq3A_151, %not3A_256 : i1
          %and3A_258 = arith.andi %or3A_255, %not3A_257 : i1
          %convert_element_type3A_259 = arith.extui %and3A_258 : i1 to i32
          %cond3A_260 = arith.constant 0 : i32
          %cond3A_261 = arith.cmpi ne, %convert_element_type3A_259, %cond3A_260 : i32
          scf.if %cond3A_261 {
          } else {
          }
          %and3A_262 = arith.constant false
          %and3A_263 = arith.andi %and3A_258, %and3A_262 : i1
          %ne3A_264 = arith.cmpi ne, %add3A_155, %add3A_165 : i32
          %or3A_265 = arith.constant false
          %or3A_266 = arith.ori %or3A_265, %ne3A_264 : i1
          %or3A_267 = arith.constant false
          %or3A_268 = arith.ori %or3A_266, %or3A_267 : i1
          %not3A_269 = arith.constant true
          %not3A_270 = arith.xori %eq3A_151, %not3A_269 : i1
          %and3A_271 = arith.andi %or3A_268, %not3A_270 : i1
          %convert_element_type3A_272 = arith.extui %and3A_271 : i1 to i32
          %cond3A_273 = arith.constant 0 : i32
          %cond3A_274 = arith.cmpi ne, %convert_element_type3A_272, %cond3A_273 : i32
          scf.if %cond3A_274 {
            "tpu.trace_start"() <{level = 10 : i32, message = "ep_wait_out"}> : () -> ()
            %rem3A_294 = arith.constant 2 : i32
            %rem3A_295 = arith.remui %while3A_146, %rem3A_294 : i32
            %mul3A_296 = arith.constant 128 : i32
            %mul3A_297 = arith.muli %mul3A_296, %add3A_165 : i32
            %dma_wait3A = arith.constant 0 : i32
            %dma_wait3A_298 = arith.constant 0 : i32
            %dma_wait3A_299 = tpu.memref_slice %run_scoped3A_18[%rem3A_295, %dma_wait3A, %dma_wait3A_298] : memref<2x128x128xf32, #tpu.memory_space<vmem>> -> memref<1x128x128xf32, #tpu.memory_space<vmem>>
            %dma_wait3A_300 = tpu.memref_squeeze %dma_wait3A_299 : memref<1x128x128xf32, #tpu.memory_space<vmem>> -> memref<128x128xf32, #tpu.memory_space<vmem>>
            %dma_wait3A_301 = arith.constant 0 : i32
            %dma_wait3A_302 = tpu.memref_slice %arg4[%mul3A_297, %dma_wait3A_301] : memref<320000x128xf32, #tpu.memory_space<hbm>> -> memref<128x128xf32, #tpu.memory_space<hbm>>
            %dma_wait3A_303 = tpu.memref_slice %run_scoped3A_19[%rem3A_295] : memref<2x!tpu.dma_semaphore, #tpu.memory_space<semaphore_mem>> -> memref<1x!tpu.dma_semaphore, #tpu.memory_space<semaphore_mem>>
            %dma_wait3A_304 = tpu.memref_squeeze %dma_wait3A_303 : memref<1x!tpu.dma_semaphore, #tpu.memory_space<semaphore_mem>> -> memref<!tpu.dma_semaphore, #tpu.memory_space<semaphore_mem>>
            %dma_wait3A_305 = arith.constant 0 : i32
            %dma_wait3A_306 = tpu.memref_slice %arg4[%mul3A_297, %dma_wait3A_305] : memref<320000x128xf32, #tpu.memory_space<hbm>> -> memref<128x128xf32, #tpu.memory_space<hbm>>
            %dma_wait3A_307 = arith.constant 0 : i32
            %dma_wait3A_308 = arith.constant 0 : i32
            %dma_wait3A_309 = tpu.memref_slice %run_scoped3A_18[%rem3A_295, %dma_wait3A_307, %dma_wait3A_308] : memref<2x128x128xf32, #tpu.memory_space<vmem>> -> memref<1x128x128xf32, #tpu.memory_space<vmem>>
            %dma_wait3A_310 = tpu.memref_squeeze %dma_wait3A_309 : memref<1x128x128xf32, #tpu.memory_space<vmem>> -> memref<128x128xf32, #tpu.memory_space<vmem>>
            tpu.wait_dma2 semaphore(%dma_wait3A_304 : memref<!tpu.dma_semaphore, #tpu.memory_space<semaphore_mem>>) src(%dma_wait3A_310 : memref<128x128xf32, #tpu.memory_space<vmem>>) dst(%dma_wait3A_306 : memref<128x128xf32, #tpu.memory_space<hbm>>)
            "tpu.trace_stop"() : () -> ()
          } else {
          }
          %and3A_275 = arith.constant true
          %and3A_276 = arith.andi %and3A_271, %and3A_275 : i1
          %add3A_277 = arith.constant 1 : i32
          %add3A_278 = arith.addi %while3A_146, %add3A_277 : i32
          %select_n3A_279 = arith.select %and3A_276, %add3A_278, %while3A_146 : i32
          %ne3A_280 = arith.cmpi ne, %add3A_155, %add3A_173 : i32
          %or3A_281 = arith.constant false
          %or3A_282 = arith.ori %or3A_281, %ne3A_280 : i1
          %or3A_283 = arith.ori %or3A_282, %eq3A_154 : i1
          %add3A_284 = arith.constant 1 : i32
          %add3A_285 = arith.addi %while3A_144, %add3A_284 : i32
          %select_n3A_286 = arith.select %or3A_283, %add3A_285, %while3A_144 : i32
          %add3A_287 = arith.constant 1 : i32
          %add3A_288 = arith.addi %while3A_147, %add3A_287 : i32
          %select_n3A_289 = arith.constant true
          %select_n3A_290 = arith.select %select_n3A_289, %add3A_288, %while3A_147 : i32
          %eq3A_291 = arith.cmpi eq, %select_n3A_290, %select_n3A : i32
          %select_n3A_292 = arith.constant 0 : i32
          %select_n3A_293 = arith.select %eq3A_291, %select_n3A_292, %select_n3A_290 : i32
          scf.yield %select_n3A_195, %select_n3A_286, %select_n3A_252, %select_n3A_279, %select_n3A_293 : i32, i32, i32, i32, i32
        }
        %sub3A_91 = arith.constant 1 : i32
        %sub3A_92 = arith.subi %while3A_90#4, %sub3A_91 : i32
        %select_n3A_93 = arith.constant true
        %select_n3A_94 = arith.select %select_n3A_93, %sub3A_92, %while3A_90#4 : i32
        %eq3A_95 = arith.constant -1 : i32
        %eq3A_96 = arith.cmpi eq, %select_n3A_94, %eq3A_95 : i32
        %sub3A_97 = arith.constant 1 : i32
        %sub3A_98 = arith.subi %select_n3A, %sub3A_97 : i32
        %select_n3A_99 = arith.select %eq3A_96, %sub3A_98, %select_n3A_94 : i32
        %sub3A_100 = arith.constant 1 : i32
        %sub3A_101 = arith.subi %mul3A_16, %sub3A_100 : i32
        %mul3A_102 = arith.constant 1 : i32
        %mul3A_103 = arith.muli %mul3A_102, %select_n3A : i32
        %eq3A_104 = arith.constant 0 : i32
        %eq3A_105 = arith.cmpi eq, %sub3A_101, %eq3A_104 : i32
        %sub3A_106 = arith.constant 1 : i32
        %sub3A_107 = arith.subi %mul3A_103, %sub3A_106 : i32
        %eq3A_108 = arith.cmpi eq, %sub3A_101, %sub3A_107 : i32
        %add3A_109 = arith.addi %select_n3A_99, %select_n3A_14 : i32
        %sub3A_110 = arith.constant 1 : i32
        %sub3A_111 = arith.subi %select_n3A_99, %sub3A_110 : i32
        %select_n3A_112 = arith.constant true
        %select_n3A_113 = arith.select %select_n3A_112, %sub3A_111, %select_n3A_99 : i32
        %eq3A_114 = arith.constant -1 : i32
        %eq3A_115 = arith.cmpi eq, %select_n3A_113, %eq3A_114 : i32
        %sub3A_116 = arith.constant 1 : i32
        %sub3A_117 = arith.subi %select_n3A, %sub3A_116 : i32
        %select_n3A_118 = arith.select %eq3A_115, %sub3A_117, %select_n3A_113 : i32
        %add3A_119 = arith.addi %select_n3A_118, %select_n3A_14 : i32
        %add3A_120 = arith.constant 1 : i32
        %add3A_121 = arith.addi %select_n3A_99, %add3A_120 : i32
        %select_n3A_122 = arith.constant true
        %select_n3A_123 = arith.select %select_n3A_122, %add3A_121, %select_n3A_99 : i32
        %eq3A_124 = arith.cmpi eq, %select_n3A_123, %select_n3A : i32
        %select_n3A_125 = arith.constant 0 : i32
        %select_n3A_126 = arith.select %eq3A_124, %select_n3A_125, %select_n3A_123 : i32
        %add3A_127 = arith.addi %select_n3A_126, %select_n3A_14 : i32
        %add3A_128 = arith.constant 1 : i32
        %add3A_129 = arith.addi %select_n3A_126, %add3A_128 : i32
        %select_n3A_130 = arith.constant true
        %select_n3A_131 = arith.select %select_n3A_130, %add3A_129, %select_n3A_126 : i32
        %eq3A_132 = arith.cmpi eq, %select_n3A_131, %select_n3A : i32
        %select_n3A_133 = arith.constant 0 : i32
        %select_n3A_134 = arith.select %eq3A_132, %select_n3A_133, %select_n3A_131 : i32
        %add3A_135 = arith.addi %select_n3A_134, %select_n3A_14 : i32
        %convert_element_type3A_136 = arith.extui %eq3A_108 : i1 to i32
        %cond3A_137 = arith.constant 0 : i32
        %cond3A_138 = arith.cmpi ne, %convert_element_type3A_136, %cond3A_137 : i32
        scf.if %cond3A_138 {
        } else {
        }
        %convert_element_type3A_139 = arith.extui %eq3A_108 : i1 to i32
        %cond3A_140 = arith.constant 0 : i32
        %cond3A_141 = arith.cmpi ne, %convert_element_type3A_139, %cond3A_140 : i32
        scf.if %cond3A_141 {
          "tpu.trace_start"() <{level = 10 : i32, message = "ep_finalize"}> : () -> ()
          %rem3A_142 = arith.constant 2 : i32
          %rem3A_143 = arith.remui %while3A_90#3, %rem3A_142 : i32
          %mul3A_144 = arith.constant 128 : i32
          %mul3A_145 = arith.muli %mul3A_144, %add3A_109 : i32
          %dma_wait3A = arith.constant 0 : i32
          %dma_wait3A_146 = arith.constant 0 : i32
          %dma_wait3A_147 = tpu.memref_slice %run_scoped3A_18[%rem3A_143, %dma_wait3A, %dma_wait3A_146] : memref<2x128x128xf32, #tpu.memory_space<vmem>> -> memref<1x128x128xf32, #tpu.memory_space<vmem>>
          %dma_wait3A_148 = tpu.memref_squeeze %dma_wait3A_147 : memref<1x128x128xf32, #tpu.memory_space<vmem>> -> memref<128x128xf32, #tpu.memory_space<vmem>>
          %dma_wait3A_149 = arith.constant 0 : i32
          %dma_wait3A_150 = tpu.memref_slice %arg4[%mul3A_145, %dma_wait3A_149] : memref<320000x128xf32, #tpu.memory_space<hbm>> -> memref<128x128xf32, #tpu.memory_space<hbm>>
          %dma_wait3A_151 = tpu.memref_slice %run_scoped3A_19[%rem3A_143] : memref<2x!tpu.dma_semaphore, #tpu.memory_space<semaphore_mem>> -> memref<1x!tpu.dma_semaphore, #tpu.memory_space<semaphore_mem>>
          %dma_wait3A_152 = tpu.memref_squeeze %dma_wait3A_151 : memref<1x!tpu.dma_semaphore, #tpu.memory_space<semaphore_mem>> -> memref<!tpu.dma_semaphore, #tpu.memory_space<semaphore_mem>>
          %dma_wait3A_153 = arith.constant 0 : i32
          %dma_wait3A_154 = tpu.memref_slice %arg4[%mul3A_145, %dma_wait3A_153] : memref<320000x128xf32, #tpu.memory_space<hbm>> -> memref<128x128xf32, #tpu.memory_space<hbm>>
          %dma_wait3A_155 = arith.constant 0 : i32
          %dma_wait3A_156 = arith.constant 0 : i32
          %dma_wait3A_157 = tpu.memref_slice %run_scoped3A_18[%rem3A_143, %dma_wait3A_155, %dma_wait3A_156] : memref<2x128x128xf32, #tpu.memory_space<vmem>> -> memref<1x128x128xf32, #tpu.memory_space<vmem>>
          %dma_wait3A_158 = tpu.memref_squeeze %dma_wait3A_157 : memref<1x128x128xf32, #tpu.memory_space<vmem>> -> memref<128x128xf32, #tpu.memory_space<vmem>>
          tpu.wait_dma2 semaphore(%dma_wait3A_152 : memref<!tpu.dma_semaphore, #tpu.memory_space<semaphore_mem>>) src(%dma_wait3A_158 : memref<128x128xf32, #tpu.memory_space<vmem>>) dst(%dma_wait3A_154 : memref<128x128xf32, #tpu.memory_space<hbm>>)
          "tpu.trace_stop"() : () -> ()
        } else {
        }
      } else {
      }
      tpu.yield
    }) : () -> ()
    return
  }
}

#map = affine_map<(d0, d1) -> (0, 0)>
module attributes {stable_mosaic.version = 14 : i64} {
  func.func @gather_kernel(%arg0: i32, %arg1: i32, %arg2: memref<10000x256xf32, #tpu.memory_space<hbm>>, %arg3: memref<1x160000xi32, #tpu.memory_space<hbm>>, %arg4: memref<160000x256xf32, #tpu.memory_space<hbm>>) attributes {dimension_semantics = [#tpu.dimension_semantics<core_parallel>, #tpu.dimension_semantics<subcore_parallel>], iteration_bounds = array<i64: 2, 16>, scalar_prefetch = 0 : i64, scratch_operands = 0 : i64, tpu.core_type = #tpu.core_type<sc_vector_subcore>, window_params = [{transform_indices = #map}, {transform_indices = #map}, {transform_indices = #map}]} {
    %mul3A = arith.constant 1 : i32
    %mul3A_0 = arith.muli %arg1, %mul3A : i32
    %add3A = arith.constant 0 : i32
    %add3A_1 = arith.addi %add3A, %mul3A_0 : i32
    %mul3A_2 = arith.constant 16 : i32
    %mul3A_3 = arith.muli %arg0, %mul3A_2 : i32
    %add3A_4 = arith.addi %add3A_1, %mul3A_3 : i32
    %lt3A = arith.constant 2 : i32
    %lt3A_5 = arith.cmpi slt, %add3A_4, %lt3A : i32
    %jit3A = arith.constant 40 : i32
    %jit3A_6 = arith.constant 39 : i32
    %select_n3A = arith.select %lt3A_5, %jit3A, %jit3A_6 : i32
    %lt3A_7 = arith.constant 2 : i32
    %lt3A_8 = arith.cmpi slt, %add3A_4, %lt3A_7 : i32
    %mul3A_9 = arith.muli %add3A_4, %select_n3A : i32
    %mul3A_10 = arith.constant 39 : i32
    %mul3A_11 = arith.muli %add3A_4, %mul3A_10 : i32
    %add3A_12 = arith.constant 2 : i32
    %add3A_13 = arith.addi %mul3A_11, %add3A_12 : i32
    %select_n3A_14 = arith.select %lt3A_8, %mul3A_9, %add3A_13 : i32
    %mul3A_15 = arith.constant 1 : i32
    %mul3A_16 = arith.muli %mul3A_15, %select_n3A : i32
    "tpu.region"() ({
      %run_scoped3A = memref.alloca() : memref<2x1x128xi32, #tpu.memory_space<vmem>>
      %run_scoped3A_17 = tpu.sem_alloc : memref<2x!tpu.dma_semaphore, #tpu.memory_space<semaphore_mem>>
      %run_scoped3A_18 = memref.alloca() : memref<2x128x256xf32, #tpu.memory_space<vmem>>
      %run_scoped3A_19 = tpu.sem_alloc : memref<2x!tpu.dma_semaphore, #tpu.memory_space<semaphore_mem>>
      %gt3A = arith.constant 0 : i32
      %gt3A_20 = arith.cmpi sgt, %mul3A_16, %gt3A : i32
      %convert_element_type3A = arith.extui %gt3A_20 : i1 to i32
      %cond3A = arith.constant 0 : i32
      %cond3A_21 = arith.cmpi ne, %convert_element_type3A, %cond3A : i32
      scf.if %cond3A_21 {
        %mul3A_22 = arith.constant 1 : i32
        %mul3A_23 = arith.muli %mul3A_22, %select_n3A : i32
        %sub3A = arith.constant 1 : i32
        %sub3A_24 = arith.subi %mul3A_23, %sub3A : i32
        %eq3A = arith.constant 0 : i32
        %eq3A_25 = arith.cmpi eq, %sub3A_24, %eq3A : i32
        %add3A_26 = arith.constant 0 : i32
        %add3A_27 = arith.addi %add3A_26, %select_n3A_14 : i32
        %select_n3A_28 = arith.constant true
        %select_n3A_29 = arith.constant 0 : i32
        %select_n3A_30 = arith.constant -1 : i32
        %select_n3A_31 = arith.select %select_n3A_28, %select_n3A_30, %select_n3A_29 : i32
        %eq3A_32 = arith.constant -1 : i32
        %eq3A_33 = arith.cmpi eq, %select_n3A_31, %eq3A_32 : i32
        %sub3A_34 = arith.constant 1 : i32
        %sub3A_35 = arith.subi %select_n3A, %sub3A_34 : i32
        %select_n3A_36 = arith.select %eq3A_33, %sub3A_35, %select_n3A_31 : i32
        %add3A_37 = arith.addi %select_n3A_36, %select_n3A_14 : i32
        %select_n3A_38 = arith.constant true
        %select_n3A_39 = arith.constant 0 : i32
        %select_n3A_40 = arith.constant 1 : i32
        %select_n3A_41 = arith.select %select_n3A_38, %select_n3A_40, %select_n3A_39 : i32
        %eq3A_42 = arith.cmpi eq, %select_n3A_41, %select_n3A : i32
        %select_n3A_43 = arith.constant 0 : i32
        %select_n3A_44 = arith.select %eq3A_42, %select_n3A_43, %select_n3A_41 : i32
        %add3A_45 = arith.addi %select_n3A_44, %select_n3A_14 : i32
        %add3A_46 = arith.constant 1 : i32
        %add3A_47 = arith.addi %select_n3A_44, %add3A_46 : i32
        %select_n3A_48 = arith.constant true
        %select_n3A_49 = arith.select %select_n3A_48, %add3A_47, %select_n3A_44 : i32
        %eq3A_50 = arith.cmpi eq, %select_n3A_49, %select_n3A : i32
        %select_n3A_51 = arith.constant 0 : i32
        %select_n3A_52 = arith.select %eq3A_50, %select_n3A_51, %select_n3A_49 : i32
        %add3A_53 = arith.addi %select_n3A_52, %select_n3A_14 : i32
        "tpu.trace_start"() <{level = 10 : i32, message = "ep_initialize_0"}> : () -> ()
        %rem3A = arith.constant 0 : i32
        %rem3A_54 = arith.constant 2 : i32
        %rem3A_55 = arith.remui %rem3A, %rem3A_54 : i32
        %mul3A_56 = arith.constant 128 : i32
        %mul3A_57 = arith.muli %mul3A_56, %add3A_27 : i32
        %dma_start3A = arith.constant 0 : i32
        %dma_start3A_58 = arith.constant 0 : i32
        %dma_start3A_59 = tpu.memref_slice %run_scoped3A[%rem3A_55, %dma_start3A, %dma_start3A_58] : memref<2x1x128xi32, #tpu.memory_space<vmem>> -> memref<1x1x128xi32, #tpu.memory_space<vmem>>
        %dma_start3A_60 = tpu.memref_squeeze %dma_start3A_59 : memref<1x1x128xi32, #tpu.memory_space<vmem>> -> memref<1x128xi32, #tpu.memory_space<vmem>>
        %dma_start3A_61 = arith.constant 0 : i32
        %dma_start3A_62 = tpu.memref_slice %arg3[%dma_start3A_61, %mul3A_57] : memref<1x160000xi32, #tpu.memory_space<hbm>> -> memref<1x128xi32, #tpu.memory_space<hbm>>
        %dma_start3A_63 = tpu.memref_slice %run_scoped3A_17[%rem3A_55] : memref<2x!tpu.dma_semaphore, #tpu.memory_space<semaphore_mem>> -> memref<1x!tpu.dma_semaphore, #tpu.memory_space<semaphore_mem>>
        %dma_start3A_64 = tpu.memref_squeeze %dma_start3A_63 : memref<1x!tpu.dma_semaphore, #tpu.memory_space<semaphore_mem>> -> memref<!tpu.dma_semaphore, #tpu.memory_space<semaphore_mem>>
        %dma_start3A_65 = arith.constant 0 : i32
        %dma_start3A_66 = arith.constant 0 : i32
        %dma_start3A_67 = tpu.memref_slice %run_scoped3A[%rem3A_55, %dma_start3A_65, %dma_start3A_66] : memref<2x1x128xi32, #tpu.memory_space<vmem>> -> memref<1x1x128xi32, #tpu.memory_space<vmem>>
        %dma_start3A_68 = tpu.memref_squeeze %dma_start3A_67 : memref<1x1x128xi32, #tpu.memory_space<vmem>> -> memref<1x128xi32, #tpu.memory_space<vmem>>
        %dma_start3A_69 = arith.constant 0 : i32
        %dma_start3A_70 = tpu.memref_slice %arg3[%dma_start3A_69, %mul3A_57] : memref<1x160000xi32, #tpu.memory_space<hbm>> -> memref<1x128xi32, #tpu.memory_space<hbm>>
        tpu.enqueue_dma source(%dma_start3A_70 : memref<1x128xi32, #tpu.memory_space<hbm>>) target(%dma_start3A_68 : memref<1x128xi32, #tpu.memory_space<vmem>>) target_semaphore(%dma_start3A_64 : memref<!tpu.dma_semaphore, #tpu.memory_space<semaphore_mem>>)
        %add3A_71 = arith.constant 0 : i32
        %add3A_72 = arith.constant 1 : i32
        %add3A_73 = arith.addi %add3A_71, %add3A_72 : i32
        %select_n3A_74 = arith.constant true
        %select_n3A_75 = arith.constant 0 : i32
        %select_n3A_76 = arith.select %select_n3A_74, %add3A_73, %select_n3A_75 : i32
        %while3A = arith.constant 0 : i32
        %while3A_77 = arith.constant 0 : i32
        %while3A_78 = arith.constant 0 : i32
        %while3A_79 = arith.constant 0 : i32
        %while3A_80 = arith.constant 0 : i32
        "tpu.trace_stop"() : () -> ()
        %while3A_81 = arith.subi %mul3A_16, %while3A : i32
        %while3A_82 = arith.addi %while3A, %while3A_81 : i32
        %while3A_83 = arith.constant 1 : i32
        %while3A_84 = arith.divsi %while3A_81, %while3A_83 : i32
        %while3A_85 = arith.muli %while3A_84, %while3A_83 : i32
        %while3A_86 = arith.addi %while3A, %while3A_85 : i32
        %while3A_87 = arith.constant 1 : i32
        %while3A_88:5 = scf.for %while3A_142 = %while3A to %while3A_86 step %while3A_87 iter_args(%while3A_143 = %select_n3A_76, %while3A_144 = %while3A_77, %while3A_145 = %while3A_78, %while3A_146 = %while3A_79, %while3A_147 = %while3A_80) -> (i32, i32, i32, i32, i32)  : i32 {
          %mul3A_148 = arith.constant 1 : i32
          %mul3A_149 = arith.muli %mul3A_148, %select_n3A : i32
          %eq3A_150 = arith.constant 0 : i32
          %eq3A_151 = arith.cmpi eq, %while3A_142, %eq3A_150 : i32
          %sub3A_152 = arith.constant 1 : i32
          %sub3A_153 = arith.subi %mul3A_149, %sub3A_152 : i32
          %eq3A_154 = arith.cmpi eq, %while3A_142, %sub3A_153 : i32
          %add3A_155 = arith.addi %while3A_147, %select_n3A_14 : i32
          %sub3A_156 = arith.constant 1 : i32
          %sub3A_157 = arith.subi %while3A_147, %sub3A_156 : i32
          %select_n3A_158 = arith.constant true
          %select_n3A_159 = arith.select %select_n3A_158, %sub3A_157, %while3A_147 : i32
          %eq3A_160 = arith.constant -1 : i32
          %eq3A_161 = arith.cmpi eq, %select_n3A_159, %eq3A_160 : i32
          %sub3A_162 = arith.constant 1 : i32
          %sub3A_163 = arith.subi %select_n3A, %sub3A_162 : i32
          %select_n3A_164 = arith.select %eq3A_161, %sub3A_163, %select_n3A_159 : i32
          %add3A_165 = arith.addi %select_n3A_164, %select_n3A_14 : i32
          %add3A_166 = arith.constant 1 : i32
          %add3A_167 = arith.addi %while3A_147, %add3A_166 : i32
          %select_n3A_168 = arith.constant true
          %select_n3A_169 = arith.select %select_n3A_168, %add3A_167, %while3A_147 : i32
          %eq3A_170 = arith.cmpi eq, %select_n3A_169, %select_n3A : i32
          %select_n3A_171 = arith.constant 0 : i32
          %select_n3A_172 = arith.select %eq3A_170, %select_n3A_171, %select_n3A_169 : i32
          %add3A_173 = arith.addi %select_n3A_172, %select_n3A_14 : i32
          %add3A_174 = arith.constant 1 : i32
          %add3A_175 = arith.addi %select_n3A_172, %add3A_174 : i32
          %select_n3A_176 = arith.constant true
          %select_n3A_177 = arith.select %select_n3A_176, %add3A_175, %select_n3A_172 : i32
          %eq3A_178 = arith.cmpi eq, %select_n3A_177, %select_n3A : i32
          %select_n3A_179 = arith.constant 0 : i32
          %select_n3A_180 = arith.select %eq3A_178, %select_n3A_179, %select_n3A_177 : i32
          %add3A_181 = arith.addi %select_n3A_180, %select_n3A_14 : i32
          %ne3A = arith.cmpi ne, %add3A_155, %add3A_173 : i32
          %or3A = arith.constant false
          %or3A_182 = arith.ori %or3A, %ne3A : i1
          %sub3A_183 = arith.constant 2 : i32
          %sub3A_184 = arith.subi %mul3A_149, %sub3A_183 : i32
          %add3A_185 = arith.constant 1 : i32
          %add3A_186 = arith.addi %sub3A_184, %add3A_185 : i32
          %ge3A = arith.cmpi sge, %while3A_142, %add3A_186 : i32
          %not3A = arith.constant true
          %not3A_187 = arith.xori %ge3A, %not3A : i1
          %and3A = arith.andi %or3A_182, %not3A_187 : i1
          %convert_element_type3A_188 = arith.extui %and3A : i1 to i32
          %cond3A_189 = arith.constant 0 : i32
          %cond3A_190 = arith.cmpi ne, %convert_element_type3A_188, %cond3A_189 : i32
          scf.if %cond3A_190 {
            "tpu.trace_start"() <{level = 10 : i32, message = "ep_copy_in"}> : () -> ()
            %rem3A_294 = arith.constant 2 : i32
            %rem3A_295 = arith.remui %while3A_143, %rem3A_294 : i32
            %mul3A_296 = arith.constant 128 : i32
            %mul3A_297 = arith.muli %mul3A_296, %add3A_173 : i32
            %dma_start3A_298 = arith.constant 0 : i32
            %dma_start3A_299 = arith.constant 0 : i32
            %dma_start3A_300 = tpu.memref_slice %run_scoped3A[%rem3A_295, %dma_start3A_298, %dma_start3A_299] : memref<2x1x128xi32, #tpu.memory_space<vmem>> -> memref<1x1x128xi32, #tpu.memory_space<vmem>>
            %dma_start3A_301 = tpu.memref_squeeze %dma_start3A_300 : memref<1x1x128xi32, #tpu.memory_space<vmem>> -> memref<1x128xi32, #tpu.memory_space<vmem>>
            %dma_start3A_302 = arith.constant 0 : i32
            %dma_start3A_303 = tpu.memref_slice %arg3[%dma_start3A_302, %mul3A_297] : memref<1x160000xi32, #tpu.memory_space<hbm>> -> memref<1x128xi32, #tpu.memory_space<hbm>>
            %dma_start3A_304 = tpu.memref_slice %run_scoped3A_17[%rem3A_295] : memref<2x!tpu.dma_semaphore, #tpu.memory_space<semaphore_mem>> -> memref<1x!tpu.dma_semaphore, #tpu.memory_space<semaphore_mem>>
            %dma_start3A_305 = tpu.memref_squeeze %dma_start3A_304 : memref<1x!tpu.dma_semaphore, #tpu.memory_space<semaphore_mem>> -> memref<!tpu.dma_semaphore, #tpu.memory_space<semaphore_mem>>
            %dma_start3A_306 = arith.constant 0 : i32
            %dma_start3A_307 = arith.constant 0 : i32
            %dma_start3A_308 = tpu.memref_slice %run_scoped3A[%rem3A_295, %dma_start3A_306, %dma_start3A_307] : memref<2x1x128xi32, #tpu.memory_space<vmem>> -> memref<1x1x128xi32, #tpu.memory_space<vmem>>
            %dma_start3A_309 = tpu.memref_squeeze %dma_start3A_308 : memref<1x1x128xi32, #tpu.memory_space<vmem>> -> memref<1x128xi32, #tpu.memory_space<vmem>>
            %dma_start3A_310 = arith.constant 0 : i32
            %dma_start3A_311 = tpu.memref_slice %arg3[%dma_start3A_310, %mul3A_297] : memref<1x160000xi32, #tpu.memory_space<hbm>> -> memref<1x128xi32, #tpu.memory_space<hbm>>
            tpu.enqueue_dma source(%dma_start3A_311 : memref<1x128xi32, #tpu.memory_space<hbm>>) target(%dma_start3A_309 : memref<1x128xi32, #tpu.memory_space<vmem>>) target_semaphore(%dma_start3A_305 : memref<!tpu.dma_semaphore, #tpu.memory_space<semaphore_mem>>)
            "tpu.trace_stop"() : () -> ()
          } else {
          }
          %and3A_191 = arith.constant true
          %and3A_192 = arith.andi %and3A, %and3A_191 : i1
          %add3A_193 = arith.constant 1 : i32
          %add3A_194 = arith.addi %while3A_143, %add3A_193 : i32
          %select_n3A_195 = arith.select %and3A_192, %add3A_194, %while3A_143 : i32
          %ne3A_196 = arith.cmpi ne, %add3A_155, %add3A_173 : i32
          %or3A_197 = arith.constant false
          %or3A_198 = arith.ori %or3A_197, %ne3A_196 : i1
          %or3A_199 = arith.constant false
          %or3A_200 = arith.ori %or3A_198, %or3A_199 : i1
          %sub3A_201 = arith.constant 2 : i32
          %sub3A_202 = arith.subi %mul3A_149, %sub3A_201 : i32
          %add3A_203 = arith.constant 1 : i32
          %add3A_204 = arith.addi %sub3A_202, %add3A_203 : i32
          %ge3A_205 = arith.cmpi sge, %while3A_142, %add3A_204 : i32
          %not3A_206 = arith.constant true
          %not3A_207 = arith.xori %ge3A_205, %not3A_206 : i1
          %and3A_208 = arith.andi %or3A_200, %not3A_207 : i1
          %ne3A_209 = arith.cmpi ne, %add3A_155, %add3A_165 : i32
          %or3A_210 = arith.constant false
          %or3A_211 = arith.ori %or3A_210, %ne3A_209 : i1
          %or3A_212 = arith.ori %or3A_211, %eq3A_151 : i1
          %convert_element_type3A_213 = arith.extui %or3A_212 : i1 to i32
          %cond3A_214 = arith.constant 0 : i32
          %cond3A_215 = arith.cmpi ne, %convert_element_type3A_213, %cond3A_214 : i32
          scf.if %cond3A_215 {
            "tpu.trace_start"() <{level = 10 : i32, message = "ep_wait_in"}> : () -> ()
            %mul3A_294 = arith.constant 128 : i32
            %mul3A_295 = arith.muli %mul3A_294, %add3A_155 : i32
            %rem3A_296 = arith.constant 2 : i32
            %rem3A_297 = arith.remui %while3A_144, %rem3A_296 : i32
            %dma_wait3A = arith.constant 0 : i32
            %dma_wait3A_298 = arith.constant 0 : i32
            %dma_wait3A_299 = tpu.memref_slice %run_scoped3A[%rem3A_297, %dma_wait3A, %dma_wait3A_298] : memref<2x1x128xi32, #tpu.memory_space<vmem>> -> memref<1x1x128xi32, #tpu.memory_space<vmem>>
            %dma_wait3A_300 = tpu.memref_squeeze %dma_wait3A_299 : memref<1x1x128xi32, #tpu.memory_space<vmem>> -> memref<1x128xi32, #tpu.memory_space<vmem>>
            %dma_wait3A_301 = arith.constant 0 : i32
            %dma_wait3A_302 = tpu.memref_slice %arg3[%dma_wait3A_301, %mul3A_295] : memref<1x160000xi32, #tpu.memory_space<hbm>> -> memref<1x128xi32, #tpu.memory_space<hbm>>
            %dma_wait3A_303 = tpu.memref_slice %run_scoped3A_17[%rem3A_297] : memref<2x!tpu.dma_semaphore, #tpu.memory_space<semaphore_mem>> -> memref<1x!tpu.dma_semaphore, #tpu.memory_space<semaphore_mem>>
            %dma_wait3A_304 = tpu.memref_squeeze %dma_wait3A_303 : memref<1x!tpu.dma_semaphore, #tpu.memory_space<semaphore_mem>> -> memref<!tpu.dma_semaphore, #tpu.memory_space<semaphore_mem>>
            %dma_wait3A_305 = arith.constant 0 : i32
            %dma_wait3A_306 = arith.constant 0 : i32
            %dma_wait3A_307 = tpu.memref_slice %run_scoped3A[%rem3A_297, %dma_wait3A_305, %dma_wait3A_306] : memref<2x1x128xi32, #tpu.memory_space<vmem>> -> memref<1x1x128xi32, #tpu.memory_space<vmem>>
            %dma_wait3A_308 = tpu.memref_squeeze %dma_wait3A_307 : memref<1x1x128xi32, #tpu.memory_space<vmem>> -> memref<1x128xi32, #tpu.memory_space<vmem>>
            %dma_wait3A_309 = arith.constant 0 : i32
            %dma_wait3A_310 = tpu.memref_slice %arg3[%dma_wait3A_309, %mul3A_295] : memref<1x160000xi32, #tpu.memory_space<hbm>> -> memref<1x128xi32, #tpu.memory_space<hbm>>
            tpu.wait_dma2 semaphore(%dma_wait3A_304 : memref<!tpu.dma_semaphore, #tpu.memory_space<semaphore_mem>>) src(%dma_wait3A_310 : memref<1x128xi32, #tpu.memory_space<hbm>>) dst(%dma_wait3A_308 : memref<1x128xi32, #tpu.memory_space<vmem>>)
            "tpu.trace_stop"() : () -> ()
          } else {
          }
          %ne3A_216 = arith.cmpi ne, %add3A_155, %add3A_165 : i32
          %or3A_217 = arith.constant false
          %or3A_218 = arith.ori %or3A_217, %ne3A_216 : i1
          %or3A_219 = arith.constant false
          %or3A_220 = arith.ori %or3A_218, %or3A_219 : i1
          %or3A_221 = arith.ori %or3A_220, %eq3A_151 : i1
          %convert_element_type3A_222 = arith.extui %or3A_221 : i1 to i32
          %cond3A_223 = arith.constant 0 : i32
          %cond3A_224 = arith.cmpi ne, %convert_element_type3A_222, %cond3A_223 : i32
          scf.if %cond3A_224 {
          } else {
          }
          %rem3A_225 = arith.constant 2 : i32
          %rem3A_226 = arith.remui %while3A_144, %rem3A_225 : i32
          %rem3A_227 = arith.constant 2 : i32
          %rem3A_228 = arith.remui %while3A_145, %rem3A_227 : i32
          %run_scoped3A_229 = arith.constant 0 : i32
          "tpu.trace_start"() <{level = 10 : i32, message = "ep_run_kernel"}> : () -> ()
          "tpu.region"() ({
            %run_scoped3A_294 = tpu.sem_alloc : memref<!tpu.dma_semaphore, #tpu.memory_space<semaphore_mem>>
            %dma_start3A_295 = arith.constant 0 : i32
            %dma_start3A_296 = arith.constant 0 : i32
            %dma_start3A_297 = tpu.memref_slice %run_scoped3A_18[%rem3A_228, %dma_start3A_295, %dma_start3A_296] : memref<2x128x256xf32, #tpu.memory_space<vmem>> -> memref<1x128x256xf32, #tpu.memory_space<vmem>>
            %dma_start3A_298 = tpu.memref_squeeze %dma_start3A_297 : memref<1x128x256xf32, #tpu.memory_space<vmem>> -> memref<128x256xf32, #tpu.memory_space<vmem>>
            %dma_start3A_299 = arith.constant 0 : i32
            %dma_start3A_300 = arith.constant 0 : i32
            %dma_start3A_301 = tpu.memref_slice %run_scoped3A[%rem3A_226, %dma_start3A_299, %dma_start3A_300] : memref<2x1x128xi32, #tpu.memory_space<vmem>> -> memref<1x1x128xi32, #tpu.memory_space<vmem>>
            %dma_start3A_302 = tpu.memref_squeeze %dma_start3A_301 : memref<1x1x128xi32, #tpu.memory_space<vmem>> -> memref<1x128xi32, #tpu.memory_space<vmem>>
            %dma_start3A_303 = arith.constant 0 : i32
            %dma_start3A_304 = tpu.memref_slice %dma_start3A_302[%run_scoped3A_229, %dma_start3A_303] : memref<1x128xi32, #tpu.memory_space<vmem>> -> memref<1x128xi32, #tpu.memory_space<vmem>>
            %dma_start3A_305 = tpu.memref_squeeze %dma_start3A_304 : memref<1x128xi32, #tpu.memory_space<vmem>> -> memref<128xi32, #tpu.memory_space<vmem>>
            %dma_start3A_306 = arith.constant 0 : i32
            %dma_start3A_307 = arith.constant 0 : i32
            %dma_start3A_308 = tpu.memref_slice %arg2[%dma_start3A_306, %dma_start3A_307] : memref<10000x256xf32, #tpu.memory_space<hbm>> -> memref<10000x256xf32, #tpu.memory_space<hbm>>
            tpu.enqueue_indirect_dma source(%dma_start3A_308 : memref<10000x256xf32, #tpu.memory_space<hbm>>) target(%dma_start3A_298 : memref<128x256xf32, #tpu.memory_space<vmem>>) offsets(%dma_start3A_305 : memref<128xi32, #tpu.memory_space<vmem>>) semaphore(%run_scoped3A_294 : memref<!tpu.dma_semaphore, #tpu.memory_space<semaphore_mem>>)
            %dma_wait3A = arith.constant 0 : i32
            %dma_wait3A_309 = arith.constant 0 : i32
            %dma_wait3A_310 = tpu.memref_slice %run_scoped3A_18[%rem3A_228, %dma_wait3A, %dma_wait3A_309] : memref<2x128x256xf32, #tpu.memory_space<vmem>> -> memref<1x128x256xf32, #tpu.memory_space<vmem>>
            %dma_wait3A_311 = tpu.memref_squeeze %dma_wait3A_310 : memref<1x128x256xf32, #tpu.memory_space<vmem>> -> memref<128x256xf32, #tpu.memory_space<vmem>>
            %dma_wait3A_312 = arith.constant 0 : i32
            %dma_wait3A_313 = arith.constant 0 : i32
            %dma_wait3A_314 = tpu.memref_slice %run_scoped3A[%rem3A_226, %dma_wait3A_312, %dma_wait3A_313] : memref<2x1x128xi32, #tpu.memory_space<vmem>> -> memref<1x1x128xi32, #tpu.memory_space<vmem>>
            %dma_wait3A_315 = tpu.memref_squeeze %dma_wait3A_314 : memref<1x1x128xi32, #tpu.memory_space<vmem>> -> memref<1x128xi32, #tpu.memory_space<vmem>>
            %dma_wait3A_316 = arith.constant 0 : i32
            %dma_wait3A_317 = tpu.memref_slice %dma_wait3A_315[%run_scoped3A_229, %dma_wait3A_316] : memref<1x128xi32, #tpu.memory_space<vmem>> -> memref<1x128xi32, #tpu.memory_space<vmem>>
            %dma_wait3A_318 = tpu.memref_squeeze %dma_wait3A_317 : memref<1x128xi32, #tpu.memory_space<vmem>> -> memref<128xi32, #tpu.memory_space<vmem>>
            %dma_wait3A_319 = arith.constant 0 : i32
            %dma_wait3A_320 = arith.constant 0 : i32
            %dma_wait3A_321 = tpu.memref_slice %arg2[%dma_wait3A_319, %dma_wait3A_320] : memref<10000x256xf32, #tpu.memory_space<hbm>> -> memref<10000x256xf32, #tpu.memory_space<hbm>>
            tpu.wait_indirect_dma semaphore(%run_scoped3A_294 : memref<!tpu.dma_semaphore, #tpu.memory_space<semaphore_mem>>) src(%dma_wait3A_321 : memref<10000x256xf32, #tpu.memory_space<hbm>>) dst(%dma_wait3A_311 : memref<128x256xf32, #tpu.memory_space<vmem>>)
            tpu.yield
          }) : () -> ()
          "tpu.trace_stop"() : () -> ()
          %ne3A_230 = arith.cmpi ne, %add3A_155, %add3A_173 : i32
          %or3A_231 = arith.constant false
          %or3A_232 = arith.ori %or3A_231, %ne3A_230 : i1
          %or3A_233 = arith.ori %or3A_232, %eq3A_154 : i1
          %convert_element_type3A_234 = arith.extui %or3A_233 : i1 to i32
          %cond3A_235 = arith.constant 0 : i32
          %cond3A_236 = arith.cmpi ne, %convert_element_type3A_234, %cond3A_235 : i32
          scf.if %cond3A_236 {
          } else {
          }
          %and3A_237 = arith.constant false
          %and3A_238 = arith.andi %or3A_233, %and3A_237 : i1
          %ne3A_239 = arith.cmpi ne, %add3A_155, %add3A_173 : i32
          %or3A_240 = arith.constant false
          %or3A_241 = arith.ori %or3A_240, %ne3A_239 : i1
          %or3A_242 = arith.constant false
          %or3A_243 = arith.ori %or3A_241, %or3A_242 : i1
          %or3A_244 = arith.ori %or3A_243, %eq3A_154 : i1
          %convert_element_type3A_245 = arith.extui %or3A_244 : i1 to i32
          %cond3A_246 = arith.constant 0 : i32
          %cond3A_247 = arith.cmpi ne, %convert_element_type3A_245, %cond3A_246 : i32
          scf.if %cond3A_247 {
            "tpu.trace_start"() <{level = 10 : i32, message = "ep_copy_out"}> : () -> ()
            %rem3A_294 = arith.constant 2 : i32
            %rem3A_295 = arith.remui %while3A_145, %rem3A_294 : i32
            %mul3A_296 = arith.constant 128 : i32
            %mul3A_297 = arith.muli %mul3A_296, %add3A_155 : i32
            %dma_start3A_298 = arith.constant 0 : i32
            %dma_start3A_299 = arith.constant 0 : i32
            %dma_start3A_300 = tpu.memref_slice %run_scoped3A_18[%rem3A_295, %dma_start3A_298, %dma_start3A_299] : memref<2x128x256xf32, #tpu.memory_space<vmem>> -> memref<1x128x256xf32, #tpu.memory_space<vmem>>
            %dma_start3A_301 = tpu.memref_squeeze %dma_start3A_300 : memref<1x128x256xf32, #tpu.memory_space<vmem>> -> memref<128x256xf32, #tpu.memory_space<vmem>>
            %dma_start3A_302 = arith.constant 0 : i32
            %dma_start3A_303 = tpu.memref_slice %arg4[%mul3A_297, %dma_start3A_302] : memref<160000x256xf32, #tpu.memory_space<hbm>> -> memref<128x256xf32, #tpu.memory_space<hbm>>
            %dma_start3A_304 = tpu.memref_slice %run_scoped3A_19[%rem3A_295] : memref<2x!tpu.dma_semaphore, #tpu.memory_space<semaphore_mem>> -> memref<1x!tpu.dma_semaphore, #tpu.memory_space<semaphore_mem>>
            %dma_start3A_305 = tpu.memref_squeeze %dma_start3A_304 : memref<1x!tpu.dma_semaphore, #tpu.memory_space<semaphore_mem>> -> memref<!tpu.dma_semaphore, #tpu.memory_space<semaphore_mem>>
            %dma_start3A_306 = arith.constant 0 : i32
            %dma_start3A_307 = tpu.memref_slice %arg4[%mul3A_297, %dma_start3A_306] : memref<160000x256xf32, #tpu.memory_space<hbm>> -> memref<128x256xf32, #tpu.memory_space<hbm>>
            %dma_start3A_308 = arith.constant 0 : i32
            %dma_start3A_309 = arith.constant 0 : i32
            %dma_start3A_310 = tpu.memref_slice %run_scoped3A_18[%rem3A_295, %dma_start3A_308, %dma_start3A_309] : memref<2x128x256xf32, #tpu.memory_space<vmem>> -> memref<1x128x256xf32, #tpu.memory_space<vmem>>
            %dma_start3A_311 = tpu.memref_squeeze %dma_start3A_310 : memref<1x128x256xf32, #tpu.memory_space<vmem>> -> memref<128x256xf32, #tpu.memory_space<vmem>>
            tpu.enqueue_dma source(%dma_start3A_311 : memref<128x256xf32, #tpu.memory_space<vmem>>) target(%dma_start3A_307 : memref<128x256xf32, #tpu.memory_space<hbm>>) target_semaphore(%dma_start3A_305 : memref<!tpu.dma_semaphore, #tpu.memory_space<semaphore_mem>>)
            "tpu.trace_stop"() : () -> ()
          } else {
          }
          %and3A_248 = arith.constant true
          %and3A_249 = arith.andi %or3A_244, %and3A_248 : i1
          %add3A_250 = arith.constant 1 : i32
          %add3A_251 = arith.addi %while3A_145, %add3A_250 : i32
          %select_n3A_252 = arith.select %and3A_249, %add3A_251, %while3A_145 : i32
          %ne3A_253 = arith.cmpi ne, %add3A_155, %add3A_165 : i32
          %or3A_254 = arith.constant false
          %or3A_255 = arith.ori %or3A_254, %ne3A_253 : i1
          %not3A_256 = arith.constant true
          %not3A_257 = arith.xori %eq3A_151, %not3A_256 : i1
          %and3A_258 = arith.andi %or3A_255, %not3A_257 : i1
          %convert_element_type3A_259 = arith.extui %and3A_258 : i1 to i32
          %cond3A_260 = arith.constant 0 : i32
          %cond3A_261 = arith.cmpi ne, %convert_element_type3A_259, %cond3A_260 : i32
          scf.if %cond3A_261 {
          } else {
          }
          %and3A_262 = arith.constant false
          %and3A_263 = arith.andi %and3A_258, %and3A_262 : i1
          %ne3A_264 = arith.cmpi ne, %add3A_155, %add3A_165 : i32
          %or3A_265 = arith.constant false
          %or3A_266 = arith.ori %or3A_265, %ne3A_264 : i1
          %or3A_267 = arith.constant false
          %or3A_268 = arith.ori %or3A_266, %or3A_267 : i1
          %not3A_269 = arith.constant true
          %not3A_270 = arith.xori %eq3A_151, %not3A_269 : i1
          %and3A_271 = arith.andi %or3A_268, %not3A_270 : i1
          %convert_element_type3A_272 = arith.extui %and3A_271 : i1 to i32
          %cond3A_273 = arith.constant 0 : i32
          %cond3A_274 = arith.cmpi ne, %convert_element_type3A_272, %cond3A_273 : i32
          scf.if %cond3A_274 {
            "tpu.trace_start"() <{level = 10 : i32, message = "ep_wait_out"}> : () -> ()
            %rem3A_294 = arith.constant 2 : i32
            %rem3A_295 = arith.remui %while3A_146, %rem3A_294 : i32
            %mul3A_296 = arith.constant 128 : i32
            %mul3A_297 = arith.muli %mul3A_296, %add3A_165 : i32
            %dma_wait3A = arith.constant 0 : i32
            %dma_wait3A_298 = arith.constant 0 : i32
            %dma_wait3A_299 = tpu.memref_slice %run_scoped3A_18[%rem3A_295, %dma_wait3A, %dma_wait3A_298] : memref<2x128x256xf32, #tpu.memory_space<vmem>> -> memref<1x128x256xf32, #tpu.memory_space<vmem>>
            %dma_wait3A_300 = tpu.memref_squeeze %dma_wait3A_299 : memref<1x128x256xf32, #tpu.memory_space<vmem>> -> memref<128x256xf32, #tpu.memory_space<vmem>>
            %dma_wait3A_301 = arith.constant 0 : i32
            %dma_wait3A_302 = tpu.memref_slice %arg4[%mul3A_297, %dma_wait3A_301] : memref<160000x256xf32, #tpu.memory_space<hbm>> -> memref<128x256xf32, #tpu.memory_space<hbm>>
            %dma_wait3A_303 = tpu.memref_slice %run_scoped3A_19[%rem3A_295] : memref<2x!tpu.dma_semaphore, #tpu.memory_space<semaphore_mem>> -> memref<1x!tpu.dma_semaphore, #tpu.memory_space<semaphore_mem>>
            %dma_wait3A_304 = tpu.memref_squeeze %dma_wait3A_303 : memref<1x!tpu.dma_semaphore, #tpu.memory_space<semaphore_mem>> -> memref<!tpu.dma_semaphore, #tpu.memory_space<semaphore_mem>>
            %dma_wait3A_305 = arith.constant 0 : i32
            %dma_wait3A_306 = tpu.memref_slice %arg4[%mul3A_297, %dma_wait3A_305] : memref<160000x256xf32, #tpu.memory_space<hbm>> -> memref<128x256xf32, #tpu.memory_space<hbm>>
            %dma_wait3A_307 = arith.constant 0 : i32
            %dma_wait3A_308 = arith.constant 0 : i32
            %dma_wait3A_309 = tpu.memref_slice %run_scoped3A_18[%rem3A_295, %dma_wait3A_307, %dma_wait3A_308] : memref<2x128x256xf32, #tpu.memory_space<vmem>> -> memref<1x128x256xf32, #tpu.memory_space<vmem>>
            %dma_wait3A_310 = tpu.memref_squeeze %dma_wait3A_309 : memref<1x128x256xf32, #tpu.memory_space<vmem>> -> memref<128x256xf32, #tpu.memory_space<vmem>>
            tpu.wait_dma2 semaphore(%dma_wait3A_304 : memref<!tpu.dma_semaphore, #tpu.memory_space<semaphore_mem>>) src(%dma_wait3A_310 : memref<128x256xf32, #tpu.memory_space<vmem>>) dst(%dma_wait3A_306 : memref<128x256xf32, #tpu.memory_space<hbm>>)
            "tpu.trace_stop"() : () -> ()
          } else {
          }
          %and3A_275 = arith.constant true
          %and3A_276 = arith.andi %and3A_271, %and3A_275 : i1
          %add3A_277 = arith.constant 1 : i32
          %add3A_278 = arith.addi %while3A_146, %add3A_277 : i32
          %select_n3A_279 = arith.select %and3A_276, %add3A_278, %while3A_146 : i32
          %ne3A_280 = arith.cmpi ne, %add3A_155, %add3A_173 : i32
          %or3A_281 = arith.constant false
          %or3A_282 = arith.ori %or3A_281, %ne3A_280 : i1
          %or3A_283 = arith.ori %or3A_282, %eq3A_154 : i1
          %add3A_284 = arith.constant 1 : i32
          %add3A_285 = arith.addi %while3A_144, %add3A_284 : i32
          %select_n3A_286 = arith.select %or3A_283, %add3A_285, %while3A_144 : i32
          %add3A_287 = arith.constant 1 : i32
          %add3A_288 = arith.addi %while3A_147, %add3A_287 : i32
          %select_n3A_289 = arith.constant true
          %select_n3A_290 = arith.select %select_n3A_289, %add3A_288, %while3A_147 : i32
          %eq3A_291 = arith.cmpi eq, %select_n3A_290, %select_n3A : i32
          %select_n3A_292 = arith.constant 0 : i32
          %select_n3A_293 = arith.select %eq3A_291, %select_n3A_292, %select_n3A_290 : i32
          scf.yield %select_n3A_195, %select_n3A_286, %select_n3A_252, %select_n3A_279, %select_n3A_293 : i32, i32, i32, i32, i32
        }
        %while3A_89 = arith.constant 1 : i32
        %while3A_90:5 = scf.for %while3A_142 = %while3A_86 to %while3A_82 step %while3A_89 iter_args(%while3A_143 = %while3A_88#0, %while3A_144 = %while3A_88#1, %while3A_145 = %while3A_88#2, %while3A_146 = %while3A_88#3, %while3A_147 = %while3A_88#4) -> (i32, i32, i32, i32, i32)  : i32 {
          %mul3A_148 = arith.constant 1 : i32
          %mul3A_149 = arith.muli %mul3A_148, %select_n3A : i32
          %eq3A_150 = arith.constant 0 : i32
          %eq3A_151 = arith.cmpi eq, %while3A_142, %eq3A_150 : i32
          %sub3A_152 = arith.constant 1 : i32
          %sub3A_153 = arith.subi %mul3A_149, %sub3A_152 : i32
          %eq3A_154 = arith.cmpi eq, %while3A_142, %sub3A_153 : i32
          %add3A_155 = arith.addi %while3A_147, %select_n3A_14 : i32
          %sub3A_156 = arith.constant 1 : i32
          %sub3A_157 = arith.subi %while3A_147, %sub3A_156 : i32
          %select_n3A_158 = arith.constant true
          %select_n3A_159 = arith.select %select_n3A_158, %sub3A_157, %while3A_147 : i32
          %eq3A_160 = arith.constant -1 : i32
          %eq3A_161 = arith.cmpi eq, %select_n3A_159, %eq3A_160 : i32
          %sub3A_162 = arith.constant 1 : i32
          %sub3A_163 = arith.subi %select_n3A, %sub3A_162 : i32
          %select_n3A_164 = arith.select %eq3A_161, %sub3A_163, %select_n3A_159 : i32
          %add3A_165 = arith.addi %select_n3A_164, %select_n3A_14 : i32
          %add3A_166 = arith.constant 1 : i32
          %add3A_167 = arith.addi %while3A_147, %add3A_166 : i32
          %select_n3A_168 = arith.constant true
          %select_n3A_169 = arith.select %select_n3A_168, %add3A_167, %while3A_147 : i32
          %eq3A_170 = arith.cmpi eq, %select_n3A_169, %select_n3A : i32
          %select_n3A_171 = arith.constant 0 : i32
          %select_n3A_172 = arith.select %eq3A_170, %select_n3A_171, %select_n3A_169 : i32
          %add3A_173 = arith.addi %select_n3A_172, %select_n3A_14 : i32
          %add3A_174 = arith.constant 1 : i32
          %add3A_175 = arith.addi %select_n3A_172, %add3A_174 : i32
          %select_n3A_176 = arith.constant true
          %select_n3A_177 = arith.select %select_n3A_176, %add3A_175, %select_n3A_172 : i32
          %eq3A_178 = arith.cmpi eq, %select_n3A_177, %select_n3A : i32
          %select_n3A_179 = arith.constant 0 : i32
          %select_n3A_180 = arith.select %eq3A_178, %select_n3A_179, %select_n3A_177 : i32
          %add3A_181 = arith.addi %select_n3A_180, %select_n3A_14 : i32
          %ne3A = arith.cmpi ne, %add3A_155, %add3A_173 : i32
          %or3A = arith.constant false
          %or3A_182 = arith.ori %or3A, %ne3A : i1
          %sub3A_183 = arith.constant 2 : i32
          %sub3A_184 = arith.subi %mul3A_149, %sub3A_183 : i32
          %add3A_185 = arith.constant 1 : i32
          %add3A_186 = arith.addi %sub3A_184, %add3A_185 : i32
          %ge3A = arith.cmpi sge, %while3A_142, %add3A_186 : i32
          %not3A = arith.constant true
          %not3A_187 = arith.xori %ge3A, %not3A : i1
          %and3A = arith.andi %or3A_182, %not3A_187 : i1
          %convert_element_type3A_188 = arith.extui %and3A : i1 to i32
          %cond3A_189 = arith.constant 0 : i32
          %cond3A_190 = arith.cmpi ne, %convert_element_type3A_188, %cond3A_189 : i32
          scf.if %cond3A_190 {
            "tpu.trace_start"() <{level = 10 : i32, message = "ep_copy_in"}> : () -> ()
            %rem3A_294 = arith.constant 2 : i32
            %rem3A_295 = arith.remui %while3A_143, %rem3A_294 : i32
            %mul3A_296 = arith.constant 128 : i32
            %mul3A_297 = arith.muli %mul3A_296, %add3A_173 : i32
            %dma_start3A_298 = arith.constant 0 : i32
            %dma_start3A_299 = arith.constant 0 : i32
            %dma_start3A_300 = tpu.memref_slice %run_scoped3A[%rem3A_295, %dma_start3A_298, %dma_start3A_299] : memref<2x1x128xi32, #tpu.memory_space<vmem>> -> memref<1x1x128xi32, #tpu.memory_space<vmem>>
            %dma_start3A_301 = tpu.memref_squeeze %dma_start3A_300 : memref<1x1x128xi32, #tpu.memory_space<vmem>> -> memref<1x128xi32, #tpu.memory_space<vmem>>
            %dma_start3A_302 = arith.constant 0 : i32
            %dma_start3A_303 = tpu.memref_slice %arg3[%dma_start3A_302, %mul3A_297] : memref<1x160000xi32, #tpu.memory_space<hbm>> -> memref<1x128xi32, #tpu.memory_space<hbm>>
            %dma_start3A_304 = tpu.memref_slice %run_scoped3A_17[%rem3A_295] : memref<2x!tpu.dma_semaphore, #tpu.memory_space<semaphore_mem>> -> memref<1x!tpu.dma_semaphore, #tpu.memory_space<semaphore_mem>>
            %dma_start3A_305 = tpu.memref_squeeze %dma_start3A_304 : memref<1x!tpu.dma_semaphore, #tpu.memory_space<semaphore_mem>> -> memref<!tpu.dma_semaphore, #tpu.memory_space<semaphore_mem>>
            %dma_start3A_306 = arith.constant 0 : i32
            %dma_start3A_307 = arith.constant 0 : i32
            %dma_start3A_308 = tpu.memref_slice %run_scoped3A[%rem3A_295, %dma_start3A_306, %dma_start3A_307] : memref<2x1x128xi32, #tpu.memory_space<vmem>> -> memref<1x1x128xi32, #tpu.memory_space<vmem>>
            %dma_start3A_309 = tpu.memref_squeeze %dma_start3A_308 : memref<1x1x128xi32, #tpu.memory_space<vmem>> -> memref<1x128xi32, #tpu.memory_space<vmem>>
            %dma_start3A_310 = arith.constant 0 : i32
            %dma_start3A_311 = tpu.memref_slice %arg3[%dma_start3A_310, %mul3A_297] : memref<1x160000xi32, #tpu.memory_space<hbm>> -> memref<1x128xi32, #tpu.memory_space<hbm>>
            tpu.enqueue_dma source(%dma_start3A_311 : memref<1x128xi32, #tpu.memory_space<hbm>>) target(%dma_start3A_309 : memref<1x128xi32, #tpu.memory_space<vmem>>) target_semaphore(%dma_start3A_305 : memref<!tpu.dma_semaphore, #tpu.memory_space<semaphore_mem>>)
            "tpu.trace_stop"() : () -> ()
          } else {
          }
          %and3A_191 = arith.constant true
          %and3A_192 = arith.andi %and3A, %and3A_191 : i1
          %add3A_193 = arith.constant 1 : i32
          %add3A_194 = arith.addi %while3A_143, %add3A_193 : i32
          %select_n3A_195 = arith.select %and3A_192, %add3A_194, %while3A_143 : i32
          %ne3A_196 = arith.cmpi ne, %add3A_155, %add3A_173 : i32
          %or3A_197 = arith.constant false
          %or3A_198 = arith.ori %or3A_197, %ne3A_196 : i1
          %or3A_199 = arith.constant false
          %or3A_200 = arith.ori %or3A_198, %or3A_199 : i1
          %sub3A_201 = arith.constant 2 : i32
          %sub3A_202 = arith.subi %mul3A_149, %sub3A_201 : i32
          %add3A_203 = arith.constant 1 : i32
          %add3A_204 = arith.addi %sub3A_202, %add3A_203 : i32
          %ge3A_205 = arith.cmpi sge, %while3A_142, %add3A_204 : i32
          %not3A_206 = arith.constant true
          %not3A_207 = arith.xori %ge3A_205, %not3A_206 : i1
          %and3A_208 = arith.andi %or3A_200, %not3A_207 : i1
          %ne3A_209 = arith.cmpi ne, %add3A_155, %add3A_165 : i32
          %or3A_210 = arith.constant false
          %or3A_211 = arith.ori %or3A_210, %ne3A_209 : i1
          %or3A_212 = arith.ori %or3A_211, %eq3A_151 : i1
          %convert_element_type3A_213 = arith.extui %or3A_212 : i1 to i32
          %cond3A_214 = arith.constant 0 : i32
          %cond3A_215 = arith.cmpi ne, %convert_element_type3A_213, %cond3A_214 : i32
          scf.if %cond3A_215 {
            "tpu.trace_start"() <{level = 10 : i32, message = "ep_wait_in"}> : () -> ()
            %mul3A_294 = arith.constant 128 : i32
            %mul3A_295 = arith.muli %mul3A_294, %add3A_155 : i32
            %rem3A_296 = arith.constant 2 : i32
            %rem3A_297 = arith.remui %while3A_144, %rem3A_296 : i32
            %dma_wait3A = arith.constant 0 : i32
            %dma_wait3A_298 = arith.constant 0 : i32
            %dma_wait3A_299 = tpu.memref_slice %run_scoped3A[%rem3A_297, %dma_wait3A, %dma_wait3A_298] : memref<2x1x128xi32, #tpu.memory_space<vmem>> -> memref<1x1x128xi32, #tpu.memory_space<vmem>>
            %dma_wait3A_300 = tpu.memref_squeeze %dma_wait3A_299 : memref<1x1x128xi32, #tpu.memory_space<vmem>> -> memref<1x128xi32, #tpu.memory_space<vmem>>
            %dma_wait3A_301 = arith.constant 0 : i32
            %dma_wait3A_302 = tpu.memref_slice %arg3[%dma_wait3A_301, %mul3A_295] : memref<1x160000xi32, #tpu.memory_space<hbm>> -> memref<1x128xi32, #tpu.memory_space<hbm>>
            %dma_wait3A_303 = tpu.memref_slice %run_scoped3A_17[%rem3A_297] : memref<2x!tpu.dma_semaphore, #tpu.memory_space<semaphore_mem>> -> memref<1x!tpu.dma_semaphore, #tpu.memory_space<semaphore_mem>>
            %dma_wait3A_304 = tpu.memref_squeeze %dma_wait3A_303 : memref<1x!tpu.dma_semaphore, #tpu.memory_space<semaphore_mem>> -> memref<!tpu.dma_semaphore, #tpu.memory_space<semaphore_mem>>
            %dma_wait3A_305 = arith.constant 0 : i32
            %dma_wait3A_306 = arith.constant 0 : i32
            %dma_wait3A_307 = tpu.memref_slice %run_scoped3A[%rem3A_297, %dma_wait3A_305, %dma_wait3A_306] : memref<2x1x128xi32, #tpu.memory_space<vmem>> -> memref<1x1x128xi32, #tpu.memory_space<vmem>>
            %dma_wait3A_308 = tpu.memref_squeeze %dma_wait3A_307 : memref<1x1x128xi32, #tpu.memory_space<vmem>> -> memref<1x128xi32, #tpu.memory_space<vmem>>
            %dma_wait3A_309 = arith.constant 0 : i32
            %dma_wait3A_310 = tpu.memref_slice %arg3[%dma_wait3A_309, %mul3A_295] : memref<1x160000xi32, #tpu.memory_space<hbm>> -> memref<1x128xi32, #tpu.memory_space<hbm>>
            tpu.wait_dma2 semaphore(%dma_wait3A_304 : memref<!tpu.dma_semaphore, #tpu.memory_space<semaphore_mem>>) src(%dma_wait3A_310 : memref<1x128xi32, #tpu.memory_space<hbm>>) dst(%dma_wait3A_308 : memref<1x128xi32, #tpu.memory_space<vmem>>)
            "tpu.trace_stop"() : () -> ()
          } else {
          }
          %ne3A_216 = arith.cmpi ne, %add3A_155, %add3A_165 : i32
          %or3A_217 = arith.constant false
          %or3A_218 = arith.ori %or3A_217, %ne3A_216 : i1
          %or3A_219 = arith.constant false
          %or3A_220 = arith.ori %or3A_218, %or3A_219 : i1
          %or3A_221 = arith.ori %or3A_220, %eq3A_151 : i1
          %convert_element_type3A_222 = arith.extui %or3A_221 : i1 to i32
          %cond3A_223 = arith.constant 0 : i32
          %cond3A_224 = arith.cmpi ne, %convert_element_type3A_222, %cond3A_223 : i32
          scf.if %cond3A_224 {
          } else {
          }
          %rem3A_225 = arith.constant 2 : i32
          %rem3A_226 = arith.remui %while3A_144, %rem3A_225 : i32
          %rem3A_227 = arith.constant 2 : i32
          %rem3A_228 = arith.remui %while3A_145, %rem3A_227 : i32
          %run_scoped3A_229 = arith.constant 0 : i32
          "tpu.trace_start"() <{level = 10 : i32, message = "ep_run_kernel"}> : () -> ()
          "tpu.region"() ({
            %run_scoped3A_294 = tpu.sem_alloc : memref<!tpu.dma_semaphore, #tpu.memory_space<semaphore_mem>>
            %dma_start3A_295 = arith.constant 0 : i32
            %dma_start3A_296 = arith.constant 0 : i32
            %dma_start3A_297 = tpu.memref_slice %run_scoped3A_18[%rem3A_228, %dma_start3A_295, %dma_start3A_296] : memref<2x128x256xf32, #tpu.memory_space<vmem>> -> memref<1x128x256xf32, #tpu.memory_space<vmem>>
            %dma_start3A_298 = tpu.memref_squeeze %dma_start3A_297 : memref<1x128x256xf32, #tpu.memory_space<vmem>> -> memref<128x256xf32, #tpu.memory_space<vmem>>
            %dma_start3A_299 = arith.constant 0 : i32
            %dma_start3A_300 = arith.constant 0 : i32
            %dma_start3A_301 = tpu.memref_slice %run_scoped3A[%rem3A_226, %dma_start3A_299, %dma_start3A_300] : memref<2x1x128xi32, #tpu.memory_space<vmem>> -> memref<1x1x128xi32, #tpu.memory_space<vmem>>
            %dma_start3A_302 = tpu.memref_squeeze %dma_start3A_301 : memref<1x1x128xi32, #tpu.memory_space<vmem>> -> memref<1x128xi32, #tpu.memory_space<vmem>>
            %dma_start3A_303 = arith.constant 0 : i32
            %dma_start3A_304 = tpu.memref_slice %dma_start3A_302[%run_scoped3A_229, %dma_start3A_303] : memref<1x128xi32, #tpu.memory_space<vmem>> -> memref<1x128xi32, #tpu.memory_space<vmem>>
            %dma_start3A_305 = tpu.memref_squeeze %dma_start3A_304 : memref<1x128xi32, #tpu.memory_space<vmem>> -> memref<128xi32, #tpu.memory_space<vmem>>
            %dma_start3A_306 = arith.constant 0 : i32
            %dma_start3A_307 = arith.constant 0 : i32
            %dma_start3A_308 = tpu.memref_slice %arg2[%dma_start3A_306, %dma_start3A_307] : memref<10000x256xf32, #tpu.memory_space<hbm>> -> memref<10000x256xf32, #tpu.memory_space<hbm>>
            tpu.enqueue_indirect_dma source(%dma_start3A_308 : memref<10000x256xf32, #tpu.memory_space<hbm>>) target(%dma_start3A_298 : memref<128x256xf32, #tpu.memory_space<vmem>>) offsets(%dma_start3A_305 : memref<128xi32, #tpu.memory_space<vmem>>) semaphore(%run_scoped3A_294 : memref<!tpu.dma_semaphore, #tpu.memory_space<semaphore_mem>>)
            %dma_wait3A = arith.constant 0 : i32
            %dma_wait3A_309 = arith.constant 0 : i32
            %dma_wait3A_310 = tpu.memref_slice %run_scoped3A_18[%rem3A_228, %dma_wait3A, %dma_wait3A_309] : memref<2x128x256xf32, #tpu.memory_space<vmem>> -> memref<1x128x256xf32, #tpu.memory_space<vmem>>
            %dma_wait3A_311 = tpu.memref_squeeze %dma_wait3A_310 : memref<1x128x256xf32, #tpu.memory_space<vmem>> -> memref<128x256xf32, #tpu.memory_space<vmem>>
            %dma_wait3A_312 = arith.constant 0 : i32
            %dma_wait3A_313 = arith.constant 0 : i32
            %dma_wait3A_314 = tpu.memref_slice %run_scoped3A[%rem3A_226, %dma_wait3A_312, %dma_wait3A_313] : memref<2x1x128xi32, #tpu.memory_space<vmem>> -> memref<1x1x128xi32, #tpu.memory_space<vmem>>
            %dma_wait3A_315 = tpu.memref_squeeze %dma_wait3A_314 : memref<1x1x128xi32, #tpu.memory_space<vmem>> -> memref<1x128xi32, #tpu.memory_space<vmem>>
            %dma_wait3A_316 = arith.constant 0 : i32
            %dma_wait3A_317 = tpu.memref_slice %dma_wait3A_315[%run_scoped3A_229, %dma_wait3A_316] : memref<1x128xi32, #tpu.memory_space<vmem>> -> memref<1x128xi32, #tpu.memory_space<vmem>>
            %dma_wait3A_318 = tpu.memref_squeeze %dma_wait3A_317 : memref<1x128xi32, #tpu.memory_space<vmem>> -> memref<128xi32, #tpu.memory_space<vmem>>
            %dma_wait3A_319 = arith.constant 0 : i32
            %dma_wait3A_320 = arith.constant 0 : i32
            %dma_wait3A_321 = tpu.memref_slice %arg2[%dma_wait3A_319, %dma_wait3A_320] : memref<10000x256xf32, #tpu.memory_space<hbm>> -> memref<10000x256xf32, #tpu.memory_space<hbm>>
            tpu.wait_indirect_dma semaphore(%run_scoped3A_294 : memref<!tpu.dma_semaphore, #tpu.memory_space<semaphore_mem>>) src(%dma_wait3A_321 : memref<10000x256xf32, #tpu.memory_space<hbm>>) dst(%dma_wait3A_311 : memref<128x256xf32, #tpu.memory_space<vmem>>)
            tpu.yield
          }) : () -> ()
          "tpu.trace_stop"() : () -> ()
          %ne3A_230 = arith.cmpi ne, %add3A_155, %add3A_173 : i32
          %or3A_231 = arith.constant false
          %or3A_232 = arith.ori %or3A_231, %ne3A_230 : i1
          %or3A_233 = arith.ori %or3A_232, %eq3A_154 : i1
          %convert_element_type3A_234 = arith.extui %or3A_233 : i1 to i32
          %cond3A_235 = arith.constant 0 : i32
          %cond3A_236 = arith.cmpi ne, %convert_element_type3A_234, %cond3A_235 : i32
          scf.if %cond3A_236 {
          } else {
          }
          %and3A_237 = arith.constant false
          %and3A_238 = arith.andi %or3A_233, %and3A_237 : i1
          %ne3A_239 = arith.cmpi ne, %add3A_155, %add3A_173 : i32
          %or3A_240 = arith.constant false
          %or3A_241 = arith.ori %or3A_240, %ne3A_239 : i1
          %or3A_242 = arith.constant false
          %or3A_243 = arith.ori %or3A_241, %or3A_242 : i1
          %or3A_244 = arith.ori %or3A_243, %eq3A_154 : i1
          %convert_element_type3A_245 = arith.extui %or3A_244 : i1 to i32
          %cond3A_246 = arith.constant 0 : i32
          %cond3A_247 = arith.cmpi ne, %convert_element_type3A_245, %cond3A_246 : i32
          scf.if %cond3A_247 {
            "tpu.trace_start"() <{level = 10 : i32, message = "ep_copy_out"}> : () -> ()
            %rem3A_294 = arith.constant 2 : i32
            %rem3A_295 = arith.remui %while3A_145, %rem3A_294 : i32
            %mul3A_296 = arith.constant 128 : i32
            %mul3A_297 = arith.muli %mul3A_296, %add3A_155 : i32
            %dma_start3A_298 = arith.constant 0 : i32
            %dma_start3A_299 = arith.constant 0 : i32
            %dma_start3A_300 = tpu.memref_slice %run_scoped3A_18[%rem3A_295, %dma_start3A_298, %dma_start3A_299] : memref<2x128x256xf32, #tpu.memory_space<vmem>> -> memref<1x128x256xf32, #tpu.memory_space<vmem>>
            %dma_start3A_301 = tpu.memref_squeeze %dma_start3A_300 : memref<1x128x256xf32, #tpu.memory_space<vmem>> -> memref<128x256xf32, #tpu.memory_space<vmem>>
            %dma_start3A_302 = arith.constant 0 : i32
            %dma_start3A_303 = tpu.memref_slice %arg4[%mul3A_297, %dma_start3A_302] : memref<160000x256xf32, #tpu.memory_space<hbm>> -> memref<128x256xf32, #tpu.memory_space<hbm>>
            %dma_start3A_304 = tpu.memref_slice %run_scoped3A_19[%rem3A_295] : memref<2x!tpu.dma_semaphore, #tpu.memory_space<semaphore_mem>> -> memref<1x!tpu.dma_semaphore, #tpu.memory_space<semaphore_mem>>
            %dma_start3A_305 = tpu.memref_squeeze %dma_start3A_304 : memref<1x!tpu.dma_semaphore, #tpu.memory_space<semaphore_mem>> -> memref<!tpu.dma_semaphore, #tpu.memory_space<semaphore_mem>>
            %dma_start3A_306 = arith.constant 0 : i32
            %dma_start3A_307 = tpu.memref_slice %arg4[%mul3A_297, %dma_start3A_306] : memref<160000x256xf32, #tpu.memory_space<hbm>> -> memref<128x256xf32, #tpu.memory_space<hbm>>
            %dma_start3A_308 = arith.constant 0 : i32
            %dma_start3A_309 = arith.constant 0 : i32
            %dma_start3A_310 = tpu.memref_slice %run_scoped3A_18[%rem3A_295, %dma_start3A_308, %dma_start3A_309] : memref<2x128x256xf32, #tpu.memory_space<vmem>> -> memref<1x128x256xf32, #tpu.memory_space<vmem>>
            %dma_start3A_311 = tpu.memref_squeeze %dma_start3A_310 : memref<1x128x256xf32, #tpu.memory_space<vmem>> -> memref<128x256xf32, #tpu.memory_space<vmem>>
            tpu.enqueue_dma source(%dma_start3A_311 : memref<128x256xf32, #tpu.memory_space<vmem>>) target(%dma_start3A_307 : memref<128x256xf32, #tpu.memory_space<hbm>>) target_semaphore(%dma_start3A_305 : memref<!tpu.dma_semaphore, #tpu.memory_space<semaphore_mem>>)
            "tpu.trace_stop"() : () -> ()
          } else {
          }
          %and3A_248 = arith.constant true
          %and3A_249 = arith.andi %or3A_244, %and3A_248 : i1
          %add3A_250 = arith.constant 1 : i32
          %add3A_251 = arith.addi %while3A_145, %add3A_250 : i32
          %select_n3A_252 = arith.select %and3A_249, %add3A_251, %while3A_145 : i32
          %ne3A_253 = arith.cmpi ne, %add3A_155, %add3A_165 : i32
          %or3A_254 = arith.constant false
          %or3A_255 = arith.ori %or3A_254, %ne3A_253 : i1
          %not3A_256 = arith.constant true
          %not3A_257 = arith.xori %eq3A_151, %not3A_256 : i1
          %and3A_258 = arith.andi %or3A_255, %not3A_257 : i1
          %convert_element_type3A_259 = arith.extui %and3A_258 : i1 to i32
          %cond3A_260 = arith.constant 0 : i32
          %cond3A_261 = arith.cmpi ne, %convert_element_type3A_259, %cond3A_260 : i32
          scf.if %cond3A_261 {
          } else {
          }
          %and3A_262 = arith.constant false
          %and3A_263 = arith.andi %and3A_258, %and3A_262 : i1
          %ne3A_264 = arith.cmpi ne, %add3A_155, %add3A_165 : i32
          %or3A_265 = arith.constant false
          %or3A_266 = arith.ori %or3A_265, %ne3A_264 : i1
          %or3A_267 = arith.constant false
          %or3A_268 = arith.ori %or3A_266, %or3A_267 : i1
          %not3A_269 = arith.constant true
          %not3A_270 = arith.xori %eq3A_151, %not3A_269 : i1
          %and3A_271 = arith.andi %or3A_268, %not3A_270 : i1
          %convert_element_type3A_272 = arith.extui %and3A_271 : i1 to i32
          %cond3A_273 = arith.constant 0 : i32
          %cond3A_274 = arith.cmpi ne, %convert_element_type3A_272, %cond3A_273 : i32
          scf.if %cond3A_274 {
            "tpu.trace_start"() <{level = 10 : i32, message = "ep_wait_out"}> : () -> ()
            %rem3A_294 = arith.constant 2 : i32
            %rem3A_295 = arith.remui %while3A_146, %rem3A_294 : i32
            %mul3A_296 = arith.constant 128 : i32
            %mul3A_297 = arith.muli %mul3A_296, %add3A_165 : i32
            %dma_wait3A = arith.constant 0 : i32
            %dma_wait3A_298 = arith.constant 0 : i32
            %dma_wait3A_299 = tpu.memref_slice %run_scoped3A_18[%rem3A_295, %dma_wait3A, %dma_wait3A_298] : memref<2x128x256xf32, #tpu.memory_space<vmem>> -> memref<1x128x256xf32, #tpu.memory_space<vmem>>
            %dma_wait3A_300 = tpu.memref_squeeze %dma_wait3A_299 : memref<1x128x256xf32, #tpu.memory_space<vmem>> -> memref<128x256xf32, #tpu.memory_space<vmem>>
            %dma_wait3A_301 = arith.constant 0 : i32
            %dma_wait3A_302 = tpu.memref_slice %arg4[%mul3A_297, %dma_wait3A_301] : memref<160000x256xf32, #tpu.memory_space<hbm>> -> memref<128x256xf32, #tpu.memory_space<hbm>>
            %dma_wait3A_303 = tpu.memref_slice %run_scoped3A_19[%rem3A_295] : memref<2x!tpu.dma_semaphore, #tpu.memory_space<semaphore_mem>> -> memref<1x!tpu.dma_semaphore, #tpu.memory_space<semaphore_mem>>
            %dma_wait3A_304 = tpu.memref_squeeze %dma_wait3A_303 : memref<1x!tpu.dma_semaphore, #tpu.memory_space<semaphore_mem>> -> memref<!tpu.dma_semaphore, #tpu.memory_space<semaphore_mem>>
            %dma_wait3A_305 = arith.constant 0 : i32
            %dma_wait3A_306 = tpu.memref_slice %arg4[%mul3A_297, %dma_wait3A_305] : memref<160000x256xf32, #tpu.memory_space<hbm>> -> memref<128x256xf32, #tpu.memory_space<hbm>>
            %dma_wait3A_307 = arith.constant 0 : i32
            %dma_wait3A_308 = arith.constant 0 : i32
            %dma_wait3A_309 = tpu.memref_slice %run_scoped3A_18[%rem3A_295, %dma_wait3A_307, %dma_wait3A_308] : memref<2x128x256xf32, #tpu.memory_space<vmem>> -> memref<1x128x256xf32, #tpu.memory_space<vmem>>
            %dma_wait3A_310 = tpu.memref_squeeze %dma_wait3A_309 : memref<1x128x256xf32, #tpu.memory_space<vmem>> -> memref<128x256xf32, #tpu.memory_space<vmem>>
            tpu.wait_dma2 semaphore(%dma_wait3A_304 : memref<!tpu.dma_semaphore, #tpu.memory_space<semaphore_mem>>) src(%dma_wait3A_310 : memref<128x256xf32, #tpu.memory_space<vmem>>) dst(%dma_wait3A_306 : memref<128x256xf32, #tpu.memory_space<hbm>>)
            "tpu.trace_stop"() : () -> ()
          } else {
          }
          %and3A_275 = arith.constant true
          %and3A_276 = arith.andi %and3A_271, %and3A_275 : i1
          %add3A_277 = arith.constant 1 : i32
          %add3A_278 = arith.addi %while3A_146, %add3A_277 : i32
          %select_n3A_279 = arith.select %and3A_276, %add3A_278, %while3A_146 : i32
          %ne3A_280 = arith.cmpi ne, %add3A_155, %add3A_173 : i32
          %or3A_281 = arith.constant false
          %or3A_282 = arith.ori %or3A_281, %ne3A_280 : i1
          %or3A_283 = arith.ori %or3A_282, %eq3A_154 : i1
          %add3A_284 = arith.constant 1 : i32
          %add3A_285 = arith.addi %while3A_144, %add3A_284 : i32
          %select_n3A_286 = arith.select %or3A_283, %add3A_285, %while3A_144 : i32
          %add3A_287 = arith.constant 1 : i32
          %add3A_288 = arith.addi %while3A_147, %add3A_287 : i32
          %select_n3A_289 = arith.constant true
          %select_n3A_290 = arith.select %select_n3A_289, %add3A_288, %while3A_147 : i32
          %eq3A_291 = arith.cmpi eq, %select_n3A_290, %select_n3A : i32
          %select_n3A_292 = arith.constant 0 : i32
          %select_n3A_293 = arith.select %eq3A_291, %select_n3A_292, %select_n3A_290 : i32
          scf.yield %select_n3A_195, %select_n3A_286, %select_n3A_252, %select_n3A_279, %select_n3A_293 : i32, i32, i32, i32, i32
        }
        %sub3A_91 = arith.constant 1 : i32
        %sub3A_92 = arith.subi %while3A_90#4, %sub3A_91 : i32
        %select_n3A_93 = arith.constant true
        %select_n3A_94 = arith.select %select_n3A_93, %sub3A_92, %while3A_90#4 : i32
        %eq3A_95 = arith.constant -1 : i32
        %eq3A_96 = arith.cmpi eq, %select_n3A_94, %eq3A_95 : i32
        %sub3A_97 = arith.constant 1 : i32
        %sub3A_98 = arith.subi %select_n3A, %sub3A_97 : i32
        %select_n3A_99 = arith.select %eq3A_96, %sub3A_98, %select_n3A_94 : i32
        %sub3A_100 = arith.constant 1 : i32
        %sub3A_101 = arith.subi %mul3A_16, %sub3A_100 : i32
        %mul3A_102 = arith.constant 1 : i32
        %mul3A_103 = arith.muli %mul3A_102, %select_n3A : i32
        %eq3A_104 = arith.constant 0 : i32
        %eq3A_105 = arith.cmpi eq, %sub3A_101, %eq3A_104 : i32
        %sub3A_106 = arith.constant 1 : i32
        %sub3A_107 = arith.subi %mul3A_103, %sub3A_106 : i32
        %eq3A_108 = arith.cmpi eq, %sub3A_101, %sub3A_107 : i32
        %add3A_109 = arith.addi %select_n3A_99, %select_n3A_14 : i32
        %sub3A_110 = arith.constant 1 : i32
        %sub3A_111 = arith.subi %select_n3A_99, %sub3A_110 : i32
        %select_n3A_112 = arith.constant true
        %select_n3A_113 = arith.select %select_n3A_112, %sub3A_111, %select_n3A_99 : i32
        %eq3A_114 = arith.constant -1 : i32
        %eq3A_115 = arith.cmpi eq, %select_n3A_113, %eq3A_114 : i32
        %sub3A_116 = arith.constant 1 : i32
        %sub3A_117 = arith.subi %select_n3A, %sub3A_116 : i32
        %select_n3A_118 = arith.select %eq3A_115, %sub3A_117, %select_n3A_113 : i32
        %add3A_119 = arith.addi %select_n3A_118, %select_n3A_14 : i32
        %add3A_120 = arith.constant 1 : i32
        %add3A_121 = arith.addi %select_n3A_99, %add3A_120 : i32
        %select_n3A_122 = arith.constant true
        %select_n3A_123 = arith.select %select_n3A_122, %add3A_121, %select_n3A_99 : i32
        %eq3A_124 = arith.cmpi eq, %select_n3A_123, %select_n3A : i32
        %select_n3A_125 = arith.constant 0 : i32
        %select_n3A_126 = arith.select %eq3A_124, %select_n3A_125, %select_n3A_123 : i32
        %add3A_127 = arith.addi %select_n3A_126, %select_n3A_14 : i32
        %add3A_128 = arith.constant 1 : i32
        %add3A_129 = arith.addi %select_n3A_126, %add3A_128 : i32
        %select_n3A_130 = arith.constant true
        %select_n3A_131 = arith.select %select_n3A_130, %add3A_129, %select_n3A_126 : i32
        %eq3A_132 = arith.cmpi eq, %select_n3A_131, %select_n3A : i32
        %select_n3A_133 = arith.constant 0 : i32
        %select_n3A_134 = arith.select %eq3A_132, %select_n3A_133, %select_n3A_131 : i32
        %add3A_135 = arith.addi %select_n3A_134, %select_n3A_14 : i32
        %convert_element_type3A_136 = arith.extui %eq3A_108 : i1 to i32
        %cond3A_137 = arith.constant 0 : i32
        %cond3A_138 = arith.cmpi ne, %convert_element_type3A_136, %cond3A_137 : i32
        scf.if %cond3A_138 {
        } else {
        }
        %convert_element_type3A_139 = arith.extui %eq3A_108 : i1 to i32
        %cond3A_140 = arith.constant 0 : i32
        %cond3A_141 = arith.cmpi ne, %convert_element_type3A_139, %cond3A_140 : i32
        scf.if %cond3A_141 {
          "tpu.trace_start"() <{level = 10 : i32, message = "ep_finalize"}> : () -> ()
          %rem3A_142 = arith.constant 2 : i32
          %rem3A_143 = arith.remui %while3A_90#3, %rem3A_142 : i32
          %mul3A_144 = arith.constant 128 : i32
          %mul3A_145 = arith.muli %mul3A_144, %add3A_109 : i32
          %dma_wait3A = arith.constant 0 : i32
          %dma_wait3A_146 = arith.constant 0 : i32
          %dma_wait3A_147 = tpu.memref_slice %run_scoped3A_18[%rem3A_143, %dma_wait3A, %dma_wait3A_146] : memref<2x128x256xf32, #tpu.memory_space<vmem>> -> memref<1x128x256xf32, #tpu.memory_space<vmem>>
          %dma_wait3A_148 = tpu.memref_squeeze %dma_wait3A_147 : memref<1x128x256xf32, #tpu.memory_space<vmem>> -> memref<128x256xf32, #tpu.memory_space<vmem>>
          %dma_wait3A_149 = arith.constant 0 : i32
          %dma_wait3A_150 = tpu.memref_slice %arg4[%mul3A_145, %dma_wait3A_149] : memref<160000x256xf32, #tpu.memory_space<hbm>> -> memref<128x256xf32, #tpu.memory_space<hbm>>
          %dma_wait3A_151 = tpu.memref_slice %run_scoped3A_19[%rem3A_143] : memref<2x!tpu.dma_semaphore, #tpu.memory_space<semaphore_mem>> -> memref<1x!tpu.dma_semaphore, #tpu.memory_space<semaphore_mem>>
          %dma_wait3A_152 = tpu.memref_squeeze %dma_wait3A_151 : memref<1x!tpu.dma_semaphore, #tpu.memory_space<semaphore_mem>> -> memref<!tpu.dma_semaphore, #tpu.memory_space<semaphore_mem>>
          %dma_wait3A_153 = arith.constant 0 : i32
          %dma_wait3A_154 = tpu.memref_slice %arg4[%mul3A_145, %dma_wait3A_153] : memref<160000x256xf32, #tpu.memory_space<hbm>> -> memref<128x256xf32, #tpu.memory_space<hbm>>
          %dma_wait3A_155 = arith.constant 0 : i32
          %dma_wait3A_156 = arith.constant 0 : i32
          %dma_wait3A_157 = tpu.memref_slice %run_scoped3A_18[%rem3A_143, %dma_wait3A_155, %dma_wait3A_156] : memref<2x128x256xf32, #tpu.memory_space<vmem>> -> memref<1x128x256xf32, #tpu.memory_space<vmem>>
          %dma_wait3A_158 = tpu.memref_squeeze %dma_wait3A_157 : memref<1x128x256xf32, #tpu.memory_space<vmem>> -> memref<128x256xf32, #tpu.memory_space<vmem>>
          tpu.wait_dma2 semaphore(%dma_wait3A_152 : memref<!tpu.dma_semaphore, #tpu.memory_space<semaphore_mem>>) src(%dma_wait3A_158 : memref<128x256xf32, #tpu.memory_space<vmem>>) dst(%dma_wait3A_154 : memref<128x256xf32, #tpu.memory_space<hbm>>)
          "tpu.trace_stop"() : () -> ()
        } else {
        }
      } else {
      }
      tpu.yield
    }) : () -> ()
    return
  }
}

#map = affine_map<(d0, d1) -> (0, 0)>
module attributes {stable_mosaic.version = 14 : i64} {
  func.func @gather_kernel(%arg0: i32, %arg1: i32, %arg2: memref<10000x256xf32, #tpu.memory_space<hbm>>, %arg3: memref<1x160000xi32, #tpu.memory_space<hbm>>, %arg4: memref<160000x256xf32, #tpu.memory_space<hbm>>) attributes {dimension_semantics = [#tpu.dimension_semantics<core_parallel>, #tpu.dimension_semantics<subcore_parallel>], iteration_bounds = array<i64: 2, 16>, scalar_prefetch = 0 : i64, scratch_operands = 0 : i64, tpu.core_type = #tpu.core_type<sc_vector_subcore>, window_params = [{transform_indices = #map}, {transform_indices = #map}, {transform_indices = #map}]} {
    %mul3A = arith.constant 1 : i32
    %mul3A_0 = arith.muli %arg1, %mul3A : i32
    %add3A = arith.constant 0 : i32
    %add3A_1 = arith.addi %add3A, %mul3A_0 : i32
    %mul3A_2 = arith.constant 16 : i32
    %mul3A_3 = arith.muli %arg0, %mul3A_2 : i32
    %add3A_4 = arith.addi %add3A_1, %mul3A_3 : i32
    %lt3A = arith.constant 2 : i32
    %lt3A_5 = arith.cmpi slt, %add3A_4, %lt3A : i32
    %jit3A = arith.constant 40 : i32
    %jit3A_6 = arith.constant 39 : i32
    %select_n3A = arith.select %lt3A_5, %jit3A, %jit3A_6 : i32
    %lt3A_7 = arith.constant 2 : i32
    %lt3A_8 = arith.cmpi slt, %add3A_4, %lt3A_7 : i32
    %mul3A_9 = arith.muli %add3A_4, %select_n3A : i32
    %mul3A_10 = arith.constant 39 : i32
    %mul3A_11 = arith.muli %add3A_4, %mul3A_10 : i32
    %add3A_12 = arith.constant 2 : i32
    %add3A_13 = arith.addi %mul3A_11, %add3A_12 : i32
    %select_n3A_14 = arith.select %lt3A_8, %mul3A_9, %add3A_13 : i32
    %mul3A_15 = arith.constant 1 : i32
    %mul3A_16 = arith.muli %mul3A_15, %select_n3A : i32
    "tpu.region"() ({
      %run_scoped3A = memref.alloca() : memref<2x1x128xi32, #tpu.memory_space<vmem>>
      %run_scoped3A_17 = tpu.sem_alloc : memref<2x!tpu.dma_semaphore, #tpu.memory_space<semaphore_mem>>
      %run_scoped3A_18 = memref.alloca() : memref<2x128x256xf32, #tpu.memory_space<vmem>>
      %run_scoped3A_19 = tpu.sem_alloc : memref<2x!tpu.dma_semaphore, #tpu.memory_space<semaphore_mem>>
      %gt3A = arith.constant 0 : i32
      %gt3A_20 = arith.cmpi sgt, %mul3A_16, %gt3A : i32
      %convert_element_type3A = arith.extui %gt3A_20 : i1 to i32
      %cond3A = arith.constant 0 : i32
      %cond3A_21 = arith.cmpi ne, %convert_element_type3A, %cond3A : i32
      scf.if %cond3A_21 {
        %mul3A_22 = arith.constant 1 : i32
        %mul3A_23 = arith.muli %mul3A_22, %select_n3A : i32
        %sub3A = arith.constant 1 : i32
        %sub3A_24 = arith.subi %mul3A_23, %sub3A : i32
        %eq3A = arith.constant 0 : i32
        %eq3A_25 = arith.cmpi eq, %sub3A_24, %eq3A : i32
        %add3A_26 = arith.constant 0 : i32
        %add3A_27 = arith.addi %add3A_26, %select_n3A_14 : i32
        %select_n3A_28 = arith.constant true
        %select_n3A_29 = arith.constant 0 : i32
        %select_n3A_30 = arith.constant -1 : i32
        %select_n3A_31 = arith.select %select_n3A_28, %select_n3A_30, %select_n3A_29 : i32
        %eq3A_32 = arith.constant -1 : i32
        %eq3A_33 = arith.cmpi eq, %select_n3A_31, %eq3A_32 : i32
        %sub3A_34 = arith.constant 1 : i32
        %sub3A_35 = arith.subi %select_n3A, %sub3A_34 : i32
        %select_n3A_36 = arith.select %eq3A_33, %sub3A_35, %select_n3A_31 : i32
        %add3A_37 = arith.addi %select_n3A_36, %select_n3A_14 : i32
        %select_n3A_38 = arith.constant true
        %select_n3A_39 = arith.constant 0 : i32
        %select_n3A_40 = arith.constant 1 : i32
        %select_n3A_41 = arith.select %select_n3A_38, %select_n3A_40, %select_n3A_39 : i32
        %eq3A_42 = arith.cmpi eq, %select_n3A_41, %select_n3A : i32
        %select_n3A_43 = arith.constant 0 : i32
        %select_n3A_44 = arith.select %eq3A_42, %select_n3A_43, %select_n3A_41 : i32
        %add3A_45 = arith.addi %select_n3A_44, %select_n3A_14 : i32
        %add3A_46 = arith.constant 1 : i32
        %add3A_47 = arith.addi %select_n3A_44, %add3A_46 : i32
        %select_n3A_48 = arith.constant true
        %select_n3A_49 = arith.select %select_n3A_48, %add3A_47, %select_n3A_44 : i32
        %eq3A_50 = arith.cmpi eq, %select_n3A_49, %select_n3A : i32
        %select_n3A_51 = arith.constant 0 : i32
        %select_n3A_52 = arith.select %eq3A_50, %select_n3A_51, %select_n3A_49 : i32
        %add3A_53 = arith.addi %select_n3A_52, %select_n3A_14 : i32
        "tpu.trace_start"() <{level = 10 : i32, message = "ep_initialize_0"}> : () -> ()
        %rem3A = arith.constant 0 : i32
        %rem3A_54 = arith.constant 2 : i32
        %rem3A_55 = arith.remui %rem3A, %rem3A_54 : i32
        %mul3A_56 = arith.constant 128 : i32
        %mul3A_57 = arith.muli %mul3A_56, %add3A_27 : i32
        %dma_start3A = arith.constant 0 : i32
        %dma_start3A_58 = arith.constant 0 : i32
        %dma_start3A_59 = tpu.memref_slice %run_scoped3A[%rem3A_55, %dma_start3A, %dma_start3A_58] : memref<2x1x128xi32, #tpu.memory_space<vmem>> -> memref<1x1x128xi32, #tpu.memory_space<vmem>>
        %dma_start3A_60 = tpu.memref_squeeze %dma_start3A_59 : memref<1x1x128xi32, #tpu.memory_space<vmem>> -> memref<1x128xi32, #tpu.memory_space<vmem>>
        %dma_start3A_61 = arith.constant 0 : i32
        %dma_start3A_62 = tpu.memref_slice %arg3[%dma_start3A_61, %mul3A_57] : memref<1x160000xi32, #tpu.memory_space<hbm>> -> memref<1x128xi32, #tpu.memory_space<hbm>>
        %dma_start3A_63 = tpu.memref_slice %run_scoped3A_17[%rem3A_55] : memref<2x!tpu.dma_semaphore, #tpu.memory_space<semaphore_mem>> -> memref<1x!tpu.dma_semaphore, #tpu.memory_space<semaphore_mem>>
        %dma_start3A_64 = tpu.memref_squeeze %dma_start3A_63 : memref<1x!tpu.dma_semaphore, #tpu.memory_space<semaphore_mem>> -> memref<!tpu.dma_semaphore, #tpu.memory_space<semaphore_mem>>
        %dma_start3A_65 = arith.constant 0 : i32
        %dma_start3A_66 = arith.constant 0 : i32
        %dma_start3A_67 = tpu.memref_slice %run_scoped3A[%rem3A_55, %dma_start3A_65, %dma_start3A_66] : memref<2x1x128xi32, #tpu.memory_space<vmem>> -> memref<1x1x128xi32, #tpu.memory_space<vmem>>
        %dma_start3A_68 = tpu.memref_squeeze %dma_start3A_67 : memref<1x1x128xi32, #tpu.memory_space<vmem>> -> memref<1x128xi32, #tpu.memory_space<vmem>>
        %dma_start3A_69 = arith.constant 0 : i32
        %dma_start3A_70 = tpu.memref_slice %arg3[%dma_start3A_69, %mul3A_57] : memref<1x160000xi32, #tpu.memory_space<hbm>> -> memref<1x128xi32, #tpu.memory_space<hbm>>
        tpu.enqueue_dma source(%dma_start3A_70 : memref<1x128xi32, #tpu.memory_space<hbm>>) target(%dma_start3A_68 : memref<1x128xi32, #tpu.memory_space<vmem>>) target_semaphore(%dma_start3A_64 : memref<!tpu.dma_semaphore, #tpu.memory_space<semaphore_mem>>)
        %add3A_71 = arith.constant 0 : i32
        %add3A_72 = arith.constant 1 : i32
        %add3A_73 = arith.addi %add3A_71, %add3A_72 : i32
        %select_n3A_74 = arith.constant true
        %select_n3A_75 = arith.constant 0 : i32
        %select_n3A_76 = arith.select %select_n3A_74, %add3A_73, %select_n3A_75 : i32
        %while3A = arith.constant 0 : i32
        %while3A_77 = arith.constant 0 : i32
        %while3A_78 = arith.constant 0 : i32
        %while3A_79 = arith.constant 0 : i32
        %while3A_80 = arith.constant 0 : i32
        "tpu.trace_stop"() : () -> ()
        %while3A_81 = arith.subi %mul3A_16, %while3A : i32
        %while3A_82 = arith.addi %while3A, %while3A_81 : i32
        %while3A_83 = arith.constant 1 : i32
        %while3A_84 = arith.divsi %while3A_81, %while3A_83 : i32
        %while3A_85 = arith.muli %while3A_84, %while3A_83 : i32
        %while3A_86 = arith.addi %while3A, %while3A_85 : i32
        %while3A_87 = arith.constant 1 : i32
        %while3A_88:5 = scf.for %while3A_142 = %while3A to %while3A_86 step %while3A_87 iter_args(%while3A_143 = %select_n3A_76, %while3A_144 = %while3A_77, %while3A_145 = %while3A_78, %while3A_146 = %while3A_79, %while3A_147 = %while3A_80) -> (i32, i32, i32, i32, i32)  : i32 {
          %mul3A_148 = arith.constant 1 : i32
          %mul3A_149 = arith.muli %mul3A_148, %select_n3A : i32
          %eq3A_150 = arith.constant 0 : i32
          %eq3A_151 = arith.cmpi eq, %while3A_142, %eq3A_150 : i32
          %sub3A_152 = arith.constant 1 : i32
          %sub3A_153 = arith.subi %mul3A_149, %sub3A_152 : i32
          %eq3A_154 = arith.cmpi eq, %while3A_142, %sub3A_153 : i32
          %add3A_155 = arith.addi %while3A_147, %select_n3A_14 : i32
          %sub3A_156 = arith.constant 1 : i32
          %sub3A_157 = arith.subi %while3A_147, %sub3A_156 : i32
          %select_n3A_158 = arith.constant true
          %select_n3A_159 = arith.select %select_n3A_158, %sub3A_157, %while3A_147 : i32
          %eq3A_160 = arith.constant -1 : i32
          %eq3A_161 = arith.cmpi eq, %select_n3A_159, %eq3A_160 : i32
          %sub3A_162 = arith.constant 1 : i32
          %sub3A_163 = arith.subi %select_n3A, %sub3A_162 : i32
          %select_n3A_164 = arith.select %eq3A_161, %sub3A_163, %select_n3A_159 : i32
          %add3A_165 = arith.addi %select_n3A_164, %select_n3A_14 : i32
          %add3A_166 = arith.constant 1 : i32
          %add3A_167 = arith.addi %while3A_147, %add3A_166 : i32
          %select_n3A_168 = arith.constant true
          %select_n3A_169 = arith.select %select_n3A_168, %add3A_167, %while3A_147 : i32
          %eq3A_170 = arith.cmpi eq, %select_n3A_169, %select_n3A : i32
          %select_n3A_171 = arith.constant 0 : i32
          %select_n3A_172 = arith.select %eq3A_170, %select_n3A_171, %select_n3A_169 : i32
          %add3A_173 = arith.addi %select_n3A_172, %select_n3A_14 : i32
          %add3A_174 = arith.constant 1 : i32
          %add3A_175 = arith.addi %select_n3A_172, %add3A_174 : i32
          %select_n3A_176 = arith.constant true
          %select_n3A_177 = arith.select %select_n3A_176, %add3A_175, %select_n3A_172 : i32
          %eq3A_178 = arith.cmpi eq, %select_n3A_177, %select_n3A : i32
          %select_n3A_179 = arith.constant 0 : i32
          %select_n3A_180 = arith.select %eq3A_178, %select_n3A_179, %select_n3A_177 : i32
          %add3A_181 = arith.addi %select_n3A_180, %select_n3A_14 : i32
          %ne3A = arith.cmpi ne, %add3A_155, %add3A_173 : i32
          %or3A = arith.constant false
          %or3A_182 = arith.ori %or3A, %ne3A : i1
          %sub3A_183 = arith.constant 2 : i32
          %sub3A_184 = arith.subi %mul3A_149, %sub3A_183 : i32
          %add3A_185 = arith.constant 1 : i32
          %add3A_186 = arith.addi %sub3A_184, %add3A_185 : i32
          %ge3A = arith.cmpi sge, %while3A_142, %add3A_186 : i32
          %not3A = arith.constant true
          %not3A_187 = arith.xori %ge3A, %not3A : i1
          %and3A = arith.andi %or3A_182, %not3A_187 : i1
          %convert_element_type3A_188 = arith.extui %and3A : i1 to i32
          %cond3A_189 = arith.constant 0 : i32
          %cond3A_190 = arith.cmpi ne, %convert_element_type3A_188, %cond3A_189 : i32
          scf.if %cond3A_190 {
            "tpu.trace_start"() <{level = 10 : i32, message = "ep_copy_in"}> : () -> ()
            %rem3A_294 = arith.constant 2 : i32
            %rem3A_295 = arith.remui %while3A_143, %rem3A_294 : i32
            %mul3A_296 = arith.constant 128 : i32
            %mul3A_297 = arith.muli %mul3A_296, %add3A_173 : i32
            %dma_start3A_298 = arith.constant 0 : i32
            %dma_start3A_299 = arith.constant 0 : i32
            %dma_start3A_300 = tpu.memref_slice %run_scoped3A[%rem3A_295, %dma_start3A_298, %dma_start3A_299] : memref<2x1x128xi32, #tpu.memory_space<vmem>> -> memref<1x1x128xi32, #tpu.memory_space<vmem>>
            %dma_start3A_301 = tpu.memref_squeeze %dma_start3A_300 : memref<1x1x128xi32, #tpu.memory_space<vmem>> -> memref<1x128xi32, #tpu.memory_space<vmem>>
            %dma_start3A_302 = arith.constant 0 : i32
            %dma_start3A_303 = tpu.memref_slice %arg3[%dma_start3A_302, %mul3A_297] : memref<1x160000xi32, #tpu.memory_space<hbm>> -> memref<1x128xi32, #tpu.memory_space<hbm>>
            %dma_start3A_304 = tpu.memref_slice %run_scoped3A_17[%rem3A_295] : memref<2x!tpu.dma_semaphore, #tpu.memory_space<semaphore_mem>> -> memref<1x!tpu.dma_semaphore, #tpu.memory_space<semaphore_mem>>
            %dma_start3A_305 = tpu.memref_squeeze %dma_start3A_304 : memref<1x!tpu.dma_semaphore, #tpu.memory_space<semaphore_mem>> -> memref<!tpu.dma_semaphore, #tpu.memory_space<semaphore_mem>>
            %dma_start3A_306 = arith.constant 0 : i32
            %dma_start3A_307 = arith.constant 0 : i32
            %dma_start3A_308 = tpu.memref_slice %run_scoped3A[%rem3A_295, %dma_start3A_306, %dma_start3A_307] : memref<2x1x128xi32, #tpu.memory_space<vmem>> -> memref<1x1x128xi32, #tpu.memory_space<vmem>>
            %dma_start3A_309 = tpu.memref_squeeze %dma_start3A_308 : memref<1x1x128xi32, #tpu.memory_space<vmem>> -> memref<1x128xi32, #tpu.memory_space<vmem>>
            %dma_start3A_310 = arith.constant 0 : i32
            %dma_start3A_311 = tpu.memref_slice %arg3[%dma_start3A_310, %mul3A_297] : memref<1x160000xi32, #tpu.memory_space<hbm>> -> memref<1x128xi32, #tpu.memory_space<hbm>>
            tpu.enqueue_dma source(%dma_start3A_311 : memref<1x128xi32, #tpu.memory_space<hbm>>) target(%dma_start3A_309 : memref<1x128xi32, #tpu.memory_space<vmem>>) target_semaphore(%dma_start3A_305 : memref<!tpu.dma_semaphore, #tpu.memory_space<semaphore_mem>>)
            "tpu.trace_stop"() : () -> ()
          } else {
          }
          %and3A_191 = arith.constant true
          %and3A_192 = arith.andi %and3A, %and3A_191 : i1
          %add3A_193 = arith.constant 1 : i32
          %add3A_194 = arith.addi %while3A_143, %add3A_193 : i32
          %select_n3A_195 = arith.select %and3A_192, %add3A_194, %while3A_143 : i32
          %ne3A_196 = arith.cmpi ne, %add3A_155, %add3A_173 : i32
          %or3A_197 = arith.constant false
          %or3A_198 = arith.ori %or3A_197, %ne3A_196 : i1
          %or3A_199 = arith.constant false
          %or3A_200 = arith.ori %or3A_198, %or3A_199 : i1
          %sub3A_201 = arith.constant 2 : i32
          %sub3A_202 = arith.subi %mul3A_149, %sub3A_201 : i32
          %add3A_203 = arith.constant 1 : i32
          %add3A_204 = arith.addi %sub3A_202, %add3A_203 : i32
          %ge3A_205 = arith.cmpi sge, %while3A_142, %add3A_204 : i32
          %not3A_206 = arith.constant true
          %not3A_207 = arith.xori %ge3A_205, %not3A_206 : i1
          %and3A_208 = arith.andi %or3A_200, %not3A_207 : i1
          %ne3A_209 = arith.cmpi ne, %add3A_155, %add3A_165 : i32
          %or3A_210 = arith.constant false
          %or3A_211 = arith.ori %or3A_210, %ne3A_209 : i1
          %or3A_212 = arith.ori %or3A_211, %eq3A_151 : i1
          %convert_element_type3A_213 = arith.extui %or3A_212 : i1 to i32
          %cond3A_214 = arith.constant 0 : i32
          %cond3A_215 = arith.cmpi ne, %convert_element_type3A_213, %cond3A_214 : i32
          scf.if %cond3A_215 {
            "tpu.trace_start"() <{level = 10 : i32, message = "ep_wait_in"}> : () -> ()
            %mul3A_294 = arith.constant 128 : i32
            %mul3A_295 = arith.muli %mul3A_294, %add3A_155 : i32
            %rem3A_296 = arith.constant 2 : i32
            %rem3A_297 = arith.remui %while3A_144, %rem3A_296 : i32
            %dma_wait3A = arith.constant 0 : i32
            %dma_wait3A_298 = arith.constant 0 : i32
            %dma_wait3A_299 = tpu.memref_slice %run_scoped3A[%rem3A_297, %dma_wait3A, %dma_wait3A_298] : memref<2x1x128xi32, #tpu.memory_space<vmem>> -> memref<1x1x128xi32, #tpu.memory_space<vmem>>
            %dma_wait3A_300 = tpu.memref_squeeze %dma_wait3A_299 : memref<1x1x128xi32, #tpu.memory_space<vmem>> -> memref<1x128xi32, #tpu.memory_space<vmem>>
            %dma_wait3A_301 = arith.constant 0 : i32
            %dma_wait3A_302 = tpu.memref_slice %arg3[%dma_wait3A_301, %mul3A_295] : memref<1x160000xi32, #tpu.memory_space<hbm>> -> memref<1x128xi32, #tpu.memory_space<hbm>>
            %dma_wait3A_303 = tpu.memref_slice %run_scoped3A_17[%rem3A_297] : memref<2x!tpu.dma_semaphore, #tpu.memory_space<semaphore_mem>> -> memref<1x!tpu.dma_semaphore, #tpu.memory_space<semaphore_mem>>
            %dma_wait3A_304 = tpu.memref_squeeze %dma_wait3A_303 : memref<1x!tpu.dma_semaphore, #tpu.memory_space<semaphore_mem>> -> memref<!tpu.dma_semaphore, #tpu.memory_space<semaphore_mem>>
            %dma_wait3A_305 = arith.constant 0 : i32
            %dma_wait3A_306 = arith.constant 0 : i32
            %dma_wait3A_307 = tpu.memref_slice %run_scoped3A[%rem3A_297, %dma_wait3A_305, %dma_wait3A_306] : memref<2x1x128xi32, #tpu.memory_space<vmem>> -> memref<1x1x128xi32, #tpu.memory_space<vmem>>
            %dma_wait3A_308 = tpu.memref_squeeze %dma_wait3A_307 : memref<1x1x128xi32, #tpu.memory_space<vmem>> -> memref<1x128xi32, #tpu.memory_space<vmem>>
            %dma_wait3A_309 = arith.constant 0 : i32
            %dma_wait3A_310 = tpu.memref_slice %arg3[%dma_wait3A_309, %mul3A_295] : memref<1x160000xi32, #tpu.memory_space<hbm>> -> memref<1x128xi32, #tpu.memory_space<hbm>>
            tpu.wait_dma2 semaphore(%dma_wait3A_304 : memref<!tpu.dma_semaphore, #tpu.memory_space<semaphore_mem>>) src(%dma_wait3A_310 : memref<1x128xi32, #tpu.memory_space<hbm>>) dst(%dma_wait3A_308 : memref<1x128xi32, #tpu.memory_space<vmem>>)
            "tpu.trace_stop"() : () -> ()
          } else {
          }
          %ne3A_216 = arith.cmpi ne, %add3A_155, %add3A_165 : i32
          %or3A_217 = arith.constant false
          %or3A_218 = arith.ori %or3A_217, %ne3A_216 : i1
          %or3A_219 = arith.constant false
          %or3A_220 = arith.ori %or3A_218, %or3A_219 : i1
          %or3A_221 = arith.ori %or3A_220, %eq3A_151 : i1
          %convert_element_type3A_222 = arith.extui %or3A_221 : i1 to i32
          %cond3A_223 = arith.constant 0 : i32
          %cond3A_224 = arith.cmpi ne, %convert_element_type3A_222, %cond3A_223 : i32
          scf.if %cond3A_224 {
          } else {
          }
          %rem3A_225 = arith.constant 2 : i32
          %rem3A_226 = arith.remui %while3A_144, %rem3A_225 : i32
          %rem3A_227 = arith.constant 2 : i32
          %rem3A_228 = arith.remui %while3A_145, %rem3A_227 : i32
          %run_scoped3A_229 = arith.constant 0 : i32
          "tpu.trace_start"() <{level = 10 : i32, message = "ep_run_kernel"}> : () -> ()
          "tpu.region"() ({
            %run_scoped3A_294 = tpu.sem_alloc : memref<!tpu.dma_semaphore, #tpu.memory_space<semaphore_mem>>
            %dma_start3A_295 = arith.constant 0 : i32
            %dma_start3A_296 = arith.constant 0 : i32
            %dma_start3A_297 = tpu.memref_slice %run_scoped3A_18[%rem3A_228, %dma_start3A_295, %dma_start3A_296] : memref<2x128x256xf32, #tpu.memory_space<vmem>> -> memref<1x128x256xf32, #tpu.memory_space<vmem>>
            %dma_start3A_298 = tpu.memref_squeeze %dma_start3A_297 : memref<1x128x256xf32, #tpu.memory_space<vmem>> -> memref<128x256xf32, #tpu.memory_space<vmem>>
            %dma_start3A_299 = arith.constant 0 : i32
            %dma_start3A_300 = arith.constant 0 : i32
            %dma_start3A_301 = tpu.memref_slice %run_scoped3A[%rem3A_226, %dma_start3A_299, %dma_start3A_300] : memref<2x1x128xi32, #tpu.memory_space<vmem>> -> memref<1x1x128xi32, #tpu.memory_space<vmem>>
            %dma_start3A_302 = tpu.memref_squeeze %dma_start3A_301 : memref<1x1x128xi32, #tpu.memory_space<vmem>> -> memref<1x128xi32, #tpu.memory_space<vmem>>
            %dma_start3A_303 = arith.constant 0 : i32
            %dma_start3A_304 = tpu.memref_slice %dma_start3A_302[%run_scoped3A_229, %dma_start3A_303] : memref<1x128xi32, #tpu.memory_space<vmem>> -> memref<1x128xi32, #tpu.memory_space<vmem>>
            %dma_start3A_305 = tpu.memref_squeeze %dma_start3A_304 : memref<1x128xi32, #tpu.memory_space<vmem>> -> memref<128xi32, #tpu.memory_space<vmem>>
            %dma_start3A_306 = arith.constant 0 : i32
            %dma_start3A_307 = arith.constant 0 : i32
            %dma_start3A_308 = tpu.memref_slice %arg2[%dma_start3A_306, %dma_start3A_307] : memref<10000x256xf32, #tpu.memory_space<hbm>> -> memref<10000x256xf32, #tpu.memory_space<hbm>>
            tpu.enqueue_indirect_dma source(%dma_start3A_308 : memref<10000x256xf32, #tpu.memory_space<hbm>>) target(%dma_start3A_298 : memref<128x256xf32, #tpu.memory_space<vmem>>) offsets(%dma_start3A_305 : memref<128xi32, #tpu.memory_space<vmem>>) semaphore(%run_scoped3A_294 : memref<!tpu.dma_semaphore, #tpu.memory_space<semaphore_mem>>)
            %dma_wait3A = arith.constant 0 : i32
            %dma_wait3A_309 = arith.constant 0 : i32
            %dma_wait3A_310 = tpu.memref_slice %run_scoped3A_18[%rem3A_228, %dma_wait3A, %dma_wait3A_309] : memref<2x128x256xf32, #tpu.memory_space<vmem>> -> memref<1x128x256xf32, #tpu.memory_space<vmem>>
            %dma_wait3A_311 = tpu.memref_squeeze %dma_wait3A_310 : memref<1x128x256xf32, #tpu.memory_space<vmem>> -> memref<128x256xf32, #tpu.memory_space<vmem>>
            %dma_wait3A_312 = arith.constant 0 : i32
            %dma_wait3A_313 = arith.constant 0 : i32
            %dma_wait3A_314 = tpu.memref_slice %run_scoped3A[%rem3A_226, %dma_wait3A_312, %dma_wait3A_313] : memref<2x1x128xi32, #tpu.memory_space<vmem>> -> memref<1x1x128xi32, #tpu.memory_space<vmem>>
            %dma_wait3A_315 = tpu.memref_squeeze %dma_wait3A_314 : memref<1x1x128xi32, #tpu.memory_space<vmem>> -> memref<1x128xi32, #tpu.memory_space<vmem>>
            %dma_wait3A_316 = arith.constant 0 : i32
            %dma_wait3A_317 = tpu.memref_slice %dma_wait3A_315[%run_scoped3A_229, %dma_wait3A_316] : memref<1x128xi32, #tpu.memory_space<vmem>> -> memref<1x128xi32, #tpu.memory_space<vmem>>
            %dma_wait3A_318 = tpu.memref_squeeze %dma_wait3A_317 : memref<1x128xi32, #tpu.memory_space<vmem>> -> memref<128xi32, #tpu.memory_space<vmem>>
            %dma_wait3A_319 = arith.constant 0 : i32
            %dma_wait3A_320 = arith.constant 0 : i32
            %dma_wait3A_321 = tpu.memref_slice %arg2[%dma_wait3A_319, %dma_wait3A_320] : memref<10000x256xf32, #tpu.memory_space<hbm>> -> memref<10000x256xf32, #tpu.memory_space<hbm>>
            tpu.wait_indirect_dma semaphore(%run_scoped3A_294 : memref<!tpu.dma_semaphore, #tpu.memory_space<semaphore_mem>>) src(%dma_wait3A_321 : memref<10000x256xf32, #tpu.memory_space<hbm>>) dst(%dma_wait3A_311 : memref<128x256xf32, #tpu.memory_space<vmem>>)
            tpu.yield
          }) : () -> ()
          "tpu.trace_stop"() : () -> ()
          %ne3A_230 = arith.cmpi ne, %add3A_155, %add3A_173 : i32
          %or3A_231 = arith.constant false
          %or3A_232 = arith.ori %or3A_231, %ne3A_230 : i1
          %or3A_233 = arith.ori %or3A_232, %eq3A_154 : i1
          %convert_element_type3A_234 = arith.extui %or3A_233 : i1 to i32
          %cond3A_235 = arith.constant 0 : i32
          %cond3A_236 = arith.cmpi ne, %convert_element_type3A_234, %cond3A_235 : i32
          scf.if %cond3A_236 {
          } else {
          }
          %and3A_237 = arith.constant false
          %and3A_238 = arith.andi %or3A_233, %and3A_237 : i1
          %ne3A_239 = arith.cmpi ne, %add3A_155, %add3A_173 : i32
          %or3A_240 = arith.constant false
          %or3A_241 = arith.ori %or3A_240, %ne3A_239 : i1
          %or3A_242 = arith.constant false
          %or3A_243 = arith.ori %or3A_241, %or3A_242 : i1
          %or3A_244 = arith.ori %or3A_243, %eq3A_154 : i1
          %convert_element_type3A_245 = arith.extui %or3A_244 : i1 to i32
          %cond3A_246 = arith.constant 0 : i32
          %cond3A_247 = arith.cmpi ne, %convert_element_type3A_245, %cond3A_246 : i32
          scf.if %cond3A_247 {
            "tpu.trace_start"() <{level = 10 : i32, message = "ep_copy_out"}> : () -> ()
            %rem3A_294 = arith.constant 2 : i32
            %rem3A_295 = arith.remui %while3A_145, %rem3A_294 : i32
            %mul3A_296 = arith.constant 128 : i32
            %mul3A_297 = arith.muli %mul3A_296, %add3A_155 : i32
            %dma_start3A_298 = arith.constant 0 : i32
            %dma_start3A_299 = arith.constant 0 : i32
            %dma_start3A_300 = tpu.memref_slice %run_scoped3A_18[%rem3A_295, %dma_start3A_298, %dma_start3A_299] : memref<2x128x256xf32, #tpu.memory_space<vmem>> -> memref<1x128x256xf32, #tpu.memory_space<vmem>>
            %dma_start3A_301 = tpu.memref_squeeze %dma_start3A_300 : memref<1x128x256xf32, #tpu.memory_space<vmem>> -> memref<128x256xf32, #tpu.memory_space<vmem>>
            %dma_start3A_302 = arith.constant 0 : i32
            %dma_start3A_303 = tpu.memref_slice %arg4[%mul3A_297, %dma_start3A_302] : memref<160000x256xf32, #tpu.memory_space<hbm>> -> memref<128x256xf32, #tpu.memory_space<hbm>>
            %dma_start3A_304 = tpu.memref_slice %run_scoped3A_19[%rem3A_295] : memref<2x!tpu.dma_semaphore, #tpu.memory_space<semaphore_mem>> -> memref<1x!tpu.dma_semaphore, #tpu.memory_space<semaphore_mem>>
            %dma_start3A_305 = tpu.memref_squeeze %dma_start3A_304 : memref<1x!tpu.dma_semaphore, #tpu.memory_space<semaphore_mem>> -> memref<!tpu.dma_semaphore, #tpu.memory_space<semaphore_mem>>
            %dma_start3A_306 = arith.constant 0 : i32
            %dma_start3A_307 = tpu.memref_slice %arg4[%mul3A_297, %dma_start3A_306] : memref<160000x256xf32, #tpu.memory_space<hbm>> -> memref<128x256xf32, #tpu.memory_space<hbm>>
            %dma_start3A_308 = arith.constant 0 : i32
            %dma_start3A_309 = arith.constant 0 : i32
            %dma_start3A_310 = tpu.memref_slice %run_scoped3A_18[%rem3A_295, %dma_start3A_308, %dma_start3A_309] : memref<2x128x256xf32, #tpu.memory_space<vmem>> -> memref<1x128x256xf32, #tpu.memory_space<vmem>>
            %dma_start3A_311 = tpu.memref_squeeze %dma_start3A_310 : memref<1x128x256xf32, #tpu.memory_space<vmem>> -> memref<128x256xf32, #tpu.memory_space<vmem>>
            tpu.enqueue_dma source(%dma_start3A_311 : memref<128x256xf32, #tpu.memory_space<vmem>>) target(%dma_start3A_307 : memref<128x256xf32, #tpu.memory_space<hbm>>) target_semaphore(%dma_start3A_305 : memref<!tpu.dma_semaphore, #tpu.memory_space<semaphore_mem>>)
            "tpu.trace_stop"() : () -> ()
          } else {
          }
          %and3A_248 = arith.constant true
          %and3A_249 = arith.andi %or3A_244, %and3A_248 : i1
          %add3A_250 = arith.constant 1 : i32
          %add3A_251 = arith.addi %while3A_145, %add3A_250 : i32
          %select_n3A_252 = arith.select %and3A_249, %add3A_251, %while3A_145 : i32
          %ne3A_253 = arith.cmpi ne, %add3A_155, %add3A_165 : i32
          %or3A_254 = arith.constant false
          %or3A_255 = arith.ori %or3A_254, %ne3A_253 : i1
          %not3A_256 = arith.constant true
          %not3A_257 = arith.xori %eq3A_151, %not3A_256 : i1
          %and3A_258 = arith.andi %or3A_255, %not3A_257 : i1
          %convert_element_type3A_259 = arith.extui %and3A_258 : i1 to i32
          %cond3A_260 = arith.constant 0 : i32
          %cond3A_261 = arith.cmpi ne, %convert_element_type3A_259, %cond3A_260 : i32
          scf.if %cond3A_261 {
          } else {
          }
          %and3A_262 = arith.constant false
          %and3A_263 = arith.andi %and3A_258, %and3A_262 : i1
          %ne3A_264 = arith.cmpi ne, %add3A_155, %add3A_165 : i32
          %or3A_265 = arith.constant false
          %or3A_266 = arith.ori %or3A_265, %ne3A_264 : i1
          %or3A_267 = arith.constant false
          %or3A_268 = arith.ori %or3A_266, %or3A_267 : i1
          %not3A_269 = arith.constant true
          %not3A_270 = arith.xori %eq3A_151, %not3A_269 : i1
          %and3A_271 = arith.andi %or3A_268, %not3A_270 : i1
          %convert_element_type3A_272 = arith.extui %and3A_271 : i1 to i32
          %cond3A_273 = arith.constant 0 : i32
          %cond3A_274 = arith.cmpi ne, %convert_element_type3A_272, %cond3A_273 : i32
          scf.if %cond3A_274 {
            "tpu.trace_start"() <{level = 10 : i32, message = "ep_wait_out"}> : () -> ()
            %rem3A_294 = arith.constant 2 : i32
            %rem3A_295 = arith.remui %while3A_146, %rem3A_294 : i32
            %mul3A_296 = arith.constant 128 : i32
            %mul3A_297 = arith.muli %mul3A_296, %add3A_165 : i32
            %dma_wait3A = arith.constant 0 : i32
            %dma_wait3A_298 = arith.constant 0 : i32
            %dma_wait3A_299 = tpu.memref_slice %run_scoped3A_18[%rem3A_295, %dma_wait3A, %dma_wait3A_298] : memref<2x128x256xf32, #tpu.memory_space<vmem>> -> memref<1x128x256xf32, #tpu.memory_space<vmem>>
            %dma_wait3A_300 = tpu.memref_squeeze %dma_wait3A_299 : memref<1x128x256xf32, #tpu.memory_space<vmem>> -> memref<128x256xf32, #tpu.memory_space<vmem>>
            %dma_wait3A_301 = arith.constant 0 : i32
            %dma_wait3A_302 = tpu.memref_slice %arg4[%mul3A_297, %dma_wait3A_301] : memref<160000x256xf32, #tpu.memory_space<hbm>> -> memref<128x256xf32, #tpu.memory_space<hbm>>
            %dma_wait3A_303 = tpu.memref_slice %run_scoped3A_19[%rem3A_295] : memref<2x!tpu.dma_semaphore, #tpu.memory_space<semaphore_mem>> -> memref<1x!tpu.dma_semaphore, #tpu.memory_space<semaphore_mem>>
            %dma_wait3A_304 = tpu.memref_squeeze %dma_wait3A_303 : memref<1x!tpu.dma_semaphore, #tpu.memory_space<semaphore_mem>> -> memref<!tpu.dma_semaphore, #tpu.memory_space<semaphore_mem>>
            %dma_wait3A_305 = arith.constant 0 : i32
            %dma_wait3A_306 = tpu.memref_slice %arg4[%mul3A_297, %dma_wait3A_305] : memref<160000x256xf32, #tpu.memory_space<hbm>> -> memref<128x256xf32, #tpu.memory_space<hbm>>
            %dma_wait3A_307 = arith.constant 0 : i32
            %dma_wait3A_308 = arith.constant 0 : i32
            %dma_wait3A_309 = tpu.memref_slice %run_scoped3A_18[%rem3A_295, %dma_wait3A_307, %dma_wait3A_308] : memref<2x128x256xf32, #tpu.memory_space<vmem>> -> memref<1x128x256xf32, #tpu.memory_space<vmem>>
            %dma_wait3A_310 = tpu.memref_squeeze %dma_wait3A_309 : memref<1x128x256xf32, #tpu.memory_space<vmem>> -> memref<128x256xf32, #tpu.memory_space<vmem>>
            tpu.wait_dma2 semaphore(%dma_wait3A_304 : memref<!tpu.dma_semaphore, #tpu.memory_space<semaphore_mem>>) src(%dma_wait3A_310 : memref<128x256xf32, #tpu.memory_space<vmem>>) dst(%dma_wait3A_306 : memref<128x256xf32, #tpu.memory_space<hbm>>)
            "tpu.trace_stop"() : () -> ()
          } else {
          }
          %and3A_275 = arith.constant true
          %and3A_276 = arith.andi %and3A_271, %and3A_275 : i1
          %add3A_277 = arith.constant 1 : i32
          %add3A_278 = arith.addi %while3A_146, %add3A_277 : i32
          %select_n3A_279 = arith.select %and3A_276, %add3A_278, %while3A_146 : i32
          %ne3A_280 = arith.cmpi ne, %add3A_155, %add3A_173 : i32
          %or3A_281 = arith.constant false
          %or3A_282 = arith.ori %or3A_281, %ne3A_280 : i1
          %or3A_283 = arith.ori %or3A_282, %eq3A_154 : i1
          %add3A_284 = arith.constant 1 : i32
          %add3A_285 = arith.addi %while3A_144, %add3A_284 : i32
          %select_n3A_286 = arith.select %or3A_283, %add3A_285, %while3A_144 : i32
          %add3A_287 = arith.constant 1 : i32
          %add3A_288 = arith.addi %while3A_147, %add3A_287 : i32
          %select_n3A_289 = arith.constant true
          %select_n3A_290 = arith.select %select_n3A_289, %add3A_288, %while3A_147 : i32
          %eq3A_291 = arith.cmpi eq, %select_n3A_290, %select_n3A : i32
          %select_n3A_292 = arith.constant 0 : i32
          %select_n3A_293 = arith.select %eq3A_291, %select_n3A_292, %select_n3A_290 : i32
          scf.yield %select_n3A_195, %select_n3A_286, %select_n3A_252, %select_n3A_279, %select_n3A_293 : i32, i32, i32, i32, i32
        }
        %while3A_89 = arith.constant 1 : i32
        %while3A_90:5 = scf.for %while3A_142 = %while3A_86 to %while3A_82 step %while3A_89 iter_args(%while3A_143 = %while3A_88#0, %while3A_144 = %while3A_88#1, %while3A_145 = %while3A_88#2, %while3A_146 = %while3A_88#3, %while3A_147 = %while3A_88#4) -> (i32, i32, i32, i32, i32)  : i32 {
          %mul3A_148 = arith.constant 1 : i32
          %mul3A_149 = arith.muli %mul3A_148, %select_n3A : i32
          %eq3A_150 = arith.constant 0 : i32
          %eq3A_151 = arith.cmpi eq, %while3A_142, %eq3A_150 : i32
          %sub3A_152 = arith.constant 1 : i32
          %sub3A_153 = arith.subi %mul3A_149, %sub3A_152 : i32
          %eq3A_154 = arith.cmpi eq, %while3A_142, %sub3A_153 : i32
          %add3A_155 = arith.addi %while3A_147, %select_n3A_14 : i32
          %sub3A_156 = arith.constant 1 : i32
          %sub3A_157 = arith.subi %while3A_147, %sub3A_156 : i32
          %select_n3A_158 = arith.constant true
          %select_n3A_159 = arith.select %select_n3A_158, %sub3A_157, %while3A_147 : i32
          %eq3A_160 = arith.constant -1 : i32
          %eq3A_161 = arith.cmpi eq, %select_n3A_159, %eq3A_160 : i32
          %sub3A_162 = arith.constant 1 : i32
          %sub3A_163 = arith.subi %select_n3A, %sub3A_162 : i32
          %select_n3A_164 = arith.select %eq3A_161, %sub3A_163, %select_n3A_159 : i32
          %add3A_165 = arith.addi %select_n3A_164, %select_n3A_14 : i32
          %add3A_166 = arith.constant 1 : i32
          %add3A_167 = arith.addi %while3A_147, %add3A_166 : i32
          %select_n3A_168 = arith.constant true
          %select_n3A_169 = arith.select %select_n3A_168, %add3A_167, %while3A_147 : i32
          %eq3A_170 = arith.cmpi eq, %select_n3A_169, %select_n3A : i32
          %select_n3A_171 = arith.constant 0 : i32
          %select_n3A_172 = arith.select %eq3A_170, %select_n3A_171, %select_n3A_169 : i32
          %add3A_173 = arith.addi %select_n3A_172, %select_n3A_14 : i32
          %add3A_174 = arith.constant 1 : i32
          %add3A_175 = arith.addi %select_n3A_172, %add3A_174 : i32
          %select_n3A_176 = arith.constant true
          %select_n3A_177 = arith.select %select_n3A_176, %add3A_175, %select_n3A_172 : i32
          %eq3A_178 = arith.cmpi eq, %select_n3A_177, %select_n3A : i32
          %select_n3A_179 = arith.constant 0 : i32
          %select_n3A_180 = arith.select %eq3A_178, %select_n3A_179, %select_n3A_177 : i32
          %add3A_181 = arith.addi %select_n3A_180, %select_n3A_14 : i32
          %ne3A = arith.cmpi ne, %add3A_155, %add3A_173 : i32
          %or3A = arith.constant false
          %or3A_182 = arith.ori %or3A, %ne3A : i1
          %sub3A_183 = arith.constant 2 : i32
          %sub3A_184 = arith.subi %mul3A_149, %sub3A_183 : i32
          %add3A_185 = arith.constant 1 : i32
          %add3A_186 = arith.addi %sub3A_184, %add3A_185 : i32
          %ge3A = arith.cmpi sge, %while3A_142, %add3A_186 : i32
          %not3A = arith.constant true
          %not3A_187 = arith.xori %ge3A, %not3A : i1
          %and3A = arith.andi %or3A_182, %not3A_187 : i1
          %convert_element_type3A_188 = arith.extui %and3A : i1 to i32
          %cond3A_189 = arith.constant 0 : i32
          %cond3A_190 = arith.cmpi ne, %convert_element_type3A_188, %cond3A_189 : i32
          scf.if %cond3A_190 {
            "tpu.trace_start"() <{level = 10 : i32, message = "ep_copy_in"}> : () -> ()
            %rem3A_294 = arith.constant 2 : i32
            %rem3A_295 = arith.remui %while3A_143, %rem3A_294 : i32
            %mul3A_296 = arith.constant 128 : i32
            %mul3A_297 = arith.muli %mul3A_296, %add3A_173 : i32
            %dma_start3A_298 = arith.constant 0 : i32
            %dma_start3A_299 = arith.constant 0 : i32
            %dma_start3A_300 = tpu.memref_slice %run_scoped3A[%rem3A_295, %dma_start3A_298, %dma_start3A_299] : memref<2x1x128xi32, #tpu.memory_space<vmem>> -> memref<1x1x128xi32, #tpu.memory_space<vmem>>
            %dma_start3A_301 = tpu.memref_squeeze %dma_start3A_300 : memref<1x1x128xi32, #tpu.memory_space<vmem>> -> memref<1x128xi32, #tpu.memory_space<vmem>>
            %dma_start3A_302 = arith.constant 0 : i32
            %dma_start3A_303 = tpu.memref_slice %arg3[%dma_start3A_302, %mul3A_297] : memref<1x160000xi32, #tpu.memory_space<hbm>> -> memref<1x128xi32, #tpu.memory_space<hbm>>
            %dma_start3A_304 = tpu.memref_slice %run_scoped3A_17[%rem3A_295] : memref<2x!tpu.dma_semaphore, #tpu.memory_space<semaphore_mem>> -> memref<1x!tpu.dma_semaphore, #tpu.memory_space<semaphore_mem>>
            %dma_start3A_305 = tpu.memref_squeeze %dma_start3A_304 : memref<1x!tpu.dma_semaphore, #tpu.memory_space<semaphore_mem>> -> memref<!tpu.dma_semaphore, #tpu.memory_space<semaphore_mem>>
            %dma_start3A_306 = arith.constant 0 : i32
            %dma_start3A_307 = arith.constant 0 : i32
            %dma_start3A_308 = tpu.memref_slice %run_scoped3A[%rem3A_295, %dma_start3A_306, %dma_start3A_307] : memref<2x1x128xi32, #tpu.memory_space<vmem>> -> memref<1x1x128xi32, #tpu.memory_space<vmem>>
            %dma_start3A_309 = tpu.memref_squeeze %dma_start3A_308 : memref<1x1x128xi32, #tpu.memory_space<vmem>> -> memref<1x128xi32, #tpu.memory_space<vmem>>
            %dma_start3A_310 = arith.constant 0 : i32
            %dma_start3A_311 = tpu.memref_slice %arg3[%dma_start3A_310, %mul3A_297] : memref<1x160000xi32, #tpu.memory_space<hbm>> -> memref<1x128xi32, #tpu.memory_space<hbm>>
            tpu.enqueue_dma source(%dma_start3A_311 : memref<1x128xi32, #tpu.memory_space<hbm>>) target(%dma_start3A_309 : memref<1x128xi32, #tpu.memory_space<vmem>>) target_semaphore(%dma_start3A_305 : memref<!tpu.dma_semaphore, #tpu.memory_space<semaphore_mem>>)
            "tpu.trace_stop"() : () -> ()
          } else {
          }
          %and3A_191 = arith.constant true
          %and3A_192 = arith.andi %and3A, %and3A_191 : i1
          %add3A_193 = arith.constant 1 : i32
          %add3A_194 = arith.addi %while3A_143, %add3A_193 : i32
          %select_n3A_195 = arith.select %and3A_192, %add3A_194, %while3A_143 : i32
          %ne3A_196 = arith.cmpi ne, %add3A_155, %add3A_173 : i32
          %or3A_197 = arith.constant false
          %or3A_198 = arith.ori %or3A_197, %ne3A_196 : i1
          %or3A_199 = arith.constant false
          %or3A_200 = arith.ori %or3A_198, %or3A_199 : i1
          %sub3A_201 = arith.constant 2 : i32
          %sub3A_202 = arith.subi %mul3A_149, %sub3A_201 : i32
          %add3A_203 = arith.constant 1 : i32
          %add3A_204 = arith.addi %sub3A_202, %add3A_203 : i32
          %ge3A_205 = arith.cmpi sge, %while3A_142, %add3A_204 : i32
          %not3A_206 = arith.constant true
          %not3A_207 = arith.xori %ge3A_205, %not3A_206 : i1
          %and3A_208 = arith.andi %or3A_200, %not3A_207 : i1
          %ne3A_209 = arith.cmpi ne, %add3A_155, %add3A_165 : i32
          %or3A_210 = arith.constant false
          %or3A_211 = arith.ori %or3A_210, %ne3A_209 : i1
          %or3A_212 = arith.ori %or3A_211, %eq3A_151 : i1
          %convert_element_type3A_213 = arith.extui %or3A_212 : i1 to i32
          %cond3A_214 = arith.constant 0 : i32
          %cond3A_215 = arith.cmpi ne, %convert_element_type3A_213, %cond3A_214 : i32
          scf.if %cond3A_215 {
            "tpu.trace_start"() <{level = 10 : i32, message = "ep_wait_in"}> : () -> ()
            %mul3A_294 = arith.constant 128 : i32
            %mul3A_295 = arith.muli %mul3A_294, %add3A_155 : i32
            %rem3A_296 = arith.constant 2 : i32
            %rem3A_297 = arith.remui %while3A_144, %rem3A_296 : i32
            %dma_wait3A = arith.constant 0 : i32
            %dma_wait3A_298 = arith.constant 0 : i32
            %dma_wait3A_299 = tpu.memref_slice %run_scoped3A[%rem3A_297, %dma_wait3A, %dma_wait3A_298] : memref<2x1x128xi32, #tpu.memory_space<vmem>> -> memref<1x1x128xi32, #tpu.memory_space<vmem>>
            %dma_wait3A_300 = tpu.memref_squeeze %dma_wait3A_299 : memref<1x1x128xi32, #tpu.memory_space<vmem>> -> memref<1x128xi32, #tpu.memory_space<vmem>>
            %dma_wait3A_301 = arith.constant 0 : i32
            %dma_wait3A_302 = tpu.memref_slice %arg3[%dma_wait3A_301, %mul3A_295] : memref<1x160000xi32, #tpu.memory_space<hbm>> -> memref<1x128xi32, #tpu.memory_space<hbm>>
            %dma_wait3A_303 = tpu.memref_slice %run_scoped3A_17[%rem3A_297] : memref<2x!tpu.dma_semaphore, #tpu.memory_space<semaphore_mem>> -> memref<1x!tpu.dma_semaphore, #tpu.memory_space<semaphore_mem>>
            %dma_wait3A_304 = tpu.memref_squeeze %dma_wait3A_303 : memref<1x!tpu.dma_semaphore, #tpu.memory_space<semaphore_mem>> -> memref<!tpu.dma_semaphore, #tpu.memory_space<semaphore_mem>>
            %dma_wait3A_305 = arith.constant 0 : i32
            %dma_wait3A_306 = arith.constant 0 : i32
            %dma_wait3A_307 = tpu.memref_slice %run_scoped3A[%rem3A_297, %dma_wait3A_305, %dma_wait3A_306] : memref<2x1x128xi32, #tpu.memory_space<vmem>> -> memref<1x1x128xi32, #tpu.memory_space<vmem>>
            %dma_wait3A_308 = tpu.memref_squeeze %dma_wait3A_307 : memref<1x1x128xi32, #tpu.memory_space<vmem>> -> memref<1x128xi32, #tpu.memory_space<vmem>>
            %dma_wait3A_309 = arith.constant 0 : i32
            %dma_wait3A_310 = tpu.memref_slice %arg3[%dma_wait3A_309, %mul3A_295] : memref<1x160000xi32, #tpu.memory_space<hbm>> -> memref<1x128xi32, #tpu.memory_space<hbm>>
            tpu.wait_dma2 semaphore(%dma_wait3A_304 : memref<!tpu.dma_semaphore, #tpu.memory_space<semaphore_mem>>) src(%dma_wait3A_310 : memref<1x128xi32, #tpu.memory_space<hbm>>) dst(%dma_wait3A_308 : memref<1x128xi32, #tpu.memory_space<vmem>>)
            "tpu.trace_stop"() : () -> ()
          } else {
          }
          %ne3A_216 = arith.cmpi ne, %add3A_155, %add3A_165 : i32
          %or3A_217 = arith.constant false
          %or3A_218 = arith.ori %or3A_217, %ne3A_216 : i1
          %or3A_219 = arith.constant false
          %or3A_220 = arith.ori %or3A_218, %or3A_219 : i1
          %or3A_221 = arith.ori %or3A_220, %eq3A_151 : i1
          %convert_element_type3A_222 = arith.extui %or3A_221 : i1 to i32
          %cond3A_223 = arith.constant 0 : i32
          %cond3A_224 = arith.cmpi ne, %convert_element_type3A_222, %cond3A_223 : i32
          scf.if %cond3A_224 {
          } else {
          }
          %rem3A_225 = arith.constant 2 : i32
          %rem3A_226 = arith.remui %while3A_144, %rem3A_225 : i32
          %rem3A_227 = arith.constant 2 : i32
          %rem3A_228 = arith.remui %while3A_145, %rem3A_227 : i32
          %run_scoped3A_229 = arith.constant 0 : i32
          "tpu.trace_start"() <{level = 10 : i32, message = "ep_run_kernel"}> : () -> ()
          "tpu.region"() ({
            %run_scoped3A_294 = tpu.sem_alloc : memref<!tpu.dma_semaphore, #tpu.memory_space<semaphore_mem>>
            %dma_start3A_295 = arith.constant 0 : i32
            %dma_start3A_296 = arith.constant 0 : i32
            %dma_start3A_297 = tpu.memref_slice %run_scoped3A_18[%rem3A_228, %dma_start3A_295, %dma_start3A_296] : memref<2x128x256xf32, #tpu.memory_space<vmem>> -> memref<1x128x256xf32, #tpu.memory_space<vmem>>
            %dma_start3A_298 = tpu.memref_squeeze %dma_start3A_297 : memref<1x128x256xf32, #tpu.memory_space<vmem>> -> memref<128x256xf32, #tpu.memory_space<vmem>>
            %dma_start3A_299 = arith.constant 0 : i32
            %dma_start3A_300 = arith.constant 0 : i32
            %dma_start3A_301 = tpu.memref_slice %run_scoped3A[%rem3A_226, %dma_start3A_299, %dma_start3A_300] : memref<2x1x128xi32, #tpu.memory_space<vmem>> -> memref<1x1x128xi32, #tpu.memory_space<vmem>>
            %dma_start3A_302 = tpu.memref_squeeze %dma_start3A_301 : memref<1x1x128xi32, #tpu.memory_space<vmem>> -> memref<1x128xi32, #tpu.memory_space<vmem>>
            %dma_start3A_303 = arith.constant 0 : i32
            %dma_start3A_304 = tpu.memref_slice %dma_start3A_302[%run_scoped3A_229, %dma_start3A_303] : memref<1x128xi32, #tpu.memory_space<vmem>> -> memref<1x128xi32, #tpu.memory_space<vmem>>
            %dma_start3A_305 = tpu.memref_squeeze %dma_start3A_304 : memref<1x128xi32, #tpu.memory_space<vmem>> -> memref<128xi32, #tpu.memory_space<vmem>>
            %dma_start3A_306 = arith.constant 0 : i32
            %dma_start3A_307 = arith.constant 0 : i32
            %dma_start3A_308 = tpu.memref_slice %arg2[%dma_start3A_306, %dma_start3A_307] : memref<10000x256xf32, #tpu.memory_space<hbm>> -> memref<10000x256xf32, #tpu.memory_space<hbm>>
            tpu.enqueue_indirect_dma source(%dma_start3A_308 : memref<10000x256xf32, #tpu.memory_space<hbm>>) target(%dma_start3A_298 : memref<128x256xf32, #tpu.memory_space<vmem>>) offsets(%dma_start3A_305 : memref<128xi32, #tpu.memory_space<vmem>>) semaphore(%run_scoped3A_294 : memref<!tpu.dma_semaphore, #tpu.memory_space<semaphore_mem>>)
            %dma_wait3A = arith.constant 0 : i32
            %dma_wait3A_309 = arith.constant 0 : i32
            %dma_wait3A_310 = tpu.memref_slice %run_scoped3A_18[%rem3A_228, %dma_wait3A, %dma_wait3A_309] : memref<2x128x256xf32, #tpu.memory_space<vmem>> -> memref<1x128x256xf32, #tpu.memory_space<vmem>>
            %dma_wait3A_311 = tpu.memref_squeeze %dma_wait3A_310 : memref<1x128x256xf32, #tpu.memory_space<vmem>> -> memref<128x256xf32, #tpu.memory_space<vmem>>
            %dma_wait3A_312 = arith.constant 0 : i32
            %dma_wait3A_313 = arith.constant 0 : i32
            %dma_wait3A_314 = tpu.memref_slice %run_scoped3A[%rem3A_226, %dma_wait3A_312, %dma_wait3A_313] : memref<2x1x128xi32, #tpu.memory_space<vmem>> -> memref<1x1x128xi32, #tpu.memory_space<vmem>>
            %dma_wait3A_315 = tpu.memref_squeeze %dma_wait3A_314 : memref<1x1x128xi32, #tpu.memory_space<vmem>> -> memref<1x128xi32, #tpu.memory_space<vmem>>
            %dma_wait3A_316 = arith.constant 0 : i32
            %dma_wait3A_317 = tpu.memref_slice %dma_wait3A_315[%run_scoped3A_229, %dma_wait3A_316] : memref<1x128xi32, #tpu.memory_space<vmem>> -> memref<1x128xi32, #tpu.memory_space<vmem>>
            %dma_wait3A_318 = tpu.memref_squeeze %dma_wait3A_317 : memref<1x128xi32, #tpu.memory_space<vmem>> -> memref<128xi32, #tpu.memory_space<vmem>>
            %dma_wait3A_319 = arith.constant 0 : i32
            %dma_wait3A_320 = arith.constant 0 : i32
            %dma_wait3A_321 = tpu.memref_slice %arg2[%dma_wait3A_319, %dma_wait3A_320] : memref<10000x256xf32, #tpu.memory_space<hbm>> -> memref<10000x256xf32, #tpu.memory_space<hbm>>
            tpu.wait_indirect_dma semaphore(%run_scoped3A_294 : memref<!tpu.dma_semaphore, #tpu.memory_space<semaphore_mem>>) src(%dma_wait3A_321 : memref<10000x256xf32, #tpu.memory_space<hbm>>) dst(%dma_wait3A_311 : memref<128x256xf32, #tpu.memory_space<vmem>>)
            tpu.yield
          }) : () -> ()
          "tpu.trace_stop"() : () -> ()
          %ne3A_230 = arith.cmpi ne, %add3A_155, %add3A_173 : i32
          %or3A_231 = arith.constant false
          %or3A_232 = arith.ori %or3A_231, %ne3A_230 : i1
          %or3A_233 = arith.ori %or3A_232, %eq3A_154 : i1
          %convert_element_type3A_234 = arith.extui %or3A_233 : i1 to i32
          %cond3A_235 = arith.constant 0 : i32
          %cond3A_236 = arith.cmpi ne, %convert_element_type3A_234, %cond3A_235 : i32
          scf.if %cond3A_236 {
          } else {
          }
          %and3A_237 = arith.constant false
          %and3A_238 = arith.andi %or3A_233, %and3A_237 : i1
          %ne3A_239 = arith.cmpi ne, %add3A_155, %add3A_173 : i32
          %or3A_240 = arith.constant false
          %or3A_241 = arith.ori %or3A_240, %ne3A_239 : i1
          %or3A_242 = arith.constant false
          %or3A_243 = arith.ori %or3A_241, %or3A_242 : i1
          %or3A_244 = arith.ori %or3A_243, %eq3A_154 : i1
          %convert_element_type3A_245 = arith.extui %or3A_244 : i1 to i32
          %cond3A_246 = arith.constant 0 : i32
          %cond3A_247 = arith.cmpi ne, %convert_element_type3A_245, %cond3A_246 : i32
          scf.if %cond3A_247 {
            "tpu.trace_start"() <{level = 10 : i32, message = "ep_copy_out"}> : () -> ()
            %rem3A_294 = arith.constant 2 : i32
            %rem3A_295 = arith.remui %while3A_145, %rem3A_294 : i32
            %mul3A_296 = arith.constant 128 : i32
            %mul3A_297 = arith.muli %mul3A_296, %add3A_155 : i32
            %dma_start3A_298 = arith.constant 0 : i32
            %dma_start3A_299 = arith.constant 0 : i32
            %dma_start3A_300 = tpu.memref_slice %run_scoped3A_18[%rem3A_295, %dma_start3A_298, %dma_start3A_299] : memref<2x128x256xf32, #tpu.memory_space<vmem>> -> memref<1x128x256xf32, #tpu.memory_space<vmem>>
            %dma_start3A_301 = tpu.memref_squeeze %dma_start3A_300 : memref<1x128x256xf32, #tpu.memory_space<vmem>> -> memref<128x256xf32, #tpu.memory_space<vmem>>
            %dma_start3A_302 = arith.constant 0 : i32
            %dma_start3A_303 = tpu.memref_slice %arg4[%mul3A_297, %dma_start3A_302] : memref<160000x256xf32, #tpu.memory_space<hbm>> -> memref<128x256xf32, #tpu.memory_space<hbm>>
            %dma_start3A_304 = tpu.memref_slice %run_scoped3A_19[%rem3A_295] : memref<2x!tpu.dma_semaphore, #tpu.memory_space<semaphore_mem>> -> memref<1x!tpu.dma_semaphore, #tpu.memory_space<semaphore_mem>>
            %dma_start3A_305 = tpu.memref_squeeze %dma_start3A_304 : memref<1x!tpu.dma_semaphore, #tpu.memory_space<semaphore_mem>> -> memref<!tpu.dma_semaphore, #tpu.memory_space<semaphore_mem>>
            %dma_start3A_306 = arith.constant 0 : i32
            %dma_start3A_307 = tpu.memref_slice %arg4[%mul3A_297, %dma_start3A_306] : memref<160000x256xf32, #tpu.memory_space<hbm>> -> memref<128x256xf32, #tpu.memory_space<hbm>>
            %dma_start3A_308 = arith.constant 0 : i32
            %dma_start3A_309 = arith.constant 0 : i32
            %dma_start3A_310 = tpu.memref_slice %run_scoped3A_18[%rem3A_295, %dma_start3A_308, %dma_start3A_309] : memref<2x128x256xf32, #tpu.memory_space<vmem>> -> memref<1x128x256xf32, #tpu.memory_space<vmem>>
            %dma_start3A_311 = tpu.memref_squeeze %dma_start3A_310 : memref<1x128x256xf32, #tpu.memory_space<vmem>> -> memref<128x256xf32, #tpu.memory_space<vmem>>
            tpu.enqueue_dma source(%dma_start3A_311 : memref<128x256xf32, #tpu.memory_space<vmem>>) target(%dma_start3A_307 : memref<128x256xf32, #tpu.memory_space<hbm>>) target_semaphore(%dma_start3A_305 : memref<!tpu.dma_semaphore, #tpu.memory_space<semaphore_mem>>)
            "tpu.trace_stop"() : () -> ()
          } else {
          }
          %and3A_248 = arith.constant true
          %and3A_249 = arith.andi %or3A_244, %and3A_248 : i1
          %add3A_250 = arith.constant 1 : i32
          %add3A_251 = arith.addi %while3A_145, %add3A_250 : i32
          %select_n3A_252 = arith.select %and3A_249, %add3A_251, %while3A_145 : i32
          %ne3A_253 = arith.cmpi ne, %add3A_155, %add3A_165 : i32
          %or3A_254 = arith.constant false
          %or3A_255 = arith.ori %or3A_254, %ne3A_253 : i1
          %not3A_256 = arith.constant true
          %not3A_257 = arith.xori %eq3A_151, %not3A_256 : i1
          %and3A_258 = arith.andi %or3A_255, %not3A_257 : i1
          %convert_element_type3A_259 = arith.extui %and3A_258 : i1 to i32
          %cond3A_260 = arith.constant 0 : i32
          %cond3A_261 = arith.cmpi ne, %convert_element_type3A_259, %cond3A_260 : i32
          scf.if %cond3A_261 {
          } else {
          }
          %and3A_262 = arith.constant false
          %and3A_263 = arith.andi %and3A_258, %and3A_262 : i1
          %ne3A_264 = arith.cmpi ne, %add3A_155, %add3A_165 : i32
          %or3A_265 = arith.constant false
          %or3A_266 = arith.ori %or3A_265, %ne3A_264 : i1
          %or3A_267 = arith.constant false
          %or3A_268 = arith.ori %or3A_266, %or3A_267 : i1
          %not3A_269 = arith.constant true
          %not3A_270 = arith.xori %eq3A_151, %not3A_269 : i1
          %and3A_271 = arith.andi %or3A_268, %not3A_270 : i1
          %convert_element_type3A_272 = arith.extui %and3A_271 : i1 to i32
          %cond3A_273 = arith.constant 0 : i32
          %cond3A_274 = arith.cmpi ne, %convert_element_type3A_272, %cond3A_273 : i32
          scf.if %cond3A_274 {
            "tpu.trace_start"() <{level = 10 : i32, message = "ep_wait_out"}> : () -> ()
            %rem3A_294 = arith.constant 2 : i32
            %rem3A_295 = arith.remui %while3A_146, %rem3A_294 : i32
            %mul3A_296 = arith.constant 128 : i32
            %mul3A_297 = arith.muli %mul3A_296, %add3A_165 : i32
            %dma_wait3A = arith.constant 0 : i32
            %dma_wait3A_298 = arith.constant 0 : i32
            %dma_wait3A_299 = tpu.memref_slice %run_scoped3A_18[%rem3A_295, %dma_wait3A, %dma_wait3A_298] : memref<2x128x256xf32, #tpu.memory_space<vmem>> -> memref<1x128x256xf32, #tpu.memory_space<vmem>>
            %dma_wait3A_300 = tpu.memref_squeeze %dma_wait3A_299 : memref<1x128x256xf32, #tpu.memory_space<vmem>> -> memref<128x256xf32, #tpu.memory_space<vmem>>
            %dma_wait3A_301 = arith.constant 0 : i32
            %dma_wait3A_302 = tpu.memref_slice %arg4[%mul3A_297, %dma_wait3A_301] : memref<160000x256xf32, #tpu.memory_space<hbm>> -> memref<128x256xf32, #tpu.memory_space<hbm>>
            %dma_wait3A_303 = tpu.memref_slice %run_scoped3A_19[%rem3A_295] : memref<2x!tpu.dma_semaphore, #tpu.memory_space<semaphore_mem>> -> memref<1x!tpu.dma_semaphore, #tpu.memory_space<semaphore_mem>>
            %dma_wait3A_304 = tpu.memref_squeeze %dma_wait3A_303 : memref<1x!tpu.dma_semaphore, #tpu.memory_space<semaphore_mem>> -> memref<!tpu.dma_semaphore, #tpu.memory_space<semaphore_mem>>
            %dma_wait3A_305 = arith.constant 0 : i32
            %dma_wait3A_306 = tpu.memref_slice %arg4[%mul3A_297, %dma_wait3A_305] : memref<160000x256xf32, #tpu.memory_space<hbm>> -> memref<128x256xf32, #tpu.memory_space<hbm>>
            %dma_wait3A_307 = arith.constant 0 : i32
            %dma_wait3A_308 = arith.constant 0 : i32
            %dma_wait3A_309 = tpu.memref_slice %run_scoped3A_18[%rem3A_295, %dma_wait3A_307, %dma_wait3A_308] : memref<2x128x256xf32, #tpu.memory_space<vmem>> -> memref<1x128x256xf32, #tpu.memory_space<vmem>>
            %dma_wait3A_310 = tpu.memref_squeeze %dma_wait3A_309 : memref<1x128x256xf32, #tpu.memory_space<vmem>> -> memref<128x256xf32, #tpu.memory_space<vmem>>
            tpu.wait_dma2 semaphore(%dma_wait3A_304 : memref<!tpu.dma_semaphore, #tpu.memory_space<semaphore_mem>>) src(%dma_wait3A_310 : memref<128x256xf32, #tpu.memory_space<vmem>>) dst(%dma_wait3A_306 : memref<128x256xf32, #tpu.memory_space<hbm>>)
            "tpu.trace_stop"() : () -> ()
          } else {
          }
          %and3A_275 = arith.constant true
          %and3A_276 = arith.andi %and3A_271, %and3A_275 : i1
          %add3A_277 = arith.constant 1 : i32
          %add3A_278 = arith.addi %while3A_146, %add3A_277 : i32
          %select_n3A_279 = arith.select %and3A_276, %add3A_278, %while3A_146 : i32
          %ne3A_280 = arith.cmpi ne, %add3A_155, %add3A_173 : i32
          %or3A_281 = arith.constant false
          %or3A_282 = arith.ori %or3A_281, %ne3A_280 : i1
          %or3A_283 = arith.ori %or3A_282, %eq3A_154 : i1
          %add3A_284 = arith.constant 1 : i32
          %add3A_285 = arith.addi %while3A_144, %add3A_284 : i32
          %select_n3A_286 = arith.select %or3A_283, %add3A_285, %while3A_144 : i32
          %add3A_287 = arith.constant 1 : i32
          %add3A_288 = arith.addi %while3A_147, %add3A_287 : i32
          %select_n3A_289 = arith.constant true
          %select_n3A_290 = arith.select %select_n3A_289, %add3A_288, %while3A_147 : i32
          %eq3A_291 = arith.cmpi eq, %select_n3A_290, %select_n3A : i32
          %select_n3A_292 = arith.constant 0 : i32
          %select_n3A_293 = arith.select %eq3A_291, %select_n3A_292, %select_n3A_290 : i32
          scf.yield %select_n3A_195, %select_n3A_286, %select_n3A_252, %select_n3A_279, %select_n3A_293 : i32, i32, i32, i32, i32
        }
        %sub3A_91 = arith.constant 1 : i32
        %sub3A_92 = arith.subi %while3A_90#4, %sub3A_91 : i32
        %select_n3A_93 = arith.constant true
        %select_n3A_94 = arith.select %select_n3A_93, %sub3A_92, %while3A_90#4 : i32
        %eq3A_95 = arith.constant -1 : i32
        %eq3A_96 = arith.cmpi eq, %select_n3A_94, %eq3A_95 : i32
        %sub3A_97 = arith.constant 1 : i32
        %sub3A_98 = arith.subi %select_n3A, %sub3A_97 : i32
        %select_n3A_99 = arith.select %eq3A_96, %sub3A_98, %select_n3A_94 : i32
        %sub3A_100 = arith.constant 1 : i32
        %sub3A_101 = arith.subi %mul3A_16, %sub3A_100 : i32
        %mul3A_102 = arith.constant 1 : i32
        %mul3A_103 = arith.muli %mul3A_102, %select_n3A : i32
        %eq3A_104 = arith.constant 0 : i32
        %eq3A_105 = arith.cmpi eq, %sub3A_101, %eq3A_104 : i32
        %sub3A_106 = arith.constant 1 : i32
        %sub3A_107 = arith.subi %mul3A_103, %sub3A_106 : i32
        %eq3A_108 = arith.cmpi eq, %sub3A_101, %sub3A_107 : i32
        %add3A_109 = arith.addi %select_n3A_99, %select_n3A_14 : i32
        %sub3A_110 = arith.constant 1 : i32
        %sub3A_111 = arith.subi %select_n3A_99, %sub3A_110 : i32
        %select_n3A_112 = arith.constant true
        %select_n3A_113 = arith.select %select_n3A_112, %sub3A_111, %select_n3A_99 : i32
        %eq3A_114 = arith.constant -1 : i32
        %eq3A_115 = arith.cmpi eq, %select_n3A_113, %eq3A_114 : i32
        %sub3A_116 = arith.constant 1 : i32
        %sub3A_117 = arith.subi %select_n3A, %sub3A_116 : i32
        %select_n3A_118 = arith.select %eq3A_115, %sub3A_117, %select_n3A_113 : i32
        %add3A_119 = arith.addi %select_n3A_118, %select_n3A_14 : i32
        %add3A_120 = arith.constant 1 : i32
        %add3A_121 = arith.addi %select_n3A_99, %add3A_120 : i32
        %select_n3A_122 = arith.constant true
        %select_n3A_123 = arith.select %select_n3A_122, %add3A_121, %select_n3A_99 : i32
        %eq3A_124 = arith.cmpi eq, %select_n3A_123, %select_n3A : i32
        %select_n3A_125 = arith.constant 0 : i32
        %select_n3A_126 = arith.select %eq3A_124, %select_n3A_125, %select_n3A_123 : i32
        %add3A_127 = arith.addi %select_n3A_126, %select_n3A_14 : i32
        %add3A_128 = arith.constant 1 : i32
        %add3A_129 = arith.addi %select_n3A_126, %add3A_128 : i32
        %select_n3A_130 = arith.constant true
        %select_n3A_131 = arith.select %select_n3A_130, %add3A_129, %select_n3A_126 : i32
        %eq3A_132 = arith.cmpi eq, %select_n3A_131, %select_n3A : i32
        %select_n3A_133 = arith.constant 0 : i32
        %select_n3A_134 = arith.select %eq3A_132, %select_n3A_133, %select_n3A_131 : i32
        %add3A_135 = arith.addi %select_n3A_134, %select_n3A_14 : i32
        %convert_element_type3A_136 = arith.extui %eq3A_108 : i1 to i32
        %cond3A_137 = arith.constant 0 : i32
        %cond3A_138 = arith.cmpi ne, %convert_element_type3A_136, %cond3A_137 : i32
        scf.if %cond3A_138 {
        } else {
        }
        %convert_element_type3A_139 = arith.extui %eq3A_108 : i1 to i32
        %cond3A_140 = arith.constant 0 : i32
        %cond3A_141 = arith.cmpi ne, %convert_element_type3A_139, %cond3A_140 : i32
        scf.if %cond3A_141 {
          "tpu.trace_start"() <{level = 10 : i32, message = "ep_finalize"}> : () -> ()
          %rem3A_142 = arith.constant 2 : i32
          %rem3A_143 = arith.remui %while3A_90#3, %rem3A_142 : i32
          %mul3A_144 = arith.constant 128 : i32
          %mul3A_145 = arith.muli %mul3A_144, %add3A_109 : i32
          %dma_wait3A = arith.constant 0 : i32
          %dma_wait3A_146 = arith.constant 0 : i32
          %dma_wait3A_147 = tpu.memref_slice %run_scoped3A_18[%rem3A_143, %dma_wait3A, %dma_wait3A_146] : memref<2x128x256xf32, #tpu.memory_space<vmem>> -> memref<1x128x256xf32, #tpu.memory_space<vmem>>
          %dma_wait3A_148 = tpu.memref_squeeze %dma_wait3A_147 : memref<1x128x256xf32, #tpu.memory_space<vmem>> -> memref<128x256xf32, #tpu.memory_space<vmem>>
          %dma_wait3A_149 = arith.constant 0 : i32
          %dma_wait3A_150 = tpu.memref_slice %arg4[%mul3A_145, %dma_wait3A_149] : memref<160000x256xf32, #tpu.memory_space<hbm>> -> memref<128x256xf32, #tpu.memory_space<hbm>>
          %dma_wait3A_151 = tpu.memref_slice %run_scoped3A_19[%rem3A_143] : memref<2x!tpu.dma_semaphore, #tpu.memory_space<semaphore_mem>> -> memref<1x!tpu.dma_semaphore, #tpu.memory_space<semaphore_mem>>
          %dma_wait3A_152 = tpu.memref_squeeze %dma_wait3A_151 : memref<1x!tpu.dma_semaphore, #tpu.memory_space<semaphore_mem>> -> memref<!tpu.dma_semaphore, #tpu.memory_space<semaphore_mem>>
          %dma_wait3A_153 = arith.constant 0 : i32
          %dma_wait3A_154 = tpu.memref_slice %arg4[%mul3A_145, %dma_wait3A_153] : memref<160000x256xf32, #tpu.memory_space<hbm>> -> memref<128x256xf32, #tpu.memory_space<hbm>>
          %dma_wait3A_155 = arith.constant 0 : i32
          %dma_wait3A_156 = arith.constant 0 : i32
          %dma_wait3A_157 = tpu.memref_slice %run_scoped3A_18[%rem3A_143, %dma_wait3A_155, %dma_wait3A_156] : memref<2x128x256xf32, #tpu.memory_space<vmem>> -> memref<1x128x256xf32, #tpu.memory_space<vmem>>
          %dma_wait3A_158 = tpu.memref_squeeze %dma_wait3A_157 : memref<1x128x256xf32, #tpu.memory_space<vmem>> -> memref<128x256xf32, #tpu.memory_space<vmem>>
          tpu.wait_dma2 semaphore(%dma_wait3A_152 : memref<!tpu.dma_semaphore, #tpu.memory_space<semaphore_mem>>) src(%dma_wait3A_158 : memref<128x256xf32, #tpu.memory_space<vmem>>) dst(%dma_wait3A_154 : memref<128x256xf32, #tpu.memory_space<hbm>>)
          "tpu.trace_stop"() : () -> ()
        } else {
        }
      } else {
      }
      tpu.yield
    }) : () -> ()
    return
  }
}

#map = affine_map<(d0, d1) -> (0, 0)>
module attributes {stable_mosaic.version = 14 : i64} {
  func.func @gather_kernel(%arg0: i32, %arg1: i32, %arg2: memref<10000x256xf32, #tpu.memory_space<hbm>>, %arg3: memref<1x160000xi32, #tpu.memory_space<hbm>>, %arg4: memref<160000x256xf32, #tpu.memory_space<hbm>>) attributes {dimension_semantics = [#tpu.dimension_semantics<core_parallel>, #tpu.dimension_semantics<subcore_parallel>], iteration_bounds = array<i64: 2, 16>, scalar_prefetch = 0 : i64, scratch_operands = 0 : i64, tpu.core_type = #tpu.core_type<sc_vector_subcore>, window_params = [{transform_indices = #map}, {transform_indices = #map}, {transform_indices = #map}]} {
    %mul3A = arith.constant 1 : i32
    %mul3A_0 = arith.muli %arg1, %mul3A : i32
    %add3A = arith.constant 0 : i32
    %add3A_1 = arith.addi %add3A, %mul3A_0 : i32
    %mul3A_2 = arith.constant 16 : i32
    %mul3A_3 = arith.muli %arg0, %mul3A_2 : i32
    %add3A_4 = arith.addi %add3A_1, %mul3A_3 : i32
    %lt3A = arith.constant 2 : i32
    %lt3A_5 = arith.cmpi slt, %add3A_4, %lt3A : i32
    %jit3A = arith.constant 40 : i32
    %jit3A_6 = arith.constant 39 : i32
    %select_n3A = arith.select %lt3A_5, %jit3A, %jit3A_6 : i32
    %lt3A_7 = arith.constant 2 : i32
    %lt3A_8 = arith.cmpi slt, %add3A_4, %lt3A_7 : i32
    %mul3A_9 = arith.muli %add3A_4, %select_n3A : i32
    %mul3A_10 = arith.constant 39 : i32
    %mul3A_11 = arith.muli %add3A_4, %mul3A_10 : i32
    %add3A_12 = arith.constant 2 : i32
    %add3A_13 = arith.addi %mul3A_11, %add3A_12 : i32
    %select_n3A_14 = arith.select %lt3A_8, %mul3A_9, %add3A_13 : i32
    %mul3A_15 = arith.constant 1 : i32
    %mul3A_16 = arith.muli %mul3A_15, %select_n3A : i32
    "tpu.region"() ({
      %run_scoped3A = memref.alloca() : memref<2x1x128xi32, #tpu.memory_space<vmem>>
      %run_scoped3A_17 = tpu.sem_alloc : memref<2x!tpu.dma_semaphore, #tpu.memory_space<semaphore_mem>>
      %run_scoped3A_18 = memref.alloca() : memref<2x128x256xf32, #tpu.memory_space<vmem>>
      %run_scoped3A_19 = tpu.sem_alloc : memref<2x!tpu.dma_semaphore, #tpu.memory_space<semaphore_mem>>
      %gt3A = arith.constant 0 : i32
      %gt3A_20 = arith.cmpi sgt, %mul3A_16, %gt3A : i32
      %convert_element_type3A = arith.extui %gt3A_20 : i1 to i32
      %cond3A = arith.constant 0 : i32
      %cond3A_21 = arith.cmpi ne, %convert_element_type3A, %cond3A : i32
      scf.if %cond3A_21 {
        %mul3A_22 = arith.constant 1 : i32
        %mul3A_23 = arith.muli %mul3A_22, %select_n3A : i32
        %sub3A = arith.constant 1 : i32
        %sub3A_24 = arith.subi %mul3A_23, %sub3A : i32
        %eq3A = arith.constant 0 : i32
        %eq3A_25 = arith.cmpi eq, %sub3A_24, %eq3A : i32
        %add3A_26 = arith.constant 0 : i32
        %add3A_27 = arith.addi %add3A_26, %select_n3A_14 : i32
        %select_n3A_28 = arith.constant true
        %select_n3A_29 = arith.constant 0 : i32
        %select_n3A_30 = arith.constant -1 : i32
        %select_n3A_31 = arith.select %select_n3A_28, %select_n3A_30, %select_n3A_29 : i32
        %eq3A_32 = arith.constant -1 : i32
        %eq3A_33 = arith.cmpi eq, %select_n3A_31, %eq3A_32 : i32
        %sub3A_34 = arith.constant 1 : i32
        %sub3A_35 = arith.subi %select_n3A, %sub3A_34 : i32
        %select_n3A_36 = arith.select %eq3A_33, %sub3A_35, %select_n3A_31 : i32
        %add3A_37 = arith.addi %select_n3A_36, %select_n3A_14 : i32
        %select_n3A_38 = arith.constant true
        %select_n3A_39 = arith.constant 0 : i32
        %select_n3A_40 = arith.constant 1 : i32
        %select_n3A_41 = arith.select %select_n3A_38, %select_n3A_40, %select_n3A_39 : i32
        %eq3A_42 = arith.cmpi eq, %select_n3A_41, %select_n3A : i32
        %select_n3A_43 = arith.constant 0 : i32
        %select_n3A_44 = arith.select %eq3A_42, %select_n3A_43, %select_n3A_41 : i32
        %add3A_45 = arith.addi %select_n3A_44, %select_n3A_14 : i32
        %add3A_46 = arith.constant 1 : i32
        %add3A_47 = arith.addi %select_n3A_44, %add3A_46 : i32
        %select_n3A_48 = arith.constant true
        %select_n3A_49 = arith.select %select_n3A_48, %add3A_47, %select_n3A_44 : i32
        %eq3A_50 = arith.cmpi eq, %select_n3A_49, %select_n3A : i32
        %select_n3A_51 = arith.constant 0 : i32
        %select_n3A_52 = arith.select %eq3A_50, %select_n3A_51, %select_n3A_49 : i32
        %add3A_53 = arith.addi %select_n3A_52, %select_n3A_14 : i32
        "tpu.trace_start"() <{level = 10 : i32, message = "ep_initialize_0"}> : () -> ()
        %rem3A = arith.constant 0 : i32
        %rem3A_54 = arith.constant 2 : i32
        %rem3A_55 = arith.remui %rem3A, %rem3A_54 : i32
        %mul3A_56 = arith.constant 128 : i32
        %mul3A_57 = arith.muli %mul3A_56, %add3A_27 : i32
        %dma_start3A = arith.constant 0 : i32
        %dma_start3A_58 = arith.constant 0 : i32
        %dma_start3A_59 = tpu.memref_slice %run_scoped3A[%rem3A_55, %dma_start3A, %dma_start3A_58] : memref<2x1x128xi32, #tpu.memory_space<vmem>> -> memref<1x1x128xi32, #tpu.memory_space<vmem>>
        %dma_start3A_60 = tpu.memref_squeeze %dma_start3A_59 : memref<1x1x128xi32, #tpu.memory_space<vmem>> -> memref<1x128xi32, #tpu.memory_space<vmem>>
        %dma_start3A_61 = arith.constant 0 : i32
        %dma_start3A_62 = tpu.memref_slice %arg3[%dma_start3A_61, %mul3A_57] : memref<1x160000xi32, #tpu.memory_space<hbm>> -> memref<1x128xi32, #tpu.memory_space<hbm>>
        %dma_start3A_63 = tpu.memref_slice %run_scoped3A_17[%rem3A_55] : memref<2x!tpu.dma_semaphore, #tpu.memory_space<semaphore_mem>> -> memref<1x!tpu.dma_semaphore, #tpu.memory_space<semaphore_mem>>
        %dma_start3A_64 = tpu.memref_squeeze %dma_start3A_63 : memref<1x!tpu.dma_semaphore, #tpu.memory_space<semaphore_mem>> -> memref<!tpu.dma_semaphore, #tpu.memory_space<semaphore_mem>>
        %dma_start3A_65 = arith.constant 0 : i32
        %dma_start3A_66 = arith.constant 0 : i32
        %dma_start3A_67 = tpu.memref_slice %run_scoped3A[%rem3A_55, %dma_start3A_65, %dma_start3A_66] : memref<2x1x128xi32, #tpu.memory_space<vmem>> -> memref<1x1x128xi32, #tpu.memory_space<vmem>>
        %dma_start3A_68 = tpu.memref_squeeze %dma_start3A_67 : memref<1x1x128xi32, #tpu.memory_space<vmem>> -> memref<1x128xi32, #tpu.memory_space<vmem>>
        %dma_start3A_69 = arith.constant 0 : i32
        %dma_start3A_70 = tpu.memref_slice %arg3[%dma_start3A_69, %mul3A_57] : memref<1x160000xi32, #tpu.memory_space<hbm>> -> memref<1x128xi32, #tpu.memory_space<hbm>>
        tpu.enqueue_dma source(%dma_start3A_70 : memref<1x128xi32, #tpu.memory_space<hbm>>) target(%dma_start3A_68 : memref<1x128xi32, #tpu.memory_space<vmem>>) target_semaphore(%dma_start3A_64 : memref<!tpu.dma_semaphore, #tpu.memory_space<semaphore_mem>>)
        %add3A_71 = arith.constant 0 : i32
        %add3A_72 = arith.constant 1 : i32
        %add3A_73 = arith.addi %add3A_71, %add3A_72 : i32
        %select_n3A_74 = arith.constant true
        %select_n3A_75 = arith.constant 0 : i32
        %select_n3A_76 = arith.select %select_n3A_74, %add3A_73, %select_n3A_75 : i32
        %while3A = arith.constant 0 : i32
        %while3A_77 = arith.constant 0 : i32
        %while3A_78 = arith.constant 0 : i32
        %while3A_79 = arith.constant 0 : i32
        %while3A_80 = arith.constant 0 : i32
        "tpu.trace_stop"() : () -> ()
        %while3A_81 = arith.subi %mul3A_16, %while3A : i32
        %while3A_82 = arith.addi %while3A, %while3A_81 : i32
        %while3A_83 = arith.constant 1 : i32
        %while3A_84 = arith.divsi %while3A_81, %while3A_83 : i32
        %while3A_85 = arith.muli %while3A_84, %while3A_83 : i32
        %while3A_86 = arith.addi %while3A, %while3A_85 : i32
        %while3A_87 = arith.constant 1 : i32
        %while3A_88:5 = scf.for %while3A_142 = %while3A to %while3A_86 step %while3A_87 iter_args(%while3A_143 = %select_n3A_76, %while3A_144 = %while3A_77, %while3A_145 = %while3A_78, %while3A_146 = %while3A_79, %while3A_147 = %while3A_80) -> (i32, i32, i32, i32, i32)  : i32 {
          %mul3A_148 = arith.constant 1 : i32
          %mul3A_149 = arith.muli %mul3A_148, %select_n3A : i32
          %eq3A_150 = arith.constant 0 : i32
          %eq3A_151 = arith.cmpi eq, %while3A_142, %eq3A_150 : i32
          %sub3A_152 = arith.constant 1 : i32
          %sub3A_153 = arith.subi %mul3A_149, %sub3A_152 : i32
          %eq3A_154 = arith.cmpi eq, %while3A_142, %sub3A_153 : i32
          %add3A_155 = arith.addi %while3A_147, %select_n3A_14 : i32
          %sub3A_156 = arith.constant 1 : i32
          %sub3A_157 = arith.subi %while3A_147, %sub3A_156 : i32
          %select_n3A_158 = arith.constant true
          %select_n3A_159 = arith.select %select_n3A_158, %sub3A_157, %while3A_147 : i32
          %eq3A_160 = arith.constant -1 : i32
          %eq3A_161 = arith.cmpi eq, %select_n3A_159, %eq3A_160 : i32
          %sub3A_162 = arith.constant 1 : i32
          %sub3A_163 = arith.subi %select_n3A, %sub3A_162 : i32
          %select_n3A_164 = arith.select %eq3A_161, %sub3A_163, %select_n3A_159 : i32
          %add3A_165 = arith.addi %select_n3A_164, %select_n3A_14 : i32
          %add3A_166 = arith.constant 1 : i32
          %add3A_167 = arith.addi %while3A_147, %add3A_166 : i32
          %select_n3A_168 = arith.constant true
          %select_n3A_169 = arith.select %select_n3A_168, %add3A_167, %while3A_147 : i32
          %eq3A_170 = arith.cmpi eq, %select_n3A_169, %select_n3A : i32
          %select_n3A_171 = arith.constant 0 : i32
          %select_n3A_172 = arith.select %eq3A_170, %select_n3A_171, %select_n3A_169 : i32
          %add3A_173 = arith.addi %select_n3A_172, %select_n3A_14 : i32
          %add3A_174 = arith.constant 1 : i32
          %add3A_175 = arith.addi %select_n3A_172, %add3A_174 : i32
          %select_n3A_176 = arith.constant true
          %select_n3A_177 = arith.select %select_n3A_176, %add3A_175, %select_n3A_172 : i32
          %eq3A_178 = arith.cmpi eq, %select_n3A_177, %select_n3A : i32
          %select_n3A_179 = arith.constant 0 : i32
          %select_n3A_180 = arith.select %eq3A_178, %select_n3A_179, %select_n3A_177 : i32
          %add3A_181 = arith.addi %select_n3A_180, %select_n3A_14 : i32
          %ne3A = arith.cmpi ne, %add3A_155, %add3A_173 : i32
          %or3A = arith.constant false
          %or3A_182 = arith.ori %or3A, %ne3A : i1
          %sub3A_183 = arith.constant 2 : i32
          %sub3A_184 = arith.subi %mul3A_149, %sub3A_183 : i32
          %add3A_185 = arith.constant 1 : i32
          %add3A_186 = arith.addi %sub3A_184, %add3A_185 : i32
          %ge3A = arith.cmpi sge, %while3A_142, %add3A_186 : i32
          %not3A = arith.constant true
          %not3A_187 = arith.xori %ge3A, %not3A : i1
          %and3A = arith.andi %or3A_182, %not3A_187 : i1
          %convert_element_type3A_188 = arith.extui %and3A : i1 to i32
          %cond3A_189 = arith.constant 0 : i32
          %cond3A_190 = arith.cmpi ne, %convert_element_type3A_188, %cond3A_189 : i32
          scf.if %cond3A_190 {
            "tpu.trace_start"() <{level = 10 : i32, message = "ep_copy_in"}> : () -> ()
            %rem3A_294 = arith.constant 2 : i32
            %rem3A_295 = arith.remui %while3A_143, %rem3A_294 : i32
            %mul3A_296 = arith.constant 128 : i32
            %mul3A_297 = arith.muli %mul3A_296, %add3A_173 : i32
            %dma_start3A_298 = arith.constant 0 : i32
            %dma_start3A_299 = arith.constant 0 : i32
            %dma_start3A_300 = tpu.memref_slice %run_scoped3A[%rem3A_295, %dma_start3A_298, %dma_start3A_299] : memref<2x1x128xi32, #tpu.memory_space<vmem>> -> memref<1x1x128xi32, #tpu.memory_space<vmem>>
            %dma_start3A_301 = tpu.memref_squeeze %dma_start3A_300 : memref<1x1x128xi32, #tpu.memory_space<vmem>> -> memref<1x128xi32, #tpu.memory_space<vmem>>
            %dma_start3A_302 = arith.constant 0 : i32
            %dma_start3A_303 = tpu.memref_slice %arg3[%dma_start3A_302, %mul3A_297] : memref<1x160000xi32, #tpu.memory_space<hbm>> -> memref<1x128xi32, #tpu.memory_space<hbm>>
            %dma_start3A_304 = tpu.memref_slice %run_scoped3A_17[%rem3A_295] : memref<2x!tpu.dma_semaphore, #tpu.memory_space<semaphore_mem>> -> memref<1x!tpu.dma_semaphore, #tpu.memory_space<semaphore_mem>>
            %dma_start3A_305 = tpu.memref_squeeze %dma_start3A_304 : memref<1x!tpu.dma_semaphore, #tpu.memory_space<semaphore_mem>> -> memref<!tpu.dma_semaphore, #tpu.memory_space<semaphore_mem>>
            %dma_start3A_306 = arith.constant 0 : i32
            %dma_start3A_307 = arith.constant 0 : i32
            %dma_start3A_308 = tpu.memref_slice %run_scoped3A[%rem3A_295, %dma_start3A_306, %dma_start3A_307] : memref<2x1x128xi32, #tpu.memory_space<vmem>> -> memref<1x1x128xi32, #tpu.memory_space<vmem>>
            %dma_start3A_309 = tpu.memref_squeeze %dma_start3A_308 : memref<1x1x128xi32, #tpu.memory_space<vmem>> -> memref<1x128xi32, #tpu.memory_space<vmem>>
            %dma_start3A_310 = arith.constant 0 : i32
            %dma_start3A_311 = tpu.memref_slice %arg3[%dma_start3A_310, %mul3A_297] : memref<1x160000xi32, #tpu.memory_space<hbm>> -> memref<1x128xi32, #tpu.memory_space<hbm>>
            tpu.enqueue_dma source(%dma_start3A_311 : memref<1x128xi32, #tpu.memory_space<hbm>>) target(%dma_start3A_309 : memref<1x128xi32, #tpu.memory_space<vmem>>) target_semaphore(%dma_start3A_305 : memref<!tpu.dma_semaphore, #tpu.memory_space<semaphore_mem>>)
            "tpu.trace_stop"() : () -> ()
          } else {
          }
          %and3A_191 = arith.constant true
          %and3A_192 = arith.andi %and3A, %and3A_191 : i1
          %add3A_193 = arith.constant 1 : i32
          %add3A_194 = arith.addi %while3A_143, %add3A_193 : i32
          %select_n3A_195 = arith.select %and3A_192, %add3A_194, %while3A_143 : i32
          %ne3A_196 = arith.cmpi ne, %add3A_155, %add3A_173 : i32
          %or3A_197 = arith.constant false
          %or3A_198 = arith.ori %or3A_197, %ne3A_196 : i1
          %or3A_199 = arith.constant false
          %or3A_200 = arith.ori %or3A_198, %or3A_199 : i1
          %sub3A_201 = arith.constant 2 : i32
          %sub3A_202 = arith.subi %mul3A_149, %sub3A_201 : i32
          %add3A_203 = arith.constant 1 : i32
          %add3A_204 = arith.addi %sub3A_202, %add3A_203 : i32
          %ge3A_205 = arith.cmpi sge, %while3A_142, %add3A_204 : i32
          %not3A_206 = arith.constant true
          %not3A_207 = arith.xori %ge3A_205, %not3A_206 : i1
          %and3A_208 = arith.andi %or3A_200, %not3A_207 : i1
          %ne3A_209 = arith.cmpi ne, %add3A_155, %add3A_165 : i32
          %or3A_210 = arith.constant false
          %or3A_211 = arith.ori %or3A_210, %ne3A_209 : i1
          %or3A_212 = arith.ori %or3A_211, %eq3A_151 : i1
          %convert_element_type3A_213 = arith.extui %or3A_212 : i1 to i32
          %cond3A_214 = arith.constant 0 : i32
          %cond3A_215 = arith.cmpi ne, %convert_element_type3A_213, %cond3A_214 : i32
          scf.if %cond3A_215 {
            "tpu.trace_start"() <{level = 10 : i32, message = "ep_wait_in"}> : () -> ()
            %mul3A_294 = arith.constant 128 : i32
            %mul3A_295 = arith.muli %mul3A_294, %add3A_155 : i32
            %rem3A_296 = arith.constant 2 : i32
            %rem3A_297 = arith.remui %while3A_144, %rem3A_296 : i32
            %dma_wait3A = arith.constant 0 : i32
            %dma_wait3A_298 = arith.constant 0 : i32
            %dma_wait3A_299 = tpu.memref_slice %run_scoped3A[%rem3A_297, %dma_wait3A, %dma_wait3A_298] : memref<2x1x128xi32, #tpu.memory_space<vmem>> -> memref<1x1x128xi32, #tpu.memory_space<vmem>>
            %dma_wait3A_300 = tpu.memref_squeeze %dma_wait3A_299 : memref<1x1x128xi32, #tpu.memory_space<vmem>> -> memref<1x128xi32, #tpu.memory_space<vmem>>
            %dma_wait3A_301 = arith.constant 0 : i32
            %dma_wait3A_302 = tpu.memref_slice %arg3[%dma_wait3A_301, %mul3A_295] : memref<1x160000xi32, #tpu.memory_space<hbm>> -> memref<1x128xi32, #tpu.memory_space<hbm>>
            %dma_wait3A_303 = tpu.memref_slice %run_scoped3A_17[%rem3A_297] : memref<2x!tpu.dma_semaphore, #tpu.memory_space<semaphore_mem>> -> memref<1x!tpu.dma_semaphore, #tpu.memory_space<semaphore_mem>>
            %dma_wait3A_304 = tpu.memref_squeeze %dma_wait3A_303 : memref<1x!tpu.dma_semaphore, #tpu.memory_space<semaphore_mem>> -> memref<!tpu.dma_semaphore, #tpu.memory_space<semaphore_mem>>
            %dma_wait3A_305 = arith.constant 0 : i32
            %dma_wait3A_306 = arith.constant 0 : i32
            %dma_wait3A_307 = tpu.memref_slice %run_scoped3A[%rem3A_297, %dma_wait3A_305, %dma_wait3A_306] : memref<2x1x128xi32, #tpu.memory_space<vmem>> -> memref<1x1x128xi32, #tpu.memory_space<vmem>>
            %dma_wait3A_308 = tpu.memref_squeeze %dma_wait3A_307 : memref<1x1x128xi32, #tpu.memory_space<vmem>> -> memref<1x128xi32, #tpu.memory_space<vmem>>
            %dma_wait3A_309 = arith.constant 0 : i32
            %dma_wait3A_310 = tpu.memref_slice %arg3[%dma_wait3A_309, %mul3A_295] : memref<1x160000xi32, #tpu.memory_space<hbm>> -> memref<1x128xi32, #tpu.memory_space<hbm>>
            tpu.wait_dma2 semaphore(%dma_wait3A_304 : memref<!tpu.dma_semaphore, #tpu.memory_space<semaphore_mem>>) src(%dma_wait3A_310 : memref<1x128xi32, #tpu.memory_space<hbm>>) dst(%dma_wait3A_308 : memref<1x128xi32, #tpu.memory_space<vmem>>)
            "tpu.trace_stop"() : () -> ()
          } else {
          }
          %ne3A_216 = arith.cmpi ne, %add3A_155, %add3A_165 : i32
          %or3A_217 = arith.constant false
          %or3A_218 = arith.ori %or3A_217, %ne3A_216 : i1
          %or3A_219 = arith.constant false
          %or3A_220 = arith.ori %or3A_218, %or3A_219 : i1
          %or3A_221 = arith.ori %or3A_220, %eq3A_151 : i1
          %convert_element_type3A_222 = arith.extui %or3A_221 : i1 to i32
          %cond3A_223 = arith.constant 0 : i32
          %cond3A_224 = arith.cmpi ne, %convert_element_type3A_222, %cond3A_223 : i32
          scf.if %cond3A_224 {
          } else {
          }
          %rem3A_225 = arith.constant 2 : i32
          %rem3A_226 = arith.remui %while3A_144, %rem3A_225 : i32
          %rem3A_227 = arith.constant 2 : i32
          %rem3A_228 = arith.remui %while3A_145, %rem3A_227 : i32
          %run_scoped3A_229 = arith.constant 0 : i32
          "tpu.trace_start"() <{level = 10 : i32, message = "ep_run_kernel"}> : () -> ()
          "tpu.region"() ({
            %run_scoped3A_294 = tpu.sem_alloc : memref<!tpu.dma_semaphore, #tpu.memory_space<semaphore_mem>>
            %dma_start3A_295 = arith.constant 0 : i32
            %dma_start3A_296 = arith.constant 0 : i32
            %dma_start3A_297 = tpu.memref_slice %run_scoped3A_18[%rem3A_228, %dma_start3A_295, %dma_start3A_296] : memref<2x128x256xf32, #tpu.memory_space<vmem>> -> memref<1x128x256xf32, #tpu.memory_space<vmem>>
            %dma_start3A_298 = tpu.memref_squeeze %dma_start3A_297 : memref<1x128x256xf32, #tpu.memory_space<vmem>> -> memref<128x256xf32, #tpu.memory_space<vmem>>
            %dma_start3A_299 = arith.constant 0 : i32
            %dma_start3A_300 = arith.constant 0 : i32
            %dma_start3A_301 = tpu.memref_slice %run_scoped3A[%rem3A_226, %dma_start3A_299, %dma_start3A_300] : memref<2x1x128xi32, #tpu.memory_space<vmem>> -> memref<1x1x128xi32, #tpu.memory_space<vmem>>
            %dma_start3A_302 = tpu.memref_squeeze %dma_start3A_301 : memref<1x1x128xi32, #tpu.memory_space<vmem>> -> memref<1x128xi32, #tpu.memory_space<vmem>>
            %dma_start3A_303 = arith.constant 0 : i32
            %dma_start3A_304 = tpu.memref_slice %dma_start3A_302[%run_scoped3A_229, %dma_start3A_303] : memref<1x128xi32, #tpu.memory_space<vmem>> -> memref<1x128xi32, #tpu.memory_space<vmem>>
            %dma_start3A_305 = tpu.memref_squeeze %dma_start3A_304 : memref<1x128xi32, #tpu.memory_space<vmem>> -> memref<128xi32, #tpu.memory_space<vmem>>
            %dma_start3A_306 = arith.constant 0 : i32
            %dma_start3A_307 = arith.constant 0 : i32
            %dma_start3A_308 = tpu.memref_slice %arg2[%dma_start3A_306, %dma_start3A_307] : memref<10000x256xf32, #tpu.memory_space<hbm>> -> memref<10000x256xf32, #tpu.memory_space<hbm>>
            tpu.enqueue_indirect_dma source(%dma_start3A_308 : memref<10000x256xf32, #tpu.memory_space<hbm>>) target(%dma_start3A_298 : memref<128x256xf32, #tpu.memory_space<vmem>>) offsets(%dma_start3A_305 : memref<128xi32, #tpu.memory_space<vmem>>) semaphore(%run_scoped3A_294 : memref<!tpu.dma_semaphore, #tpu.memory_space<semaphore_mem>>)
            %dma_wait3A = arith.constant 0 : i32
            %dma_wait3A_309 = arith.constant 0 : i32
            %dma_wait3A_310 = tpu.memref_slice %run_scoped3A_18[%rem3A_228, %dma_wait3A, %dma_wait3A_309] : memref<2x128x256xf32, #tpu.memory_space<vmem>> -> memref<1x128x256xf32, #tpu.memory_space<vmem>>
            %dma_wait3A_311 = tpu.memref_squeeze %dma_wait3A_310 : memref<1x128x256xf32, #tpu.memory_space<vmem>> -> memref<128x256xf32, #tpu.memory_space<vmem>>
            %dma_wait3A_312 = arith.constant 0 : i32
            %dma_wait3A_313 = arith.constant 0 : i32
            %dma_wait3A_314 = tpu.memref_slice %run_scoped3A[%rem3A_226, %dma_wait3A_312, %dma_wait3A_313] : memref<2x1x128xi32, #tpu.memory_space<vmem>> -> memref<1x1x128xi32, #tpu.memory_space<vmem>>
            %dma_wait3A_315 = tpu.memref_squeeze %dma_wait3A_314 : memref<1x1x128xi32, #tpu.memory_space<vmem>> -> memref<1x128xi32, #tpu.memory_space<vmem>>
            %dma_wait3A_316 = arith.constant 0 : i32
            %dma_wait3A_317 = tpu.memref_slice %dma_wait3A_315[%run_scoped3A_229, %dma_wait3A_316] : memref<1x128xi32, #tpu.memory_space<vmem>> -> memref<1x128xi32, #tpu.memory_space<vmem>>
            %dma_wait3A_318 = tpu.memref_squeeze %dma_wait3A_317 : memref<1x128xi32, #tpu.memory_space<vmem>> -> memref<128xi32, #tpu.memory_space<vmem>>
            %dma_wait3A_319 = arith.constant 0 : i32
            %dma_wait3A_320 = arith.constant 0 : i32
            %dma_wait3A_321 = tpu.memref_slice %arg2[%dma_wait3A_319, %dma_wait3A_320] : memref<10000x256xf32, #tpu.memory_space<hbm>> -> memref<10000x256xf32, #tpu.memory_space<hbm>>
            tpu.wait_indirect_dma semaphore(%run_scoped3A_294 : memref<!tpu.dma_semaphore, #tpu.memory_space<semaphore_mem>>) src(%dma_wait3A_321 : memref<10000x256xf32, #tpu.memory_space<hbm>>) dst(%dma_wait3A_311 : memref<128x256xf32, #tpu.memory_space<vmem>>)
            tpu.yield
          }) : () -> ()
          "tpu.trace_stop"() : () -> ()
          %ne3A_230 = arith.cmpi ne, %add3A_155, %add3A_173 : i32
          %or3A_231 = arith.constant false
          %or3A_232 = arith.ori %or3A_231, %ne3A_230 : i1
          %or3A_233 = arith.ori %or3A_232, %eq3A_154 : i1
          %convert_element_type3A_234 = arith.extui %or3A_233 : i1 to i32
          %cond3A_235 = arith.constant 0 : i32
          %cond3A_236 = arith.cmpi ne, %convert_element_type3A_234, %cond3A_235 : i32
          scf.if %cond3A_236 {
          } else {
          }
          %and3A_237 = arith.constant false
          %and3A_238 = arith.andi %or3A_233, %and3A_237 : i1
          %ne3A_239 = arith.cmpi ne, %add3A_155, %add3A_173 : i32
          %or3A_240 = arith.constant false
          %or3A_241 = arith.ori %or3A_240, %ne3A_239 : i1
          %or3A_242 = arith.constant false
          %or3A_243 = arith.ori %or3A_241, %or3A_242 : i1
          %or3A_244 = arith.ori %or3A_243, %eq3A_154 : i1
          %convert_element_type3A_245 = arith.extui %or3A_244 : i1 to i32
          %cond3A_246 = arith.constant 0 : i32
          %cond3A_247 = arith.cmpi ne, %convert_element_type3A_245, %cond3A_246 : i32
          scf.if %cond3A_247 {
            "tpu.trace_start"() <{level = 10 : i32, message = "ep_copy_out"}> : () -> ()
            %rem3A_294 = arith.constant 2 : i32
            %rem3A_295 = arith.remui %while3A_145, %rem3A_294 : i32
            %mul3A_296 = arith.constant 128 : i32
            %mul3A_297 = arith.muli %mul3A_296, %add3A_155 : i32
            %dma_start3A_298 = arith.constant 0 : i32
            %dma_start3A_299 = arith.constant 0 : i32
            %dma_start3A_300 = tpu.memref_slice %run_scoped3A_18[%rem3A_295, %dma_start3A_298, %dma_start3A_299] : memref<2x128x256xf32, #tpu.memory_space<vmem>> -> memref<1x128x256xf32, #tpu.memory_space<vmem>>
            %dma_start3A_301 = tpu.memref_squeeze %dma_start3A_300 : memref<1x128x256xf32, #tpu.memory_space<vmem>> -> memref<128x256xf32, #tpu.memory_space<vmem>>
            %dma_start3A_302 = arith.constant 0 : i32
            %dma_start3A_303 = tpu.memref_slice %arg4[%mul3A_297, %dma_start3A_302] : memref<160000x256xf32, #tpu.memory_space<hbm>> -> memref<128x256xf32, #tpu.memory_space<hbm>>
            %dma_start3A_304 = tpu.memref_slice %run_scoped3A_19[%rem3A_295] : memref<2x!tpu.dma_semaphore, #tpu.memory_space<semaphore_mem>> -> memref<1x!tpu.dma_semaphore, #tpu.memory_space<semaphore_mem>>
            %dma_start3A_305 = tpu.memref_squeeze %dma_start3A_304 : memref<1x!tpu.dma_semaphore, #tpu.memory_space<semaphore_mem>> -> memref<!tpu.dma_semaphore, #tpu.memory_space<semaphore_mem>>
            %dma_start3A_306 = arith.constant 0 : i32
            %dma_start3A_307 = tpu.memref_slice %arg4[%mul3A_297, %dma_start3A_306] : memref<160000x256xf32, #tpu.memory_space<hbm>> -> memref<128x256xf32, #tpu.memory_space<hbm>>
            %dma_start3A_308 = arith.constant 0 : i32
            %dma_start3A_309 = arith.constant 0 : i32
            %dma_start3A_310 = tpu.memref_slice %run_scoped3A_18[%rem3A_295, %dma_start3A_308, %dma_start3A_309] : memref<2x128x256xf32, #tpu.memory_space<vmem>> -> memref<1x128x256xf32, #tpu.memory_space<vmem>>
            %dma_start3A_311 = tpu.memref_squeeze %dma_start3A_310 : memref<1x128x256xf32, #tpu.memory_space<vmem>> -> memref<128x256xf32, #tpu.memory_space<vmem>>
            tpu.enqueue_dma source(%dma_start3A_311 : memref<128x256xf32, #tpu.memory_space<vmem>>) target(%dma_start3A_307 : memref<128x256xf32, #tpu.memory_space<hbm>>) target_semaphore(%dma_start3A_305 : memref<!tpu.dma_semaphore, #tpu.memory_space<semaphore_mem>>)
            "tpu.trace_stop"() : () -> ()
          } else {
          }
          %and3A_248 = arith.constant true
          %and3A_249 = arith.andi %or3A_244, %and3A_248 : i1
          %add3A_250 = arith.constant 1 : i32
          %add3A_251 = arith.addi %while3A_145, %add3A_250 : i32
          %select_n3A_252 = arith.select %and3A_249, %add3A_251, %while3A_145 : i32
          %ne3A_253 = arith.cmpi ne, %add3A_155, %add3A_165 : i32
          %or3A_254 = arith.constant false
          %or3A_255 = arith.ori %or3A_254, %ne3A_253 : i1
          %not3A_256 = arith.constant true
          %not3A_257 = arith.xori %eq3A_151, %not3A_256 : i1
          %and3A_258 = arith.andi %or3A_255, %not3A_257 : i1
          %convert_element_type3A_259 = arith.extui %and3A_258 : i1 to i32
          %cond3A_260 = arith.constant 0 : i32
          %cond3A_261 = arith.cmpi ne, %convert_element_type3A_259, %cond3A_260 : i32
          scf.if %cond3A_261 {
          } else {
          }
          %and3A_262 = arith.constant false
          %and3A_263 = arith.andi %and3A_258, %and3A_262 : i1
          %ne3A_264 = arith.cmpi ne, %add3A_155, %add3A_165 : i32
          %or3A_265 = arith.constant false
          %or3A_266 = arith.ori %or3A_265, %ne3A_264 : i1
          %or3A_267 = arith.constant false
          %or3A_268 = arith.ori %or3A_266, %or3A_267 : i1
          %not3A_269 = arith.constant true
          %not3A_270 = arith.xori %eq3A_151, %not3A_269 : i1
          %and3A_271 = arith.andi %or3A_268, %not3A_270 : i1
          %convert_element_type3A_272 = arith.extui %and3A_271 : i1 to i32
          %cond3A_273 = arith.constant 0 : i32
          %cond3A_274 = arith.cmpi ne, %convert_element_type3A_272, %cond3A_273 : i32
          scf.if %cond3A_274 {
            "tpu.trace_start"() <{level = 10 : i32, message = "ep_wait_out"}> : () -> ()
            %rem3A_294 = arith.constant 2 : i32
            %rem3A_295 = arith.remui %while3A_146, %rem3A_294 : i32
            %mul3A_296 = arith.constant 128 : i32
            %mul3A_297 = arith.muli %mul3A_296, %add3A_165 : i32
            %dma_wait3A = arith.constant 0 : i32
            %dma_wait3A_298 = arith.constant 0 : i32
            %dma_wait3A_299 = tpu.memref_slice %run_scoped3A_18[%rem3A_295, %dma_wait3A, %dma_wait3A_298] : memref<2x128x256xf32, #tpu.memory_space<vmem>> -> memref<1x128x256xf32, #tpu.memory_space<vmem>>
            %dma_wait3A_300 = tpu.memref_squeeze %dma_wait3A_299 : memref<1x128x256xf32, #tpu.memory_space<vmem>> -> memref<128x256xf32, #tpu.memory_space<vmem>>
            %dma_wait3A_301 = arith.constant 0 : i32
            %dma_wait3A_302 = tpu.memref_slice %arg4[%mul3A_297, %dma_wait3A_301] : memref<160000x256xf32, #tpu.memory_space<hbm>> -> memref<128x256xf32, #tpu.memory_space<hbm>>
            %dma_wait3A_303 = tpu.memref_slice %run_scoped3A_19[%rem3A_295] : memref<2x!tpu.dma_semaphore, #tpu.memory_space<semaphore_mem>> -> memref<1x!tpu.dma_semaphore, #tpu.memory_space<semaphore_mem>>
            %dma_wait3A_304 = tpu.memref_squeeze %dma_wait3A_303 : memref<1x!tpu.dma_semaphore, #tpu.memory_space<semaphore_mem>> -> memref<!tpu.dma_semaphore, #tpu.memory_space<semaphore_mem>>
            %dma_wait3A_305 = arith.constant 0 : i32
            %dma_wait3A_306 = tpu.memref_slice %arg4[%mul3A_297, %dma_wait3A_305] : memref<160000x256xf32, #tpu.memory_space<hbm>> -> memref<128x256xf32, #tpu.memory_space<hbm>>
            %dma_wait3A_307 = arith.constant 0 : i32
            %dma_wait3A_308 = arith.constant 0 : i32
            %dma_wait3A_309 = tpu.memref_slice %run_scoped3A_18[%rem3A_295, %dma_wait3A_307, %dma_wait3A_308] : memref<2x128x256xf32, #tpu.memory_space<vmem>> -> memref<1x128x256xf32, #tpu.memory_space<vmem>>
            %dma_wait3A_310 = tpu.memref_squeeze %dma_wait3A_309 : memref<1x128x256xf32, #tpu.memory_space<vmem>> -> memref<128x256xf32, #tpu.memory_space<vmem>>
            tpu.wait_dma2 semaphore(%dma_wait3A_304 : memref<!tpu.dma_semaphore, #tpu.memory_space<semaphore_mem>>) src(%dma_wait3A_310 : memref<128x256xf32, #tpu.memory_space<vmem>>) dst(%dma_wait3A_306 : memref<128x256xf32, #tpu.memory_space<hbm>>)
            "tpu.trace_stop"() : () -> ()
          } else {
          }
          %and3A_275 = arith.constant true
          %and3A_276 = arith.andi %and3A_271, %and3A_275 : i1
          %add3A_277 = arith.constant 1 : i32
          %add3A_278 = arith.addi %while3A_146, %add3A_277 : i32
          %select_n3A_279 = arith.select %and3A_276, %add3A_278, %while3A_146 : i32
          %ne3A_280 = arith.cmpi ne, %add3A_155, %add3A_173 : i32
          %or3A_281 = arith.constant false
          %or3A_282 = arith.ori %or3A_281, %ne3A_280 : i1
          %or3A_283 = arith.ori %or3A_282, %eq3A_154 : i1
          %add3A_284 = arith.constant 1 : i32
          %add3A_285 = arith.addi %while3A_144, %add3A_284 : i32
          %select_n3A_286 = arith.select %or3A_283, %add3A_285, %while3A_144 : i32
          %add3A_287 = arith.constant 1 : i32
          %add3A_288 = arith.addi %while3A_147, %add3A_287 : i32
          %select_n3A_289 = arith.constant true
          %select_n3A_290 = arith.select %select_n3A_289, %add3A_288, %while3A_147 : i32
          %eq3A_291 = arith.cmpi eq, %select_n3A_290, %select_n3A : i32
          %select_n3A_292 = arith.constant 0 : i32
          %select_n3A_293 = arith.select %eq3A_291, %select_n3A_292, %select_n3A_290 : i32
          scf.yield %select_n3A_195, %select_n3A_286, %select_n3A_252, %select_n3A_279, %select_n3A_293 : i32, i32, i32, i32, i32
        }
        %while3A_89 = arith.constant 1 : i32
        %while3A_90:5 = scf.for %while3A_142 = %while3A_86 to %while3A_82 step %while3A_89 iter_args(%while3A_143 = %while3A_88#0, %while3A_144 = %while3A_88#1, %while3A_145 = %while3A_88#2, %while3A_146 = %while3A_88#3, %while3A_147 = %while3A_88#4) -> (i32, i32, i32, i32, i32)  : i32 {
          %mul3A_148 = arith.constant 1 : i32
          %mul3A_149 = arith.muli %mul3A_148, %select_n3A : i32
          %eq3A_150 = arith.constant 0 : i32
          %eq3A_151 = arith.cmpi eq, %while3A_142, %eq3A_150 : i32
          %sub3A_152 = arith.constant 1 : i32
          %sub3A_153 = arith.subi %mul3A_149, %sub3A_152 : i32
          %eq3A_154 = arith.cmpi eq, %while3A_142, %sub3A_153 : i32
          %add3A_155 = arith.addi %while3A_147, %select_n3A_14 : i32
          %sub3A_156 = arith.constant 1 : i32
          %sub3A_157 = arith.subi %while3A_147, %sub3A_156 : i32
          %select_n3A_158 = arith.constant true
          %select_n3A_159 = arith.select %select_n3A_158, %sub3A_157, %while3A_147 : i32
          %eq3A_160 = arith.constant -1 : i32
          %eq3A_161 = arith.cmpi eq, %select_n3A_159, %eq3A_160 : i32
          %sub3A_162 = arith.constant 1 : i32
          %sub3A_163 = arith.subi %select_n3A, %sub3A_162 : i32
          %select_n3A_164 = arith.select %eq3A_161, %sub3A_163, %select_n3A_159 : i32
          %add3A_165 = arith.addi %select_n3A_164, %select_n3A_14 : i32
          %add3A_166 = arith.constant 1 : i32
          %add3A_167 = arith.addi %while3A_147, %add3A_166 : i32
          %select_n3A_168 = arith.constant true
          %select_n3A_169 = arith.select %select_n3A_168, %add3A_167, %while3A_147 : i32
          %eq3A_170 = arith.cmpi eq, %select_n3A_169, %select_n3A : i32
          %select_n3A_171 = arith.constant 0 : i32
          %select_n3A_172 = arith.select %eq3A_170, %select_n3A_171, %select_n3A_169 : i32
          %add3A_173 = arith.addi %select_n3A_172, %select_n3A_14 : i32
          %add3A_174 = arith.constant 1 : i32
          %add3A_175 = arith.addi %select_n3A_172, %add3A_174 : i32
          %select_n3A_176 = arith.constant true
          %select_n3A_177 = arith.select %select_n3A_176, %add3A_175, %select_n3A_172 : i32
          %eq3A_178 = arith.cmpi eq, %select_n3A_177, %select_n3A : i32
          %select_n3A_179 = arith.constant 0 : i32
          %select_n3A_180 = arith.select %eq3A_178, %select_n3A_179, %select_n3A_177 : i32
          %add3A_181 = arith.addi %select_n3A_180, %select_n3A_14 : i32
          %ne3A = arith.cmpi ne, %add3A_155, %add3A_173 : i32
          %or3A = arith.constant false
          %or3A_182 = arith.ori %or3A, %ne3A : i1
          %sub3A_183 = arith.constant 2 : i32
          %sub3A_184 = arith.subi %mul3A_149, %sub3A_183 : i32
          %add3A_185 = arith.constant 1 : i32
          %add3A_186 = arith.addi %sub3A_184, %add3A_185 : i32
          %ge3A = arith.cmpi sge, %while3A_142, %add3A_186 : i32
          %not3A = arith.constant true
          %not3A_187 = arith.xori %ge3A, %not3A : i1
          %and3A = arith.andi %or3A_182, %not3A_187 : i1
          %convert_element_type3A_188 = arith.extui %and3A : i1 to i32
          %cond3A_189 = arith.constant 0 : i32
          %cond3A_190 = arith.cmpi ne, %convert_element_type3A_188, %cond3A_189 : i32
          scf.if %cond3A_190 {
            "tpu.trace_start"() <{level = 10 : i32, message = "ep_copy_in"}> : () -> ()
            %rem3A_294 = arith.constant 2 : i32
            %rem3A_295 = arith.remui %while3A_143, %rem3A_294 : i32
            %mul3A_296 = arith.constant 128 : i32
            %mul3A_297 = arith.muli %mul3A_296, %add3A_173 : i32
            %dma_start3A_298 = arith.constant 0 : i32
            %dma_start3A_299 = arith.constant 0 : i32
            %dma_start3A_300 = tpu.memref_slice %run_scoped3A[%rem3A_295, %dma_start3A_298, %dma_start3A_299] : memref<2x1x128xi32, #tpu.memory_space<vmem>> -> memref<1x1x128xi32, #tpu.memory_space<vmem>>
            %dma_start3A_301 = tpu.memref_squeeze %dma_start3A_300 : memref<1x1x128xi32, #tpu.memory_space<vmem>> -> memref<1x128xi32, #tpu.memory_space<vmem>>
            %dma_start3A_302 = arith.constant 0 : i32
            %dma_start3A_303 = tpu.memref_slice %arg3[%dma_start3A_302, %mul3A_297] : memref<1x160000xi32, #tpu.memory_space<hbm>> -> memref<1x128xi32, #tpu.memory_space<hbm>>
            %dma_start3A_304 = tpu.memref_slice %run_scoped3A_17[%rem3A_295] : memref<2x!tpu.dma_semaphore, #tpu.memory_space<semaphore_mem>> -> memref<1x!tpu.dma_semaphore, #tpu.memory_space<semaphore_mem>>
            %dma_start3A_305 = tpu.memref_squeeze %dma_start3A_304 : memref<1x!tpu.dma_semaphore, #tpu.memory_space<semaphore_mem>> -> memref<!tpu.dma_semaphore, #tpu.memory_space<semaphore_mem>>
            %dma_start3A_306 = arith.constant 0 : i32
            %dma_start3A_307 = arith.constant 0 : i32
            %dma_start3A_308 = tpu.memref_slice %run_scoped3A[%rem3A_295, %dma_start3A_306, %dma_start3A_307] : memref<2x1x128xi32, #tpu.memory_space<vmem>> -> memref<1x1x128xi32, #tpu.memory_space<vmem>>
            %dma_start3A_309 = tpu.memref_squeeze %dma_start3A_308 : memref<1x1x128xi32, #tpu.memory_space<vmem>> -> memref<1x128xi32, #tpu.memory_space<vmem>>
            %dma_start3A_310 = arith.constant 0 : i32
            %dma_start3A_311 = tpu.memref_slice %arg3[%dma_start3A_310, %mul3A_297] : memref<1x160000xi32, #tpu.memory_space<hbm>> -> memref<1x128xi32, #tpu.memory_space<hbm>>
            tpu.enqueue_dma source(%dma_start3A_311 : memref<1x128xi32, #tpu.memory_space<hbm>>) target(%dma_start3A_309 : memref<1x128xi32, #tpu.memory_space<vmem>>) target_semaphore(%dma_start3A_305 : memref<!tpu.dma_semaphore, #tpu.memory_space<semaphore_mem>>)
            "tpu.trace_stop"() : () -> ()
          } else {
          }
          %and3A_191 = arith.constant true
          %and3A_192 = arith.andi %and3A, %and3A_191 : i1
          %add3A_193 = arith.constant 1 : i32
          %add3A_194 = arith.addi %while3A_143, %add3A_193 : i32
          %select_n3A_195 = arith.select %and3A_192, %add3A_194, %while3A_143 : i32
          %ne3A_196 = arith.cmpi ne, %add3A_155, %add3A_173 : i32
          %or3A_197 = arith.constant false
          %or3A_198 = arith.ori %or3A_197, %ne3A_196 : i1
          %or3A_199 = arith.constant false
          %or3A_200 = arith.ori %or3A_198, %or3A_199 : i1
          %sub3A_201 = arith.constant 2 : i32
          %sub3A_202 = arith.subi %mul3A_149, %sub3A_201 : i32
          %add3A_203 = arith.constant 1 : i32
          %add3A_204 = arith.addi %sub3A_202, %add3A_203 : i32
          %ge3A_205 = arith.cmpi sge, %while3A_142, %add3A_204 : i32
          %not3A_206 = arith.constant true
          %not3A_207 = arith.xori %ge3A_205, %not3A_206 : i1
          %and3A_208 = arith.andi %or3A_200, %not3A_207 : i1
          %ne3A_209 = arith.cmpi ne, %add3A_155, %add3A_165 : i32
          %or3A_210 = arith.constant false
          %or3A_211 = arith.ori %or3A_210, %ne3A_209 : i1
          %or3A_212 = arith.ori %or3A_211, %eq3A_151 : i1
          %convert_element_type3A_213 = arith.extui %or3A_212 : i1 to i32
          %cond3A_214 = arith.constant 0 : i32
          %cond3A_215 = arith.cmpi ne, %convert_element_type3A_213, %cond3A_214 : i32
          scf.if %cond3A_215 {
            "tpu.trace_start"() <{level = 10 : i32, message = "ep_wait_in"}> : () -> ()
            %mul3A_294 = arith.constant 128 : i32
            %mul3A_295 = arith.muli %mul3A_294, %add3A_155 : i32
            %rem3A_296 = arith.constant 2 : i32
            %rem3A_297 = arith.remui %while3A_144, %rem3A_296 : i32
            %dma_wait3A = arith.constant 0 : i32
            %dma_wait3A_298 = arith.constant 0 : i32
            %dma_wait3A_299 = tpu.memref_slice %run_scoped3A[%rem3A_297, %dma_wait3A, %dma_wait3A_298] : memref<2x1x128xi32, #tpu.memory_space<vmem>> -> memref<1x1x128xi32, #tpu.memory_space<vmem>>
            %dma_wait3A_300 = tpu.memref_squeeze %dma_wait3A_299 : memref<1x1x128xi32, #tpu.memory_space<vmem>> -> memref<1x128xi32, #tpu.memory_space<vmem>>
            %dma_wait3A_301 = arith.constant 0 : i32
            %dma_wait3A_302 = tpu.memref_slice %arg3[%dma_wait3A_301, %mul3A_295] : memref<1x160000xi32, #tpu.memory_space<hbm>> -> memref<1x128xi32, #tpu.memory_space<hbm>>
            %dma_wait3A_303 = tpu.memref_slice %run_scoped3A_17[%rem3A_297] : memref<2x!tpu.dma_semaphore, #tpu.memory_space<semaphore_mem>> -> memref<1x!tpu.dma_semaphore, #tpu.memory_space<semaphore_mem>>
            %dma_wait3A_304 = tpu.memref_squeeze %dma_wait3A_303 : memref<1x!tpu.dma_semaphore, #tpu.memory_space<semaphore_mem>> -> memref<!tpu.dma_semaphore, #tpu.memory_space<semaphore_mem>>
            %dma_wait3A_305 = arith.constant 0 : i32
            %dma_wait3A_306 = arith.constant 0 : i32
            %dma_wait3A_307 = tpu.memref_slice %run_scoped3A[%rem3A_297, %dma_wait3A_305, %dma_wait3A_306] : memref<2x1x128xi32, #tpu.memory_space<vmem>> -> memref<1x1x128xi32, #tpu.memory_space<vmem>>
            %dma_wait3A_308 = tpu.memref_squeeze %dma_wait3A_307 : memref<1x1x128xi32, #tpu.memory_space<vmem>> -> memref<1x128xi32, #tpu.memory_space<vmem>>
            %dma_wait3A_309 = arith.constant 0 : i32
            %dma_wait3A_310 = tpu.memref_slice %arg3[%dma_wait3A_309, %mul3A_295] : memref<1x160000xi32, #tpu.memory_space<hbm>> -> memref<1x128xi32, #tpu.memory_space<hbm>>
            tpu.wait_dma2 semaphore(%dma_wait3A_304 : memref<!tpu.dma_semaphore, #tpu.memory_space<semaphore_mem>>) src(%dma_wait3A_310 : memref<1x128xi32, #tpu.memory_space<hbm>>) dst(%dma_wait3A_308 : memref<1x128xi32, #tpu.memory_space<vmem>>)
            "tpu.trace_stop"() : () -> ()
          } else {
          }
          %ne3A_216 = arith.cmpi ne, %add3A_155, %add3A_165 : i32
          %or3A_217 = arith.constant false
          %or3A_218 = arith.ori %or3A_217, %ne3A_216 : i1
          %or3A_219 = arith.constant false
          %or3A_220 = arith.ori %or3A_218, %or3A_219 : i1
          %or3A_221 = arith.ori %or3A_220, %eq3A_151 : i1
          %convert_element_type3A_222 = arith.extui %or3A_221 : i1 to i32
          %cond3A_223 = arith.constant 0 : i32
          %cond3A_224 = arith.cmpi ne, %convert_element_type3A_222, %cond3A_223 : i32
          scf.if %cond3A_224 {
          } else {
          }
          %rem3A_225 = arith.constant 2 : i32
          %rem3A_226 = arith.remui %while3A_144, %rem3A_225 : i32
          %rem3A_227 = arith.constant 2 : i32
          %rem3A_228 = arith.remui %while3A_145, %rem3A_227 : i32
          %run_scoped3A_229 = arith.constant 0 : i32
          "tpu.trace_start"() <{level = 10 : i32, message = "ep_run_kernel"}> : () -> ()
          "tpu.region"() ({
            %run_scoped3A_294 = tpu.sem_alloc : memref<!tpu.dma_semaphore, #tpu.memory_space<semaphore_mem>>
            %dma_start3A_295 = arith.constant 0 : i32
            %dma_start3A_296 = arith.constant 0 : i32
            %dma_start3A_297 = tpu.memref_slice %run_scoped3A_18[%rem3A_228, %dma_start3A_295, %dma_start3A_296] : memref<2x128x256xf32, #tpu.memory_space<vmem>> -> memref<1x128x256xf32, #tpu.memory_space<vmem>>
            %dma_start3A_298 = tpu.memref_squeeze %dma_start3A_297 : memref<1x128x256xf32, #tpu.memory_space<vmem>> -> memref<128x256xf32, #tpu.memory_space<vmem>>
            %dma_start3A_299 = arith.constant 0 : i32
            %dma_start3A_300 = arith.constant 0 : i32
            %dma_start3A_301 = tpu.memref_slice %run_scoped3A[%rem3A_226, %dma_start3A_299, %dma_start3A_300] : memref<2x1x128xi32, #tpu.memory_space<vmem>> -> memref<1x1x128xi32, #tpu.memory_space<vmem>>
            %dma_start3A_302 = tpu.memref_squeeze %dma_start3A_301 : memref<1x1x128xi32, #tpu.memory_space<vmem>> -> memref<1x128xi32, #tpu.memory_space<vmem>>
            %dma_start3A_303 = arith.constant 0 : i32
            %dma_start3A_304 = tpu.memref_slice %dma_start3A_302[%run_scoped3A_229, %dma_start3A_303] : memref<1x128xi32, #tpu.memory_space<vmem>> -> memref<1x128xi32, #tpu.memory_space<vmem>>
            %dma_start3A_305 = tpu.memref_squeeze %dma_start3A_304 : memref<1x128xi32, #tpu.memory_space<vmem>> -> memref<128xi32, #tpu.memory_space<vmem>>
            %dma_start3A_306 = arith.constant 0 : i32
            %dma_start3A_307 = arith.constant 0 : i32
            %dma_start3A_308 = tpu.memref_slice %arg2[%dma_start3A_306, %dma_start3A_307] : memref<10000x256xf32, #tpu.memory_space<hbm>> -> memref<10000x256xf32, #tpu.memory_space<hbm>>
            tpu.enqueue_indirect_dma source(%dma_start3A_308 : memref<10000x256xf32, #tpu.memory_space<hbm>>) target(%dma_start3A_298 : memref<128x256xf32, #tpu.memory_space<vmem>>) offsets(%dma_start3A_305 : memref<128xi32, #tpu.memory_space<vmem>>) semaphore(%run_scoped3A_294 : memref<!tpu.dma_semaphore, #tpu.memory_space<semaphore_mem>>)
            %dma_wait3A = arith.constant 0 : i32
            %dma_wait3A_309 = arith.constant 0 : i32
            %dma_wait3A_310 = tpu.memref_slice %run_scoped3A_18[%rem3A_228, %dma_wait3A, %dma_wait3A_309] : memref<2x128x256xf32, #tpu.memory_space<vmem>> -> memref<1x128x256xf32, #tpu.memory_space<vmem>>
            %dma_wait3A_311 = tpu.memref_squeeze %dma_wait3A_310 : memref<1x128x256xf32, #tpu.memory_space<vmem>> -> memref<128x256xf32, #tpu.memory_space<vmem>>
            %dma_wait3A_312 = arith.constant 0 : i32
            %dma_wait3A_313 = arith.constant 0 : i32
            %dma_wait3A_314 = tpu.memref_slice %run_scoped3A[%rem3A_226, %dma_wait3A_312, %dma_wait3A_313] : memref<2x1x128xi32, #tpu.memory_space<vmem>> -> memref<1x1x128xi32, #tpu.memory_space<vmem>>
            %dma_wait3A_315 = tpu.memref_squeeze %dma_wait3A_314 : memref<1x1x128xi32, #tpu.memory_space<vmem>> -> memref<1x128xi32, #tpu.memory_space<vmem>>
            %dma_wait3A_316 = arith.constant 0 : i32
            %dma_wait3A_317 = tpu.memref_slice %dma_wait3A_315[%run_scoped3A_229, %dma_wait3A_316] : memref<1x128xi32, #tpu.memory_space<vmem>> -> memref<1x128xi32, #tpu.memory_space<vmem>>
            %dma_wait3A_318 = tpu.memref_squeeze %dma_wait3A_317 : memref<1x128xi32, #tpu.memory_space<vmem>> -> memref<128xi32, #tpu.memory_space<vmem>>
            %dma_wait3A_319 = arith.constant 0 : i32
            %dma_wait3A_320 = arith.constant 0 : i32
            %dma_wait3A_321 = tpu.memref_slice %arg2[%dma_wait3A_319, %dma_wait3A_320] : memref<10000x256xf32, #tpu.memory_space<hbm>> -> memref<10000x256xf32, #tpu.memory_space<hbm>>
            tpu.wait_indirect_dma semaphore(%run_scoped3A_294 : memref<!tpu.dma_semaphore, #tpu.memory_space<semaphore_mem>>) src(%dma_wait3A_321 : memref<10000x256xf32, #tpu.memory_space<hbm>>) dst(%dma_wait3A_311 : memref<128x256xf32, #tpu.memory_space<vmem>>)
            tpu.yield
          }) : () -> ()
          "tpu.trace_stop"() : () -> ()
          %ne3A_230 = arith.cmpi ne, %add3A_155, %add3A_173 : i32
          %or3A_231 = arith.constant false
          %or3A_232 = arith.ori %or3A_231, %ne3A_230 : i1
          %or3A_233 = arith.ori %or3A_232, %eq3A_154 : i1
          %convert_element_type3A_234 = arith.extui %or3A_233 : i1 to i32
          %cond3A_235 = arith.constant 0 : i32
          %cond3A_236 = arith.cmpi ne, %convert_element_type3A_234, %cond3A_235 : i32
          scf.if %cond3A_236 {
          } else {
          }
          %and3A_237 = arith.constant false
          %and3A_238 = arith.andi %or3A_233, %and3A_237 : i1
          %ne3A_239 = arith.cmpi ne, %add3A_155, %add3A_173 : i32
          %or3A_240 = arith.constant false
          %or3A_241 = arith.ori %or3A_240, %ne3A_239 : i1
          %or3A_242 = arith.constant false
          %or3A_243 = arith.ori %or3A_241, %or3A_242 : i1
          %or3A_244 = arith.ori %or3A_243, %eq3A_154 : i1
          %convert_element_type3A_245 = arith.extui %or3A_244 : i1 to i32
          %cond3A_246 = arith.constant 0 : i32
          %cond3A_247 = arith.cmpi ne, %convert_element_type3A_245, %cond3A_246 : i32
          scf.if %cond3A_247 {
            "tpu.trace_start"() <{level = 10 : i32, message = "ep_copy_out"}> : () -> ()
            %rem3A_294 = arith.constant 2 : i32
            %rem3A_295 = arith.remui %while3A_145, %rem3A_294 : i32
            %mul3A_296 = arith.constant 128 : i32
            %mul3A_297 = arith.muli %mul3A_296, %add3A_155 : i32
            %dma_start3A_298 = arith.constant 0 : i32
            %dma_start3A_299 = arith.constant 0 : i32
            %dma_start3A_300 = tpu.memref_slice %run_scoped3A_18[%rem3A_295, %dma_start3A_298, %dma_start3A_299] : memref<2x128x256xf32, #tpu.memory_space<vmem>> -> memref<1x128x256xf32, #tpu.memory_space<vmem>>
            %dma_start3A_301 = tpu.memref_squeeze %dma_start3A_300 : memref<1x128x256xf32, #tpu.memory_space<vmem>> -> memref<128x256xf32, #tpu.memory_space<vmem>>
            %dma_start3A_302 = arith.constant 0 : i32
            %dma_start3A_303 = tpu.memref_slice %arg4[%mul3A_297, %dma_start3A_302] : memref<160000x256xf32, #tpu.memory_space<hbm>> -> memref<128x256xf32, #tpu.memory_space<hbm>>
            %dma_start3A_304 = tpu.memref_slice %run_scoped3A_19[%rem3A_295] : memref<2x!tpu.dma_semaphore, #tpu.memory_space<semaphore_mem>> -> memref<1x!tpu.dma_semaphore, #tpu.memory_space<semaphore_mem>>
            %dma_start3A_305 = tpu.memref_squeeze %dma_start3A_304 : memref<1x!tpu.dma_semaphore, #tpu.memory_space<semaphore_mem>> -> memref<!tpu.dma_semaphore, #tpu.memory_space<semaphore_mem>>
            %dma_start3A_306 = arith.constant 0 : i32
            %dma_start3A_307 = tpu.memref_slice %arg4[%mul3A_297, %dma_start3A_306] : memref<160000x256xf32, #tpu.memory_space<hbm>> -> memref<128x256xf32, #tpu.memory_space<hbm>>
            %dma_start3A_308 = arith.constant 0 : i32
            %dma_start3A_309 = arith.constant 0 : i32
            %dma_start3A_310 = tpu.memref_slice %run_scoped3A_18[%rem3A_295, %dma_start3A_308, %dma_start3A_309] : memref<2x128x256xf32, #tpu.memory_space<vmem>> -> memref<1x128x256xf32, #tpu.memory_space<vmem>>
            %dma_start3A_311 = tpu.memref_squeeze %dma_start3A_310 : memref<1x128x256xf32, #tpu.memory_space<vmem>> -> memref<128x256xf32, #tpu.memory_space<vmem>>
            tpu.enqueue_dma source(%dma_start3A_311 : memref<128x256xf32, #tpu.memory_space<vmem>>) target(%dma_start3A_307 : memref<128x256xf32, #tpu.memory_space<hbm>>) target_semaphore(%dma_start3A_305 : memref<!tpu.dma_semaphore, #tpu.memory_space<semaphore_mem>>)
            "tpu.trace_stop"() : () -> ()
          } else {
          }
          %and3A_248 = arith.constant true
          %and3A_249 = arith.andi %or3A_244, %and3A_248 : i1
          %add3A_250 = arith.constant 1 : i32
          %add3A_251 = arith.addi %while3A_145, %add3A_250 : i32
          %select_n3A_252 = arith.select %and3A_249, %add3A_251, %while3A_145 : i32
          %ne3A_253 = arith.cmpi ne, %add3A_155, %add3A_165 : i32
          %or3A_254 = arith.constant false
          %or3A_255 = arith.ori %or3A_254, %ne3A_253 : i1
          %not3A_256 = arith.constant true
          %not3A_257 = arith.xori %eq3A_151, %not3A_256 : i1
          %and3A_258 = arith.andi %or3A_255, %not3A_257 : i1
          %convert_element_type3A_259 = arith.extui %and3A_258 : i1 to i32
          %cond3A_260 = arith.constant 0 : i32
          %cond3A_261 = arith.cmpi ne, %convert_element_type3A_259, %cond3A_260 : i32
          scf.if %cond3A_261 {
          } else {
          }
          %and3A_262 = arith.constant false
          %and3A_263 = arith.andi %and3A_258, %and3A_262 : i1
          %ne3A_264 = arith.cmpi ne, %add3A_155, %add3A_165 : i32
          %or3A_265 = arith.constant false
          %or3A_266 = arith.ori %or3A_265, %ne3A_264 : i1
          %or3A_267 = arith.constant false
          %or3A_268 = arith.ori %or3A_266, %or3A_267 : i1
          %not3A_269 = arith.constant true
          %not3A_270 = arith.xori %eq3A_151, %not3A_269 : i1
          %and3A_271 = arith.andi %or3A_268, %not3A_270 : i1
          %convert_element_type3A_272 = arith.extui %and3A_271 : i1 to i32
          %cond3A_273 = arith.constant 0 : i32
          %cond3A_274 = arith.cmpi ne, %convert_element_type3A_272, %cond3A_273 : i32
          scf.if %cond3A_274 {
            "tpu.trace_start"() <{level = 10 : i32, message = "ep_wait_out"}> : () -> ()
            %rem3A_294 = arith.constant 2 : i32
            %rem3A_295 = arith.remui %while3A_146, %rem3A_294 : i32
            %mul3A_296 = arith.constant 128 : i32
            %mul3A_297 = arith.muli %mul3A_296, %add3A_165 : i32
            %dma_wait3A = arith.constant 0 : i32
            %dma_wait3A_298 = arith.constant 0 : i32
            %dma_wait3A_299 = tpu.memref_slice %run_scoped3A_18[%rem3A_295, %dma_wait3A, %dma_wait3A_298] : memref<2x128x256xf32, #tpu.memory_space<vmem>> -> memref<1x128x256xf32, #tpu.memory_space<vmem>>
            %dma_wait3A_300 = tpu.memref_squeeze %dma_wait3A_299 : memref<1x128x256xf32, #tpu.memory_space<vmem>> -> memref<128x256xf32, #tpu.memory_space<vmem>>
            %dma_wait3A_301 = arith.constant 0 : i32
            %dma_wait3A_302 = tpu.memref_slice %arg4[%mul3A_297, %dma_wait3A_301] : memref<160000x256xf32, #tpu.memory_space<hbm>> -> memref<128x256xf32, #tpu.memory_space<hbm>>
            %dma_wait3A_303 = tpu.memref_slice %run_scoped3A_19[%rem3A_295] : memref<2x!tpu.dma_semaphore, #tpu.memory_space<semaphore_mem>> -> memref<1x!tpu.dma_semaphore, #tpu.memory_space<semaphore_mem>>
            %dma_wait3A_304 = tpu.memref_squeeze %dma_wait3A_303 : memref<1x!tpu.dma_semaphore, #tpu.memory_space<semaphore_mem>> -> memref<!tpu.dma_semaphore, #tpu.memory_space<semaphore_mem>>
            %dma_wait3A_305 = arith.constant 0 : i32
            %dma_wait3A_306 = tpu.memref_slice %arg4[%mul3A_297, %dma_wait3A_305] : memref<160000x256xf32, #tpu.memory_space<hbm>> -> memref<128x256xf32, #tpu.memory_space<hbm>>
            %dma_wait3A_307 = arith.constant 0 : i32
            %dma_wait3A_308 = arith.constant 0 : i32
            %dma_wait3A_309 = tpu.memref_slice %run_scoped3A_18[%rem3A_295, %dma_wait3A_307, %dma_wait3A_308] : memref<2x128x256xf32, #tpu.memory_space<vmem>> -> memref<1x128x256xf32, #tpu.memory_space<vmem>>
            %dma_wait3A_310 = tpu.memref_squeeze %dma_wait3A_309 : memref<1x128x256xf32, #tpu.memory_space<vmem>> -> memref<128x256xf32, #tpu.memory_space<vmem>>
            tpu.wait_dma2 semaphore(%dma_wait3A_304 : memref<!tpu.dma_semaphore, #tpu.memory_space<semaphore_mem>>) src(%dma_wait3A_310 : memref<128x256xf32, #tpu.memory_space<vmem>>) dst(%dma_wait3A_306 : memref<128x256xf32, #tpu.memory_space<hbm>>)
            "tpu.trace_stop"() : () -> ()
          } else {
          }
          %and3A_275 = arith.constant true
          %and3A_276 = arith.andi %and3A_271, %and3A_275 : i1
          %add3A_277 = arith.constant 1 : i32
          %add3A_278 = arith.addi %while3A_146, %add3A_277 : i32
          %select_n3A_279 = arith.select %and3A_276, %add3A_278, %while3A_146 : i32
          %ne3A_280 = arith.cmpi ne, %add3A_155, %add3A_173 : i32
          %or3A_281 = arith.constant false
          %or3A_282 = arith.ori %or3A_281, %ne3A_280 : i1
          %or3A_283 = arith.ori %or3A_282, %eq3A_154 : i1
          %add3A_284 = arith.constant 1 : i32
          %add3A_285 = arith.addi %while3A_144, %add3A_284 : i32
          %select_n3A_286 = arith.select %or3A_283, %add3A_285, %while3A_144 : i32
          %add3A_287 = arith.constant 1 : i32
          %add3A_288 = arith.addi %while3A_147, %add3A_287 : i32
          %select_n3A_289 = arith.constant true
          %select_n3A_290 = arith.select %select_n3A_289, %add3A_288, %while3A_147 : i32
          %eq3A_291 = arith.cmpi eq, %select_n3A_290, %select_n3A : i32
          %select_n3A_292 = arith.constant 0 : i32
          %select_n3A_293 = arith.select %eq3A_291, %select_n3A_292, %select_n3A_290 : i32
          scf.yield %select_n3A_195, %select_n3A_286, %select_n3A_252, %select_n3A_279, %select_n3A_293 : i32, i32, i32, i32, i32
        }
        %sub3A_91 = arith.constant 1 : i32
        %sub3A_92 = arith.subi %while3A_90#4, %sub3A_91 : i32
        %select_n3A_93 = arith.constant true
        %select_n3A_94 = arith.select %select_n3A_93, %sub3A_92, %while3A_90#4 : i32
        %eq3A_95 = arith.constant -1 : i32
        %eq3A_96 = arith.cmpi eq, %select_n3A_94, %eq3A_95 : i32
        %sub3A_97 = arith.constant 1 : i32
        %sub3A_98 = arith.subi %select_n3A, %sub3A_97 : i32
        %select_n3A_99 = arith.select %eq3A_96, %sub3A_98, %select_n3A_94 : i32
        %sub3A_100 = arith.constant 1 : i32
        %sub3A_101 = arith.subi %mul3A_16, %sub3A_100 : i32
        %mul3A_102 = arith.constant 1 : i32
        %mul3A_103 = arith.muli %mul3A_102, %select_n3A : i32
        %eq3A_104 = arith.constant 0 : i32
        %eq3A_105 = arith.cmpi eq, %sub3A_101, %eq3A_104 : i32
        %sub3A_106 = arith.constant 1 : i32
        %sub3A_107 = arith.subi %mul3A_103, %sub3A_106 : i32
        %eq3A_108 = arith.cmpi eq, %sub3A_101, %sub3A_107 : i32
        %add3A_109 = arith.addi %select_n3A_99, %select_n3A_14 : i32
        %sub3A_110 = arith.constant 1 : i32
        %sub3A_111 = arith.subi %select_n3A_99, %sub3A_110 : i32
        %select_n3A_112 = arith.constant true
        %select_n3A_113 = arith.select %select_n3A_112, %sub3A_111, %select_n3A_99 : i32
        %eq3A_114 = arith.constant -1 : i32
        %eq3A_115 = arith.cmpi eq, %select_n3A_113, %eq3A_114 : i32
        %sub3A_116 = arith.constant 1 : i32
        %sub3A_117 = arith.subi %select_n3A, %sub3A_116 : i32
        %select_n3A_118 = arith.select %eq3A_115, %sub3A_117, %select_n3A_113 : i32
        %add3A_119 = arith.addi %select_n3A_118, %select_n3A_14 : i32
        %add3A_120 = arith.constant 1 : i32
        %add3A_121 = arith.addi %select_n3A_99, %add3A_120 : i32
        %select_n3A_122 = arith.constant true
        %select_n3A_123 = arith.select %select_n3A_122, %add3A_121, %select_n3A_99 : i32
        %eq3A_124 = arith.cmpi eq, %select_n3A_123, %select_n3A : i32
        %select_n3A_125 = arith.constant 0 : i32
        %select_n3A_126 = arith.select %eq3A_124, %select_n3A_125, %select_n3A_123 : i32
        %add3A_127 = arith.addi %select_n3A_126, %select_n3A_14 : i32
        %add3A_128 = arith.constant 1 : i32
        %add3A_129 = arith.addi %select_n3A_126, %add3A_128 : i32
        %select_n3A_130 = arith.constant true
        %select_n3A_131 = arith.select %select_n3A_130, %add3A_129, %select_n3A_126 : i32
        %eq3A_132 = arith.cmpi eq, %select_n3A_131, %select_n3A : i32
        %select_n3A_133 = arith.constant 0 : i32
        %select_n3A_134 = arith.select %eq3A_132, %select_n3A_133, %select_n3A_131 : i32
        %add3A_135 = arith.addi %select_n3A_134, %select_n3A_14 : i32
        %convert_element_type3A_136 = arith.extui %eq3A_108 : i1 to i32
        %cond3A_137 = arith.constant 0 : i32
        %cond3A_138 = arith.cmpi ne, %convert_element_type3A_136, %cond3A_137 : i32
        scf.if %cond3A_138 {
        } else {
        }
        %convert_element_type3A_139 = arith.extui %eq3A_108 : i1 to i32
        %cond3A_140 = arith.constant 0 : i32
        %cond3A_141 = arith.cmpi ne, %convert_element_type3A_139, %cond3A_140 : i32
        scf.if %cond3A_141 {
          "tpu.trace_start"() <{level = 10 : i32, message = "ep_finalize"}> : () -> ()
          %rem3A_142 = arith.constant 2 : i32
          %rem3A_143 = arith.remui %while3A_90#3, %rem3A_142 : i32
          %mul3A_144 = arith.constant 128 : i32
          %mul3A_145 = arith.muli %mul3A_144, %add3A_109 : i32
          %dma_wait3A = arith.constant 0 : i32
          %dma_wait3A_146 = arith.constant 0 : i32
          %dma_wait3A_147 = tpu.memref_slice %run_scoped3A_18[%rem3A_143, %dma_wait3A, %dma_wait3A_146] : memref<2x128x256xf32, #tpu.memory_space<vmem>> -> memref<1x128x256xf32, #tpu.memory_space<vmem>>
          %dma_wait3A_148 = tpu.memref_squeeze %dma_wait3A_147 : memref<1x128x256xf32, #tpu.memory_space<vmem>> -> memref<128x256xf32, #tpu.memory_space<vmem>>
          %dma_wait3A_149 = arith.constant 0 : i32
          %dma_wait3A_150 = tpu.memref_slice %arg4[%mul3A_145, %dma_wait3A_149] : memref<160000x256xf32, #tpu.memory_space<hbm>> -> memref<128x256xf32, #tpu.memory_space<hbm>>
          %dma_wait3A_151 = tpu.memref_slice %run_scoped3A_19[%rem3A_143] : memref<2x!tpu.dma_semaphore, #tpu.memory_space<semaphore_mem>> -> memref<1x!tpu.dma_semaphore, #tpu.memory_space<semaphore_mem>>
          %dma_wait3A_152 = tpu.memref_squeeze %dma_wait3A_151 : memref<1x!tpu.dma_semaphore, #tpu.memory_space<semaphore_mem>> -> memref<!tpu.dma_semaphore, #tpu.memory_space<semaphore_mem>>
          %dma_wait3A_153 = arith.constant 0 : i32
          %dma_wait3A_154 = tpu.memref_slice %arg4[%mul3A_145, %dma_wait3A_153] : memref<160000x256xf32, #tpu.memory_space<hbm>> -> memref<128x256xf32, #tpu.memory_space<hbm>>
          %dma_wait3A_155 = arith.constant 0 : i32
          %dma_wait3A_156 = arith.constant 0 : i32
          %dma_wait3A_157 = tpu.memref_slice %run_scoped3A_18[%rem3A_143, %dma_wait3A_155, %dma_wait3A_156] : memref<2x128x256xf32, #tpu.memory_space<vmem>> -> memref<1x128x256xf32, #tpu.memory_space<vmem>>
          %dma_wait3A_158 = tpu.memref_squeeze %dma_wait3A_157 : memref<1x128x256xf32, #tpu.memory_space<vmem>> -> memref<128x256xf32, #tpu.memory_space<vmem>>
          tpu.wait_dma2 semaphore(%dma_wait3A_152 : memref<!tpu.dma_semaphore, #tpu.memory_space<semaphore_mem>>) src(%dma_wait3A_158 : memref<128x256xf32, #tpu.memory_space<vmem>>) dst(%dma_wait3A_154 : memref<128x256xf32, #tpu.memory_space<hbm>>)
          "tpu.trace_stop"() : () -> ()
        } else {
        }
      } else {
      }
      tpu.yield
    }) : () -> ()
    return
  }
}

module attributes {stable_mosaic.version = 14 : i64} {
  func.func @_knn_bq_body(%arg0: i32, %arg1: memref<200x8xf32, #tpu.memory_space<vmem>>, %arg2: memref<20x8x512xf32, #tpu.memory_space<vmem>>, %arg3: memref<200x16xi32, #tpu.memory_space<vmem>>, %arg4: memref<200x32xi32, #tpu.memory_space<vmem>>, %arg5: memref<20x200x512xf32, #tpu.memory_space<vmem>>, %arg6: memref<20x200x512xi32, #tpu.memory_space<vmem>>, %arg7: memref<17x200x1xi32, #tpu.memory_space<vmem>>, %arg8: memref<32x200x1xi32, #tpu.memory_space<vmem>>) attributes {dimension_semantics = [#tpu.dimension_semantics<arbitrary>], iteration_bounds = array<i64: 50>, scalar_prefetch = 0 : i64, scratch_operands = 4 : i64, tpu.core_type = #tpu.core_type<tc>, window_params = [{transform_indices = @transform_0, window_bounds = array<i64: 200, 8>}, {pipeline_mode = #tpu.pipeline_mode<synchronous>, transform_indices = @transform_1, window_bounds = array<i64: 20, 8, 512>}, {transform_indices = @transform_2, window_bounds = array<i64: 200, 16>}, {transform_indices = @transform_3, window_bounds = array<i64: 200, 32>}]} {
    %get3A = arith.constant 0 : index
    %get3A_0 = arith.constant 0 : index
    %get3A_1 = vector.load %arg1[%get3A, %get3A_0] : memref<200x8xf32, #tpu.memory_space<vmem>>, vector<200x1xf32>
    %get3A_2 = arith.constant 0 : index
    %get3A_3 = arith.constant 1 : index
    %get3A_4 = vector.load %arg1[%get3A_2, %get3A_3] : memref<200x8xf32, #tpu.memory_space<vmem>>, vector<200x1xf32>
    %get3A_5 = arith.constant 0 : index
    %get3A_6 = arith.constant 2 : index
    %get3A_7 = vector.load %arg1[%get3A_5, %get3A_6] : memref<200x8xf32, #tpu.memory_space<vmem>>, vector<200x1xf32>
    %mul3A = arith.mulf %get3A_1, %get3A_1 : vector<200x1xf32>
    %mul3A_8 = arith.mulf %get3A_4, %get3A_4 : vector<200x1xf32>
    %add3A = arith.addf %mul3A, %mul3A_8 : vector<200x1xf32>
    %mul3A_9 = arith.mulf %get3A_7, %get3A_7 : vector<200x1xf32>
    %add3A_10 = arith.addf %add3A, %mul3A_9 : vector<200x1xf32>
    %convert_element_type3A = arith.truncf %get3A_1 : vector<200x1xf32> to vector<200x1xbf16>
    %convert_element_type3A_11 = arith.extf %convert_element_type3A : vector<200x1xbf16> to vector<200x1xf32>
    %convert_element_type3A_12 = arith.truncf %get3A_4 : vector<200x1xf32> to vector<200x1xbf16>
    %convert_element_type3A_13 = arith.extf %convert_element_type3A_12 : vector<200x1xbf16> to vector<200x1xf32>
    %convert_element_type3A_14 = arith.truncf %get3A_7 : vector<200x1xf32> to vector<200x1xbf16>
    %convert_element_type3A_15 = arith.extf %convert_element_type3A_14 : vector<200x1xbf16> to vector<200x1xf32>
    %broadcast_in_dim3A = arith.constant 0x7F800000 : f32
    %broadcast_in_dim3A_16 = vector.broadcast %broadcast_in_dim3A : f32 to vector<200x512xf32>
    %scan3A = arith.constant 0 : i32
    %scan3A_17 = arith.constant 20 : i32
    %scan3A_18 = arith.addi %scan3A, %scan3A_17 : i32
    %scan3A_19 = arith.constant 1 : i32
    %scan3A_20 = scf.for %scan3A_571 = %scan3A to %scan3A_18 step %scan3A_19 iter_args(%scan3A_572 = %broadcast_in_dim3A_16) -> (vector<200x512xf32>)  : i32 {
      %get3A_573 = arith.index_cast %scan3A_571 : i32 to index
      %get3A_574 = arith.constant 0 : index
      %get3A_575 = arith.constant 0 : index
      %get3A_576 = vector.load %arg2[%get3A_573, %get3A_574, %get3A_575] : memref<20x8x512xf32, #tpu.memory_space<vmem>>, vector<1x1x512xf32>
      %get3A_577 = vector.shape_cast %get3A_576 : vector<1x1x512xf32> to vector<1x512xf32>
      %get3A_578 = arith.index_cast %scan3A_571 : i32 to index
      %get3A_579 = arith.constant 1 : index
      %get3A_580 = arith.constant 0 : index
      %get3A_581 = vector.load %arg2[%get3A_578, %get3A_579, %get3A_580] : memref<20x8x512xf32, #tpu.memory_space<vmem>>, vector<1x1x512xf32>
      %get3A_582 = vector.shape_cast %get3A_581 : vector<1x1x512xf32> to vector<1x512xf32>
      %get3A_583 = arith.index_cast %scan3A_571 : i32 to index
      %get3A_584 = arith.constant 2 : index
      %get3A_585 = arith.constant 0 : index
      %get3A_586 = vector.load %arg2[%get3A_583, %get3A_584, %get3A_585] : memref<20x8x512xf32, #tpu.memory_space<vmem>>, vector<1x1x512xf32>
      %get3A_587 = vector.shape_cast %get3A_586 : vector<1x1x512xf32> to vector<1x512xf32>
      %convert_element_type3A_588 = arith.truncf %get3A_577 : vector<1x512xf32> to vector<1x512xbf16>
      %convert_element_type3A_589 = arith.extf %convert_element_type3A_588 : vector<1x512xbf16> to vector<1x512xf32>
      %convert_element_type3A_590 = arith.truncf %get3A_582 : vector<1x512xf32> to vector<1x512xbf16>
      %convert_element_type3A_591 = arith.extf %convert_element_type3A_590 : vector<1x512xbf16> to vector<1x512xf32>
      %convert_element_type3A_592 = arith.truncf %get3A_587 : vector<1x512xf32> to vector<1x512xbf16>
      %convert_element_type3A_593 = arith.extf %convert_element_type3A_592 : vector<1x512xbf16> to vector<1x512xf32>
      %mul3A_594 = vector.broadcast %convert_element_type3A_11 : vector<200x1xf32> to vector<200x512xf32>
      %mul3A_595 = vector.broadcast %convert_element_type3A_589 : vector<1x512xf32> to vector<200x512xf32>
      %mul3A_596 = arith.mulf %mul3A_594, %mul3A_595 : vector<200x512xf32>
      %mul3A_597 = vector.broadcast %convert_element_type3A_13 : vector<200x1xf32> to vector<200x512xf32>
      %mul3A_598 = vector.broadcast %convert_element_type3A_591 : vector<1x512xf32> to vector<200x512xf32>
      %mul3A_599 = arith.mulf %mul3A_597, %mul3A_598 : vector<200x512xf32>
      %add3A_600 = arith.addf %mul3A_596, %mul3A_599 : vector<200x512xf32>
      %mul3A_601 = vector.broadcast %convert_element_type3A_15 : vector<200x1xf32> to vector<200x512xf32>
      %mul3A_602 = vector.broadcast %convert_element_type3A_593 : vector<1x512xf32> to vector<200x512xf32>
      %mul3A_603 = arith.mulf %mul3A_601, %mul3A_602 : vector<200x512xf32>
      %add3A_604 = arith.addf %add3A_600, %mul3A_603 : vector<200x512xf32>
      %mul3A_605 = arith.mulf %get3A_577, %get3A_577 : vector<1x512xf32>
      %mul3A_606 = arith.mulf %get3A_582, %get3A_582 : vector<1x512xf32>
      %add3A_607 = arith.addf %mul3A_605, %mul3A_606 : vector<1x512xf32>
      %mul3A_608 = arith.mulf %get3A_587, %get3A_587 : vector<1x512xf32>
      %add3A_609 = arith.addf %add3A_607, %mul3A_608 : vector<1x512xf32>
      %mul3A_610 = arith.constant 2.000000e+00 : f32
      %mul3A_611 = vector.broadcast %mul3A_610 : f32 to vector<200x512xf32>
      %mul3A_612 = arith.mulf %mul3A_611, %add3A_604 : vector<200x512xf32>
      %sub3A = vector.broadcast %add3A_10 : vector<200x1xf32> to vector<200x512xf32>
      %sub3A_613 = arith.subf %sub3A, %mul3A_612 : vector<200x512xf32>
      %add3A_614 = vector.broadcast %add3A_609 : vector<1x512xf32> to vector<200x512xf32>
      %add3A_615 = arith.addf %sub3A_613, %add3A_614 : vector<200x512xf32>
      %swap3A_616 = arith.index_cast %scan3A_571 : i32 to index
      %swap3A_617 = arith.constant 0 : index
      %swap3A_618 = arith.constant 0 : index
      %swap3A_619 = vector.load %arg5[%swap3A_616, %swap3A_617, %swap3A_618] : memref<20x200x512xf32, #tpu.memory_space<vmem>>, vector<1x200x512xf32>
      %swap3A_620 = vector.shape_cast %swap3A_619 : vector<1x200x512xf32> to vector<200x512xf32>
      %swap3A_621 = vector.shape_cast %add3A_615 : vector<200x512xf32> to vector<1x200x512xf32>
      tpu.vector_store %arg5[%swap3A_616, %swap3A_617, %swap3A_618], %swap3A_621 {strides = array<i32>} : memref<20x200x512xf32, #tpu.memory_space<vmem>>, vector<1x200x512xf32>,
      %mul3A_622 = arith.constant 512 : i32
      %mul3A_623 = arith.muli %scan3A_571, %mul3A_622 : i32
      %iota3A = tpu.iota {dimensions = array<i32: 1>} : vector<200x512xi32>
      %add3A_624 = vector.broadcast %mul3A_623 : i32 to vector<200x512xi32>
      %add3A_625 = arith.addi %add3A_624, %iota3A : vector<200x512xi32>
      %lt3A = arith.constant 9.000000e-02 : f32
      %lt3A_626 = vector.broadcast %lt3A : f32 to vector<200x512xf32>
      %lt3A_627 = arith.cmpf olt, %add3A_615, %lt3A_626 : vector<200x512xf32>
      %jit3A = arith.constant 10000 : i32
      %broadcast_in_dim3A_628 = vector.broadcast %jit3A : i32 to vector<200x512xi32>
      %select_n3A_629 = arith.select %lt3A_627, %add3A_625, %broadcast_in_dim3A_628 : vector<200x512xi1>, vector<200x512xi32>
      %swap3A_630 = arith.index_cast %scan3A_571 : i32 to index
      %swap3A_631 = arith.constant 0 : index
      %swap3A_632 = arith.constant 0 : index
      %swap3A_633 = vector.load %arg6[%swap3A_630, %swap3A_631, %swap3A_632] : memref<20x200x512xi32, #tpu.memory_space<vmem>>, vector<1x200x512xi32>
      %swap3A_634 = vector.shape_cast %swap3A_633 : vector<1x200x512xi32> to vector<200x512xi32>
      %swap3A_635 = vector.shape_cast %select_n3A_629 : vector<200x512xi32> to vector<1x200x512xi32>
      tpu.vector_store %arg6[%swap3A_630, %swap3A_631, %swap3A_632], %swap3A_635 {strides = array<i32>} : memref<20x200x512xi32, #tpu.memory_space<vmem>>, vector<1x200x512xi32>,
      %min3A = arith.minimumf %scan3A_572, %add3A_615 : vector<200x512xf32>
      scf.yield %min3A : vector<200x512xf32>
    }
    %scan3A_21 = arith.constant 20 : i32
    %reduce_min3A = arith.constant dense<0x7F800000> : vector<200xf32>
    %reduce_min3A_22 = vector.multi_reduction <minimumf>, %scan3A_20, %reduce_min3A [1] : vector<200x512xf32> to vector<200xf32>
    %broadcast_in_dim3A_23 = vector.shape_cast %reduce_min3A_22 : vector<200xf32> to vector<200x1xf32>
    %broadcast_in_dim3A_24 = arith.constant -1 : i32
    %broadcast_in_dim3A_25 = vector.broadcast %broadcast_in_dim3A_24 : i32 to vector<200x1xi32>
    %scan3A_26 = arith.constant 0 : i32
    %scan3A_27 = arith.constant 32 : i32
    %scan3A_28 = arith.addi %scan3A_26, %scan3A_27 : i32
    %scan3A_29 = arith.constant 1 : i32
    %scan3A_30 = scf.for %scan3A_571 = %scan3A_26 to %scan3A_28 step %scan3A_29 iter_args(%scan3A_572 = %broadcast_in_dim3A_25) -> (vector<200x1xi32>)  : i32 {
      %broadcast_in_dim3A_573 = arith.constant 10000 : i32
      %broadcast_in_dim3A_574 = vector.broadcast %broadcast_in_dim3A_573 : i32 to vector<200x512xi32>
      %scan3A_575 = arith.constant 0 : i32
      %scan3A_576 = arith.constant 20 : i32
      %scan3A_577 = arith.addi %scan3A_575, %scan3A_576 : i32
      %scan3A_578 = arith.constant 1 : i32
      %scan3A_579 = scf.for %scan3A_590 = %scan3A_575 to %scan3A_577 step %scan3A_578 iter_args(%scan3A_591 = %broadcast_in_dim3A_574) -> (vector<200x512xi32>)  : i32 {
        %get3A_592 = arith.index_cast %scan3A_590 : i32 to index
        %get3A_593 = arith.constant 0 : index
        %get3A_594 = arith.constant 0 : index
        %get3A_595 = vector.load %arg6[%get3A_592, %get3A_593, %get3A_594] : memref<20x200x512xi32, #tpu.memory_space<vmem>>, vector<1x200x512xi32>
        %get3A_596 = vector.shape_cast %get3A_595 : vector<1x200x512xi32> to vector<200x512xi32>
        %gt3A = vector.broadcast %scan3A_572 : vector<200x1xi32> to vector<200x512xi32>
        %gt3A_597 = arith.cmpi sgt, %get3A_596, %gt3A : vector<200x512xi32>
        %jit3A = arith.constant 10000 : i32
        %broadcast_in_dim3A_598 = vector.broadcast %jit3A : i32 to vector<200x512xi32>
        %select_n3A_599 = arith.select %gt3A_597, %get3A_596, %broadcast_in_dim3A_598 : vector<200x512xi1>, vector<200x512xi32>
        %min3A = arith.minsi %scan3A_591, %select_n3A_599 : vector<200x512xi32>
        scf.yield %min3A : vector<200x512xi32>
      }
      %scan3A_580 = arith.constant 20 : i32
      %reduce_min3A_581 = arith.constant dense<2147483647> : vector<200xi32>
      %reduce_min3A_582 = vector.multi_reduction <minsi>, %scan3A_579, %reduce_min3A_581 [1] : vector<200x512xi32> to vector<200xi32>
      %broadcast_in_dim3A_583 = vector.shape_cast %reduce_min3A_582 : vector<200xi32> to vector<200x1xi32>
      %swap3A_584 = arith.index_cast %scan3A_571 : i32 to index
      %swap3A_585 = arith.constant 0 : index
      %swap3A_586 = arith.constant 0 : index
      %swap3A_587 = vector.load %arg8[%swap3A_584, %swap3A_585, %swap3A_586] : memref<32x200x1xi32, #tpu.memory_space<vmem>>, vector<1x200x1xi32>
      %swap3A_588 = vector.shape_cast %swap3A_587 : vector<1x200x1xi32> to vector<200x1xi32>
      %swap3A_589 = vector.shape_cast %broadcast_in_dim3A_583 : vector<200x1xi32> to vector<1x200x1xi32>
      tpu.vector_store %arg8[%swap3A_584, %swap3A_585, %swap3A_586], %swap3A_589 {strides = array<i32>} : memref<32x200x1xi32, #tpu.memory_space<vmem>>, vector<1x200x1xi32>,
      scf.yield %broadcast_in_dim3A_583 : vector<200x1xi32>
    }
    %scan3A_31 = arith.constant 32 : i32
    %scan3A_32 = arith.constant 10241 : i32
    %scan3A_33 = arith.constant 0 : i32
    %scan3A_34 = arith.constant 16 : i32
    %scan3A_35 = arith.addi %scan3A_33, %scan3A_34 : i32
    %scan3A_36 = arith.constant 1 : i32
    %scan3A_37 = scf.for %scan3A_571 = %scan3A_33 to %scan3A_35 step %scan3A_36 iter_args(%scan3A_572 = %broadcast_in_dim3A_23) -> (vector<200x1xf32>)  : i32 {
      %broadcast_in_dim3A_573 = vector.broadcast %scan3A_32 : i32 to vector<200x512xi32>
      %scan3A_574 = arith.constant 0 : i32
      %scan3A_575 = arith.constant 20 : i32
      %scan3A_576 = arith.addi %scan3A_574, %scan3A_575 : i32
      %scan3A_577 = arith.constant 1 : i32
      %scan3A_578 = scf.for %scan3A_600 = %scan3A_574 to %scan3A_576 step %scan3A_577 iter_args(%scan3A_601 = %broadcast_in_dim3A_573) -> (vector<200x512xi32>)  : i32 {
        %get3A_602 = arith.index_cast %scan3A_600 : i32 to index
        %get3A_603 = arith.constant 0 : index
        %get3A_604 = arith.constant 0 : index
        %get3A_605 = vector.load %arg5[%get3A_602, %get3A_603, %get3A_604] : memref<20x200x512xf32, #tpu.memory_space<vmem>>, vector<1x200x512xf32>
        %get3A_606 = vector.shape_cast %get3A_605 : vector<1x200x512xf32> to vector<200x512xf32>
        %mul3A_607 = arith.constant 512 : i32
        %mul3A_608 = arith.muli %scan3A_600, %mul3A_607 : i32
        %iota3A = tpu.iota {dimensions = array<i32: 1>} : vector<200x512xi32>
        %add3A_609 = vector.broadcast %mul3A_608 : i32 to vector<200x512xi32>
        %add3A_610 = arith.addi %add3A_609, %iota3A : vector<200x512xi32>
        %eq3A_611 = vector.broadcast %scan3A_572 : vector<200x1xf32> to vector<200x512xf32>
        %eq3A_612 = arith.cmpf oeq, %get3A_606, %eq3A_611 : vector<200x512xf32>
        %broadcast_in_dim3A_613 = vector.broadcast %scan3A_32 : i32 to vector<200x512xi32>
        %select_n3A_614 = arith.select %eq3A_612, %add3A_610, %broadcast_in_dim3A_613 : vector<200x512xi1>, vector<200x512xi32>
        %min3A = arith.minsi %scan3A_601, %select_n3A_614 : vector<200x512xi32>
        scf.yield %min3A : vector<200x512xi32>
      }
      %scan3A_579 = arith.constant 20 : i32
      %reduce_min3A_580 = arith.constant dense<2147483647> : vector<200xi32>
      %reduce_min3A_581 = vector.multi_reduction <minsi>, %scan3A_578, %reduce_min3A_580 [1] : vector<200x512xi32> to vector<200xi32>
      %broadcast_in_dim3A_582 = vector.shape_cast %reduce_min3A_581 : vector<200xi32> to vector<200x1xi32>
      %swap3A_583 = arith.index_cast %scan3A_571 : i32 to index
      %swap3A_584 = arith.constant 0 : index
      %swap3A_585 = arith.constant 0 : index
      %swap3A_586 = vector.load %arg7[%swap3A_583, %swap3A_584, %swap3A_585] : memref<17x200x1xi32, #tpu.memory_space<vmem>>, vector<1x200x1xi32>
      %swap3A_587 = vector.shape_cast %swap3A_586 : vector<1x200x1xi32> to vector<200x1xi32>
      %swap3A_588 = vector.shape_cast %broadcast_in_dim3A_582 : vector<200x1xi32> to vector<1x200x1xi32>
      tpu.vector_store %arg7[%swap3A_583, %swap3A_584, %swap3A_585], %swap3A_588 {strides = array<i32>} : memref<17x200x1xi32, #tpu.memory_space<vmem>>, vector<1x200x1xi32>,
      %broadcast_in_dim3A_589 = arith.constant 0x7F800000 : f32
      %broadcast_in_dim3A_590 = vector.broadcast %broadcast_in_dim3A_589 : f32 to vector<200x512xf32>
      %scan3A_591 = arith.constant 0 : i32
      %scan3A_592 = arith.constant 20 : i32
      %scan3A_593 = arith.addi %scan3A_591, %scan3A_592 : i32
      %scan3A_594 = arith.constant 1 : i32
      %scan3A_595 = scf.for %scan3A_600 = %scan3A_591 to %scan3A_593 step %scan3A_594 iter_args(%scan3A_601 = %broadcast_in_dim3A_590) -> (vector<200x512xf32>)  : i32 {
        %mul3A_602 = arith.constant 512 : i32
        %mul3A_603 = arith.muli %scan3A_600, %mul3A_602 : i32
        %iota3A = tpu.iota {dimensions = array<i32: 1>} : vector<200x512xi32>
        %add3A_604 = vector.broadcast %mul3A_603 : i32 to vector<200x512xi32>
        %add3A_605 = arith.addi %add3A_604, %iota3A : vector<200x512xi32>
        %eq3A_606 = vector.broadcast %broadcast_in_dim3A_582 : vector<200x1xi32> to vector<200x512xi32>
        %eq3A_607 = arith.cmpi eq, %add3A_605, %eq3A_606 : vector<200x512xi32>
        %get3A_608 = arith.index_cast %scan3A_600 : i32 to index
        %get3A_609 = arith.constant 0 : index
        %get3A_610 = arith.constant 0 : index
        %get3A_611 = vector.load %arg5[%get3A_608, %get3A_609, %get3A_610] : memref<20x200x512xf32, #tpu.memory_space<vmem>>, vector<1x200x512xf32>
        %get3A_612 = vector.shape_cast %get3A_611 : vector<1x200x512xf32> to vector<200x512xf32>
        %jit3A = arith.constant 0x7F800000 : f32
        %broadcast_in_dim3A_613 = vector.broadcast %jit3A : f32 to vector<200x512xf32>
        %select_n3A_614 = arith.select %eq3A_607, %broadcast_in_dim3A_613, %get3A_612 : vector<200x512xi1>, vector<200x512xf32>
        %swap3A_615 = arith.index_cast %scan3A_600 : i32 to index
        %swap3A_616 = arith.constant 0 : index
        %swap3A_617 = arith.constant 0 : index
        %swap3A_618 = vector.load %arg5[%swap3A_615, %swap3A_616, %swap3A_617] : memref<20x200x512xf32, #tpu.memory_space<vmem>>, vector<1x200x512xf32>
        %swap3A_619 = vector.shape_cast %swap3A_618 : vector<1x200x512xf32> to vector<200x512xf32>
        %swap3A_620 = vector.shape_cast %select_n3A_614 : vector<200x512xf32> to vector<1x200x512xf32>
        tpu.vector_store %arg5[%swap3A_615, %swap3A_616, %swap3A_617], %swap3A_620 {strides = array<i32>} : memref<20x200x512xf32, #tpu.memory_space<vmem>>, vector<1x200x512xf32>,
        %min3A = arith.minimumf %scan3A_601, %select_n3A_614 : vector<200x512xf32>
        scf.yield %min3A : vector<200x512xf32>
      }
      %scan3A_596 = arith.constant 20 : i32
      %reduce_min3A_597 = arith.constant dense<0x7F800000> : vector<200xf32>
      %reduce_min3A_598 = vector.multi_reduction <minimumf>, %scan3A_595, %reduce_min3A_597 [1] : vector<200x512xf32> to vector<200xf32>
      %broadcast_in_dim3A_599 = vector.shape_cast %reduce_min3A_598 : vector<200xf32> to vector<200x1xf32>
      scf.yield %broadcast_in_dim3A_599 : vector<200x1xf32>
    }
    %scan3A_38 = arith.constant 16 : i32
    %broadcast_in_dim3A_39 = arith.constant 10241 : i32
    %broadcast_in_dim3A_40 = vector.broadcast %broadcast_in_dim3A_39 : i32 to vector<200x512xi32>
    %scan3A_41 = arith.constant 10241 : i32
    %scan3A_42 = arith.constant 0 : i32
    %scan3A_43 = arith.constant 20 : i32
    %scan3A_44 = arith.addi %scan3A_42, %scan3A_43 : i32
    %scan3A_45 = arith.constant 1 : i32
    %scan3A_46 = scf.for %scan3A_571 = %scan3A_42 to %scan3A_44 step %scan3A_45 iter_args(%scan3A_572 = %broadcast_in_dim3A_40) -> (vector<200x512xi32>)  : i32 {
      %get3A_573 = arith.index_cast %scan3A_571 : i32 to index
      %get3A_574 = arith.constant 0 : index
      %get3A_575 = arith.constant 0 : index
      %get3A_576 = vector.load %arg5[%get3A_573, %get3A_574, %get3A_575] : memref<20x200x512xf32, #tpu.memory_space<vmem>>, vector<1x200x512xf32>
      %get3A_577 = vector.shape_cast %get3A_576 : vector<1x200x512xf32> to vector<200x512xf32>
      %mul3A_578 = arith.constant 512 : i32
      %mul3A_579 = arith.muli %scan3A_571, %mul3A_578 : i32
      %iota3A = tpu.iota {dimensions = array<i32: 1>} : vector<200x512xi32>
      %add3A_580 = vector.broadcast %mul3A_579 : i32 to vector<200x512xi32>
      %add3A_581 = arith.addi %add3A_580, %iota3A : vector<200x512xi32>
      %eq3A_582 = vector.broadcast %scan3A_37 : vector<200x1xf32> to vector<200x512xf32>
      %eq3A_583 = arith.cmpf oeq, %get3A_577, %eq3A_582 : vector<200x512xf32>
      %broadcast_in_dim3A_584 = vector.broadcast %scan3A_41 : i32 to vector<200x512xi32>
      %select_n3A_585 = arith.select %eq3A_583, %add3A_581, %broadcast_in_dim3A_584 : vector<200x512xi1>, vector<200x512xi32>
      %min3A = arith.minsi %scan3A_572, %select_n3A_585 : vector<200x512xi32>
      scf.yield %min3A : vector<200x512xi32>
    }
    %scan3A_47 = arith.constant 20 : i32
    %reduce_min3A_48 = arith.constant dense<2147483647> : vector<200xi32>
    %reduce_min3A_49 = vector.multi_reduction <minsi>, %scan3A_46, %reduce_min3A_48 [1] : vector<200x512xi32> to vector<200xi32>
    %broadcast_in_dim3A_50 = vector.shape_cast %reduce_min3A_49 : vector<200xi32> to vector<200x1xi32>
    %swap3A = arith.constant 16 : index
    %swap3A_51 = arith.constant 0 : index
    %swap3A_52 = arith.constant 0 : index
    %swap3A_53 = vector.load %arg7[%swap3A, %swap3A_51, %swap3A_52] : memref<17x200x1xi32, #tpu.memory_space<vmem>>, vector<1x200x1xi32>
    %swap3A_54 = vector.shape_cast %swap3A_53 : vector<1x200x1xi32> to vector<200x1xi32>
    %swap3A_55 = vector.shape_cast %broadcast_in_dim3A_50 : vector<200x1xi32> to vector<1x200x1xi32>
    tpu.vector_store %arg7[%swap3A, %swap3A_51, %swap3A_52], %swap3A_55 {strides = array<i32>} : memref<17x200x1xi32, #tpu.memory_space<vmem>>, vector<1x200x1xi32>,
    %get3A_56 = arith.constant 0 : index
    %get3A_57 = arith.constant 0 : index
    %get3A_58 = arith.constant 0 : index
    %get3A_59 = vector.load %arg8[%get3A_56, %get3A_57, %get3A_58] : memref<32x200x1xi32, #tpu.memory_space<vmem>>, vector<1x200x1xi32>
    %get3A_60 = vector.shape_cast %get3A_59 : vector<1x200x1xi32> to vector<200x1xi32>
    %get3A_61 = arith.constant 0 : index
    %get3A_62 = arith.constant 0 : index
    %get3A_63 = arith.constant 0 : index
    %get3A_64 = vector.load %arg8[%get3A_61, %get3A_62, %get3A_63] : memref<32x200x1xi32, #tpu.memory_space<vmem>>, vector<1x200x1xi32>
    %get3A_65 = vector.shape_cast %get3A_64 : vector<1x200x1xi32> to vector<200x1xi32>
    %eq3A = arith.constant 10000 : i32
    %eq3A_66 = vector.broadcast %eq3A : i32 to vector<200x1xi32>
    %eq3A_67 = arith.cmpi eq, %get3A_65, %eq3A_66 : vector<200x1xi32>
    %select_n3A = arith.select %eq3A_67, %get3A_60, %get3A_65 : vector<200x1xi1>, vector<200x1xi32>
    %swap3A_68 = arith.constant 0 : index
    %swap3A_69 = arith.constant 0 : index
    %swap3A_70 = vector.load %arg4[%swap3A_68, %swap3A_69] : memref<200x32xi32, #tpu.memory_space<vmem>>, vector<200x1xi32>
    tpu.vector_store %arg4[%swap3A_68, %swap3A_69], %select_n3A {strides = array<i32>} : memref<200x32xi32, #tpu.memory_space<vmem>>, vector<200x1xi32>,
    %get3A_71 = arith.constant 1 : index
    %get3A_72 = arith.constant 0 : index
    %get3A_73 = arith.constant 0 : index
    %get3A_74 = vector.load %arg8[%get3A_71, %get3A_72, %get3A_73] : memref<32x200x1xi32, #tpu.memory_space<vmem>>, vector<1x200x1xi32>
    %get3A_75 = vector.shape_cast %get3A_74 : vector<1x200x1xi32> to vector<200x1xi32>
    %eq3A_76 = arith.constant 10000 : i32
    %eq3A_77 = vector.broadcast %eq3A_76 : i32 to vector<200x1xi32>
    %eq3A_78 = arith.cmpi eq, %get3A_75, %eq3A_77 : vector<200x1xi32>
    %select_n3A_79 = arith.select %eq3A_78, %get3A_60, %get3A_75 : vector<200x1xi1>, vector<200x1xi32>
    %swap3A_80 = arith.constant 0 : index
    %swap3A_81 = arith.constant 1 : index
    %swap3A_82 = vector.load %arg4[%swap3A_80, %swap3A_81] : memref<200x32xi32, #tpu.memory_space<vmem>>, vector<200x1xi32>
    tpu.vector_store %arg4[%swap3A_80, %swap3A_81], %select_n3A_79 {strides = array<i32>} : memref<200x32xi32, #tpu.memory_space<vmem>>, vector<200x1xi32>,
    %get3A_83 = arith.constant 2 : index
    %get3A_84 = arith.constant 0 : index
    %get3A_85 = arith.constant 0 : index
    %get3A_86 = vector.load %arg8[%get3A_83, %get3A_84, %get3A_85] : memref<32x200x1xi32, #tpu.memory_space<vmem>>, vector<1x200x1xi32>
    %get3A_87 = vector.shape_cast %get3A_86 : vector<1x200x1xi32> to vector<200x1xi32>
    %eq3A_88 = arith.constant 10000 : i32
    %eq3A_89 = vector.broadcast %eq3A_88 : i32 to vector<200x1xi32>
    %eq3A_90 = arith.cmpi eq, %get3A_87, %eq3A_89 : vector<200x1xi32>
    %select_n3A_91 = arith.select %eq3A_90, %get3A_60, %get3A_87 : vector<200x1xi1>, vector<200x1xi32>
    %swap3A_92 = arith.constant 0 : index
    %swap3A_93 = arith.constant 2 : index
    %swap3A_94 = vector.load %arg4[%swap3A_92, %swap3A_93] : memref<200x32xi32, #tpu.memory_space<vmem>>, vector<200x1xi32>
    tpu.vector_store %arg4[%swap3A_92, %swap3A_93], %select_n3A_91 {strides = array<i32>} : memref<200x32xi32, #tpu.memory_space<vmem>>, vector<200x1xi32>,
    %get3A_95 = arith.constant 3 : index
    %get3A_96 = arith.constant 0 : index
    %get3A_97 = arith.constant 0 : index
    %get3A_98 = vector.load %arg8[%get3A_95, %get3A_96, %get3A_97] : memref<32x200x1xi32, #tpu.memory_space<vmem>>, vector<1x200x1xi32>
    %get3A_99 = vector.shape_cast %get3A_98 : vector<1x200x1xi32> to vector<200x1xi32>
    %eq3A_100 = arith.constant 10000 : i32
    %eq3A_101 = vector.broadcast %eq3A_100 : i32 to vector<200x1xi32>
    %eq3A_102 = arith.cmpi eq, %get3A_99, %eq3A_101 : vector<200x1xi32>
    %select_n3A_103 = arith.select %eq3A_102, %get3A_60, %get3A_99 : vector<200x1xi1>, vector<200x1xi32>
    %swap3A_104 = arith.constant 0 : index
    %swap3A_105 = arith.constant 3 : index
    %swap3A_106 = vector.load %arg4[%swap3A_104, %swap3A_105] : memref<200x32xi32, #tpu.memory_space<vmem>>, vector<200x1xi32>
    tpu.vector_store %arg4[%swap3A_104, %swap3A_105], %select_n3A_103 {strides = array<i32>} : memref<200x32xi32, #tpu.memory_space<vmem>>, vector<200x1xi32>,
    %get3A_107 = arith.constant 4 : index
    %get3A_108 = arith.constant 0 : index
    %get3A_109 = arith.constant 0 : index
    %get3A_110 = vector.load %arg8[%get3A_107, %get3A_108, %get3A_109] : memref<32x200x1xi32, #tpu.memory_space<vmem>>, vector<1x200x1xi32>
    %get3A_111 = vector.shape_cast %get3A_110 : vector<1x200x1xi32> to vector<200x1xi32>
    %eq3A_112 = arith.constant 10000 : i32
    %eq3A_113 = vector.broadcast %eq3A_112 : i32 to vector<200x1xi32>
    %eq3A_114 = arith.cmpi eq, %get3A_111, %eq3A_113 : vector<200x1xi32>
    %select_n3A_115 = arith.select %eq3A_114, %get3A_60, %get3A_111 : vector<200x1xi1>, vector<200x1xi32>
    %swap3A_116 = arith.constant 0 : index
    %swap3A_117 = arith.constant 4 : index
    %swap3A_118 = vector.load %arg4[%swap3A_116, %swap3A_117] : memref<200x32xi32, #tpu.memory_space<vmem>>, vector<200x1xi32>
    tpu.vector_store %arg4[%swap3A_116, %swap3A_117], %select_n3A_115 {strides = array<i32>} : memref<200x32xi32, #tpu.memory_space<vmem>>, vector<200x1xi32>,
    %get3A_119 = arith.constant 5 : index
    %get3A_120 = arith.constant 0 : index
    %get3A_121 = arith.constant 0 : index
    %get3A_122 = vector.load %arg8[%get3A_119, %get3A_120, %get3A_121] : memref<32x200x1xi32, #tpu.memory_space<vmem>>, vector<1x200x1xi32>
    %get3A_123 = vector.shape_cast %get3A_122 : vector<1x200x1xi32> to vector<200x1xi32>
    %eq3A_124 = arith.constant 10000 : i32
    %eq3A_125 = vector.broadcast %eq3A_124 : i32 to vector<200x1xi32>
    %eq3A_126 = arith.cmpi eq, %get3A_123, %eq3A_125 : vector<200x1xi32>
    %select_n3A_127 = arith.select %eq3A_126, %get3A_60, %get3A_123 : vector<200x1xi1>, vector<200x1xi32>
    %swap3A_128 = arith.constant 0 : index
    %swap3A_129 = arith.constant 5 : index
    %swap3A_130 = vector.load %arg4[%swap3A_128, %swap3A_129] : memref<200x32xi32, #tpu.memory_space<vmem>>, vector<200x1xi32>
    tpu.vector_store %arg4[%swap3A_128, %swap3A_129], %select_n3A_127 {strides = array<i32>} : memref<200x32xi32, #tpu.memory_space<vmem>>, vector<200x1xi32>,
    %get3A_131 = arith.constant 6 : index
    %get3A_132 = arith.constant 0 : index
    %get3A_133 = arith.constant 0 : index
    %get3A_134 = vector.load %arg8[%get3A_131, %get3A_132, %get3A_133] : memref<32x200x1xi32, #tpu.memory_space<vmem>>, vector<1x200x1xi32>
    %get3A_135 = vector.shape_cast %get3A_134 : vector<1x200x1xi32> to vector<200x1xi32>
    %eq3A_136 = arith.constant 10000 : i32
    %eq3A_137 = vector.broadcast %eq3A_136 : i32 to vector<200x1xi32>
    %eq3A_138 = arith.cmpi eq, %get3A_135, %eq3A_137 : vector<200x1xi32>
    %select_n3A_139 = arith.select %eq3A_138, %get3A_60, %get3A_135 : vector<200x1xi1>, vector<200x1xi32>
    %swap3A_140 = arith.constant 0 : index
    %swap3A_141 = arith.constant 6 : index
    %swap3A_142 = vector.load %arg4[%swap3A_140, %swap3A_141] : memref<200x32xi32, #tpu.memory_space<vmem>>, vector<200x1xi32>
    tpu.vector_store %arg4[%swap3A_140, %swap3A_141], %select_n3A_139 {strides = array<i32>} : memref<200x32xi32, #tpu.memory_space<vmem>>, vector<200x1xi32>,
    %get3A_143 = arith.constant 7 : index
    %get3A_144 = arith.constant 0 : index
    %get3A_145 = arith.constant 0 : index
    %get3A_146 = vector.load %arg8[%get3A_143, %get3A_144, %get3A_145] : memref<32x200x1xi32, #tpu.memory_space<vmem>>, vector<1x200x1xi32>
    %get3A_147 = vector.shape_cast %get3A_146 : vector<1x200x1xi32> to vector<200x1xi32>
    %eq3A_148 = arith.constant 10000 : i32
    %eq3A_149 = vector.broadcast %eq3A_148 : i32 to vector<200x1xi32>
    %eq3A_150 = arith.cmpi eq, %get3A_147, %eq3A_149 : vector<200x1xi32>
    %select_n3A_151 = arith.select %eq3A_150, %get3A_60, %get3A_147 : vector<200x1xi1>, vector<200x1xi32>
    %swap3A_152 = arith.constant 0 : index
    %swap3A_153 = arith.constant 7 : index
    %swap3A_154 = vector.load %arg4[%swap3A_152, %swap3A_153] : memref<200x32xi32, #tpu.memory_space<vmem>>, vector<200x1xi32>
    tpu.vector_store %arg4[%swap3A_152, %swap3A_153], %select_n3A_151 {strides = array<i32>} : memref<200x32xi32, #tpu.memory_space<vmem>>, vector<200x1xi32>,
    %get3A_155 = arith.constant 8 : index
    %get3A_156 = arith.constant 0 : index
    %get3A_157 = arith.constant 0 : index
    %get3A_158 = vector.load %arg8[%get3A_155, %get3A_156, %get3A_157] : memref<32x200x1xi32, #tpu.memory_space<vmem>>, vector<1x200x1xi32>
    %get3A_159 = vector.shape_cast %get3A_158 : vector<1x200x1xi32> to vector<200x1xi32>
    %eq3A_160 = arith.constant 10000 : i32
    %eq3A_161 = vector.broadcast %eq3A_160 : i32 to vector<200x1xi32>
    %eq3A_162 = arith.cmpi eq, %get3A_159, %eq3A_161 : vector<200x1xi32>
    %select_n3A_163 = arith.select %eq3A_162, %get3A_60, %get3A_159 : vector<200x1xi1>, vector<200x1xi32>
    %swap3A_164 = arith.constant 0 : index
    %swap3A_165 = arith.constant 8 : index
    %swap3A_166 = vector.load %arg4[%swap3A_164, %swap3A_165] : memref<200x32xi32, #tpu.memory_space<vmem>>, vector<200x1xi32>
    tpu.vector_store %arg4[%swap3A_164, %swap3A_165], %select_n3A_163 {strides = array<i32>} : memref<200x32xi32, #tpu.memory_space<vmem>>, vector<200x1xi32>,
    %get3A_167 = arith.constant 9 : index
    %get3A_168 = arith.constant 0 : index
    %get3A_169 = arith.constant 0 : index
    %get3A_170 = vector.load %arg8[%get3A_167, %get3A_168, %get3A_169] : memref<32x200x1xi32, #tpu.memory_space<vmem>>, vector<1x200x1xi32>
    %get3A_171 = vector.shape_cast %get3A_170 : vector<1x200x1xi32> to vector<200x1xi32>
    %eq3A_172 = arith.constant 10000 : i32
    %eq3A_173 = vector.broadcast %eq3A_172 : i32 to vector<200x1xi32>
    %eq3A_174 = arith.cmpi eq, %get3A_171, %eq3A_173 : vector<200x1xi32>
    %select_n3A_175 = arith.select %eq3A_174, %get3A_60, %get3A_171 : vector<200x1xi1>, vector<200x1xi32>
    %swap3A_176 = arith.constant 0 : index
    %swap3A_177 = arith.constant 9 : index
    %swap3A_178 = vector.load %arg4[%swap3A_176, %swap3A_177] : memref<200x32xi32, #tpu.memory_space<vmem>>, vector<200x1xi32>
    tpu.vector_store %arg4[%swap3A_176, %swap3A_177], %select_n3A_175 {strides = array<i32>} : memref<200x32xi32, #tpu.memory_space<vmem>>, vector<200x1xi32>,
    %get3A_179 = arith.constant 10 : index
    %get3A_180 = arith.constant 0 : index
    %get3A_181 = arith.constant 0 : index
    %get3A_182 = vector.load %arg8[%get3A_179, %get3A_180, %get3A_181] : memref<32x200x1xi32, #tpu.memory_space<vmem>>, vector<1x200x1xi32>
    %get3A_183 = vector.shape_cast %get3A_182 : vector<1x200x1xi32> to vector<200x1xi32>
    %eq3A_184 = arith.constant 10000 : i32
    %eq3A_185 = vector.broadcast %eq3A_184 : i32 to vector<200x1xi32>
    %eq3A_186 = arith.cmpi eq, %get3A_183, %eq3A_185 : vector<200x1xi32>
    %select_n3A_187 = arith.select %eq3A_186, %get3A_60, %get3A_183 : vector<200x1xi1>, vector<200x1xi32>
    %swap3A_188 = arith.constant 0 : index
    %swap3A_189 = arith.constant 10 : index
    %swap3A_190 = vector.load %arg4[%swap3A_188, %swap3A_189] : memref<200x32xi32, #tpu.memory_space<vmem>>, vector<200x1xi32>
    tpu.vector_store %arg4[%swap3A_188, %swap3A_189], %select_n3A_187 {strides = array<i32>} : memref<200x32xi32, #tpu.memory_space<vmem>>, vector<200x1xi32>,
    %get3A_191 = arith.constant 11 : index
    %get3A_192 = arith.constant 0 : index
    %get3A_193 = arith.constant 0 : index
    %get3A_194 = vector.load %arg8[%get3A_191, %get3A_192, %get3A_193] : memref<32x200x1xi32, #tpu.memory_space<vmem>>, vector<1x200x1xi32>
    %get3A_195 = vector.shape_cast %get3A_194 : vector<1x200x1xi32> to vector<200x1xi32>
    %eq3A_196 = arith.constant 10000 : i32
    %eq3A_197 = vector.broadcast %eq3A_196 : i32 to vector<200x1xi32>
    %eq3A_198 = arith.cmpi eq, %get3A_195, %eq3A_197 : vector<200x1xi32>
    %select_n3A_199 = arith.select %eq3A_198, %get3A_60, %get3A_195 : vector<200x1xi1>, vector<200x1xi32>
    %swap3A_200 = arith.constant 0 : index
    %swap3A_201 = arith.constant 11 : index
    %swap3A_202 = vector.load %arg4[%swap3A_200, %swap3A_201] : memref<200x32xi32, #tpu.memory_space<vmem>>, vector<200x1xi32>
    tpu.vector_store %arg4[%swap3A_200, %swap3A_201], %select_n3A_199 {strides = array<i32>} : memref<200x32xi32, #tpu.memory_space<vmem>>, vector<200x1xi32>,
    %get3A_203 = arith.constant 12 : index
    %get3A_204 = arith.constant 0 : index
    %get3A_205 = arith.constant 0 : index
    %get3A_206 = vector.load %arg8[%get3A_203, %get3A_204, %get3A_205] : memref<32x200x1xi32, #tpu.memory_space<vmem>>, vector<1x200x1xi32>
    %get3A_207 = vector.shape_cast %get3A_206 : vector<1x200x1xi32> to vector<200x1xi32>
    %eq3A_208 = arith.constant 10000 : i32
    %eq3A_209 = vector.broadcast %eq3A_208 : i32 to vector<200x1xi32>
    %eq3A_210 = arith.cmpi eq, %get3A_207, %eq3A_209 : vector<200x1xi32>
    %select_n3A_211 = arith.select %eq3A_210, %get3A_60, %get3A_207 : vector<200x1xi1>, vector<200x1xi32>
    %swap3A_212 = arith.constant 0 : index
    %swap3A_213 = arith.constant 12 : index
    %swap3A_214 = vector.load %arg4[%swap3A_212, %swap3A_213] : memref<200x32xi32, #tpu.memory_space<vmem>>, vector<200x1xi32>
    tpu.vector_store %arg4[%swap3A_212, %swap3A_213], %select_n3A_211 {strides = array<i32>} : memref<200x32xi32, #tpu.memory_space<vmem>>, vector<200x1xi32>,
    %get3A_215 = arith.constant 13 : index
    %get3A_216 = arith.constant 0 : index
    %get3A_217 = arith.constant 0 : index
    %get3A_218 = vector.load %arg8[%get3A_215, %get3A_216, %get3A_217] : memref<32x200x1xi32, #tpu.memory_space<vmem>>, vector<1x200x1xi32>
    %get3A_219 = vector.shape_cast %get3A_218 : vector<1x200x1xi32> to vector<200x1xi32>
    %eq3A_220 = arith.constant 10000 : i32
    %eq3A_221 = vector.broadcast %eq3A_220 : i32 to vector<200x1xi32>
    %eq3A_222 = arith.cmpi eq, %get3A_219, %eq3A_221 : vector<200x1xi32>
    %select_n3A_223 = arith.select %eq3A_222, %get3A_60, %get3A_219 : vector<200x1xi1>, vector<200x1xi32>
    %swap3A_224 = arith.constant 0 : index
    %swap3A_225 = arith.constant 13 : index
    %swap3A_226 = vector.load %arg4[%swap3A_224, %swap3A_225] : memref<200x32xi32, #tpu.memory_space<vmem>>, vector<200x1xi32>
    tpu.vector_store %arg4[%swap3A_224, %swap3A_225], %select_n3A_223 {strides = array<i32>} : memref<200x32xi32, #tpu.memory_space<vmem>>, vector<200x1xi32>,
    %get3A_227 = arith.constant 14 : index
    %get3A_228 = arith.constant 0 : index
    %get3A_229 = arith.constant 0 : index
    %get3A_230 = vector.load %arg8[%get3A_227, %get3A_228, %get3A_229] : memref<32x200x1xi32, #tpu.memory_space<vmem>>, vector<1x200x1xi32>
    %get3A_231 = vector.shape_cast %get3A_230 : vector<1x200x1xi32> to vector<200x1xi32>
    %eq3A_232 = arith.constant 10000 : i32
    %eq3A_233 = vector.broadcast %eq3A_232 : i32 to vector<200x1xi32>
    %eq3A_234 = arith.cmpi eq, %get3A_231, %eq3A_233 : vector<200x1xi32>
    %select_n3A_235 = arith.select %eq3A_234, %get3A_60, %get3A_231 : vector<200x1xi1>, vector<200x1xi32>
    %swap3A_236 = arith.constant 0 : index
    %swap3A_237 = arith.constant 14 : index
    %swap3A_238 = vector.load %arg4[%swap3A_236, %swap3A_237] : memref<200x32xi32, #tpu.memory_space<vmem>>, vector<200x1xi32>
    tpu.vector_store %arg4[%swap3A_236, %swap3A_237], %select_n3A_235 {strides = array<i32>} : memref<200x32xi32, #tpu.memory_space<vmem>>, vector<200x1xi32>,
    %get3A_239 = arith.constant 15 : index
    %get3A_240 = arith.constant 0 : index
    %get3A_241 = arith.constant 0 : index
    %get3A_242 = vector.load %arg8[%get3A_239, %get3A_240, %get3A_241] : memref<32x200x1xi32, #tpu.memory_space<vmem>>, vector<1x200x1xi32>
    %get3A_243 = vector.shape_cast %get3A_242 : vector<1x200x1xi32> to vector<200x1xi32>
    %eq3A_244 = arith.constant 10000 : i32
    %eq3A_245 = vector.broadcast %eq3A_244 : i32 to vector<200x1xi32>
    %eq3A_246 = arith.cmpi eq, %get3A_243, %eq3A_245 : vector<200x1xi32>
    %select_n3A_247 = arith.select %eq3A_246, %get3A_60, %get3A_243 : vector<200x1xi1>, vector<200x1xi32>
    %swap3A_248 = arith.constant 0 : index
    %swap3A_249 = arith.constant 15 : index
    %swap3A_250 = vector.load %arg4[%swap3A_248, %swap3A_249] : memref<200x32xi32, #tpu.memory_space<vmem>>, vector<200x1xi32>
    tpu.vector_store %arg4[%swap3A_248, %swap3A_249], %select_n3A_247 {strides = array<i32>} : memref<200x32xi32, #tpu.memory_space<vmem>>, vector<200x1xi32>,
    %get3A_251 = arith.constant 16 : index
    %get3A_252 = arith.constant 0 : index
    %get3A_253 = arith.constant 0 : index
    %get3A_254 = vector.load %arg8[%get3A_251, %get3A_252, %get3A_253] : memref<32x200x1xi32, #tpu.memory_space<vmem>>, vector<1x200x1xi32>
    %get3A_255 = vector.shape_cast %get3A_254 : vector<1x200x1xi32> to vector<200x1xi32>
    %eq3A_256 = arith.constant 10000 : i32
    %eq3A_257 = vector.broadcast %eq3A_256 : i32 to vector<200x1xi32>
    %eq3A_258 = arith.cmpi eq, %get3A_255, %eq3A_257 : vector<200x1xi32>
    %select_n3A_259 = arith.select %eq3A_258, %get3A_60, %get3A_255 : vector<200x1xi1>, vector<200x1xi32>
    %swap3A_260 = arith.constant 0 : index
    %swap3A_261 = arith.constant 16 : index
    %swap3A_262 = vector.load %arg4[%swap3A_260, %swap3A_261] : memref<200x32xi32, #tpu.memory_space<vmem>>, vector<200x1xi32>
    tpu.vector_store %arg4[%swap3A_260, %swap3A_261], %select_n3A_259 {strides = array<i32>} : memref<200x32xi32, #tpu.memory_space<vmem>>, vector<200x1xi32>,
    %get3A_263 = arith.constant 17 : index
    %get3A_264 = arith.constant 0 : index
    %get3A_265 = arith.constant 0 : index
    %get3A_266 = vector.load %arg8[%get3A_263, %get3A_264, %get3A_265] : memref<32x200x1xi32, #tpu.memory_space<vmem>>, vector<1x200x1xi32>
    %get3A_267 = vector.shape_cast %get3A_266 : vector<1x200x1xi32> to vector<200x1xi32>
    %eq3A_268 = arith.constant 10000 : i32
    %eq3A_269 = vector.broadcast %eq3A_268 : i32 to vector<200x1xi32>
    %eq3A_270 = arith.cmpi eq, %get3A_267, %eq3A_269 : vector<200x1xi32>
    %select_n3A_271 = arith.select %eq3A_270, %get3A_60, %get3A_267 : vector<200x1xi1>, vector<200x1xi32>
    %swap3A_272 = arith.constant 0 : index
    %swap3A_273 = arith.constant 17 : index
    %swap3A_274 = vector.load %arg4[%swap3A_272, %swap3A_273] : memref<200x32xi32, #tpu.memory_space<vmem>>, vector<200x1xi32>
    tpu.vector_store %arg4[%swap3A_272, %swap3A_273], %select_n3A_271 {strides = array<i32>} : memref<200x32xi32, #tpu.memory_space<vmem>>, vector<200x1xi32>,
    %get3A_275 = arith.constant 18 : index
    %get3A_276 = arith.constant 0 : index
    %get3A_277 = arith.constant 0 : index
    %get3A_278 = vector.load %arg8[%get3A_275, %get3A_276, %get3A_277] : memref<32x200x1xi32, #tpu.memory_space<vmem>>, vector<1x200x1xi32>
    %get3A_279 = vector.shape_cast %get3A_278 : vector<1x200x1xi32> to vector<200x1xi32>
    %eq3A_280 = arith.constant 10000 : i32
    %eq3A_281 = vector.broadcast %eq3A_280 : i32 to vector<200x1xi32>
    %eq3A_282 = arith.cmpi eq, %get3A_279, %eq3A_281 : vector<200x1xi32>
    %select_n3A_283 = arith.select %eq3A_282, %get3A_60, %get3A_279 : vector<200x1xi1>, vector<200x1xi32>
    %swap3A_284 = arith.constant 0 : index
    %swap3A_285 = arith.constant 18 : index
    %swap3A_286 = vector.load %arg4[%swap3A_284, %swap3A_285] : memref<200x32xi32, #tpu.memory_space<vmem>>, vector<200x1xi32>
    tpu.vector_store %arg4[%swap3A_284, %swap3A_285], %select_n3A_283 {strides = array<i32>} : memref<200x32xi32, #tpu.memory_space<vmem>>, vector<200x1xi32>,
    %get3A_287 = arith.constant 19 : index
    %get3A_288 = arith.constant 0 : index
    %get3A_289 = arith.constant 0 : index
    %get3A_290 = vector.load %arg8[%get3A_287, %get3A_288, %get3A_289] : memref<32x200x1xi32, #tpu.memory_space<vmem>>, vector<1x200x1xi32>
    %get3A_291 = vector.shape_cast %get3A_290 : vector<1x200x1xi32> to vector<200x1xi32>
    %eq3A_292 = arith.constant 10000 : i32
    %eq3A_293 = vector.broadcast %eq3A_292 : i32 to vector<200x1xi32>
    %eq3A_294 = arith.cmpi eq, %get3A_291, %eq3A_293 : vector<200x1xi32>
    %select_n3A_295 = arith.select %eq3A_294, %get3A_60, %get3A_291 : vector<200x1xi1>, vector<200x1xi32>
    %swap3A_296 = arith.constant 0 : index
    %swap3A_297 = arith.constant 19 : index
    %swap3A_298 = vector.load %arg4[%swap3A_296, %swap3A_297] : memref<200x32xi32, #tpu.memory_space<vmem>>, vector<200x1xi32>
    tpu.vector_store %arg4[%swap3A_296, %swap3A_297], %select_n3A_295 {strides = array<i32>} : memref<200x32xi32, #tpu.memory_space<vmem>>, vector<200x1xi32>,
    %get3A_299 = arith.constant 20 : index
    %get3A_300 = arith.constant 0 : index
    %get3A_301 = arith.constant 0 : index
    %get3A_302 = vector.load %arg8[%get3A_299, %get3A_300, %get3A_301] : memref<32x200x1xi32, #tpu.memory_space<vmem>>, vector<1x200x1xi32>
    %get3A_303 = vector.shape_cast %get3A_302 : vector<1x200x1xi32> to vector<200x1xi32>
    %eq3A_304 = arith.constant 10000 : i32
    %eq3A_305 = vector.broadcast %eq3A_304 : i32 to vector<200x1xi32>
    %eq3A_306 = arith.cmpi eq, %get3A_303, %eq3A_305 : vector<200x1xi32>
    %select_n3A_307 = arith.select %eq3A_306, %get3A_60, %get3A_303 : vector<200x1xi1>, vector<200x1xi32>
    %swap3A_308 = arith.constant 0 : index
    %swap3A_309 = arith.constant 20 : index
    %swap3A_310 = vector.load %arg4[%swap3A_308, %swap3A_309] : memref<200x32xi32, #tpu.memory_space<vmem>>, vector<200x1xi32>
    tpu.vector_store %arg4[%swap3A_308, %swap3A_309], %select_n3A_307 {strides = array<i32>} : memref<200x32xi32, #tpu.memory_space<vmem>>, vector<200x1xi32>,
    %get3A_311 = arith.constant 21 : index
    %get3A_312 = arith.constant 0 : index
    %get3A_313 = arith.constant 0 : index
    %get3A_314 = vector.load %arg8[%get3A_311, %get3A_312, %get3A_313] : memref<32x200x1xi32, #tpu.memory_space<vmem>>, vector<1x200x1xi32>
    %get3A_315 = vector.shape_cast %get3A_314 : vector<1x200x1xi32> to vector<200x1xi32>
    %eq3A_316 = arith.constant 10000 : i32
    %eq3A_317 = vector.broadcast %eq3A_316 : i32 to vector<200x1xi32>
    %eq3A_318 = arith.cmpi eq, %get3A_315, %eq3A_317 : vector<200x1xi32>
    %select_n3A_319 = arith.select %eq3A_318, %get3A_60, %get3A_315 : vector<200x1xi1>, vector<200x1xi32>
    %swap3A_320 = arith.constant 0 : index
    %swap3A_321 = arith.constant 21 : index
    %swap3A_322 = vector.load %arg4[%swap3A_320, %swap3A_321] : memref<200x32xi32, #tpu.memory_space<vmem>>, vector<200x1xi32>
    tpu.vector_store %arg4[%swap3A_320, %swap3A_321], %select_n3A_319 {strides = array<i32>} : memref<200x32xi32, #tpu.memory_space<vmem>>, vector<200x1xi32>,
    %get3A_323 = arith.constant 22 : index
    %get3A_324 = arith.constant 0 : index
    %get3A_325 = arith.constant 0 : index
    %get3A_326 = vector.load %arg8[%get3A_323, %get3A_324, %get3A_325] : memref<32x200x1xi32, #tpu.memory_space<vmem>>, vector<1x200x1xi32>
    %get3A_327 = vector.shape_cast %get3A_326 : vector<1x200x1xi32> to vector<200x1xi32>
    %eq3A_328 = arith.constant 10000 : i32
    %eq3A_329 = vector.broadcast %eq3A_328 : i32 to vector<200x1xi32>
    %eq3A_330 = arith.cmpi eq, %get3A_327, %eq3A_329 : vector<200x1xi32>
    %select_n3A_331 = arith.select %eq3A_330, %get3A_60, %get3A_327 : vector<200x1xi1>, vector<200x1xi32>
    %swap3A_332 = arith.constant 0 : index
    %swap3A_333 = arith.constant 22 : index
    %swap3A_334 = vector.load %arg4[%swap3A_332, %swap3A_333] : memref<200x32xi32, #tpu.memory_space<vmem>>, vector<200x1xi32>
    tpu.vector_store %arg4[%swap3A_332, %swap3A_333], %select_n3A_331 {strides = array<i32>} : memref<200x32xi32, #tpu.memory_space<vmem>>, vector<200x1xi32>,
    %get3A_335 = arith.constant 23 : index
    %get3A_336 = arith.constant 0 : index
    %get3A_337 = arith.constant 0 : index
    %get3A_338 = vector.load %arg8[%get3A_335, %get3A_336, %get3A_337] : memref<32x200x1xi32, #tpu.memory_space<vmem>>, vector<1x200x1xi32>
    %get3A_339 = vector.shape_cast %get3A_338 : vector<1x200x1xi32> to vector<200x1xi32>
    %eq3A_340 = arith.constant 10000 : i32
    %eq3A_341 = vector.broadcast %eq3A_340 : i32 to vector<200x1xi32>
    %eq3A_342 = arith.cmpi eq, %get3A_339, %eq3A_341 : vector<200x1xi32>
    %select_n3A_343 = arith.select %eq3A_342, %get3A_60, %get3A_339 : vector<200x1xi1>, vector<200x1xi32>
    %swap3A_344 = arith.constant 0 : index
    %swap3A_345 = arith.constant 23 : index
    %swap3A_346 = vector.load %arg4[%swap3A_344, %swap3A_345] : memref<200x32xi32, #tpu.memory_space<vmem>>, vector<200x1xi32>
    tpu.vector_store %arg4[%swap3A_344, %swap3A_345], %select_n3A_343 {strides = array<i32>} : memref<200x32xi32, #tpu.memory_space<vmem>>, vector<200x1xi32>,
    %get3A_347 = arith.constant 24 : index
    %get3A_348 = arith.constant 0 : index
    %get3A_349 = arith.constant 0 : index
    %get3A_350 = vector.load %arg8[%get3A_347, %get3A_348, %get3A_349] : memref<32x200x1xi32, #tpu.memory_space<vmem>>, vector<1x200x1xi32>
    %get3A_351 = vector.shape_cast %get3A_350 : vector<1x200x1xi32> to vector<200x1xi32>
    %eq3A_352 = arith.constant 10000 : i32
    %eq3A_353 = vector.broadcast %eq3A_352 : i32 to vector<200x1xi32>
    %eq3A_354 = arith.cmpi eq, %get3A_351, %eq3A_353 : vector<200x1xi32>
    %select_n3A_355 = arith.select %eq3A_354, %get3A_60, %get3A_351 : vector<200x1xi1>, vector<200x1xi32>
    %swap3A_356 = arith.constant 0 : index
    %swap3A_357 = arith.constant 24 : index
    %swap3A_358 = vector.load %arg4[%swap3A_356, %swap3A_357] : memref<200x32xi32, #tpu.memory_space<vmem>>, vector<200x1xi32>
    tpu.vector_store %arg4[%swap3A_356, %swap3A_357], %select_n3A_355 {strides = array<i32>} : memref<200x32xi32, #tpu.memory_space<vmem>>, vector<200x1xi32>,
    %get3A_359 = arith.constant 25 : index
    %get3A_360 = arith.constant 0 : index
    %get3A_361 = arith.constant 0 : index
    %get3A_362 = vector.load %arg8[%get3A_359, %get3A_360, %get3A_361] : memref<32x200x1xi32, #tpu.memory_space<vmem>>, vector<1x200x1xi32>
    %get3A_363 = vector.shape_cast %get3A_362 : vector<1x200x1xi32> to vector<200x1xi32>
    %eq3A_364 = arith.constant 10000 : i32
    %eq3A_365 = vector.broadcast %eq3A_364 : i32 to vector<200x1xi32>
    %eq3A_366 = arith.cmpi eq, %get3A_363, %eq3A_365 : vector<200x1xi32>
    %select_n3A_367 = arith.select %eq3A_366, %get3A_60, %get3A_363 : vector<200x1xi1>, vector<200x1xi32>
    %swap3A_368 = arith.constant 0 : index
    %swap3A_369 = arith.constant 25 : index
    %swap3A_370 = vector.load %arg4[%swap3A_368, %swap3A_369] : memref<200x32xi32, #tpu.memory_space<vmem>>, vector<200x1xi32>
    tpu.vector_store %arg4[%swap3A_368, %swap3A_369], %select_n3A_367 {strides = array<i32>} : memref<200x32xi32, #tpu.memory_space<vmem>>, vector<200x1xi32>,
    %get3A_371 = arith.constant 26 : index
    %get3A_372 = arith.constant 0 : index
    %get3A_373 = arith.constant 0 : index
    %get3A_374 = vector.load %arg8[%get3A_371, %get3A_372, %get3A_373] : memref<32x200x1xi32, #tpu.memory_space<vmem>>, vector<1x200x1xi32>
    %get3A_375 = vector.shape_cast %get3A_374 : vector<1x200x1xi32> to vector<200x1xi32>
    %eq3A_376 = arith.constant 10000 : i32
    %eq3A_377 = vector.broadcast %eq3A_376 : i32 to vector<200x1xi32>
    %eq3A_378 = arith.cmpi eq, %get3A_375, %eq3A_377 : vector<200x1xi32>
    %select_n3A_379 = arith.select %eq3A_378, %get3A_60, %get3A_375 : vector<200x1xi1>, vector<200x1xi32>
    %swap3A_380 = arith.constant 0 : index
    %swap3A_381 = arith.constant 26 : index
    %swap3A_382 = vector.load %arg4[%swap3A_380, %swap3A_381] : memref<200x32xi32, #tpu.memory_space<vmem>>, vector<200x1xi32>
    tpu.vector_store %arg4[%swap3A_380, %swap3A_381], %select_n3A_379 {strides = array<i32>} : memref<200x32xi32, #tpu.memory_space<vmem>>, vector<200x1xi32>,
    %get3A_383 = arith.constant 27 : index
    %get3A_384 = arith.constant 0 : index
    %get3A_385 = arith.constant 0 : index
    %get3A_386 = vector.load %arg8[%get3A_383, %get3A_384, %get3A_385] : memref<32x200x1xi32, #tpu.memory_space<vmem>>, vector<1x200x1xi32>
    %get3A_387 = vector.shape_cast %get3A_386 : vector<1x200x1xi32> to vector<200x1xi32>
    %eq3A_388 = arith.constant 10000 : i32
    %eq3A_389 = vector.broadcast %eq3A_388 : i32 to vector<200x1xi32>
    %eq3A_390 = arith.cmpi eq, %get3A_387, %eq3A_389 : vector<200x1xi32>
    %select_n3A_391 = arith.select %eq3A_390, %get3A_60, %get3A_387 : vector<200x1xi1>, vector<200x1xi32>
    %swap3A_392 = arith.constant 0 : index
    %swap3A_393 = arith.constant 27 : index
    %swap3A_394 = vector.load %arg4[%swap3A_392, %swap3A_393] : memref<200x32xi32, #tpu.memory_space<vmem>>, vector<200x1xi32>
    tpu.vector_store %arg4[%swap3A_392, %swap3A_393], %select_n3A_391 {strides = array<i32>} : memref<200x32xi32, #tpu.memory_space<vmem>>, vector<200x1xi32>,
    %get3A_395 = arith.constant 28 : index
    %get3A_396 = arith.constant 0 : index
    %get3A_397 = arith.constant 0 : index
    %get3A_398 = vector.load %arg8[%get3A_395, %get3A_396, %get3A_397] : memref<32x200x1xi32, #tpu.memory_space<vmem>>, vector<1x200x1xi32>
    %get3A_399 = vector.shape_cast %get3A_398 : vector<1x200x1xi32> to vector<200x1xi32>
    %eq3A_400 = arith.constant 10000 : i32
    %eq3A_401 = vector.broadcast %eq3A_400 : i32 to vector<200x1xi32>
    %eq3A_402 = arith.cmpi eq, %get3A_399, %eq3A_401 : vector<200x1xi32>
    %select_n3A_403 = arith.select %eq3A_402, %get3A_60, %get3A_399 : vector<200x1xi1>, vector<200x1xi32>
    %swap3A_404 = arith.constant 0 : index
    %swap3A_405 = arith.constant 28 : index
    %swap3A_406 = vector.load %arg4[%swap3A_404, %swap3A_405] : memref<200x32xi32, #tpu.memory_space<vmem>>, vector<200x1xi32>
    tpu.vector_store %arg4[%swap3A_404, %swap3A_405], %select_n3A_403 {strides = array<i32>} : memref<200x32xi32, #tpu.memory_space<vmem>>, vector<200x1xi32>,
    %get3A_407 = arith.constant 29 : index
    %get3A_408 = arith.constant 0 : index
    %get3A_409 = arith.constant 0 : index
    %get3A_410 = vector.load %arg8[%get3A_407, %get3A_408, %get3A_409] : memref<32x200x1xi32, #tpu.memory_space<vmem>>, vector<1x200x1xi32>
    %get3A_411 = vector.shape_cast %get3A_410 : vector<1x200x1xi32> to vector<200x1xi32>
    %eq3A_412 = arith.constant 10000 : i32
    %eq3A_413 = vector.broadcast %eq3A_412 : i32 to vector<200x1xi32>
    %eq3A_414 = arith.cmpi eq, %get3A_411, %eq3A_413 : vector<200x1xi32>
    %select_n3A_415 = arith.select %eq3A_414, %get3A_60, %get3A_411 : vector<200x1xi1>, vector<200x1xi32>
    %swap3A_416 = arith.constant 0 : index
    %swap3A_417 = arith.constant 29 : index
    %swap3A_418 = vector.load %arg4[%swap3A_416, %swap3A_417] : memref<200x32xi32, #tpu.memory_space<vmem>>, vector<200x1xi32>
    tpu.vector_store %arg4[%swap3A_416, %swap3A_417], %select_n3A_415 {strides = array<i32>} : memref<200x32xi32, #tpu.memory_space<vmem>>, vector<200x1xi32>,
    %get3A_419 = arith.constant 30 : index
    %get3A_420 = arith.constant 0 : index
    %get3A_421 = arith.constant 0 : index
    %get3A_422 = vector.load %arg8[%get3A_419, %get3A_420, %get3A_421] : memref<32x200x1xi32, #tpu.memory_space<vmem>>, vector<1x200x1xi32>
    %get3A_423 = vector.shape_cast %get3A_422 : vector<1x200x1xi32> to vector<200x1xi32>
    %eq3A_424 = arith.constant 10000 : i32
    %eq3A_425 = vector.broadcast %eq3A_424 : i32 to vector<200x1xi32>
    %eq3A_426 = arith.cmpi eq, %get3A_423, %eq3A_425 : vector<200x1xi32>
    %select_n3A_427 = arith.select %eq3A_426, %get3A_60, %get3A_423 : vector<200x1xi1>, vector<200x1xi32>
    %swap3A_428 = arith.constant 0 : index
    %swap3A_429 = arith.constant 30 : index
    %swap3A_430 = vector.load %arg4[%swap3A_428, %swap3A_429] : memref<200x32xi32, #tpu.memory_space<vmem>>, vector<200x1xi32>
    tpu.vector_store %arg4[%swap3A_428, %swap3A_429], %select_n3A_427 {strides = array<i32>} : memref<200x32xi32, #tpu.memory_space<vmem>>, vector<200x1xi32>,
    %get3A_431 = arith.constant 31 : index
    %get3A_432 = arith.constant 0 : index
    %get3A_433 = arith.constant 0 : index
    %get3A_434 = vector.load %arg8[%get3A_431, %get3A_432, %get3A_433] : memref<32x200x1xi32, #tpu.memory_space<vmem>>, vector<1x200x1xi32>
    %get3A_435 = vector.shape_cast %get3A_434 : vector<1x200x1xi32> to vector<200x1xi32>
    %eq3A_436 = arith.constant 10000 : i32
    %eq3A_437 = vector.broadcast %eq3A_436 : i32 to vector<200x1xi32>
    %eq3A_438 = arith.cmpi eq, %get3A_435, %eq3A_437 : vector<200x1xi32>
    %select_n3A_439 = arith.select %eq3A_438, %get3A_60, %get3A_435 : vector<200x1xi1>, vector<200x1xi32>
    %swap3A_440 = arith.constant 0 : index
    %swap3A_441 = arith.constant 31 : index
    %swap3A_442 = vector.load %arg4[%swap3A_440, %swap3A_441] : memref<200x32xi32, #tpu.memory_space<vmem>>, vector<200x1xi32>
    tpu.vector_store %arg4[%swap3A_440, %swap3A_441], %select_n3A_439 {strides = array<i32>} : memref<200x32xi32, #tpu.memory_space<vmem>>, vector<200x1xi32>,
    %get3A_443 = arith.constant 1 : index
    %get3A_444 = arith.constant 0 : index
    %get3A_445 = arith.constant 0 : index
    %get3A_446 = vector.load %arg7[%get3A_443, %get3A_444, %get3A_445] : memref<17x200x1xi32, #tpu.memory_space<vmem>>, vector<1x200x1xi32>
    %get3A_447 = vector.shape_cast %get3A_446 : vector<1x200x1xi32> to vector<200x1xi32>
    %swap3A_448 = arith.constant 0 : index
    %swap3A_449 = arith.constant 0 : index
    %swap3A_450 = vector.load %arg3[%swap3A_448, %swap3A_449] : memref<200x16xi32, #tpu.memory_space<vmem>>, vector<200x1xi32>
    tpu.vector_store %arg3[%swap3A_448, %swap3A_449], %get3A_447 {strides = array<i32>} : memref<200x16xi32, #tpu.memory_space<vmem>>, vector<200x1xi32>,
    %get3A_451 = arith.constant 2 : index
    %get3A_452 = arith.constant 0 : index
    %get3A_453 = arith.constant 0 : index
    %get3A_454 = vector.load %arg7[%get3A_451, %get3A_452, %get3A_453] : memref<17x200x1xi32, #tpu.memory_space<vmem>>, vector<1x200x1xi32>
    %get3A_455 = vector.shape_cast %get3A_454 : vector<1x200x1xi32> to vector<200x1xi32>
    %swap3A_456 = arith.constant 0 : index
    %swap3A_457 = arith.constant 1 : index
    %swap3A_458 = vector.load %arg3[%swap3A_456, %swap3A_457] : memref<200x16xi32, #tpu.memory_space<vmem>>, vector<200x1xi32>
    tpu.vector_store %arg3[%swap3A_456, %swap3A_457], %get3A_455 {strides = array<i32>} : memref<200x16xi32, #tpu.memory_space<vmem>>, vector<200x1xi32>,
    %get3A_459 = arith.constant 3 : index
    %get3A_460 = arith.constant 0 : index
    %get3A_461 = arith.constant 0 : index
    %get3A_462 = vector.load %arg7[%get3A_459, %get3A_460, %get3A_461] : memref<17x200x1xi32, #tpu.memory_space<vmem>>, vector<1x200x1xi32>
    %get3A_463 = vector.shape_cast %get3A_462 : vector<1x200x1xi32> to vector<200x1xi32>
    %swap3A_464 = arith.constant 0 : index
    %swap3A_465 = arith.constant 2 : index
    %swap3A_466 = vector.load %arg3[%swap3A_464, %swap3A_465] : memref<200x16xi32, #tpu.memory_space<vmem>>, vector<200x1xi32>
    tpu.vector_store %arg3[%swap3A_464, %swap3A_465], %get3A_463 {strides = array<i32>} : memref<200x16xi32, #tpu.memory_space<vmem>>, vector<200x1xi32>,
    %get3A_467 = arith.constant 4 : index
    %get3A_468 = arith.constant 0 : index
    %get3A_469 = arith.constant 0 : index
    %get3A_470 = vector.load %arg7[%get3A_467, %get3A_468, %get3A_469] : memref<17x200x1xi32, #tpu.memory_space<vmem>>, vector<1x200x1xi32>
    %get3A_471 = vector.shape_cast %get3A_470 : vector<1x200x1xi32> to vector<200x1xi32>
    %swap3A_472 = arith.constant 0 : index
    %swap3A_473 = arith.constant 3 : index
    %swap3A_474 = vector.load %arg3[%swap3A_472, %swap3A_473] : memref<200x16xi32, #tpu.memory_space<vmem>>, vector<200x1xi32>
    tpu.vector_store %arg3[%swap3A_472, %swap3A_473], %get3A_471 {strides = array<i32>} : memref<200x16xi32, #tpu.memory_space<vmem>>, vector<200x1xi32>,
    %get3A_475 = arith.constant 5 : index
    %get3A_476 = arith.constant 0 : index
    %get3A_477 = arith.constant 0 : index
    %get3A_478 = vector.load %arg7[%get3A_475, %get3A_476, %get3A_477] : memref<17x200x1xi32, #tpu.memory_space<vmem>>, vector<1x200x1xi32>
    %get3A_479 = vector.shape_cast %get3A_478 : vector<1x200x1xi32> to vector<200x1xi32>
    %swap3A_480 = arith.constant 0 : index
    %swap3A_481 = arith.constant 4 : index
    %swap3A_482 = vector.load %arg3[%swap3A_480, %swap3A_481] : memref<200x16xi32, #tpu.memory_space<vmem>>, vector<200x1xi32>
    tpu.vector_store %arg3[%swap3A_480, %swap3A_481], %get3A_479 {strides = array<i32>} : memref<200x16xi32, #tpu.memory_space<vmem>>, vector<200x1xi32>,
    %get3A_483 = arith.constant 6 : index
    %get3A_484 = arith.constant 0 : index
    %get3A_485 = arith.constant 0 : index
    %get3A_486 = vector.load %arg7[%get3A_483, %get3A_484, %get3A_485] : memref<17x200x1xi32, #tpu.memory_space<vmem>>, vector<1x200x1xi32>
    %get3A_487 = vector.shape_cast %get3A_486 : vector<1x200x1xi32> to vector<200x1xi32>
    %swap3A_488 = arith.constant 0 : index
    %swap3A_489 = arith.constant 5 : index
    %swap3A_490 = vector.load %arg3[%swap3A_488, %swap3A_489] : memref<200x16xi32, #tpu.memory_space<vmem>>, vector<200x1xi32>
    tpu.vector_store %arg3[%swap3A_488, %swap3A_489], %get3A_487 {strides = array<i32>} : memref<200x16xi32, #tpu.memory_space<vmem>>, vector<200x1xi32>,
    %get3A_491 = arith.constant 7 : index
    %get3A_492 = arith.constant 0 : index
    %get3A_493 = arith.constant 0 : index
    %get3A_494 = vector.load %arg7[%get3A_491, %get3A_492, %get3A_493] : memref<17x200x1xi32, #tpu.memory_space<vmem>>, vector<1x200x1xi32>
    %get3A_495 = vector.shape_cast %get3A_494 : vector<1x200x1xi32> to vector<200x1xi32>
    %swap3A_496 = arith.constant 0 : index
    %swap3A_497 = arith.constant 6 : index
    %swap3A_498 = vector.load %arg3[%swap3A_496, %swap3A_497] : memref<200x16xi32, #tpu.memory_space<vmem>>, vector<200x1xi32>
    tpu.vector_store %arg3[%swap3A_496, %swap3A_497], %get3A_495 {strides = array<i32>} : memref<200x16xi32, #tpu.memory_space<vmem>>, vector<200x1xi32>,
    %get3A_499 = arith.constant 8 : index
    %get3A_500 = arith.constant 0 : index
    %get3A_501 = arith.constant 0 : index
    %get3A_502 = vector.load %arg7[%get3A_499, %get3A_500, %get3A_501] : memref<17x200x1xi32, #tpu.memory_space<vmem>>, vector<1x200x1xi32>
    %get3A_503 = vector.shape_cast %get3A_502 : vector<1x200x1xi32> to vector<200x1xi32>
    %swap3A_504 = arith.constant 0 : index
    %swap3A_505 = arith.constant 7 : index
    %swap3A_506 = vector.load %arg3[%swap3A_504, %swap3A_505] : memref<200x16xi32, #tpu.memory_space<vmem>>, vector<200x1xi32>
    tpu.vector_store %arg3[%swap3A_504, %swap3A_505], %get3A_503 {strides = array<i32>} : memref<200x16xi32, #tpu.memory_space<vmem>>, vector<200x1xi32>,
    %get3A_507 = arith.constant 9 : index
    %get3A_508 = arith.constant 0 : index
    %get3A_509 = arith.constant 0 : index
    %get3A_510 = vector.load %arg7[%get3A_507, %get3A_508, %get3A_509] : memref<17x200x1xi32, #tpu.memory_space<vmem>>, vector<1x200x1xi32>
    %get3A_511 = vector.shape_cast %get3A_510 : vector<1x200x1xi32> to vector<200x1xi32>
    %swap3A_512 = arith.constant 0 : index
    %swap3A_513 = arith.constant 8 : index
    %swap3A_514 = vector.load %arg3[%swap3A_512, %swap3A_513] : memref<200x16xi32, #tpu.memory_space<vmem>>, vector<200x1xi32>
    tpu.vector_store %arg3[%swap3A_512, %swap3A_513], %get3A_511 {strides = array<i32>} : memref<200x16xi32, #tpu.memory_space<vmem>>, vector<200x1xi32>,
    %get3A_515 = arith.constant 10 : index
    %get3A_516 = arith.constant 0 : index
    %get3A_517 = arith.constant 0 : index
    %get3A_518 = vector.load %arg7[%get3A_515, %get3A_516, %get3A_517] : memref<17x200x1xi32, #tpu.memory_space<vmem>>, vector<1x200x1xi32>
    %get3A_519 = vector.shape_cast %get3A_518 : vector<1x200x1xi32> to vector<200x1xi32>
    %swap3A_520 = arith.constant 0 : index
    %swap3A_521 = arith.constant 9 : index
    %swap3A_522 = vector.load %arg3[%swap3A_520, %swap3A_521] : memref<200x16xi32, #tpu.memory_space<vmem>>, vector<200x1xi32>
    tpu.vector_store %arg3[%swap3A_520, %swap3A_521], %get3A_519 {strides = array<i32>} : memref<200x16xi32, #tpu.memory_space<vmem>>, vector<200x1xi32>,
    %get3A_523 = arith.constant 11 : index
    %get3A_524 = arith.constant 0 : index
    %get3A_525 = arith.constant 0 : index
    %get3A_526 = vector.load %arg7[%get3A_523, %get3A_524, %get3A_525] : memref<17x200x1xi32, #tpu.memory_space<vmem>>, vector<1x200x1xi32>
    %get3A_527 = vector.shape_cast %get3A_526 : vector<1x200x1xi32> to vector<200x1xi32>
    %swap3A_528 = arith.constant 0 : index
    %swap3A_529 = arith.constant 10 : index
    %swap3A_530 = vector.load %arg3[%swap3A_528, %swap3A_529] : memref<200x16xi32, #tpu.memory_space<vmem>>, vector<200x1xi32>
    tpu.vector_store %arg3[%swap3A_528, %swap3A_529], %get3A_527 {strides = array<i32>} : memref<200x16xi32, #tpu.memory_space<vmem>>, vector<200x1xi32>,
    %get3A_531 = arith.constant 12 : index
    %get3A_532 = arith.constant 0 : index
    %get3A_533 = arith.constant 0 : index
    %get3A_534 = vector.load %arg7[%get3A_531, %get3A_532, %get3A_533] : memref<17x200x1xi32, #tpu.memory_space<vmem>>, vector<1x200x1xi32>
    %get3A_535 = vector.shape_cast %get3A_534 : vector<1x200x1xi32> to vector<200x1xi32>
    %swap3A_536 = arith.constant 0 : index
    %swap3A_537 = arith.constant 11 : index
    %swap3A_538 = vector.load %arg3[%swap3A_536, %swap3A_537] : memref<200x16xi32, #tpu.memory_space<vmem>>, vector<200x1xi32>
    tpu.vector_store %arg3[%swap3A_536, %swap3A_537], %get3A_535 {strides = array<i32>} : memref<200x16xi32, #tpu.memory_space<vmem>>, vector<200x1xi32>,
    %get3A_539 = arith.constant 13 : index
    %get3A_540 = arith.constant 0 : index
    %get3A_541 = arith.constant 0 : index
    %get3A_542 = vector.load %arg7[%get3A_539, %get3A_540, %get3A_541] : memref<17x200x1xi32, #tpu.memory_space<vmem>>, vector<1x200x1xi32>
    %get3A_543 = vector.shape_cast %get3A_542 : vector<1x200x1xi32> to vector<200x1xi32>
    %swap3A_544 = arith.constant 0 : index
    %swap3A_545 = arith.constant 12 : index
    %swap3A_546 = vector.load %arg3[%swap3A_544, %swap3A_545] : memref<200x16xi32, #tpu.memory_space<vmem>>, vector<200x1xi32>
    tpu.vector_store %arg3[%swap3A_544, %swap3A_545], %get3A_543 {strides = array<i32>} : memref<200x16xi32, #tpu.memory_space<vmem>>, vector<200x1xi32>,
    %get3A_547 = arith.constant 14 : index
    %get3A_548 = arith.constant 0 : index
    %get3A_549 = arith.constant 0 : index
    %get3A_550 = vector.load %arg7[%get3A_547, %get3A_548, %get3A_549] : memref<17x200x1xi32, #tpu.memory_space<vmem>>, vector<1x200x1xi32>
    %get3A_551 = vector.shape_cast %get3A_550 : vector<1x200x1xi32> to vector<200x1xi32>
    %swap3A_552 = arith.constant 0 : index
    %swap3A_553 = arith.constant 13 : index
    %swap3A_554 = vector.load %arg3[%swap3A_552, %swap3A_553] : memref<200x16xi32, #tpu.memory_space<vmem>>, vector<200x1xi32>
    tpu.vector_store %arg3[%swap3A_552, %swap3A_553], %get3A_551 {strides = array<i32>} : memref<200x16xi32, #tpu.memory_space<vmem>>, vector<200x1xi32>,
    %get3A_555 = arith.constant 15 : index
    %get3A_556 = arith.constant 0 : index
    %get3A_557 = arith.constant 0 : index
    %get3A_558 = vector.load %arg7[%get3A_555, %get3A_556, %get3A_557] : memref<17x200x1xi32, #tpu.memory_space<vmem>>, vector<1x200x1xi32>
    %get3A_559 = vector.shape_cast %get3A_558 : vector<1x200x1xi32> to vector<200x1xi32>
    %swap3A_560 = arith.constant 0 : index
    %swap3A_561 = arith.constant 14 : index
    %swap3A_562 = vector.load %arg3[%swap3A_560, %swap3A_561] : memref<200x16xi32, #tpu.memory_space<vmem>>, vector<200x1xi32>
    tpu.vector_store %arg3[%swap3A_560, %swap3A_561], %get3A_559 {strides = array<i32>} : memref<200x16xi32, #tpu.memory_space<vmem>>, vector<200x1xi32>,
    %get3A_563 = arith.constant 16 : index
    %get3A_564 = arith.constant 0 : index
    %get3A_565 = arith.constant 0 : index
    %get3A_566 = vector.load %arg7[%get3A_563, %get3A_564, %get3A_565] : memref<17x200x1xi32, #tpu.memory_space<vmem>>, vector<1x200x1xi32>
    %get3A_567 = vector.shape_cast %get3A_566 : vector<1x200x1xi32> to vector<200x1xi32>
    %swap3A_568 = arith.constant 0 : index
    %swap3A_569 = arith.constant 15 : index
    %swap3A_570 = vector.load %arg3[%swap3A_568, %swap3A_569] : memref<200x16xi32, #tpu.memory_space<vmem>>, vector<200x1xi32>
    tpu.vector_store %arg3[%swap3A_568, %swap3A_569], %get3A_567 {strides = array<i32>} : memref<200x16xi32, #tpu.memory_space<vmem>>, vector<200x1xi32>,
    return
  }
  func.func @transform_0(%arg0: i32) -> (i32, i32) {
    %c0_i32 = arith.constant 0 : i32
    %c0_i32_0 = arith.constant 0 : i32
    return %arg0, %c0_i32 : i32, i32
  }
  func.func @transform_1(%arg0: i32) -> (i32, i32, i32) {
    %c0_i32 = arith.constant 0 : i32
    %c0_i32_0 = arith.constant 0 : i32
    %c0_i32_1 = arith.constant 0 : i32
    %c0_i32_2 = arith.constant 0 : i32
    return %c0_i32, %c0_i32_0, %c0_i32_1 : i32, i32, i32
  }
  func.func @transform_2(%arg0: i32) -> (i32, i32) {
    %c0_i32 = arith.constant 0 : i32
    %c0_i32_0 = arith.constant 0 : i32
    return %arg0, %c0_i32 : i32, i32
  }
  func.func @transform_3(%arg0: i32) -> (i32, i32) {
    %c0_i32 = arith.constant 0 : i32
    %c0_i32_0 = arith.constant 0 : i32
    return %arg0, %c0_i32 : i32, i32
  }
}

module attributes {stable_mosaic.version = 14 : i64} {
  func.func @_mm2_body(%arg0: i32, %arg1: memref<200x256xf32, #tpu.memory_space<vmem>>, %arg2: memref<256x256xf32, #tpu.memory_space<vmem>>, %arg3: memref<256x256xf32, #tpu.memory_space<vmem>>, %arg4: memref<200x256xf32, #tpu.memory_space<vmem>>, %arg5: memref<200x256xf32, #tpu.memory_space<vmem>>) attributes {dimension_semantics = [#tpu.dimension_semantics<arbitrary>], iteration_bounds = array<i64: 50>, scalar_prefetch = 0 : i64, scratch_operands = 0 : i64, tpu.core_type = #tpu.core_type<tc>, window_params = [{transform_indices = @transform_0, window_bounds = array<i64: 200, 256>}, {pipeline_mode = #tpu.pipeline_mode<synchronous>, transform_indices = @transform_1, window_bounds = array<i64: 256, 256>}, {pipeline_mode = #tpu.pipeline_mode<synchronous>, transform_indices = @transform_2, window_bounds = array<i64: 256, 256>}, {transform_indices = @transform_3, window_bounds = array<i64: 200, 256>}, {transform_indices = @transform_4, window_bounds = array<i64: 200, 256>}]} {
    %get3A = arith.constant 0 : index
    %get3A_0 = arith.constant 0 : index
    %get3A_1 = vector.load %arg1[%get3A, %get3A_0] : memref<200x256xf32, #tpu.memory_space<vmem>>, vector<200x256xf32>
    %get3A_2 = arith.constant 0 : index
    %get3A_3 = arith.constant 0 : index
    %get3A_4 = vector.load %arg2[%get3A_2, %get3A_3] : memref<256x256xf32, #tpu.memory_space<vmem>>, vector<256x256xf32>
    %dot_general3A = arith.constant dense<0.000000e+00> : vector<200x256xf32>
    %dot_general3A_5 = tpu.matmul %get3A_1, %get3A_4, %dot_general3A {dimension_numbers = #tpu.dot_dimension_numbers<[1], [0], [0], [1], [0, 0, 1, 1], [], []>, transpose_lhs_hint = false} : vector<200x256xf32>, vector<256x256xf32>, vector<200x256xf32> -> vector<200x256xf32>
    %swap3A = arith.constant 0 : index
    %swap3A_6 = arith.constant 0 : index
    %swap3A_7 = vector.load %arg4[%swap3A, %swap3A_6] : memref<200x256xf32, #tpu.memory_space<vmem>>, vector<200x256xf32>
    tpu.vector_store %arg4[%swap3A, %swap3A_6], %dot_general3A_5 {strides = array<i32>} : memref<200x256xf32, #tpu.memory_space<vmem>>, vector<200x256xf32>,
    %get3A_8 = arith.constant 0 : index
    %get3A_9 = arith.constant 0 : index
    %get3A_10 = vector.load %arg3[%get3A_8, %get3A_9] : memref<256x256xf32, #tpu.memory_space<vmem>>, vector<256x256xf32>
    %dot_general3A_11 = arith.constant dense<0.000000e+00> : vector<200x256xf32>
    %dot_general3A_12 = tpu.matmul %get3A_1, %get3A_10, %dot_general3A_11 {dimension_numbers = #tpu.dot_dimension_numbers<[1], [0], [0], [1], [0, 0, 1, 1], [], []>, transpose_lhs_hint = false} : vector<200x256xf32>, vector<256x256xf32>, vector<200x256xf32> -> vector<200x256xf32>
    %swap3A_13 = arith.constant 0 : index
    %swap3A_14 = arith.constant 0 : index
    %swap3A_15 = vector.load %arg5[%swap3A_13, %swap3A_14] : memref<200x256xf32, #tpu.memory_space<vmem>>, vector<200x256xf32>
    tpu.vector_store %arg5[%swap3A_13, %swap3A_14], %dot_general3A_12 {strides = array<i32>} : memref<200x256xf32, #tpu.memory_space<vmem>>, vector<200x256xf32>,
    return
  }
  func.func @transform_0(%arg0: i32) -> (i32, i32) {
    %c0_i32 = arith.constant 0 : i32
    %c0_i32_0 = arith.constant 0 : i32
    return %arg0, %c0_i32 : i32, i32
  }
  func.func @transform_1(%arg0: i32) -> (i32, i32) {
    %c0_i32 = arith.constant 0 : i32
    %c0_i32_0 = arith.constant 0 : i32
    %c0_i32_1 = arith.constant 0 : i32
    return %c0_i32, %c0_i32_0 : i32, i32
  }
  func.func @transform_2(%arg0: i32) -> (i32, i32) {
    %c0_i32 = arith.constant 0 : i32
    %c0_i32_0 = arith.constant 0 : i32
    %c0_i32_1 = arith.constant 0 : i32
    return %c0_i32, %c0_i32_0 : i32, i32
  }
  func.func @transform_3(%arg0: i32) -> (i32, i32) {
    %c0_i32 = arith.constant 0 : i32
    %c0_i32_0 = arith.constant 0 : i32
    return %arg0, %c0_i32 : i32, i32
  }
  func.func @transform_4(%arg0: i32) -> (i32, i32) {
    %c0_i32 = arith.constant 0 : i32
    %c0_i32_0 = arith.constant 0 : i32
    return %arg0, %c0_i32 : i32, i32
  }
}

module attributes {stable_mosaic.version = 14 : i64} {
  func.func @_nbr_reduce_body(%arg0: i32, %arg1: memref<200x16x256xf32, #tpu.memory_space<vmem>>, %arg2: memref<200x256xf32, #tpu.memory_space<vmem>>, %arg3: memref<200x256xf32, #tpu.memory_space<vmem>>, %arg4: memref<8x256xf32, #tpu.memory_space<vmem>>) attributes {dimension_semantics = [#tpu.dimension_semantics<arbitrary>], iteration_bounds = array<i64: 50>, scalar_prefetch = 0 : i64, scratch_operands = 0 : i64, tpu.core_type = #tpu.core_type<tc>, window_params = [{transform_indices = @transform_0, window_bounds = array<i64: 200, 16, 256>}, {transform_indices = @transform_1, window_bounds = array<i64: 200, 256>}, {transform_indices = @transform_2, window_bounds = array<i64: 200, 256>}, {pipeline_mode = #tpu.pipeline_mode<synchronous>, transform_indices = @transform_3, window_bounds = array<i64: 8, 256>}]} {
    %get3A = arith.constant 0 : index
    %get3A_0 = arith.constant 0 : index
    %get3A_1 = arith.constant 0 : index
    %get3A_2 = vector.load %arg1[%get3A, %get3A_0, %get3A_1] : memref<200x16x256xf32, #tpu.memory_space<vmem>>, vector<200x16x256xf32>
    %reduce_max3A = arith.constant dense<0xFF800000> : vector<200x256xf32>
    %reduce_max3A_3 = vector.multi_reduction <maximumf>, %get3A_2, %reduce_max3A [1] : vector<200x16x256xf32> to vector<200x256xf32>
    %reduce_sum3A = arith.constant dense<0.000000e+00> : vector<200x256xf32>
    %reduce_sum3A_4 = vector.multi_reduction <add>, %get3A_2, %reduce_sum3A [1] : vector<200x16x256xf32> to vector<200x256xf32>
    %mul3A = arith.mulf %get3A_2, %get3A_2 : vector<200x16x256xf32>
    %reduce_sum3A_5 = arith.constant dense<0.000000e+00> : vector<200x256xf32>
    %reduce_sum3A_6 = vector.multi_reduction <add>, %mul3A, %reduce_sum3A_5 [1] : vector<200x16x256xf32> to vector<200x256xf32>
    %swap3A = arith.constant 0 : index
    %swap3A_7 = arith.constant 0 : index
    %swap3A_8 = vector.load %arg3[%swap3A, %swap3A_7] : memref<200x256xf32, #tpu.memory_space<vmem>>, vector<200x256xf32>
    tpu.vector_store %arg3[%swap3A, %swap3A_7], %reduce_max3A_3 {strides = array<i32>} : memref<200x256xf32, #tpu.memory_space<vmem>>, vector<200x256xf32>,
    %get3A_9 = arith.constant 0 : index
    %get3A_10 = arith.constant 0 : index
    %get3A_11 = vector.load %arg2[%get3A_9, %get3A_10] : memref<200x256xf32, #tpu.memory_space<vmem>>, vector<200x256xf32>
    %eq3A = arith.constant 0 : i32
    %eq3A_12 = arith.cmpi eq, %arg0, %eq3A : i32
    %convert_element_type3A = arith.extui %eq3A_12 : i1 to i32
    %cond3A = arith.constant 0 : i32
    %cond3A_13 = arith.cmpi ne, %convert_element_type3A, %cond3A : i32
    scf.if %cond3A_13 {
      %broadcast_in_dim3A_64 = arith.constant 0.000000e+00 : f32
      %broadcast_in_dim3A_65 = vector.broadcast %broadcast_in_dim3A_64 : f32 to vector<8x256xf32>
      %swap3A_66 = arith.constant 0 : index
      %swap3A_67 = arith.constant 0 : index
      %swap3A_68 = vector.load %arg4[%swap3A_66, %swap3A_67] : memref<8x256xf32, #tpu.memory_space<vmem>>, vector<8x256xf32>
      tpu.vector_store %arg4[%swap3A_66, %swap3A_67], %broadcast_in_dim3A_65 {strides = array<i32>} : memref<8x256xf32, #tpu.memory_space<vmem>>, vector<8x256xf32>,
    } else {
    }
    %get3A_14 = arith.constant 0 : index
    %get3A_15 = arith.constant 0 : index
    %get3A_16 = vector.load %arg4[%get3A_14, %get3A_15] : memref<8x256xf32, #tpu.memory_space<vmem>>, vector<1x256xf32>
    %reduce_sum3A_17 = arith.constant dense<0.000000e+00> : vector<256xf32>
    %reduce_sum3A_18 = vector.multi_reduction <add>, %get3A_11, %reduce_sum3A_17 [0] : vector<200x256xf32> to vector<256xf32>
    %broadcast_in_dim3A = vector.shape_cast %reduce_sum3A_18 : vector<256xf32> to vector<1x256xf32>
    %add3A = arith.addf %get3A_16, %broadcast_in_dim3A : vector<1x256xf32>
    %swap3A_19 = arith.constant 0 : index
    %swap3A_20 = arith.constant 0 : index
    %swap3A_21 = vector.load %arg4[%swap3A_19, %swap3A_20] : memref<8x256xf32, #tpu.memory_space<vmem>>, vector<1x256xf32>
    tpu.vector_store %arg4[%swap3A_19, %swap3A_20], %add3A {strides = array<i32>} : memref<8x256xf32, #tpu.memory_space<vmem>>, vector<1x256xf32>,
    %get3A_22 = arith.constant 1 : index
    %get3A_23 = arith.constant 0 : index
    %get3A_24 = vector.load %arg4[%get3A_22, %get3A_23] : memref<8x256xf32, #tpu.memory_space<vmem>>, vector<1x256xf32>
    %mul3A_25 = arith.mulf %get3A_11, %get3A_11 : vector<200x256xf32>
    %reduce_sum3A_26 = arith.constant dense<0.000000e+00> : vector<256xf32>
    %reduce_sum3A_27 = vector.multi_reduction <add>, %mul3A_25, %reduce_sum3A_26 [0] : vector<200x256xf32> to vector<256xf32>
    %broadcast_in_dim3A_28 = vector.shape_cast %reduce_sum3A_27 : vector<256xf32> to vector<1x256xf32>
    %add3A_29 = arith.addf %get3A_24, %broadcast_in_dim3A_28 : vector<1x256xf32>
    %swap3A_30 = arith.constant 1 : index
    %swap3A_31 = arith.constant 0 : index
    %swap3A_32 = vector.load %arg4[%swap3A_30, %swap3A_31] : memref<8x256xf32, #tpu.memory_space<vmem>>, vector<1x256xf32>
    tpu.vector_store %arg4[%swap3A_30, %swap3A_31], %add3A_29 {strides = array<i32>} : memref<8x256xf32, #tpu.memory_space<vmem>>, vector<1x256xf32>,
    %get3A_33 = arith.constant 2 : index
    %get3A_34 = arith.constant 0 : index
    %get3A_35 = vector.load %arg4[%get3A_33, %get3A_34] : memref<8x256xf32, #tpu.memory_space<vmem>>, vector<1x256xf32>
    %mul3A_36 = arith.mulf %get3A_11, %reduce_sum3A_4 : vector<200x256xf32>
    %reduce_sum3A_37 = arith.constant dense<0.000000e+00> : vector<256xf32>
    %reduce_sum3A_38 = vector.multi_reduction <add>, %mul3A_36, %reduce_sum3A_37 [0] : vector<200x256xf32> to vector<256xf32>
    %broadcast_in_dim3A_39 = vector.shape_cast %reduce_sum3A_38 : vector<256xf32> to vector<1x256xf32>
    %add3A_40 = arith.addf %get3A_35, %broadcast_in_dim3A_39 : vector<1x256xf32>
    %swap3A_41 = arith.constant 2 : index
    %swap3A_42 = arith.constant 0 : index
    %swap3A_43 = vector.load %arg4[%swap3A_41, %swap3A_42] : memref<8x256xf32, #tpu.memory_space<vmem>>, vector<1x256xf32>
    tpu.vector_store %arg4[%swap3A_41, %swap3A_42], %add3A_40 {strides = array<i32>} : memref<8x256xf32, #tpu.memory_space<vmem>>, vector<1x256xf32>,
    %get3A_44 = arith.constant 3 : index
    %get3A_45 = arith.constant 0 : index
    %get3A_46 = vector.load %arg4[%get3A_44, %get3A_45] : memref<8x256xf32, #tpu.memory_space<vmem>>, vector<1x256xf32>
    %reduce_sum3A_47 = arith.constant dense<0.000000e+00> : vector<256xf32>
    %reduce_sum3A_48 = vector.multi_reduction <add>, %reduce_sum3A_4, %reduce_sum3A_47 [0] : vector<200x256xf32> to vector<256xf32>
    %broadcast_in_dim3A_49 = vector.shape_cast %reduce_sum3A_48 : vector<256xf32> to vector<1x256xf32>
    %add3A_50 = arith.addf %get3A_46, %broadcast_in_dim3A_49 : vector<1x256xf32>
    %swap3A_51 = arith.constant 3 : index
    %swap3A_52 = arith.constant 0 : index
    %swap3A_53 = vector.load %arg4[%swap3A_51, %swap3A_52] : memref<8x256xf32, #tpu.memory_space<vmem>>, vector<1x256xf32>
    tpu.vector_store %arg4[%swap3A_51, %swap3A_52], %add3A_50 {strides = array<i32>} : memref<8x256xf32, #tpu.memory_space<vmem>>, vector<1x256xf32>,
    %get3A_54 = arith.constant 4 : index
    %get3A_55 = arith.constant 0 : index
    %get3A_56 = vector.load %arg4[%get3A_54, %get3A_55] : memref<8x256xf32, #tpu.memory_space<vmem>>, vector<1x256xf32>
    %reduce_sum3A_57 = arith.constant dense<0.000000e+00> : vector<256xf32>
    %reduce_sum3A_58 = vector.multi_reduction <add>, %reduce_sum3A_6, %reduce_sum3A_57 [0] : vector<200x256xf32> to vector<256xf32>
    %broadcast_in_dim3A_59 = vector.shape_cast %reduce_sum3A_58 : vector<256xf32> to vector<1x256xf32>
    %add3A_60 = arith.addf %get3A_56, %broadcast_in_dim3A_59 : vector<1x256xf32>
    %swap3A_61 = arith.constant 4 : index
    %swap3A_62 = arith.constant 0 : index
    %swap3A_63 = vector.load %arg4[%swap3A_61, %swap3A_62] : memref<8x256xf32, #tpu.memory_space<vmem>>, vector<1x256xf32>
    tpu.vector_store %arg4[%swap3A_61, %swap3A_62], %add3A_60 {strides = array<i32>} : memref<8x256xf32, #tpu.memory_space<vmem>>, vector<1x256xf32>,
    return
  }
  func.func @transform_0(%arg0: i32) -> (i32, i32, i32) {
    %c0_i32 = arith.constant 0 : i32
    %c0_i32_0 = arith.constant 0 : i32
    %c0_i32_1 = arith.constant 0 : i32
    return %arg0, %c0_i32, %c0_i32_0 : i32, i32, i32
  }
  func.func @transform_1(%arg0: i32) -> (i32, i32) {
    %c0_i32 = arith.constant 0 : i32
    %c0_i32_0 = arith.constant 0 : i32
    return %arg0, %c0_i32 : i32, i32
  }
  func.func @transform_2(%arg0: i32) -> (i32, i32) {
    %c0_i32 = arith.constant 0 : i32
    %c0_i32_0 = arith.constant 0 : i32
    return %arg0, %c0_i32 : i32, i32
  }
  func.func @transform_3(%arg0: i32) -> (i32, i32) {
    %c0_i32 = arith.constant 0 : i32
    %c0_i32_0 = arith.constant 0 : i32
    %c0_i32_1 = arith.constant 0 : i32
    return %c0_i32, %c0_i32_0 : i32, i32
  }
}

module attributes {stable_mosaic.version = 14 : i64} {
  func.func @_edge_mm_body(%arg0: i32, %arg1: memref<200x256xf32, #tpu.memory_space<vmem>>, %arg2: memref<200x256xf32, #tpu.memory_space<vmem>>, %arg3: memref<8x256xf32, #tpu.memory_space<vmem>>, %arg4: memref<256x512xf32, #tpu.memory_space<vmem>>, %arg5: memref<256x512xf32, #tpu.memory_space<vmem>>, %arg6: memref<200x256xf32, #tpu.memory_space<vmem>>, %arg7: memref<200x512xf32, #tpu.memory_space<vmem>>, %arg8: memref<200x512xf32, #tpu.memory_space<vmem>>) attributes {dimension_semantics = [#tpu.dimension_semantics<arbitrary>], iteration_bounds = array<i64: 50>, scalar_prefetch = 0 : i64, scratch_operands = 0 : i64, tpu.core_type = #tpu.core_type<tc>, window_params = [{transform_indices = @transform_0, window_bounds = array<i64: 200, 256>}, {transform_indices = @transform_1, window_bounds = array<i64: 200, 256>}, {pipeline_mode = #tpu.pipeline_mode<synchronous>, transform_indices = @transform_2, window_bounds = array<i64: 8, 256>}, {pipeline_mode = #tpu.pipeline_mode<synchronous>, transform_indices = @transform_3, window_bounds = array<i64: 256, 512>}, {pipeline_mode = #tpu.pipeline_mode<synchronous>, transform_indices = @transform_4, window_bounds = array<i64: 256, 512>}, {transform_indices = @transform_5, window_bounds = array<i64: 200, 256>}, {transform_indices = @transform_6, window_bounds = array<i64: 200, 512>}, {transform_indices = @transform_7, window_bounds = array<i64: 200, 512>}]} {
    %get3A = arith.constant 0 : index
    %get3A_0 = arith.constant 0 : index
    %get3A_1 = vector.load %arg3[%get3A, %get3A_0] : memref<8x256xf32, #tpu.memory_space<vmem>>, vector<1x256xf32>
    %get3A_2 = arith.constant 1 : index
    %get3A_3 = arith.constant 0 : index
    %get3A_4 = vector.load %arg3[%get3A_2, %get3A_3] : memref<8x256xf32, #tpu.memory_space<vmem>>, vector<1x256xf32>
    %get3A_5 = arith.constant 0 : index
    %get3A_6 = arith.constant 0 : index
    %get3A_7 = vector.load %arg1[%get3A_5, %get3A_6] : memref<200x256xf32, #tpu.memory_space<vmem>>, vector<200x256xf32>
    %get3A_8 = arith.constant 0 : index
    %get3A_9 = arith.constant 0 : index
    %get3A_10 = vector.load %arg2[%get3A_8, %get3A_9] : memref<200x256xf32, #tpu.memory_space<vmem>>, vector<200x256xf32>
    %add3A = arith.addf %get3A_7, %get3A_10 : vector<200x256xf32>
    %sub3A = vector.broadcast %get3A_1 : vector<1x256xf32> to vector<200x256xf32>
    %sub3A_11 = arith.subf %add3A, %sub3A : vector<200x256xf32>
    %mul3A = vector.broadcast %get3A_4 : vector<1x256xf32> to vector<200x256xf32>
    %mul3A_12 = arith.mulf %sub3A_11, %mul3A : vector<200x256xf32>
    %ge3A = arith.constant 0.000000e+00 : f32
    %ge3A_13 = vector.broadcast %ge3A : f32 to vector<200x256xf32>
    %ge3A_14 = arith.cmpf oge, %mul3A_12, %ge3A_13 : vector<200x256xf32>
    %mul3A_15 = arith.constant 2.000000e-01 : f32
    %mul3A_16 = vector.broadcast %mul3A_15 : f32 to vector<200x256xf32>
    %mul3A_17 = arith.mulf %mul3A_16, %mul3A_12 : vector<200x256xf32>
    %select_n3A = arith.select %ge3A_14, %mul3A_12, %mul3A_17 : vector<200x256xi1>, vector<200x256xf32>
    %swap3A = arith.constant 0 : index
    %swap3A_18 = arith.constant 0 : index
    %swap3A_19 = vector.load %arg6[%swap3A, %swap3A_18] : memref<200x256xf32, #tpu.memory_space<vmem>>, vector<200x256xf32>
    tpu.vector_store %arg6[%swap3A, %swap3A_18], %select_n3A {strides = array<i32>} : memref<200x256xf32, #tpu.memory_space<vmem>>, vector<200x256xf32>,
    %get3A_20 = arith.constant 0 : index
    %get3A_21 = arith.constant 0 : index
    %get3A_22 = vector.load %arg4[%get3A_20, %get3A_21] : memref<256x512xf32, #tpu.memory_space<vmem>>, vector<256x512xf32>
    %dot_general3A = arith.constant dense<0.000000e+00> : vector<200x512xf32>
    %dot_general3A_23 = tpu.matmul %select_n3A, %get3A_22, %dot_general3A {dimension_numbers = #tpu.dot_dimension_numbers<[1], [0], [0], [1], [0, 0, 1, 1], [], []>, transpose_lhs_hint = false} : vector<200x256xf32>, vector<256x512xf32>, vector<200x512xf32> -> vector<200x512xf32>
    %swap3A_24 = arith.constant 0 : index
    %swap3A_25 = arith.constant 0 : index
    %swap3A_26 = vector.load %arg7[%swap3A_24, %swap3A_25] : memref<200x512xf32, #tpu.memory_space<vmem>>, vector<200x512xf32>
    tpu.vector_store %arg7[%swap3A_24, %swap3A_25], %dot_general3A_23 {strides = array<i32>} : memref<200x512xf32, #tpu.memory_space<vmem>>, vector<200x512xf32>,
    %get3A_27 = arith.constant 0 : index
    %get3A_28 = arith.constant 0 : index
    %get3A_29 = vector.load %arg5[%get3A_27, %get3A_28] : memref<256x512xf32, #tpu.memory_space<vmem>>, vector<256x512xf32>
    %dot_general3A_30 = arith.constant dense<0.000000e+00> : vector<200x512xf32>
    %dot_general3A_31 = tpu.matmul %select_n3A, %get3A_29, %dot_general3A_30 {dimension_numbers = #tpu.dot_dimension_numbers<[1], [0], [0], [1], [0, 0, 1, 1], [], []>, transpose_lhs_hint = false} : vector<200x256xf32>, vector<256x512xf32>, vector<200x512xf32> -> vector<200x512xf32>
    %swap3A_32 = arith.constant 0 : index
    %swap3A_33 = arith.constant 0 : index
    %swap3A_34 = vector.load %arg8[%swap3A_32, %swap3A_33] : memref<200x512xf32, #tpu.memory_space<vmem>>, vector<200x512xf32>
    tpu.vector_store %arg8[%swap3A_32, %swap3A_33], %dot_general3A_31 {strides = array<i32>} : memref<200x512xf32, #tpu.memory_space<vmem>>, vector<200x512xf32>,
    return
  }
  func.func @transform_0(%arg0: i32) -> (i32, i32) {
    %c0_i32 = arith.constant 0 : i32
    %c0_i32_0 = arith.constant 0 : i32
    return %arg0, %c0_i32 : i32, i32
  }
  func.func @transform_1(%arg0: i32) -> (i32, i32) {
    %c0_i32 = arith.constant 0 : i32
    %c0_i32_0 = arith.constant 0 : i32
    return %arg0, %c0_i32 : i32, i32
  }
  func.func @transform_2(%arg0: i32) -> (i32, i32) {
    %c0_i32 = arith.constant 0 : i32
    %c0_i32_0 = arith.constant 0 : i32
    %c0_i32_1 = arith.constant 0 : i32
    return %c0_i32, %c0_i32_0 : i32, i32
  }
  func.func @transform_3(%arg0: i32) -> (i32, i32) {
    %c0_i32 = arith.constant 0 : i32
    %c0_i32_0 = arith.constant 0 : i32
    %c0_i32_1 = arith.constant 0 : i32
    return %c0_i32, %c0_i32_0 : i32, i32
  }
  func.func @transform_4(%arg0: i32) -> (i32, i32) {
    %c0_i32 = arith.constant 0 : i32
    %c0_i32_0 = arith.constant 0 : i32
    %c0_i32_1 = arith.constant 0 : i32
    return %c0_i32, %c0_i32_0 : i32, i32
  }
  func.func @transform_5(%arg0: i32) -> (i32, i32) {
    %c0_i32 = arith.constant 0 : i32
    %c0_i32_0 = arith.constant 0 : i32
    return %arg0, %c0_i32 : i32, i32
  }
  func.func @transform_6(%arg0: i32) -> (i32, i32) {
    %c0_i32 = arith.constant 0 : i32
    %c0_i32_0 = arith.constant 0 : i32
    return %arg0, %c0_i32 : i32, i32
  }
  func.func @transform_7(%arg0: i32) -> (i32, i32) {
    %c0_i32 = arith.constant 0 : i32
    %c0_i32_0 = arith.constant 0 : i32
    return %arg0, %c0_i32 : i32, i32
  }
}

module attributes {stable_mosaic.version = 14 : i64} {
  func.func @_ppf_body(%arg0: i32, %arg1: memref<200x32x128xf32, #tpu.memory_space<vmem>>, %arg2: memref<200x16xf32, #tpu.memory_space<vmem>>, %arg3: memref<200x16xf32, #tpu.memory_space<vmem>>, %arg4: memref<200x128xf32, #tpu.memory_space<vmem>>) attributes {dimension_semantics = [#tpu.dimension_semantics<arbitrary>], iteration_bounds = array<i64: 50>, scalar_prefetch = 0 : i64, scratch_operands = 0 : i64, tpu.core_type = #tpu.core_type<tc>, window_params = [{transform_indices = @transform_0, window_bounds = array<i64: 200, 32, 128>}, {transform_indices = @transform_1, window_bounds = array<i64: 200, 16>}, {transform_indices = @transform_2, window_bounds = array<i64: 200, 16>}, {transform_indices = @transform_3, window_bounds = array<i64: 200, 128>}]} {
    %get3A = arith.constant 0 : index
    %get3A_0 = arith.constant 0 : index
    %get3A_1 = arith.constant 0 : index
    %get3A_2 = vector.load %arg1[%get3A, %get3A_0, %get3A_1] : memref<200x32x128xf32, #tpu.memory_space<vmem>>, vector<200x32x1xf32>
    %get3A_3 = vector.shape_cast %get3A_2 : vector<200x32x1xf32> to vector<200x32xf32>
    %get3A_4 = arith.constant 0 : index
    %get3A_5 = arith.constant 0 : index
    %get3A_6 = vector.load %arg2[%get3A_4, %get3A_5] : memref<200x16xf32, #tpu.memory_space<vmem>>, vector<200x1xf32>
    %sub3A = vector.broadcast %get3A_6 : vector<200x1xf32> to vector<200x32xf32>
    %sub3A_7 = arith.subf %get3A_3, %sub3A : vector<200x32xf32>
    %get3A_8 = arith.constant 0 : index
    %get3A_9 = arith.constant 0 : index
    %get3A_10 = arith.constant 1 : index
    %get3A_11 = vector.load %arg1[%get3A_8, %get3A_9, %get3A_10] : memref<200x32x128xf32, #tpu.memory_space<vmem>>, vector<200x32x1xf32>
    %get3A_12 = vector.shape_cast %get3A_11 : vector<200x32x1xf32> to vector<200x32xf32>
    %get3A_13 = arith.constant 0 : index
    %get3A_14 = arith.constant 1 : index
    %get3A_15 = vector.load %arg2[%get3A_13, %get3A_14] : memref<200x16xf32, #tpu.memory_space<vmem>>, vector<200x1xf32>
    %sub3A_16 = vector.broadcast %get3A_15 : vector<200x1xf32> to vector<200x32xf32>
    %sub3A_17 = arith.subf %get3A_12, %sub3A_16 : vector<200x32xf32>
    %get3A_18 = arith.constant 0 : index
    %get3A_19 = arith.constant 0 : index
    %get3A_20 = arith.constant 2 : index
    %get3A_21 = vector.load %arg1[%get3A_18, %get3A_19, %get3A_20] : memref<200x32x128xf32, #tpu.memory_space<vmem>>, vector<200x32x1xf32>
    %get3A_22 = vector.shape_cast %get3A_21 : vector<200x32x1xf32> to vector<200x32xf32>
    %get3A_23 = arith.constant 0 : index
    %get3A_24 = arith.constant 2 : index
    %get3A_25 = vector.load %arg2[%get3A_23, %get3A_24] : memref<200x16xf32, #tpu.memory_space<vmem>>, vector<200x1xf32>
    %sub3A_26 = vector.broadcast %get3A_25 : vector<200x1xf32> to vector<200x32xf32>
    %sub3A_27 = arith.subf %get3A_22, %sub3A_26 : vector<200x32xf32>
    %get3A_28 = arith.constant 0 : index
    %get3A_29 = arith.constant 0 : index
    %get3A_30 = vector.load %arg3[%get3A_28, %get3A_29] : memref<200x16xf32, #tpu.memory_space<vmem>>, vector<200x1xf32>
    %get3A_31 = arith.constant 0 : index
    %get3A_32 = arith.constant 1 : index
    %get3A_33 = vector.load %arg3[%get3A_31, %get3A_32] : memref<200x16xf32, #tpu.memory_space<vmem>>, vector<200x1xf32>
    %get3A_34 = arith.constant 0 : index
    %get3A_35 = arith.constant 2 : index
    %get3A_36 = vector.load %arg3[%get3A_34, %get3A_35] : memref<200x16xf32, #tpu.memory_space<vmem>>, vector<200x1xf32>
    %mul3A = vector.broadcast %get3A_33 : vector<200x1xf32> to vector<200x32xf32>
    %mul3A_37 = arith.mulf %mul3A, %sub3A_27 : vector<200x32xf32>
    %mul3A_38 = vector.broadcast %get3A_36 : vector<200x1xf32> to vector<200x32xf32>
    %mul3A_39 = arith.mulf %mul3A_38, %sub3A_17 : vector<200x32xf32>
    %sub3A_40 = arith.subf %mul3A_37, %mul3A_39 : vector<200x32xf32>
    %mul3A_41 = vector.broadcast %get3A_36 : vector<200x1xf32> to vector<200x32xf32>
    %mul3A_42 = arith.mulf %mul3A_41, %sub3A_7 : vector<200x32xf32>
    %mul3A_43 = vector.broadcast %get3A_30 : vector<200x1xf32> to vector<200x32xf32>
    %mul3A_44 = arith.mulf %mul3A_43, %sub3A_27 : vector<200x32xf32>
    %sub3A_45 = arith.subf %mul3A_42, %mul3A_44 : vector<200x32xf32>
    %mul3A_46 = vector.broadcast %get3A_30 : vector<200x1xf32> to vector<200x32xf32>
    %mul3A_47 = arith.mulf %mul3A_46, %sub3A_17 : vector<200x32xf32>
    %mul3A_48 = vector.broadcast %get3A_33 : vector<200x1xf32> to vector<200x32xf32>
    %mul3A_49 = arith.mulf %mul3A_48, %sub3A_7 : vector<200x32xf32>
    %sub3A_50 = arith.subf %mul3A_47, %mul3A_49 : vector<200x32xf32>
    %mul3A_51 = arith.mulf %sub3A_40, %sub3A_40 : vector<200x32xf32>
    %mul3A_52 = arith.mulf %sub3A_45, %sub3A_45 : vector<200x32xf32>
    %add3A = arith.addf %mul3A_51, %mul3A_52 : vector<200x32xf32>
    %mul3A_53 = arith.mulf %sub3A_50, %sub3A_50 : vector<200x32xf32>
    %add3A_54 = arith.addf %add3A, %mul3A_53 : vector<200x32xf32>
    %gt3A = arith.constant 0.000000e+00 : f32
    %gt3A_55 = vector.broadcast %gt3A : f32 to vector<200x32xf32>
    %gt3A_56 = arith.cmpf ogt, %add3A_54, %gt3A_55 : vector<200x32xf32>
    %convert_element_type3A = arith.extui %gt3A_56 : vector<200x32xi1> to vector<200x32xi32>
    %convert_element_type3A_57 = arith.sitofp %convert_element_type3A : vector<200x32xi32> to vector<200x32xf32>
    %gt3A_58 = arith.constant 0.000000e+00 : f32
    %gt3A_59 = vector.broadcast %gt3A_58 : f32 to vector<200x32xf32>
    %gt3A_60 = arith.cmpf ogt, %add3A_54, %gt3A_59 : vector<200x32xf32>
    %jit3A = arith.constant 1.000000e+00 : f32
    %broadcast_in_dim3A = vector.broadcast %jit3A : f32 to vector<200x32xf32>
    %select_n3A = arith.select %gt3A_60, %add3A_54, %broadcast_in_dim3A : vector<200x32xi1>, vector<200x32xf32>
    %sqrt3A = math.sqrt %select_n3A : vector<200x32xf32>
    %mul3A_61 = arith.mulf %sqrt3A, %convert_element_type3A_57 : vector<200x32xf32>
    %mul3A_62 = vector.broadcast %get3A_30 : vector<200x1xf32> to vector<200x32xf32>
    %mul3A_63 = arith.mulf %mul3A_62, %sub3A_7 : vector<200x32xf32>
    %mul3A_64 = vector.broadcast %get3A_33 : vector<200x1xf32> to vector<200x32xf32>
    %mul3A_65 = arith.mulf %mul3A_64, %sub3A_17 : vector<200x32xf32>
    %add3A_66 = arith.addf %mul3A_63, %mul3A_65 : vector<200x32xf32>
    %mul3A_67 = vector.broadcast %get3A_36 : vector<200x1xf32> to vector<200x32xf32>
    %mul3A_68 = arith.mulf %mul3A_67, %sub3A_27 : vector<200x32xf32>
    %add3A_69 = arith.addf %add3A_66, %mul3A_68 : vector<200x32xf32>
    %eq3A = arith.constant 0.000000e+00 : f32
    %eq3A_70 = vector.broadcast %eq3A : f32 to vector<200x32xf32>
    %eq3A_71 = arith.cmpf oeq, %add3A_54, %eq3A_70 : vector<200x32xf32>
    %eq3A_72 = arith.constant 0.000000e+00 : f32
    %eq3A_73 = vector.broadcast %eq3A_72 : f32 to vector<200x32xf32>
    %eq3A_74 = arith.cmpf oeq, %add3A_69, %eq3A_73 : vector<200x32xf32>
    %and3A = arith.andi %eq3A_71, %eq3A_74 : vector<200x32xi1>
    %jit3A_75 = arith.constant 1.000000e+00 : f32
    %broadcast_in_dim3A_76 = vector.broadcast %jit3A_75 : f32 to vector<200x32xf32>
    %select_n3A_77 = arith.select %and3A, %broadcast_in_dim3A_76, %add3A_69 : vector<200x32xi1>, vector<200x32xf32>
    %atan23A = math.atan2 %mul3A_61, %select_n3A_77 : vector<200x32xf32>
    %reduce_max3A = arith.constant dense<0xFF800000> : vector<200xf32>
    %reduce_max3A_78 = vector.multi_reduction <maximumf>, %atan23A, %reduce_max3A [1] : vector<200x32xf32> to vector<200xf32>
    %broadcast_in_dim3A_79 = vector.shape_cast %reduce_max3A_78 : vector<200xf32> to vector<200x1xf32>
    %broadcast_in_dim3A_80 = vector.shape_cast %broadcast_in_dim3A_79 : vector<200x1xf32> to vector<200x1xf32>
    %broadcast_in_dim3A_81 = vector.broadcast %broadcast_in_dim3A_80 : vector<200x1xf32> to vector<200x128xf32>
    %swap3A = arith.constant 0 : index
    %swap3A_82 = arith.constant 0 : index
    %swap3A_83 = vector.load %arg4[%swap3A, %swap3A_82] : memref<200x128xf32, #tpu.memory_space<vmem>>, vector<200x128xf32>
    tpu.vector_store %arg4[%swap3A, %swap3A_82], %broadcast_in_dim3A_81 {strides = array<i32>} : memref<200x128xf32, #tpu.memory_space<vmem>>, vector<200x128xf32>,
    return
  }
  func.func @transform_0(%arg0: i32) -> (i32, i32, i32) {
    %c0_i32 = arith.constant 0 : i32
    %c0_i32_0 = arith.constant 0 : i32
    %c0_i32_1 = arith.constant 0 : i32
    return %arg0, %c0_i32, %c0_i32_0 : i32, i32, i32
  }
  func.func @transform_1(%arg0: i32) -> (i32, i32) {
    %c0_i32 = arith.constant 0 : i32
    %c0_i32_0 = arith.constant 0 : i32
    return %arg0, %c0_i32 : i32, i32
  }
  func.func @transform_2(%arg0: i32) -> (i32, i32) {
    %c0_i32 = arith.constant 0 : i32
    %c0_i32_0 = arith.constant 0 : i32
    return %arg0, %c0_i32 : i32, i32
  }
  func.func @transform_3(%arg0: i32) -> (i32, i32) {
    %c0_i32 = arith.constant 0 : i32
    %c0_i32_0 = arith.constant 0 : i32
    return %arg0, %c0_i32 : i32, i32
  }
}

module attributes {stable_mosaic.version = 14 : i64} {
  func.func @_nbr_reduce2_body(%arg0: i32, %arg1: memref<200x16x256xf32, #tpu.memory_space<vmem>>, %arg2: memref<200x16x256xf32, #tpu.memory_space<vmem>>, %arg3: memref<200x512xf32, #tpu.memory_space<vmem>>, %arg4: memref<200x512xf32, #tpu.memory_space<vmem>>, %arg5: memref<8x512xf32, #tpu.memory_space<vmem>>) attributes {dimension_semantics = [#tpu.dimension_semantics<arbitrary>], iteration_bounds = array<i64: 50>, scalar_prefetch = 0 : i64, scratch_operands = 0 : i64, tpu.core_type = #tpu.core_type<tc>, window_params = [{transform_indices = @transform_0, window_bounds = array<i64: 200, 16, 256>}, {transform_indices = @transform_1, window_bounds = array<i64: 200, 16, 256>}, {transform_indices = @transform_2, window_bounds = array<i64: 200, 512>}, {transform_indices = @transform_3, window_bounds = array<i64: 200, 512>}, {pipeline_mode = #tpu.pipeline_mode<synchronous>, transform_indices = @transform_4, window_bounds = array<i64: 8, 512>}]} {
    %get3A = arith.constant 0 : index
    %get3A_0 = arith.constant 0 : index
    %get3A_1 = vector.load %arg3[%get3A, %get3A_0] : memref<200x512xf32, #tpu.memory_space<vmem>>, vector<200x512xf32>
    %eq3A = arith.constant 0 : i32
    %eq3A_2 = arith.cmpi eq, %arg0, %eq3A : i32
    %convert_element_type3A = arith.extui %eq3A_2 : i1 to i32
    %cond3A = arith.constant 0 : i32
    %cond3A_3 = arith.cmpi ne, %convert_element_type3A, %cond3A : i32
    scf.if %cond3A_3 {
      %broadcast_in_dim3A_131 = arith.constant 0.000000e+00 : f32
      %broadcast_in_dim3A_132 = vector.broadcast %broadcast_in_dim3A_131 : f32 to vector<8x512xf32>
      %swap3A_133 = arith.constant 0 : index
      %swap3A_134 = arith.constant 0 : index
      %swap3A_135 = vector.load %arg5[%swap3A_133, %swap3A_134] : memref<8x512xf32, #tpu.memory_space<vmem>>, vector<8x512xf32>
      tpu.vector_store %arg5[%swap3A_133, %swap3A_134], %broadcast_in_dim3A_132 {strides = array<i32>} : memref<8x512xf32, #tpu.memory_space<vmem>>, vector<8x512xf32>,
    } else {
    }
    %get3A_4 = arith.constant 0 : index
    %get3A_5 = arith.constant 0 : index
    %get3A_6 = arith.constant 0 : index
    %get3A_7 = vector.load %arg1[%get3A_4, %get3A_5, %get3A_6] : memref<200x16x256xf32, #tpu.memory_space<vmem>>, vector<200x16x256xf32>
    %reduce_max3A = arith.constant dense<0xFF800000> : vector<200x256xf32>
    %reduce_max3A_8 = vector.multi_reduction <maximumf>, %get3A_7, %reduce_max3A [1] : vector<200x16x256xf32> to vector<200x256xf32>
    %reduce_sum3A = arith.constant dense<0.000000e+00> : vector<200x256xf32>
    %reduce_sum3A_9 = vector.multi_reduction <add>, %get3A_7, %reduce_sum3A [1] : vector<200x16x256xf32> to vector<200x256xf32>
    %mul3A = arith.mulf %get3A_7, %get3A_7 : vector<200x16x256xf32>
    %reduce_sum3A_10 = arith.constant dense<0.000000e+00> : vector<200x256xf32>
    %reduce_sum3A_11 = vector.multi_reduction <add>, %mul3A, %reduce_sum3A_10 [1] : vector<200x16x256xf32> to vector<200x256xf32>
    %swap3A = arith.constant 0 : index
    %swap3A_12 = arith.constant 0 : index
    %swap3A_13 = vector.load %arg4[%swap3A, %swap3A_12] : memref<200x512xf32, #tpu.memory_space<vmem>>, vector<200x256xf32>
    tpu.vector_store %arg4[%swap3A, %swap3A_12], %reduce_max3A_8 {strides = array<i32>} : memref<200x512xf32, #tpu.memory_space<vmem>>, vector<200x256xf32>,
    %slice3A = vector.extract_strided_slice %get3A_1 {offsets = [0, 0], sizes = [200, 256], strides = [1, 1]} : vector<200x512xf32> to vector<200x256xf32>
    %get3A_14 = arith.constant 0 : index
    %get3A_15 = arith.constant 0 : index
    %get3A_16 = vector.load %arg5[%get3A_14, %get3A_15] : memref<8x512xf32, #tpu.memory_space<vmem>>, vector<1x256xf32>
    %reduce_sum3A_17 = arith.constant dense<0.000000e+00> : vector<256xf32>
    %reduce_sum3A_18 = vector.multi_reduction <add>, %slice3A, %reduce_sum3A_17 [0] : vector<200x256xf32> to vector<256xf32>
    %broadcast_in_dim3A = vector.shape_cast %reduce_sum3A_18 : vector<256xf32> to vector<1x256xf32>
    %add3A = arith.addf %get3A_16, %broadcast_in_dim3A : vector<1x256xf32>
    %swap3A_19 = arith.constant 0 : index
    %swap3A_20 = arith.constant 0 : index
    %swap3A_21 = vector.load %arg5[%swap3A_19, %swap3A_20] : memref<8x512xf32, #tpu.memory_space<vmem>>, vector<1x256xf32>
    tpu.vector_store %arg5[%swap3A_19, %swap3A_20], %add3A {strides = array<i32>} : memref<8x512xf32, #tpu.memory_space<vmem>>, vector<1x256xf32>,
    %get3A_22 = arith.constant 1 : index
    %get3A_23 = arith.constant 0 : index
    %get3A_24 = vector.load %arg5[%get3A_22, %get3A_23] : memref<8x512xf32, #tpu.memory_space<vmem>>, vector<1x256xf32>
    %mul3A_25 = arith.mulf %slice3A, %slice3A : vector<200x256xf32>
    %reduce_sum3A_26 = arith.constant dense<0.000000e+00> : vector<256xf32>
    %reduce_sum3A_27 = vector.multi_reduction <add>, %mul3A_25, %reduce_sum3A_26 [0] : vector<200x256xf32> to vector<256xf32>
    %broadcast_in_dim3A_28 = vector.shape_cast %reduce_sum3A_27 : vector<256xf32> to vector<1x256xf32>
    %add3A_29 = arith.addf %get3A_24, %broadcast_in_dim3A_28 : vector<1x256xf32>
    %swap3A_30 = arith.constant 1 : index
    %swap3A_31 = arith.constant 0 : index
    %swap3A_32 = vector.load %arg5[%swap3A_30, %swap3A_31] : memref<8x512xf32, #tpu.memory_space<vmem>>, vector<1x256xf32>
    tpu.vector_store %arg5[%swap3A_30, %swap3A_31], %add3A_29 {strides = array<i32>} : memref<8x512xf32, #tpu.memory_space<vmem>>, vector<1x256xf32>,
    %get3A_33 = arith.constant 2 : index
    %get3A_34 = arith.constant 0 : index
    %get3A_35 = vector.load %arg5[%get3A_33, %get3A_34] : memref<8x512xf32, #tpu.memory_space<vmem>>, vector<1x256xf32>
    %mul3A_36 = arith.mulf %slice3A, %reduce_sum3A_9 : vector<200x256xf32>
    %reduce_sum3A_37 = arith.constant dense<0.000000e+00> : vector<256xf32>
    %reduce_sum3A_38 = vector.multi_reduction <add>, %mul3A_36, %reduce_sum3A_37 [0] : vector<200x256xf32> to vector<256xf32>
    %broadcast_in_dim3A_39 = vector.shape_cast %reduce_sum3A_38 : vector<256xf32> to vector<1x256xf32>
    %add3A_40 = arith.addf %get3A_35, %broadcast_in_dim3A_39 : vector<1x256xf32>
    %swap3A_41 = arith.constant 2 : index
    %swap3A_42 = arith.constant 0 : index
    %swap3A_43 = vector.load %arg5[%swap3A_41, %swap3A_42] : memref<8x512xf32, #tpu.memory_space<vmem>>, vector<1x256xf32>
    tpu.vector_store %arg5[%swap3A_41, %swap3A_42], %add3A_40 {strides = array<i32>} : memref<8x512xf32, #tpu.memory_space<vmem>>, vector<1x256xf32>,
    %get3A_44 = arith.constant 3 : index
    %get3A_45 = arith.constant 0 : index
    %get3A_46 = vector.load %arg5[%get3A_44, %get3A_45] : memref<8x512xf32, #tpu.memory_space<vmem>>, vector<1x256xf32>
    %reduce_sum3A_47 = arith.constant dense<0.000000e+00> : vector<256xf32>
    %reduce_sum3A_48 = vector.multi_reduction <add>, %reduce_sum3A_9, %reduce_sum3A_47 [0] : vector<200x256xf32> to vector<256xf32>
    %broadcast_in_dim3A_49 = vector.shape_cast %reduce_sum3A_48 : vector<256xf32> to vector<1x256xf32>
    %add3A_50 = arith.addf %get3A_46, %broadcast_in_dim3A_49 : vector<1x256xf32>
    %swap3A_51 = arith.constant 3 : index
    %swap3A_52 = arith.constant 0 : index
    %swap3A_53 = vector.load %arg5[%swap3A_51, %swap3A_52] : memref<8x512xf32, #tpu.memory_space<vmem>>, vector<1x256xf32>
    tpu.vector_store %arg5[%swap3A_51, %swap3A_52], %add3A_50 {strides = array<i32>} : memref<8x512xf32, #tpu.memory_space<vmem>>, vector<1x256xf32>,
    %get3A_54 = arith.constant 4 : index
    %get3A_55 = arith.constant 0 : index
    %get3A_56 = vector.load %arg5[%get3A_54, %get3A_55] : memref<8x512xf32, #tpu.memory_space<vmem>>, vector<1x256xf32>
    %reduce_sum3A_57 = arith.constant dense<0.000000e+00> : vector<256xf32>
    %reduce_sum3A_58 = vector.multi_reduction <add>, %reduce_sum3A_11, %reduce_sum3A_57 [0] : vector<200x256xf32> to vector<256xf32>
    %broadcast_in_dim3A_59 = vector.shape_cast %reduce_sum3A_58 : vector<256xf32> to vector<1x256xf32>
    %add3A_60 = arith.addf %get3A_56, %broadcast_in_dim3A_59 : vector<1x256xf32>
    %swap3A_61 = arith.constant 4 : index
    %swap3A_62 = arith.constant 0 : index
    %swap3A_63 = vector.load %arg5[%swap3A_61, %swap3A_62] : memref<8x512xf32, #tpu.memory_space<vmem>>, vector<1x256xf32>
    tpu.vector_store %arg5[%swap3A_61, %swap3A_62], %add3A_60 {strides = array<i32>} : memref<8x512xf32, #tpu.memory_space<vmem>>, vector<1x256xf32>,
    %get3A_64 = arith.constant 0 : index
    %get3A_65 = arith.constant 0 : index
    %get3A_66 = arith.constant 0 : index
    %get3A_67 = vector.load %arg2[%get3A_64, %get3A_65, %get3A_66] : memref<200x16x256xf32, #tpu.memory_space<vmem>>, vector<200x16x256xf32>
    %reduce_max3A_68 = arith.constant dense<0xFF800000> : vector<200x256xf32>
    %reduce_max3A_69 = vector.multi_reduction <maximumf>, %get3A_67, %reduce_max3A_68 [1] : vector<200x16x256xf32> to vector<200x256xf32>
    %reduce_sum3A_70 = arith.constant dense<0.000000e+00> : vector<200x256xf32>
    %reduce_sum3A_71 = vector.multi_reduction <add>, %get3A_67, %reduce_sum3A_70 [1] : vector<200x16x256xf32> to vector<200x256xf32>
    %mul3A_72 = arith.mulf %get3A_67, %get3A_67 : vector<200x16x256xf32>
    %reduce_sum3A_73 = arith.constant dense<0.000000e+00> : vector<200x256xf32>
    %reduce_sum3A_74 = vector.multi_reduction <add>, %mul3A_72, %reduce_sum3A_73 [1] : vector<200x16x256xf32> to vector<200x256xf32>
    %swap3A_75 = arith.constant 0 : index
    %swap3A_76 = arith.constant 256 : index
    %swap3A_77 = vector.load %arg4[%swap3A_75, %swap3A_76] : memref<200x512xf32, #tpu.memory_space<vmem>>, vector<200x256xf32>
    tpu.vector_store %arg4[%swap3A_75, %swap3A_76], %reduce_max3A_69 {strides = array<i32>} : memref<200x512xf32, #tpu.memory_space<vmem>>, vector<200x256xf32>,
    %slice3A_78 = vector.extract_strided_slice %get3A_1 {offsets = [0, 256], sizes = [200, 256], strides = [1, 1]} : vector<200x512xf32> to vector<200x256xf32>
    %get3A_79 = arith.constant 0 : index
    %get3A_80 = arith.constant 256 : index
    %get3A_81 = vector.load %arg5[%get3A_79, %get3A_80] : memref<8x512xf32, #tpu.memory_space<vmem>>, vector<1x256xf32>
    %reduce_sum3A_82 = arith.constant dense<0.000000e+00> : vector<256xf32>
    %reduce_sum3A_83 = vector.multi_reduction <add>, %slice3A_78, %reduce_sum3A_82 [0] : vector<200x256xf32> to vector<256xf32>
    %broadcast_in_dim3A_84 = vector.shape_cast %reduce_sum3A_83 : vector<256xf32> to vector<1x256xf32>
    %add3A_85 = arith.addf %get3A_81, %broadcast_in_dim3A_84 : vector<1x256xf32>
    %swap3A_86 = arith.constant 0 : index
    %swap3A_87 = arith.constant 256 : index
    %swap3A_88 = vector.load %arg5[%swap3A_86, %swap3A_87] : memref<8x512xf32, #tpu.memory_space<vmem>>, vector<1x256xf32>
    tpu.vector_store %arg5[%swap3A_86, %swap3A_87], %add3A_85 {strides = array<i32>} : memref<8x512xf32, #tpu.memory_space<vmem>>, vector<1x256xf32>,
    %get3A_89 = arith.constant 1 : index
    %get3A_90 = arith.constant 256 : index
    %get3A_91 = vector.load %arg5[%get3A_89, %get3A_90] : memref<8x512xf32, #tpu.memory_space<vmem>>, vector<1x256xf32>
    %mul3A_92 = arith.mulf %slice3A_78, %slice3A_78 : vector<200x256xf32>
    %reduce_sum3A_93 = arith.constant dense<0.000000e+00> : vector<256xf32>
    %reduce_sum3A_94 = vector.multi_reduction <add>, %mul3A_92, %reduce_sum3A_93 [0] : vector<200x256xf32> to vector<256xf32>
    %broadcast_in_dim3A_95 = vector.shape_cast %reduce_sum3A_94 : vector<256xf32> to vector<1x256xf32>
    %add3A_96 = arith.addf %get3A_91, %broadcast_in_dim3A_95 : vector<1x256xf32>
    %swap3A_97 = arith.constant 1 : index
    %swap3A_98 = arith.constant 256 : index
    %swap3A_99 = vector.load %arg5[%swap3A_97, %swap3A_98] : memref<8x512xf32, #tpu.memory_space<vmem>>, vector<1x256xf32>
    tpu.vector_store %arg5[%swap3A_97, %swap3A_98], %add3A_96 {strides = array<i32>} : memref<8x512xf32, #tpu.memory_space<vmem>>, vector<1x256xf32>,
    %get3A_100 = arith.constant 2 : index
    %get3A_101 = arith.constant 256 : index
    %get3A_102 = vector.load %arg5[%get3A_100, %get3A_101] : memref<8x512xf32, #tpu.memory_space<vmem>>, vector<1x256xf32>
    %mul3A_103 = arith.mulf %slice3A_78, %reduce_sum3A_71 : vector<200x256xf32>
    %reduce_sum3A_104 = arith.constant dense<0.000000e+00> : vector<256xf32>
    %reduce_sum3A_105 = vector.multi_reduction <add>, %mul3A_103, %reduce_sum3A_104 [0] : vector<200x256xf32> to vector<256xf32>
    %broadcast_in_dim3A_106 = vector.shape_cast %reduce_sum3A_105 : vector<256xf32> to vector<1x256xf32>
    %add3A_107 = arith.addf %get3A_102, %broadcast_in_dim3A_106 : vector<1x256xf32>
    %swap3A_108 = arith.constant 2 : index
    %swap3A_109 = arith.constant 256 : index
    %swap3A_110 = vector.load %arg5[%swap3A_108, %swap3A_109] : memref<8x512xf32, #tpu.memory_space<vmem>>, vector<1x256xf32>
    tpu.vector_store %arg5[%swap3A_108, %swap3A_109], %add3A_107 {strides = array<i32>} : memref<8x512xf32, #tpu.memory_space<vmem>>, vector<1x256xf32>,
    %get3A_111 = arith.constant 3 : index
    %get3A_112 = arith.constant 256 : index
    %get3A_113 = vector.load %arg5[%get3A_111, %get3A_112] : memref<8x512xf32, #tpu.memory_space<vmem>>, vector<1x256xf32>
    %reduce_sum3A_114 = arith.constant dense<0.000000e+00> : vector<256xf32>
    %reduce_sum3A_115 = vector.multi_reduction <add>, %reduce_sum3A_71, %reduce_sum3A_114 [0] : vector<200x256xf32> to vector<256xf32>
    %broadcast_in_dim3A_116 = vector.shape_cast %reduce_sum3A_115 : vector<256xf32> to vector<1x256xf32>
    %add3A_117 = arith.addf %get3A_113, %broadcast_in_dim3A_116 : vector<1x256xf32>
    %swap3A_118 = arith.constant 3 : index
    %swap3A_119 = arith.constant 256 : index
    %swap3A_120 = vector.load %arg5[%swap3A_118, %swap3A_119] : memref<8x512xf32, #tpu.memory_space<vmem>>, vector<1x256xf32>
    tpu.vector_store %arg5[%swap3A_118, %swap3A_119], %add3A_117 {strides = array<i32>} : memref<8x512xf32, #tpu.memory_space<vmem>>, vector<1x256xf32>,
    %get3A_121 = arith.constant 4 : index
    %get3A_122 = arith.constant 256 : index
    %get3A_123 = vector.load %arg5[%get3A_121, %get3A_122] : memref<8x512xf32, #tpu.memory_space<vmem>>, vector<1x256xf32>
    %reduce_sum3A_124 = arith.constant dense<0.000000e+00> : vector<256xf32>
    %reduce_sum3A_125 = vector.multi_reduction <add>, %reduce_sum3A_74, %reduce_sum3A_124 [0] : vector<200x256xf32> to vector<256xf32>
    %broadcast_in_dim3A_126 = vector.shape_cast %reduce_sum3A_125 : vector<256xf32> to vector<1x256xf32>
    %add3A_127 = arith.addf %get3A_123, %broadcast_in_dim3A_126 : vector<1x256xf32>
    %swap3A_128 = arith.constant 4 : index
    %swap3A_129 = arith.constant 256 : index
    %swap3A_130 = vector.load %arg5[%swap3A_128, %swap3A_129] : memref<8x512xf32, #tpu.memory_space<vmem>>, vector<1x256xf32>
    tpu.vector_store %arg5[%swap3A_128, %swap3A_129], %add3A_127 {strides = array<i32>} : memref<8x512xf32, #tpu.memory_space<vmem>>, vector<1x256xf32>,
    return
  }
  func.func @transform_0(%arg0: i32) -> (i32, i32, i32) {
    %c0_i32 = arith.constant 0 : i32
    %c0_i32_0 = arith.constant 0 : i32
    %c0_i32_1 = arith.constant 0 : i32
    return %arg0, %c0_i32, %c0_i32_0 : i32, i32, i32
  }
  func.func @transform_1(%arg0: i32) -> (i32, i32, i32) {
    %c0_i32 = arith.constant 0 : i32
    %c0_i32_0 = arith.constant 0 : i32
    %c0_i32_1 = arith.constant 0 : i32
    return %arg0, %c0_i32, %c0_i32_0 : i32, i32, i32
  }
  func.func @transform_2(%arg0: i32) -> (i32, i32) {
    %c0_i32 = arith.constant 0 : i32
    %c0_i32_0 = arith.constant 0 : i32
    return %arg0, %c0_i32 : i32, i32
  }
  func.func @transform_3(%arg0: i32) -> (i32, i32) {
    %c0_i32 = arith.constant 0 : i32
    %c0_i32_0 = arith.constant 0 : i32
    return %arg0, %c0_i32 : i32, i32
  }
  func.func @transform_4(%arg0: i32) -> (i32, i32) {
    %c0_i32 = arith.constant 0 : i32
    %c0_i32_0 = arith.constant 0 : i32
    %c0_i32_1 = arith.constant 0 : i32
    return %c0_i32, %c0_i32_0 : i32, i32
  }
}

module attributes {stable_mosaic.version = 14 : i64} {
  func.func @_conv3_body(%arg0: i32, %arg1: memref<200x512xf32, #tpu.memory_space<vmem>>, %arg2: memref<200x512xf32, #tpu.memory_space<vmem>>, %arg3: memref<8x512xf32, #tpu.memory_space<vmem>>, %arg4: memref<200x256xf32, #tpu.memory_space<vmem>>, %arg5: memref<200x256xf32, #tpu.memory_space<vmem>>, %arg6: memref<256x256xf32, #tpu.memory_space<vmem>>, %arg7: memref<256x256xf32, #tpu.memory_space<vmem>>, %arg8: memref<512x256xf32, #tpu.memory_space<vmem>>, %arg9: memref<200x256xf32, #tpu.memory_space<vmem>>, %arg10: memref<8x256xf32, #tpu.memory_space<vmem>>) attributes {dimension_semantics = [#tpu.dimension_semantics<arbitrary>], iteration_bounds = array<i64: 50>, scalar_prefetch = 0 : i64, scratch_operands = 0 : i64, tpu.core_type = #tpu.core_type<tc>, window_params = [{transform_indices = @transform_0, window_bounds = array<i64: 200, 512>}, {transform_indices = @transform_1, window_bounds = array<i64: 200, 512>}, {pipeline_mode = #tpu.pipeline_mode<synchronous>, transform_indices = @transform_2, window_bounds = array<i64: 8, 512>}, {transform_indices = @transform_3, window_bounds = array<i64: 200, 256>}, {transform_indices = @transform_4, window_bounds = array<i64: 200, 256>}, {pipeline_mode = #tpu.pipeline_mode<synchronous>, transform_indices = @transform_5, window_bounds = array<i64: 256, 256>}, {pipeline_mode = #tpu.pipeline_mode<synchronous>, transform_indices = @transform_6, window_bounds = array<i64: 256, 256>}, {pipeline_mode = #tpu.pipeline_mode<synchronous>, transform_indices = @transform_7, window_bounds = array<i64: 512, 256>}, {transform_indices = @transform_8, window_bounds = array<i64: 200, 256>}, {pipeline_mode = #tpu.pipeline_mode<synchronous>, transform_indices = @transform_9, window_bounds = array<i64: 8, 256>}]} {
    %get3A = arith.constant 0 : index
    %get3A_0 = arith.constant 0 : index
    %get3A_1 = vector.load %arg3[%get3A, %get3A_0] : memref<8x512xf32, #tpu.memory_space<vmem>>, vector<1x512xf32>
    %get3A_2 = arith.constant 1 : index
    %get3A_3 = arith.constant 0 : index
    %get3A_4 = vector.load %arg3[%get3A_2, %get3A_3] : memref<8x512xf32, #tpu.memory_space<vmem>>, vector<1x512xf32>
    %get3A_5 = arith.constant 0 : index
    %get3A_6 = arith.constant 0 : index
    %get3A_7 = vector.load %arg1[%get3A_5, %get3A_6] : memref<200x512xf32, #tpu.memory_space<vmem>>, vector<200x512xf32>
    %get3A_8 = arith.constant 0 : index
    %get3A_9 = arith.constant 0 : index
    %get3A_10 = vector.load %arg2[%get3A_8, %get3A_9] : memref<200x512xf32, #tpu.memory_space<vmem>>, vector<200x512xf32>
    %add3A = arith.addf %get3A_7, %get3A_10 : vector<200x512xf32>
    %sub3A = vector.broadcast %get3A_1 : vector<1x512xf32> to vector<200x512xf32>
    %sub3A_11 = arith.subf %add3A, %sub3A : vector<200x512xf32>
    %mul3A = vector.broadcast %get3A_4 : vector<1x512xf32> to vector<200x512xf32>
    %mul3A_12 = arith.mulf %sub3A_11, %mul3A : vector<200x512xf32>
    %ge3A = arith.constant 0.000000e+00 : f32
    %ge3A_13 = vector.broadcast %ge3A : f32 to vector<200x512xf32>
    %ge3A_14 = arith.cmpf oge, %mul3A_12, %ge3A_13 : vector<200x512xf32>
    %mul3A_15 = arith.constant 2.000000e-01 : f32
    %mul3A_16 = vector.broadcast %mul3A_15 : f32 to vector<200x512xf32>
    %mul3A_17 = arith.mulf %mul3A_16, %mul3A_12 : vector<200x512xf32>
    %select_n3A = arith.select %ge3A_14, %mul3A_12, %mul3A_17 : vector<200x512xi1>, vector<200x512xf32>
    %get3A_18 = arith.constant 0 : index
    %get3A_19 = arith.constant 0 : index
    %get3A_20 = vector.load %arg4[%get3A_18, %get3A_19] : memref<200x256xf32, #tpu.memory_space<vmem>>, vector<200x256xf32>
    %get3A_21 = arith.constant 0 : index
    %get3A_22 = arith.constant 0 : index
    %get3A_23 = vector.load %arg6[%get3A_21, %get3A_22] : memref<256x256xf32, #tpu.memory_space<vmem>>, vector<256x256xf32>
    %dot_general3A = arith.constant dense<0.000000e+00> : vector<200x256xf32>
    %dot_general3A_24 = tpu.matmul %get3A_20, %get3A_23, %dot_general3A {dimension_numbers = #tpu.dot_dimension_numbers<[1], [0], [0], [1], [0, 0, 1, 1], [], []>, transpose_lhs_hint = false} : vector<200x256xf32>, vector<256x256xf32>, vector<200x256xf32> -> vector<200x256xf32>
    %get3A_25 = arith.constant 0 : index
    %get3A_26 = arith.constant 0 : index
    %get3A_27 = vector.load %arg5[%get3A_25, %get3A_26] : memref<200x256xf32, #tpu.memory_space<vmem>>, vector<200x256xf32>
    %get3A_28 = arith.constant 0 : index
    %get3A_29 = arith.constant 0 : index
    %get3A_30 = vector.load %arg7[%get3A_28, %get3A_29] : memref<256x256xf32, #tpu.memory_space<vmem>>, vector<256x256xf32>
    %dot_general3A_31 = arith.constant dense<0.000000e+00> : vector<200x256xf32>
    %dot_general3A_32 = tpu.matmul %get3A_27, %get3A_30, %dot_general3A_31 {dimension_numbers = #tpu.dot_dimension_numbers<[1], [0], [0], [1], [0, 0, 1, 1], [], []>, transpose_lhs_hint = false} : vector<200x256xf32>, vector<256x256xf32>, vector<200x256xf32> -> vector<200x256xf32>
    %add3A_33 = arith.addf %dot_general3A_24, %dot_general3A_32 : vector<200x256xf32>
    %get3A_34 = arith.constant 0 : index
    %get3A_35 = arith.constant 0 : index
    %get3A_36 = vector.load %arg8[%get3A_34, %get3A_35] : memref<512x256xf32, #tpu.memory_space<vmem>>, vector<512x256xf32>
    %dot_general3A_37 = arith.constant dense<0.000000e+00> : vector<200x256xf32>
    %dot_general3A_38 = tpu.matmul %select_n3A, %get3A_36, %dot_general3A_37 {dimension_numbers = #tpu.dot_dimension_numbers<[1], [0], [0], [1], [0, 0, 1, 1], [], []>, transpose_lhs_hint = false} : vector<200x512xf32>, vector<512x256xf32>, vector<200x256xf32> -> vector<200x256xf32>
    %add3A_39 = arith.addf %add3A_33, %dot_general3A_38 : vector<200x256xf32>
    %swap3A = arith.constant 0 : index
    %swap3A_40 = arith.constant 0 : index
    %swap3A_41 = vector.load %arg9[%swap3A, %swap3A_40] : memref<200x256xf32, #tpu.memory_space<vmem>>, vector<200x256xf32>
    tpu.vector_store %arg9[%swap3A, %swap3A_40], %add3A_39 {strides = array<i32>} : memref<200x256xf32, #tpu.memory_space<vmem>>, vector<200x256xf32>,
    %eq3A = arith.constant 0 : i32
    %eq3A_42 = arith.cmpi eq, %arg0, %eq3A : i32
    %convert_element_type3A = arith.extui %eq3A_42 : i1 to i32
    %cond3A = arith.constant 0 : i32
    %cond3A_43 = arith.cmpi ne, %convert_element_type3A, %cond3A : i32
    scf.if %cond3A_43 {
      %broadcast_in_dim3A_63 = arith.constant 0.000000e+00 : f32
      %broadcast_in_dim3A_64 = vector.broadcast %broadcast_in_dim3A_63 : f32 to vector<8x256xf32>
      %swap3A_65 = arith.constant 0 : index
      %swap3A_66 = arith.constant 0 : index
      %swap3A_67 = vector.load %arg10[%swap3A_65, %swap3A_66] : memref<8x256xf32, #tpu.memory_space<vmem>>, vector<8x256xf32>
      tpu.vector_store %arg10[%swap3A_65, %swap3A_66], %broadcast_in_dim3A_64 {strides = array<i32>} : memref<8x256xf32, #tpu.memory_space<vmem>>, vector<8x256xf32>,
    } else {
    }
    %get3A_44 = arith.constant 0 : index
    %get3A_45 = arith.constant 0 : index
    %get3A_46 = vector.load %arg10[%get3A_44, %get3A_45] : memref<8x256xf32, #tpu.memory_space<vmem>>, vector<1x256xf32>
    %reduce_sum3A = arith.constant dense<0.000000e+00> : vector<256xf32>
    %reduce_sum3A_47 = vector.multi_reduction <add>, %add3A_39, %reduce_sum3A [0] : vector<200x256xf32> to vector<256xf32>
    %broadcast_in_dim3A = vector.shape_cast %reduce_sum3A_47 : vector<256xf32> to vector<1x256xf32>
    %add3A_48 = arith.addf %get3A_46, %broadcast_in_dim3A : vector<1x256xf32>
    %swap3A_49 = arith.constant 0 : index
    %swap3A_50 = arith.constant 0 : index
    %swap3A_51 = vector.load %arg10[%swap3A_49, %swap3A_50] : memref<8x256xf32, #tpu.memory_space<vmem>>, vector<1x256xf32>
    tpu.vector_store %arg10[%swap3A_49, %swap3A_50], %add3A_48 {strides = array<i32>} : memref<8x256xf32, #tpu.memory_space<vmem>>, vector<1x256xf32>,
    %get3A_52 = arith.constant 1 : index
    %get3A_53 = arith.constant 0 : index
    %get3A_54 = vector.load %arg10[%get3A_52, %get3A_53] : memref<8x256xf32, #tpu.memory_space<vmem>>, vector<1x256xf32>
    %mul3A_55 = arith.mulf %add3A_39, %add3A_39 : vector<200x256xf32>
    %reduce_sum3A_56 = arith.constant dense<0.000000e+00> : vector<256xf32>
    %reduce_sum3A_57 = vector.multi_reduction <add>, %mul3A_55, %reduce_sum3A_56 [0] : vector<200x256xf32> to vector<256xf32>
    %broadcast_in_dim3A_58 = vector.shape_cast %reduce_sum3A_57 : vector<256xf32> to vector<1x256xf32>
    %add3A_59 = arith.addf %get3A_54, %broadcast_in_dim3A_58 : vector<1x256xf32>
    %swap3A_60 = arith.constant 1 : index
    %swap3A_61 = arith.constant 0 : index
    %swap3A_62 = vector.load %arg10[%swap3A_60, %swap3A_61] : memref<8x256xf32, #tpu.memory_space<vmem>>, vector<1x256xf32>
    tpu.vector_store %arg10[%swap3A_60, %swap3A_61], %add3A_59 {strides = array<i32>} : memref<8x256xf32, #tpu.memory_space<vmem>>, vector<1x256xf32>,
    return
  }
  func.func @transform_0(%arg0: i32) -> (i32, i32) {
    %c0_i32 = arith.constant 0 : i32
    %c0_i32_0 = arith.constant 0 : i32
    return %arg0, %c0_i32 : i32, i32
  }
  func.func @transform_1(%arg0: i32) -> (i32, i32) {
    %c0_i32 = arith.constant 0 : i32
    %c0_i32_0 = arith.constant 0 : i32
    return %arg0, %c0_i32 : i32, i32
  }
  func.func @transform_2(%arg0: i32) -> (i32, i32) {
    %c0_i32 = arith.constant 0 : i32
    %c0_i32_0 = arith.constant 0 : i32
    %c0_i32_1 = arith.constant 0 : i32
    return %c0_i32, %c0_i32_0 : i32, i32
  }
  func.func @transform_3(%arg0: i32) -> (i32, i32) {
    %c0_i32 = arith.constant 0 : i32
    %c0_i32_0 = arith.constant 0 : i32
    return %arg0, %c0_i32 : i32, i32
  }
  func.func @transform_4(%arg0: i32) -> (i32, i32) {
    %c0_i32 = arith.constant 0 : i32
    %c0_i32_0 = arith.constant 0 : i32
    return %arg0, %c0_i32 : i32, i32
  }
  func.func @transform_5(%arg0: i32) -> (i32, i32) {
    %c0_i32 = arith.constant 0 : i32
    %c0_i32_0 = arith.constant 0 : i32
    %c0_i32_1 = arith.constant 0 : i32
    return %c0_i32, %c0_i32_0 : i32, i32
  }
  func.func @transform_6(%arg0: i32) -> (i32, i32) {
    %c0_i32 = arith.constant 0 : i32
    %c0_i32_0 = arith.constant 0 : i32
    %c0_i32_1 = arith.constant 0 : i32
    return %c0_i32, %c0_i32_0 : i32, i32
  }
  func.func @transform_7(%arg0: i32) -> (i32, i32) {
    %c0_i32 = arith.constant 0 : i32
    %c0_i32_0 = arith.constant 0 : i32
    %c0_i32_1 = arith.constant 0 : i32
    return %c0_i32, %c0_i32_0 : i32, i32
  }
  func.func @transform_8(%arg0: i32) -> (i32, i32) {
    %c0_i32 = arith.constant 0 : i32
    %c0_i32_0 = arith.constant 0 : i32
    return %arg0, %c0_i32 : i32, i32
  }
  func.func @transform_9(%arg0: i32) -> (i32, i32) {
    %c0_i32 = arith.constant 0 : i32
    %c0_i32_0 = arith.constant 0 : i32
    %c0_i32_1 = arith.constant 0 : i32
    return %c0_i32, %c0_i32_0 : i32, i32
  }
}

module attributes {stable_mosaic.version = 14 : i64} {
  func.func @_fc1_body(%arg0: i32, %arg1: memref<200x256xf32, #tpu.memory_space<vmem>>, %arg2: memref<8x256xf32, #tpu.memory_space<vmem>>, %arg3: memref<200x128xf32, #tpu.memory_space<vmem>>, %arg4: memref<256x512xf32, #tpu.memory_space<vmem>>, %arg5: memref<1x512xf32, #tpu.memory_space<vmem>>, %arg6: memref<1x512xf32, #tpu.memory_space<vmem>>, %arg7: memref<200x512xf32, #tpu.memory_space<vmem>>, %arg8: memref<8x512xf32, #tpu.memory_space<vmem>>) attributes {dimension_semantics = [#tpu.dimension_semantics<arbitrary>], iteration_bounds = array<i64: 50>, scalar_prefetch = 0 : i64, scratch_operands = 0 : i64, tpu.core_type = #tpu.core_type<tc>, window_params = [{transform_indices = @transform_0, window_bounds = array<i64: 200, 256>}, {pipeline_mode = #tpu.pipeline_mode<synchronous>, transform_indices = @transform_1, window_bounds = array<i64: 8, 256>}, {transform_indices = @transform_2, window_bounds = array<i64: 200, 128>}, {pipeline_mode = #tpu.pipeline_mode<synchronous>, transform_indices = @transform_3, window_bounds = array<i64: 256, 512>}, {pipeline_mode = #tpu.pipeline_mode<synchronous>, transform_indices = @transform_4, window_bounds = array<i64: 1, 512>}, {pipeline_mode = #tpu.pipeline_mode<synchronous>, transform_indices = @transform_5, window_bounds = array<i64: 1, 512>}, {transform_indices = @transform_6, window_bounds = array<i64: 200, 512>}, {pipeline_mode = #tpu.pipeline_mode<synchronous>, transform_indices = @transform_7, window_bounds = array<i64: 8, 512>}]} {
    %get3A = arith.constant 0 : index
    %get3A_0 = arith.constant 0 : index
    %get3A_1 = vector.load %arg2[%get3A, %get3A_0] : memref<8x256xf32, #tpu.memory_space<vmem>>, vector<1x256xf32>
    %get3A_2 = arith.constant 1 : index
    %get3A_3 = arith.constant 0 : index
    %get3A_4 = vector.load %arg2[%get3A_2, %get3A_3] : memref<8x256xf32, #tpu.memory_space<vmem>>, vector<1x256xf32>
    %get3A_5 = arith.constant 0 : index
    %get3A_6 = arith.constant 0 : index
    %get3A_7 = vector.load %arg1[%get3A_5, %get3A_6] : memref<200x256xf32, #tpu.memory_space<vmem>>, vector<200x256xf32>
    %sub3A = vector.broadcast %get3A_1 : vector<1x256xf32> to vector<200x256xf32>
    %sub3A_8 = arith.subf %get3A_7, %sub3A : vector<200x256xf32>
    %mul3A = vector.broadcast %get3A_4 : vector<1x256xf32> to vector<200x256xf32>
    %mul3A_9 = arith.mulf %sub3A_8, %mul3A : vector<200x256xf32>
    %ge3A = arith.constant 0.000000e+00 : f32
    %ge3A_10 = vector.broadcast %ge3A : f32 to vector<200x256xf32>
    %ge3A_11 = arith.cmpf oge, %mul3A_9, %ge3A_10 : vector<200x256xf32>
    %mul3A_12 = arith.constant 2.000000e-01 : f32
    %mul3A_13 = vector.broadcast %mul3A_12 : f32 to vector<200x256xf32>
    %mul3A_14 = arith.mulf %mul3A_13, %mul3A_9 : vector<200x256xf32>
    %select_n3A = arith.select %ge3A_11, %mul3A_9, %mul3A_14 : vector<200x256xi1>, vector<200x256xf32>
    %get3A_15 = arith.constant 0 : index
    %get3A_16 = arith.constant 0 : index
    %get3A_17 = vector.load %arg4[%get3A_15, %get3A_16] : memref<256x512xf32, #tpu.memory_space<vmem>>, vector<256x512xf32>
    %dot_general3A = arith.constant dense<0.000000e+00> : vector<200x512xf32>
    %dot_general3A_18 = tpu.matmul %select_n3A, %get3A_17, %dot_general3A {dimension_numbers = #tpu.dot_dimension_numbers<[1], [0], [0], [1], [0, 0, 1, 1], [], []>, transpose_lhs_hint = false} : vector<200x256xf32>, vector<256x512xf32>, vector<200x512xf32> -> vector<200x512xf32>
    %get3A_19 = arith.constant 0 : index
    %get3A_20 = arith.constant 0 : index
    %get3A_21 = vector.load %arg3[%get3A_19, %get3A_20] : memref<200x128xf32, #tpu.memory_space<vmem>>, vector<200x1xf32>
    %get3A_22 = arith.constant 0 : index
    %get3A_23 = arith.constant 0 : index
    %get3A_24 = vector.load %arg5[%get3A_22, %get3A_23] : memref<1x512xf32, #tpu.memory_space<vmem>>, vector<1x512xf32>
    %mul3A_25 = vector.broadcast %get3A_21 : vector<200x1xf32> to vector<200x512xf32>
    %mul3A_26 = vector.broadcast %get3A_24 : vector<1x512xf32> to vector<200x512xf32>
    %mul3A_27 = arith.mulf %mul3A_25, %mul3A_26 : vector<200x512xf32>
    %add3A = arith.addf %dot_general3A_18, %mul3A_27 : vector<200x512xf32>
    %get3A_28 = arith.constant 0 : index
    %get3A_29 = arith.constant 0 : index
    %get3A_30 = vector.load %arg6[%get3A_28, %get3A_29] : memref<1x512xf32, #tpu.memory_space<vmem>>, vector<1x512xf32>
    %add3A_31 = vector.broadcast %get3A_30 : vector<1x512xf32> to vector<200x512xf32>
    %add3A_32 = arith.addf %add3A, %add3A_31 : vector<200x512xf32>
    %swap3A = arith.constant 0 : index
    %swap3A_33 = arith.constant 0 : index
    %swap3A_34 = vector.load %arg7[%swap3A, %swap3A_33] : memref<200x512xf32, #tpu.memory_space<vmem>>, vector<200x512xf32>
    tpu.vector_store %arg7[%swap3A, %swap3A_33], %add3A_32 {strides = array<i32>} : memref<200x512xf32, #tpu.memory_space<vmem>>, vector<200x512xf32>,
    %eq3A = arith.constant 0 : i32
    %eq3A_35 = arith.cmpi eq, %arg0, %eq3A : i32
    %convert_element_type3A = arith.extui %eq3A_35 : i1 to i32
    %cond3A = arith.constant 0 : i32
    %cond3A_36 = arith.cmpi ne, %convert_element_type3A, %cond3A : i32
    scf.if %cond3A_36 {
      %broadcast_in_dim3A_56 = arith.constant 0.000000e+00 : f32
      %broadcast_in_dim3A_57 = vector.broadcast %broadcast_in_dim3A_56 : f32 to vector<8x512xf32>
      %swap3A_58 = arith.constant 0 : index
      %swap3A_59 = arith.constant 0 : index
      %swap3A_60 = vector.load %arg8[%swap3A_58, %swap3A_59] : memref<8x512xf32, #tpu.memory_space<vmem>>, vector<8x512xf32>
      tpu.vector_store %arg8[%swap3A_58, %swap3A_59], %broadcast_in_dim3A_57 {strides = array<i32>} : memref<8x512xf32, #tpu.memory_space<vmem>>, vector<8x512xf32>,
    } else {
    }
    %get3A_37 = arith.constant 0 : index
    %get3A_38 = arith.constant 0 : index
    %get3A_39 = vector.load %arg8[%get3A_37, %get3A_38] : memref<8x512xf32, #tpu.memory_space<vmem>>, vector<1x512xf32>
    %reduce_sum3A = arith.constant dense<0.000000e+00> : vector<512xf32>
    %reduce_sum3A_40 = vector.multi_reduction <add>, %add3A_32, %reduce_sum3A [0] : vector<200x512xf32> to vector<512xf32>
    %broadcast_in_dim3A = vector.shape_cast %reduce_sum3A_40 : vector<512xf32> to vector<1x512xf32>
    %add3A_41 = arith.addf %get3A_39, %broadcast_in_dim3A : vector<1x512xf32>
    %swap3A_42 = arith.constant 0 : index
    %swap3A_43 = arith.constant 0 : index
    %swap3A_44 = vector.load %arg8[%swap3A_42, %swap3A_43] : memref<8x512xf32, #tpu.memory_space<vmem>>, vector<1x512xf32>
    tpu.vector_store %arg8[%swap3A_42, %swap3A_43], %add3A_41 {strides = array<i32>} : memref<8x512xf32, #tpu.memory_space<vmem>>, vector<1x512xf32>,
    %get3A_45 = arith.constant 1 : index
    %get3A_46 = arith.constant 0 : index
    %get3A_47 = vector.load %arg8[%get3A_45, %get3A_46] : memref<8x512xf32, #tpu.memory_space<vmem>>, vector<1x512xf32>
    %mul3A_48 = arith.mulf %add3A_32, %add3A_32 : vector<200x512xf32>
    %reduce_sum3A_49 = arith.constant dense<0.000000e+00> : vector<512xf32>
    %reduce_sum3A_50 = vector.multi_reduction <add>, %mul3A_48, %reduce_sum3A_49 [0] : vector<200x512xf32> to vector<512xf32>
    %broadcast_in_dim3A_51 = vector.shape_cast %reduce_sum3A_50 : vector<512xf32> to vector<1x512xf32>
    %add3A_52 = arith.addf %get3A_47, %broadcast_in_dim3A_51 : vector<1x512xf32>
    %swap3A_53 = arith.constant 1 : index
    %swap3A_54 = arith.constant 0 : index
    %swap3A_55 = vector.load %arg8[%swap3A_53, %swap3A_54] : memref<8x512xf32, #tpu.memory_space<vmem>>, vector<1x512xf32>
    tpu.vector_store %arg8[%swap3A_53, %swap3A_54], %add3A_52 {strides = array<i32>} : memref<8x512xf32, #tpu.memory_space<vmem>>, vector<1x512xf32>,
    return
  }
  func.func @transform_0(%arg0: i32) -> (i32, i32) {
    %c0_i32 = arith.constant 0 : i32
    %c0_i32_0 = arith.constant 0 : i32
    return %arg0, %c0_i32 : i32, i32
  }
  func.func @transform_1(%arg0: i32) -> (i32, i32) {
    %c0_i32 = arith.constant 0 : i32
    %c0_i32_0 = arith.constant 0 : i32
    %c0_i32_1 = arith.constant 0 : i32
    return %c0_i32, %c0_i32_0 : i32, i32
  }
  func.func @transform_2(%arg0: i32) -> (i32, i32) {
    %c0_i32 = arith.constant 0 : i32
    %c0_i32_0 = arith.constant 0 : i32
    return %arg0, %c0_i32 : i32, i32
  }
  func.func @transform_3(%arg0: i32) -> (i32, i32) {
    %c0_i32 = arith.constant 0 : i32
    %c0_i32_0 = arith.constant 0 : i32
    %c0_i32_1 = arith.constant 0 : i32
    return %c0_i32, %c0_i32_0 : i32, i32
  }
  func.func @transform_4(%arg0: i32) -> (i32, i32) {
    %c0_i32 = arith.constant 0 : i32
    %c0_i32_0 = arith.constant 0 : i32
    %c0_i32_1 = arith.constant 0 : i32
    return %c0_i32, %c0_i32_0 : i32, i32
  }
  func.func @transform_5(%arg0: i32) -> (i32, i32) {
    %c0_i32 = arith.constant 0 : i32
    %c0_i32_0 = arith.constant 0 : i32
    %c0_i32_1 = arith.constant 0 : i32
    return %c0_i32, %c0_i32_0 : i32, i32
  }
  func.func @transform_6(%arg0: i32) -> (i32, i32) {
    %c0_i32 = arith.constant 0 : i32
    %c0_i32_0 = arith.constant 0 : i32
    return %arg0, %c0_i32 : i32, i32
  }
  func.func @transform_7(%arg0: i32) -> (i32, i32) {
    %c0_i32 = arith.constant 0 : i32
    %c0_i32_0 = arith.constant 0 : i32
    %c0_i32_1 = arith.constant 0 : i32
    return %c0_i32, %c0_i32_0 : i32, i32
  }
}

module attributes {stable_mosaic.version = 14 : i64} {
  func.func @_fc2_body(%arg0: i32, %arg1: memref<200x512xf32, #tpu.memory_space<vmem>>, %arg2: memref<8x512xf32, #tpu.memory_space<vmem>>, %arg3: memref<512x256xf32, #tpu.memory_space<vmem>>, %arg4: memref<1x256xf32, #tpu.memory_space<vmem>>, %arg5: memref<200x256xf32, #tpu.memory_space<vmem>>, %arg6: memref<8x256xf32, #tpu.memory_space<vmem>>) attributes {dimension_semantics = [#tpu.dimension_semantics<arbitrary>], iteration_bounds = array<i64: 50>, scalar_prefetch = 0 : i64, scratch_operands = 0 : i64, tpu.core_type = #tpu.core_type<tc>, window_params = [{transform_indices = @transform_0, window_bounds = array<i64: 200, 512>}, {pipeline_mode = #tpu.pipeline_mode<synchronous>, transform_indices = @transform_1, window_bounds = array<i64: 8, 512>}, {pipeline_mode = #tpu.pipeline_mode<synchronous>, transform_indices = @transform_2, window_bounds = array<i64: 512, 256>}, {pipeline_mode = #tpu.pipeline_mode<synchronous>, transform_indices = @transform_3, window_bounds = array<i64: 1, 256>}, {transform_indices = @transform_4, window_bounds = array<i64: 200, 256>}, {pipeline_mode = #tpu.pipeline_mode<synchronous>, transform_indices = @transform_5, window_bounds = array<i64: 8, 256>}]} {
    %get3A = arith.constant 0 : index
    %get3A_0 = arith.constant 0 : index
    %get3A_1 = vector.load %arg2[%get3A, %get3A_0] : memref<8x512xf32, #tpu.memory_space<vmem>>, vector<1x512xf32>
    %get3A_2 = arith.constant 1 : index
    %get3A_3 = arith.constant 0 : index
    %get3A_4 = vector.load %arg2[%get3A_2, %get3A_3] : memref<8x512xf32, #tpu.memory_space<vmem>>, vector<1x512xf32>
    %get3A_5 = arith.constant 0 : index
    %get3A_6 = arith.constant 0 : index
    %get3A_7 = vector.load %arg1[%get3A_5, %get3A_6] : memref<200x512xf32, #tpu.memory_space<vmem>>, vector<200x512xf32>
    %sub3A = vector.broadcast %get3A_1 : vector<1x512xf32> to vector<200x512xf32>
    %sub3A_8 = arith.subf %get3A_7, %sub3A : vector<200x512xf32>
    %mul3A = vector.broadcast %get3A_4 : vector<1x512xf32> to vector<200x512xf32>
    %mul3A_9 = arith.mulf %sub3A_8, %mul3A : vector<200x512xf32>
    %ge3A = arith.constant 0.000000e+00 : f32
    %ge3A_10 = vector.broadcast %ge3A : f32 to vector<200x512xf32>
    %ge3A_11 = arith.cmpf oge, %mul3A_9, %ge3A_10 : vector<200x512xf32>
    %mul3A_12 = arith.constant 2.000000e-01 : f32
    %mul3A_13 = vector.broadcast %mul3A_12 : f32 to vector<200x512xf32>
    %mul3A_14 = arith.mulf %mul3A_13, %mul3A_9 : vector<200x512xf32>
    %select_n3A = arith.select %ge3A_11, %mul3A_9, %mul3A_14 : vector<200x512xi1>, vector<200x512xf32>
    %get3A_15 = arith.constant 0 : index
    %get3A_16 = arith.constant 0 : index
    %get3A_17 = vector.load %arg3[%get3A_15, %get3A_16] : memref<512x256xf32, #tpu.memory_space<vmem>>, vector<512x256xf32>
    %dot_general3A = arith.constant dense<0.000000e+00> : vector<200x256xf32>
    %dot_general3A_18 = tpu.matmul %select_n3A, %get3A_17, %dot_general3A {dimension_numbers = #tpu.dot_dimension_numbers<[1], [0], [0], [1], [0, 0, 1, 1], [], []>, transpose_lhs_hint = false} : vector<200x512xf32>, vector<512x256xf32>, vector<200x256xf32> -> vector<200x256xf32>
    %get3A_19 = arith.constant 0 : index
    %get3A_20 = arith.constant 0 : index
    %get3A_21 = vector.load %arg4[%get3A_19, %get3A_20] : memref<1x256xf32, #tpu.memory_space<vmem>>, vector<1x256xf32>
    %add3A = vector.broadcast %get3A_21 : vector<1x256xf32> to vector<200x256xf32>
    %add3A_22 = arith.addf %dot_general3A_18, %add3A : vector<200x256xf32>
    %swap3A = arith.constant 0 : index
    %swap3A_23 = arith.constant 0 : index
    %swap3A_24 = vector.load %arg5[%swap3A, %swap3A_23] : memref<200x256xf32, #tpu.memory_space<vmem>>, vector<200x256xf32>
    tpu.vector_store %arg5[%swap3A, %swap3A_23], %add3A_22 {strides = array<i32>} : memref<200x256xf32, #tpu.memory_space<vmem>>, vector<200x256xf32>,
    %eq3A = arith.constant 0 : i32
    %eq3A_25 = arith.cmpi eq, %arg0, %eq3A : i32
    %convert_element_type3A = arith.extui %eq3A_25 : i1 to i32
    %cond3A = arith.constant 0 : i32
    %cond3A_26 = arith.cmpi ne, %convert_element_type3A, %cond3A : i32
    scf.if %cond3A_26 {
      %broadcast_in_dim3A_46 = arith.constant 0.000000e+00 : f32
      %broadcast_in_dim3A_47 = vector.broadcast %broadcast_in_dim3A_46 : f32 to vector<8x256xf32>
      %swap3A_48 = arith.constant 0 : index
      %swap3A_49 = arith.constant 0 : index
      %swap3A_50 = vector.load %arg6[%swap3A_48, %swap3A_49] : memref<8x256xf32, #tpu.memory_space<vmem>>, vector<8x256xf32>
      tpu.vector_store %arg6[%swap3A_48, %swap3A_49], %broadcast_in_dim3A_47 {strides = array<i32>} : memref<8x256xf32, #tpu.memory_space<vmem>>, vector<8x256xf32>,
    } else {
    }
    %get3A_27 = arith.constant 0 : index
    %get3A_28 = arith.constant 0 : index
    %get3A_29 = vector.load %arg6[%get3A_27, %get3A_28] : memref<8x256xf32, #tpu.memory_space<vmem>>, vector<1x256xf32>
    %reduce_sum3A = arith.constant dense<0.000000e+00> : vector<256xf32>
    %reduce_sum3A_30 = vector.multi_reduction <add>, %add3A_22, %reduce_sum3A [0] : vector<200x256xf32> to vector<256xf32>
    %broadcast_in_dim3A = vector.shape_cast %reduce_sum3A_30 : vector<256xf32> to vector<1x256xf32>
    %add3A_31 = arith.addf %get3A_29, %broadcast_in_dim3A : vector<1x256xf32>
    %swap3A_32 = arith.constant 0 : index
    %swap3A_33 = arith.constant 0 : index
    %swap3A_34 = vector.load %arg6[%swap3A_32, %swap3A_33] : memref<8x256xf32, #tpu.memory_space<vmem>>, vector<1x256xf32>
    tpu.vector_store %arg6[%swap3A_32, %swap3A_33], %add3A_31 {strides = array<i32>} : memref<8x256xf32, #tpu.memory_space<vmem>>, vector<1x256xf32>,
    %get3A_35 = arith.constant 1 : index
    %get3A_36 = arith.constant 0 : index
    %get3A_37 = vector.load %arg6[%get3A_35, %get3A_36] : memref<8x256xf32, #tpu.memory_space<vmem>>, vector<1x256xf32>
    %mul3A_38 = arith.mulf %add3A_22, %add3A_22 : vector<200x256xf32>
    %reduce_sum3A_39 = arith.constant dense<0.000000e+00> : vector<256xf32>
    %reduce_sum3A_40 = vector.multi_reduction <add>, %mul3A_38, %reduce_sum3A_39 [0] : vector<200x256xf32> to vector<256xf32>
    %broadcast_in_dim3A_41 = vector.shape_cast %reduce_sum3A_40 : vector<256xf32> to vector<1x256xf32>
    %add3A_42 = arith.addf %get3A_37, %broadcast_in_dim3A_41 : vector<1x256xf32>
    %swap3A_43 = arith.constant 1 : index
    %swap3A_44 = arith.constant 0 : index
    %swap3A_45 = vector.load %arg6[%swap3A_43, %swap3A_44] : memref<8x256xf32, #tpu.memory_space<vmem>>, vector<1x256xf32>
    tpu.vector_store %arg6[%swap3A_43, %swap3A_44], %add3A_42 {strides = array<i32>} : memref<8x256xf32, #tpu.memory_space<vmem>>, vector<1x256xf32>,
    return
  }
  func.func @transform_0(%arg0: i32) -> (i32, i32) {
    %c0_i32 = arith.constant 0 : i32
    %c0_i32_0 = arith.constant 0 : i32
    return %arg0, %c0_i32 : i32, i32
  }
  func.func @transform_1(%arg0: i32) -> (i32, i32) {
    %c0_i32 = arith.constant 0 : i32
    %c0_i32_0 = arith.constant 0 : i32
    %c0_i32_1 = arith.constant 0 : i32
    return %c0_i32, %c0_i32_0 : i32, i32
  }
  func.func @transform_2(%arg0: i32) -> (i32, i32) {
    %c0_i32 = arith.constant 0 : i32
    %c0_i32_0 = arith.constant 0 : i32
    %c0_i32_1 = arith.constant 0 : i32
    return %c0_i32, %c0_i32_0 : i32, i32
  }
  func.func @transform_3(%arg0: i32) -> (i32, i32) {
    %c0_i32 = arith.constant 0 : i32
    %c0_i32_0 = arith.constant 0 : i32
    %c0_i32_1 = arith.constant 0 : i32
    return %c0_i32, %c0_i32_0 : i32, i32
  }
  func.func @transform_4(%arg0: i32) -> (i32, i32) {
    %c0_i32 = arith.constant 0 : i32
    %c0_i32_0 = arith.constant 0 : i32
    return %arg0, %c0_i32 : i32, i32
  }
  func.func @transform_5(%arg0: i32) -> (i32, i32) {
    %c0_i32 = arith.constant 0 : i32
    %c0_i32_0 = arith.constant 0 : i32
    %c0_i32_1 = arith.constant 0 : i32
    return %c0_i32, %c0_i32_0 : i32, i32
  }
}

module attributes {stable_mosaic.version = 14 : i64} {
  func.func @_final_body(%arg0: i32, %arg1: memref<200x256xf32, #tpu.memory_space<vmem>>, %arg2: memref<8x256xf32, #tpu.memory_space<vmem>>, %arg3: memref<200x256xf32, #tpu.memory_space<vmem>>) attributes {dimension_semantics = [#tpu.dimension_semantics<arbitrary>], iteration_bounds = array<i64: 50>, scalar_prefetch = 0 : i64, scratch_operands = 0 : i64, tpu.core_type = #tpu.core_type<tc>, window_params = [{transform_indices = @transform_0, window_bounds = array<i64: 200, 256>}, {pipeline_mode = #tpu.pipeline_mode<synchronous>, transform_indices = @transform_1, window_bounds = array<i64: 8, 256>}, {transform_indices = @transform_2, window_bounds = array<i64: 200, 256>}]} {
    %get3A = arith.constant 0 : index
    %get3A_0 = arith.constant 0 : index
    %get3A_1 = vector.load %arg2[%get3A, %get3A_0] : memref<8x256xf32, #tpu.memory_space<vmem>>, vector<1x256xf32>
    %get3A_2 = arith.constant 1 : index
    %get3A_3 = arith.constant 0 : index
    %get3A_4 = vector.load %arg2[%get3A_2, %get3A_3] : memref<8x256xf32, #tpu.memory_space<vmem>>, vector<1x256xf32>
    %get3A_5 = arith.constant 0 : index
    %get3A_6 = arith.constant 0 : index
    %get3A_7 = vector.load %arg1[%get3A_5, %get3A_6] : memref<200x256xf32, #tpu.memory_space<vmem>>, vector<200x256xf32>
    %sub3A = vector.broadcast %get3A_1 : vector<1x256xf32> to vector<200x256xf32>
    %sub3A_8 = arith.subf %get3A_7, %sub3A : vector<200x256xf32>
    %mul3A = vector.broadcast %get3A_4 : vector<1x256xf32> to vector<200x256xf32>
    %mul3A_9 = arith.mulf %sub3A_8, %mul3A : vector<200x256xf32>
    %ge3A = arith.constant 0.000000e+00 : f32
    %ge3A_10 = vector.broadcast %ge3A : f32 to vector<200x256xf32>
    %ge3A_11 = arith.cmpf oge, %mul3A_9, %ge3A_10 : vector<200x256xf32>
    %mul3A_12 = arith.constant 2.000000e-01 : f32
    %mul3A_13 = vector.broadcast %mul3A_12 : f32 to vector<200x256xf32>
    %mul3A_14 = arith.mulf %mul3A_13, %mul3A_9 : vector<200x256xf32>
    %select_n3A = arith.select %ge3A_11, %mul3A_9, %mul3A_14 : vector<200x256xi1>, vector<200x256xf32>
    %swap3A = arith.constant 0 : index
    %swap3A_15 = arith.constant 0 : index
    %swap3A_16 = vector.load %arg3[%swap3A, %swap3A_15] : memref<200x256xf32, #tpu.memory_space<vmem>>, vector<200x256xf32>
    tpu.vector_store %arg3[%swap3A, %swap3A_15], %select_n3A {strides = array<i32>} : memref<200x256xf32, #tpu.memory_space<vmem>>, vector<200x256xf32>,
    return
  }
  func.func @transform_0(%arg0: i32) -> (i32, i32) {
    %c0_i32 = arith.constant 0 : i32
    %c0_i32_0 = arith.constant 0 : i32
    return %arg0, %c0_i32 : i32, i32
  }
  func.func @transform_1(%arg0: i32) -> (i32, i32) {
    %c0_i32 = arith.constant 0 : i32
    %c0_i32_0 = arith.constant 0 : i32
    %c0_i32_1 = arith.constant 0 : i32
    return %c0_i32, %c0_i32_0 : i32, i32
  }
  func.func @transform_2(%arg0: i32) -> (i32, i32) {
    %c0_i32 = arith.constant 0 : i32
    %c0_i32_0 = arith.constant 0 : i32
    return %arg0, %c0_i32 : i32, i32
  }
}

</mosaic_0001>

<sc_bundles>
// kernel: kernel.16.cloned.1.call-start
scs
__scs_entry_jumppad:
0x0: {  	(pc) =	sbr.rel $0x88, $3  }
0x1: {  	(tag) =	ssettag $0x0;
	lr =	simm.s32 $0x1  }
0x2: {  	[smem:$0x3F97] =	sst lr;
	_ =	strace $0xD0000000  }
0x3: {  	_ = 	snop  }
0x4: {  	_ = 	snop  }
0x5: {  	_ = 	snop  }
0x6: {  	_ = 	snop  }
0x7: {  	_ = 	snop  }
__scs_overlays_trampoline_lowered:
0x8: {  	[smem:$0x3FA6] =	sst s0  }
0x9: {  	[smem:$0x3FA7] =	sst s1  }
0xa: {  	[smem:$0x3FA8] =	sst s2  }
0xb: {  	[smem:$0x3FA9] =	sst s3  }
0xc: {  	[smem:$0x3FAA] =	sst s4  }
0xd: {  	[smem:$0x3FAB] =	sst s5  }
0xe: {  	[smem:$0x3FAC] =	sst s6  }
0xf: {  	[smem:$0x3FAD] =	sst s7  }
0x10: {  	[smem:$0x3FAE] =	sst s8  }
0x11: {  	[smem:$0x3FAF] =	sst s9;
	s0 =	simm.s32 @!p0 $0x0  }
0x12: {  	s1 =	sld [smem:$0x3F95];
	s0 =	simm.s32 @p0 $0x1  }
0x13: {  	[smem:$0x3FB0] =	sst s0;
	s0 =	simm.s32 @!p1 $0x0  }
0x14: {  	s2 =	sld [smem:$0x3F94];
	s0 =	simm.s32 @p1 $0x1  }
0x15: {  	[smem:$0x3FB1] =	sst s0;
	s0 =	simm.s32 @!p2 $0x0  }
0x16: {  	s3 =	sld [smem:$0x3FDB];
	s0 =	simm.s32 @p2 $0x1  }
0x17: {  	s4 =	simm.s32 $0x1BF5;
	[smem:$0x3FB3] =	sst s0  }
0x18: {  	s0 =	sld [smem:$0x3F96];
	_ =	swait.ge [sflag:s4], $0x0  }
0x19: {  	s7 =	sld [smem:$0x3F97]  }
0x1a: {  	s8 =	sadd.s32 $0xFFFFE003, lr  }
0x1b: {  	s9 =	sadd.s32 $0xFFFFFEF7, lr;
	s5 =	simm.s32 $0xFFFFFFFF;
	p2 =	slt.u32 s8, $0xFFFFF086  }
0x1c: {  	p1 =	slt.u32 s9, $0xF7A;
	s5 =	simm.s32 @!p2 $0x0  }
0x1d: {  	s5 =	simm.s32 @p1 $0x1;
	p0 =	seq.s32 s7, s2  }
0x1e: {  	s7 =	smul.u32 @!p0 $0xF7A, s2;
	p2 =	seq.s32 @!p0 s5, $0x0  }
0x1f: {  	s9 =	smul.u32 $0xF7A, s1;
	s8 =	simm.s32 @!p0 $0x1BF5;
	p2 =	por !p2, p0  }
0x20: {  	[sflag:s8] =	ssyncset.s32 @!p0 $0xFFFFF086;
	s6 =	sadd.s32 @!p0 s3, s7;
	s7 =	simm.s32 @!p0 $0x108  }
0x21: {  	s3 =	sadd.s32 s3, s9;
	s6 =	sadd.s32 @!p0 $0x88, s6;
	s7 =	simm.s32 @p2 $0x1082  }
0x22: {  	[simem:s7], [sflag:s8] =	dma.local @!p0 [hbm:s6], $0xF7A  }
0x23: {  	s9 =	sor.u32 $0xD0000000, s2;
	s6 =	simm.s32 $0x108;
	_ =	swait.ge @!p0 [sflag:s8], $0x0  }
0x24: {  	s3 =	sadd.s32 $0x88, s3;
	s6 =	simm.s32 @!p1 $0x1082;
	[sflag:s4] =	ssyncset.s32 $0xFFFFF086  }
0x25: {  	[simem:s6], [sflag:s4] =	dma.local [hbm:s3], $0xF7A  }
0x26: {  	[smem:$0x3F97] =	sst s1;
	(tag) =	ssettag s2;
	_ =	strace s9  }
0x27: {  	s1 =	sld [smem:$0x3FA7]  }
0x28: {  	s2 =	sld [smem:$0x3FA8]  }
0x29: {  	s4 =	sld [smem:$0x3FAA]  }
0x2a: {  	p0 =	seq.s32 s5, $0x0;
	s5 =	sld [smem:$0x3FAB]  }
0x2b: {  	s6 =	sld [smem:$0x3FAC]  }
0x2c: {  	s7 =	sld [smem:$0x3FAD]  }
0x2d: {  	s3 =	simm.s32 $0x108;
	s8 =	sld [smem:$0x3FAE]  }
0x2e: {  	s3 =	simm.s32 @!p0 $0x1082;
	s9 =	sld [smem:$0x3FAF]  }
0x2f: {  	lr =	sadd.s32 s0, s3;
	s0 =	sld [smem:$0x3FA6]  }
0x30: {  	s3 =	sld [smem:$0x3FA9]  }
0x31: {  	[smem:$0x3FB2] =	sst s10  }
0x32: {  	s10 =	sld [smem:$0x3FB0];
	_ =	sdelay $0x3  }
0x33: {  	p0 =	seq.s32 s10, $0x1;
	s10 =	sld [smem:$0x3FB2];
	_ =	sdelay $0x3  }
0x34: {  	[smem:$0x3FB2] =	sst s10  }
0x35: {  	s10 =	sld [smem:$0x3FB1];
	_ =	sdelay $0x3  }
0x36: {  	p1 =	seq.s32 s10, $0x1;
	s10 =	sld [smem:$0x3FB2];
	_ =	sdelay $0x3  }
0x37: {  	[smem:$0x3FB2] =	sst s10  }
0x38: {  	s10 =	sld [smem:$0x3FB3]  }
0x39: {  	_ = 	snop;
	(pc) =	sbr.ind lr, $3  }
0x3a: {  	_ = 	snop  }
0x3b: {  	_ = 	snop  }
0x3c: {  	p2 =	seq.s32 s10, $0x1;
	s10 =	sld [smem:$0x3FB2]  }
0x3d: {  	_ =	shalt  }
0x3e: {  	_ =	shalt  }
0x3f: {  	_ =	shalt  }
0x40: {  	_ =	shalt  }
0x41: {  	_ =	shalt  }
0x42: {  	_ =	shalt  }
0x43: {  	_ =	shalt  }
0x44: {  	_ =	shalt  }
0x45: {  	_ =	shalt  }
0x46: {  	_ =	shalt  }
0x47: {  	_ =	shalt  }
0x48: {  	_ =	shalt  }
0x49: {  	_ =	shalt  }
0x4a: {  	_ =	shalt  }
0x4b: {  	_ =	shalt  }
0x4c: {  	_ =	shalt  }
0x4d: {  	_ =	shalt  }
0x4e: {  	_ =	shalt  }
0x4f: {  	_ =	shalt  }
0x50: {  	_ =	shalt  }
0x51: {  	_ =	shalt  }
0x52: {  	_ =	shalt  }
0x53: {  	_ =	shalt  }
0x54: {  	_ =	shalt  }
0x55: {  	_ =	shalt  }
0x56: {  	_ =	shalt  }
0x57: {  	_ =	shalt  }
0x58: {  	_ =	shalt  }
0x59: {  	_ =	shalt  }
0x5a: {  	_ =	shalt  }
0x5b: {  	_ =	shalt  }
0x5c: {  	_ =	shalt  }
0x5d: {  	_ =	shalt  }
0x5e: {  	_ =	shalt  }
0x5f: {  	_ =	shalt  }
0x60: {  	_ =	shalt  }
0x61: {  	_ =	shalt  }
0x62: {  	_ =	shalt  }
0x63: {  	_ =	shalt  }
0x64: {  	_ =	shalt  }
0x65: {  	_ =	shalt  }
0x66: {  	_ =	shalt  }
0x67: {  	_ =	shalt  }
0x68: {  	_ =	shalt  }
0x69: {  	_ =	shalt  }
0x6a: {  	_ =	shalt  }
0x6b: {  	_ =	shalt  }
0x6c: {  	_ =	shalt  }
0x6d: {  	_ =	shalt  }
0x6e: {  	_ =	shalt  }
0x6f: {  	_ =	shalt  }
0x70: {  	_ =	shalt  }
0x71: {  	_ =	shalt  }
0x72: {  	_ =	shalt  }
0x73: {  	_ =	shalt  }
0x74: {  	_ =	shalt  }
0x75: {  	_ =	shalt  }
0x76: {  	_ =	shalt  }
0x77: {  	_ =	shalt  }
0x78: {  	_ =	shalt  }
0x79: {  	_ =	shalt  }
0x7a: {  	_ =	shalt  }
0x7b: {  	_ =	shalt  }
0x7c: {  	_ =	shalt  }
0x7d: {  	_ =	shalt  }
0x7e: {  	_ =	shalt  }
0x7f: {  	_ =	shalt  }
0x80: {  	_ =	shalt  }
0x81: {  	_ =	shalt  }
0x82: {  	_ =	shalt  }
0x83: {  	_ =	shalt  }
0x84: {  	_ =	shalt  }
0x85: {  	_ =	shalt  }
0x86: {  	_ =	shalt  }
0x87: {  	_ =	shalt  }
.Lfunc_end0:
.L_simem_size_0:
called_computation_lowered:
.L_overlay_start_0:
0x88: {  	s2 =	sld [smem:$0x3FD9]  }
0x89: {  	s3 =	sld [smem:$0x3FFE];
	_ =	sdelay $0x1  }
0x8a: {  	s1 =	srdreg.scid  }
0x8b: {  	s0 =	sand.u32 $0x1, s1  }
0x8c: {  	s17 =	sshll.u32 s0, $0xA;
	s2 =	sadd.s32 s3, s2  }
0x8d: {  	s2 =	sadd.s32 s2, s17  }
0x8e: {  	[smem:$0x3FBE] =	sst s2  }
0x8f: {  	_ = 	snop  }
0x90: {  	(tm) =	ssettm $0x1  }
0x91: {  	s18 =	sld [smem:$0x3FFB];
	_ =	sdelay $0x3  }
0x92: {  	_ =	strace s18  }
0x93: {  	s2 =	sld [smem:$0x3FFC];
	_ =	sdelay $0x3  }
0x94: {  	_ =	strace s2  }
0x95: {  	s2 =	sld [smem:$0x3FFD];
	_ =	sdelay $0x3  }
0x96: {  	_ =	strace s2  }
0x97: {  	_ =	strace $0x8FFFFFFF  }
0x98: {  	s19 =	sld [smem:$0x3FDB];
	_ =	sdelay $0x1  }
0x99: {  	s20 =	simm.s32 $_scs_section_size  }
0x9a: {  	s4 =	simm.s32 $_size__tile_overlayer_lowered;
	s5 =	simm.s32 $_tile_overlayer_lowered  }
0x9b: {  	s6 =	simm.s32 $0x1BFF;
	s21 =	sshll.u32 s5, $0x1;
	s3 =	sadd.s32 s20, s19  }
0x9c: {  	s22 =	simm.s32 $0x0;
	s4 =	sshll.u32 s4, $0x1;
	s5 =	sadd.s32 s21, s3  }
0x9d: {  	[timem:s22], [sflag:s6] =	dma.local [hbm:s5], s4  }
0x9e: {  	_ =	swait.ge [sflag:s6], s4  }
0x9f: {  	s4 =	ssub.s32 $0x0, s4;
	[sflag:s6] =	ssyncset.done $0x0  }
0xa0: {  	[sflag:s6] =	ssyncadd.s32 s4;
	_ =	sdelay $0x1  }
0xa1: {  	s23 =	simm.s32 $0x1B8B  }
0xa2: {  	_ =	swait.ge [sflag:s23], $0x1  }
0xa3: {  	[sflag:s23] =	ssyncset.done $0x0  }
0xa4: {  	[sflag:s23] =	ssyncadd.s32 $0xFFFFFFFF  }
0xa5: {  	s4 =	sld [smem:$0x0]  }
0xa6: {  	s5 =	sand.u32 $0xFFFFFFFE, s1  }
0xa7: {  	p0 =	sne.s32 s1, s5  }
0xa8: {  	s5 =	sshll.u32 @p0 s5, $0xE  }
0xa9: {  	s5 =	sadd.s32 @p0 $0x11B8D, s5;
	s6 =	sshll.u32 @p0 s4, $0x11  }
0xaa: {  	s5 =	sor.u32 @p0 s6, s5  }
0xab: {  	[sflag:s5] =	ssyncadd.remote.s32 @p0 $0x1;
	_ =	sdelay $0x1  }
0xac: {  	s5 =	simm.s32 @p0 $0x1B8D  }
0xad: {  	_ =	swait.eq @p0 [sflag:s5], $0x1  }
0xae: {  	[sflag:s5] =	ssyncadd.s32 @p0 $0xFFFFFFFF  }
0xaf: {  	s6 =	sshll.u32 @!p0 s1, $0xE  }
0xb0: {  	s6 =	sor.u32 @!p0 $0x4000, s6;
	s5 =	simm.s32 @!p0 $0x1B8D  }
0xb1: {  	s4 =	sshll.u32 @!p0 s4, $0x11;
	s6 =	sadd.s32 @!p0 $0x11B8D, s6;
	_ =	swait.eq @!p0 [sflag:s5], $0x1  }
0xb2: {  	s4 =	sor.u32 @!p0 s4, s6;
	[sflag:s5] =	ssyncadd.s32 @!p0 $0xFFFFFFFF  }
0xb3: {  	s25 =	simm.s32 $0x1B8E;
	s24 =	sld [smem:$0x3FFE];
	[sflag:s4] =	ssyncadd.remote.s32 @!p0 $0x1  }
0xb4: {  	s26 =	simm.s32 $execute0_lowered;
	[smem:$0x3FD2] =	sst s25  }
0xb5: {  	s5 =	sshll.u32 s26, $0x1;
	_ =	strace $0x80000050;
	[dreg:$0x1] =	wrdreg $0xFFFFFFFF  }
0xb6: {  	s28 =	simm.s32 $_size_execute0_lowered;
	s3 =	sadd.s32 s3, s5;
	[dreg:$0x0] =	wrdreg $0x0  }
0xb7: {  	s5 =	sshll.u32 s28, $0x1;
	[dreg:$0x2] =	wrdreg s3  }
0xb8: {  	[dreg:$0x3] =	wrdreg s5  }
0xb9: {  	[dreg:$0x4] =	wrdreg $0xC0  }
0xba: {  	_ =	task [dreg:s22], $0x5FFFF  }
0xbb: {  	[dreg:$0x1] =	wrdreg $0xFFFFFFFF  }
0xbc: {  	[dreg:$0x0] =	wrdreg $0x60  }
0xbd: {  	[dreg:$0x2] =	wrdreg s24  }
0xbe: {  	[dreg:$0x3] =	wrdreg $0x9  }
0xbf: {  	_ =	task.clear_ibuf [dreg:s22], $0x4FFFF;
	_ =	strace $0x90000050  }
0xc0: {  	s29 =	simm.s32 $0x9;
	_ =	strace $0x80000059  }
0xc1: {  	_ =	swait.ge [sflag:s29], $0x1  }
0xc2: {  	[sflag:s29] =	ssyncadd.s32 $0xFFFFFFFF  }
0xc3: {  	_ =	strace $0x90000059  }
0xc4: {  	_ =	sfence  }
0xc5: {  	s30 =	sld [smem:$0x0];
	_ =	sdelay $0x2  }
0xc6: {  	s31 =	sshll.u32 s1, $0xD;
	s1 =	sshrl.u32 s1, $0x2  }
0xc7: {  	s4 =	sand.u32 $0x4000, s31;
	s1 =	sadd.s32 s1, s30  }
0xc8: {  	s0 =	sor.u32 s4, s0;
	s1 =	sshll.u32 s1, $0x11  }
0xc9: {  	s0 =	sor.u32 s1, s0  }
0xca: {  	s0 =	sadd.s32 $0x8F2B, s0  }
0xcb: {  	[sflag:s0] =	ssyncadd.remote.s32 $0x1  }
0xcc: {  	_ =	sfence.sel $0xFFFF  }
0xcd: {  	[dreg:$0x0] =	wrdreg $0xFFFFFFFF;
	(pc) =	sbr.abs _section_cstart, $3  }
0xce: {  	[dreg:$0x1] =	wrdreg $0xFFFFFFFF  }
0xcf: {  	_ =	task.clear_ibuf [dreg:s22], $0x2FFFF;
	_ =	strace $0x9FFFFFFF  }
0xd0: {  	(tm) =	ssettm $0x7FFFFFFF  }
0xd1: {  	_ =	shalt  }
tec
execute0_lowered:
.L_overlay_start_1:
0x0: {  	(tag) =	ssettag $0x1  }
0x1: {  	s4 =	rddreg [dreg:$0x0];
	s1 =	srdreg.scid  }
0x2: {  	s0 =	rddreg [dreg:$0x1];
	s2 =	simm.s32 $0x0;
	s9 =	simm.s32 $0x1  }
0x3: {  	s10 =	simm.s32 $0x80;
	s11 =	simm.s32 $0x0;
	s5 =	sand.u32 $0x1, s1  }
0x4: {  	[smem:$0x7FF] =	sst s2;
	s1 =	stileid.u32;
	s3 =	sshll.u32 s5, $0x4  }
0x5: {  	s6 =	sadd.s32 $0x58BC00, s4;
	s8 =	sadd.s32 $0x5B2E00, s4;
	s3 =	sor.u32 s1, s3  }
0x6: {  	_ =	strace $0x80000051;
	[dreg:$0x2] =	wrdreg s6;
	s7 =	smul.u32 $0x4E, s3  }
0x7: {  	s4 =	sadd.s32 $0x2F800, s4;
	[dreg:$0x4] =	wrdreg s8;
	s6 =	smul.u32 $0x4F, s3  }
0x8: {  	s29 =	ssub.s32 $0x2, s5;
	p0 =	slt.u32 s3, $0x4;
	s3 =	sadd.s32 $0x4, s7  }
0x9: {  	s5 =	simm.s32 $0x4F;
	[dreg:$0x3] =	wrdreg s10;
	s3 =	smov.u32 @p0 s6  }
0xa: {  	s10 =	simm.s32 $0x5;
	s31 =	sshrl.u32 s29, $0x1;
	s30 =	sshll.u32 s3, $0x4  }
0xb: {  	s8 =	ssub.s32 s29, s31;
	s5 =	simm.s32 @!p0 $0x4E;
	s7 =	sand.u32 $0x1FFFFFF0, s30  }
0xc: {  	s8 =	smax.u32 s8, $0x1;
	s6 =	sadd.s32 s4, s7;
	s7 =	sadd.s32 $0xFFFFFFFF, s5  }
.LBB2_1:
0xd: {  	_ =	strace $0x80000052;
	p2 =	sne.s32 s5, $0x1  }
.Ltmp0:
0xe: {  	p0 =	seq.s32 s5, $0x1;
	s13 =	simm.s32 $0x1;
	(pc) =	sbr.rel @!p2 .LBB2_2-.Ltmp0, $4  }
0xf: {  	[tilespmem:s2], [sflag:$0x1] =	stream.linear.gather [hbm4b:s6+s2], $0x80, $0x200038;
	[tilespmem:$0x8100] =	vst v63  }
0x10: {  	s12 =	simm.s32 $0x1;
	p1 =	por $0x1, $0x1;
	s13 =	simm.s32 @p0 $0x0  }
0x11: {  	p6 =	sgt.u32 s7, $0x0;
	p4 =	por p1, p1;
	p3 =	sne.s32 s13, $0x0  }
0x12: {  	_ =	strace $0x90000052;
	p5 =	por !p6, !p3;
	p6 =	por $0x0, $0x0  }
0x13: {  	p2 =	por !p5, !p5  }
0x14: {  	s21 =	sand.u32 $0x1, s2;
	s19 =	simm.s32 $0x2;
	s14 =	sadd.s32 @p2 s3, s13  }
0x15: {  	p1 =	por p3, p3;
	s15 =	sand.u32 @p2 $0x1, s9;
	s14 =	sshll.u32 @p2 s14, $0x4  }
0x16: {  	_ =	strace @p2 $0x80000053;
	s17 =	simm.s32 @p2 $0x0;
	s14 =	sand.u32 @p2 $0x1FFFFFF0, s14  }
0x17: {  	s16 =	sshll.u32 @p2 s15, $0x7;
	s15 =	sadd.s32 @p2 $0x1, s15;
	s14 =	sadd.s32 @p2 s4, s14  }
0x18: {  	[tilespmem:s16], [sflag:s15] =	stream.linear.gather @p2 [hbm4b:s14+s17], $0x80, $0x200038;
	[tilespmem:$0x8100] =	vst v63  }
0x19: {  	s30 =	simm.s32 $0x0;
	p6 =	por $0x0, $0x0;
	_ =	strace @p2 $0x90000053  }
0x1a: {  	p0 =	sne.s32 s5, $0x2;
	s29 =	sadd.s32 $0x1, s21;
	_ =	strace $0x80000054  }
0x1b: {  	s24 =	sadd.s32 $0x0, s3;
	p5 =	sgt.u32 s7, $0x1;
	_ =	swait.ge [sflag:s29], $0x80  }
0x1c: {  	s23 =	simm.s32 $0x1;
	s22 =	sshll.u32 s21, $0xE;
	[sflag:s29] =	ssyncset.done $0x0  }
0x1d: {  	s22 =	sor.u32 $0x100, s22;
	s16 =	sand.u32 @!p4 $0x1, s2;
	[sflag:s29] =	ssyncadd.s32 $0xFFFFFF80  }
0x1e: {  	s15 =	simm.s32 $0x1;
	s17 =	sadd.s32 $0x1, s13;
	_ =	strace $0x90000054  }
0x1f: {  	s14 =	sand.u32 $0x80, s30;
	s15 =	simm.s32 @!p2 $0x0;
	_ =	strace $0x80000055  }
0x20: {  	p2 =	por p4, p4;
	p4 =	por p6, p6;
	s20 =	rddreg [dreg:$0x3]  }
0x21: {  	p3 =	seq.s32 s17, s5;
	p6 =	seq.s32 s7, $0x0;
	s31 =	rddreg [dreg:$0x2]  }
0x22: {  	[tilespmem:s22], [sflag:$0x5] =	stream.indirect.gather [hbm4b:s31+s20], $0x80, s14, s20, $0x2000b8;
	[tilespmem:$0x8100] =	vst v63  }
.Ltmp1:
0x23: {  	s18 =	sadd.s32 $0x1, s15;
	s17 =	simm.s32 @p3 $0x0;
	(pc) =	sbr.rel @!p0 .LBB2_4-.Ltmp1, $4  }
0x24: {  	p1 =	por p6, p1;
	p6 =	por $0x0, $0x0;
	_ =	swait.ge [sflag:s10], $0x4000  }
0x25: {  	s15 =	simm.s32 $0x0;
	p3 =	sne.s32 s13, s17;
	[sflag:s10] =	ssyncset.done $0x0  }
0x26: {  	s23 =	simm.s32 @!p6 $0x0;
	p5 =	por !p5, !p3;
	[sflag:s10] =	ssyncadd.s32 $0xFFFFC000  }
0x27: {  	s14 =	simm.s32 $0x0;
	s20 =	simm.s32 $0x0;
	_ =	strace $0x90000055  }
.LBB2_5:
0x28: {  	_ =	strace @p1 $0x80000056;
	s14 =	sadd.s32 s23, s14;
	s23 =	smov.u32 s12  }
0x29: {  	s12 =	smov.u32 s19;
	s19 =	sadd.s32 $0x1, s19;
	p0 =	por p3, p3  }
0x2a: {  	s29 =	sshll.u32 @p1 s24, $0xB;
	s21 =	sadd.s32 @p1 $0x3, s21;
	s25 =	simm.s32 @!p0 $0x0  }
0x2b: {  	s26 =	rddreg [dreg:$0x4];
	s29 =	sand.u32 @p1 $0x1FFFF800, s29;
	s25 =	simm.s32 @p0 $0x1  }
0x2c: {  	s26 =	sadd.s32 @p1 s26, s29;
	s29 =	simm.s32 @p1 $0x0;
	p0 =	sne.s32 s5, s19  }
0x2d: {  	[hbm4b:s26+s29] =	stream.linear.scatter @p1 [tilespmem:s22], [sflag:s21], $0x4000, $0x200038;
	[tilespmem:$0x8100] =	vst v63  }
0x2e: {  	s21 =	sadd.s32 @!p2 $0x3, s16;
	s16 =	simm.s32 @!p0 $0x0  }
0x2f: {  	s28 =	simm.s32 $0x1;
	[smem:$0x7FC] =	sst s25;
	s16 =	simm.s32 @p0 $0x1  }
0x30: {  	s28 =	simm.s32 @!p1 $0x0;
	_ =	strace @p1 $0x90000056;
	[smem:$0x7FD] =	sst s16  }
0x31: {  	s20 =	sadd.s32 s28, s20;
	s25 =	sand.u32 @!p4 $0x1, s14;
	_ =	strace @!p2 $0x80000057  }
0x32: {  	p1 =	por !p5, !p5;
	s16 =	smov.u32 s25;
	_ =	swait.ge @!p2 [sflag:s21], $0x4000  }
0x33: {  	s22 =	sand.u32 @p1 $0x1, s18;
	s25 =	sadd.s32 @p1 s3, s17;
	[sflag:s21] =	ssyncset.done @!p2 $0x0  }
0x34: {  	s26 =	sshll.u32 @p1 s22, $0x7;
	s25 =	sshll.u32 @p1 s25, $0x4;
	[sflag:s21] =	ssyncadd.s32 @!p2 $0xFFFFC000  }
0x35: {  	s21 =	sadd.s32 @p1 $0x1, s22;
	s22 =	sand.u32 @p1 $0x1FFFFFF0, s25;
	_ =	strace @!p2 $0x90000057  }
0x36: {  	s25 =	simm.s32 @p1 $0x0;
	s22 =	sadd.s32 @p1 s4, s22;
	_ =	strace @p1 $0x80000053  }
0x37: {  	[tilespmem:s26], [sflag:s21] =	stream.linear.gather @p1 [hbm4b:s22+s25], $0x80, $0x200038;
	[tilespmem:$0x8100] =	vst v63  }
0x38: {  	s15 =	sadd.s32 s28, s15;
	s28 =	sand.u32 $0x1, s20;
	_ =	strace @p1 $0x90000053  }
0x39: {  	s28 =	sadd.s32 $0x1, s28;
	_ =	strace $0x80000054  }
0x3a: {  	_ =	swait.ge [sflag:s28], $0x80  }
0x3b: {  	[sflag:s28] =	ssyncset.done $0x0  }
0x3c: {  	s21 =	simm.s32 $0x1;
	[sflag:s28] =	ssyncadd.s32 $0xFFFFFF80  }
0x3d: {  	s21 =	simm.s32 @!p1 $0x0;
	_ =	strace $0x90000054  }
0x3e: {  	s18 =	sadd.s32 s21, s18;
	s21 =	sand.u32 $0x1, s15;
	_ =	strace $0x80000055  }
0x3f: {  	s31 =	sshll.u32 s20, $0x7;
	s29 =	sshll.u32 s21, $0xE;
	s25 =	rddreg [dreg:$0x3]  }
0x40: {  	s31 =	sand.u32 $0x80, s31;
	s22 =	sor.u32 $0x100, s29;
	s26 =	rddreg [dreg:$0x2]  }
0x41: {  	[tilespmem:s22], [sflag:$0x5] =	stream.indirect.gather [hbm4b:s26+s25], $0x80, s31, s25, $0x2000b8;
	[tilespmem:$0x8100] =	vst v63  }
0x42: {  	_ =	swait.ge [sflag:s10], $0x4000  }
0x43: {  	[sflag:s10] =	ssyncset.done $0x0  }
0x44: {  	[sflag:s10] =	ssyncadd.s32 $0xFFFFC000  }
0x45: {  	s30 =	sadd.s32 $0x1, s17;
	_ =	strace $0x90000055  }
0x46: {  	s24 =	sadd.s32 s3, s13;
	s13 =	smov.u32 s17;
	s31 =	sld [smem:$0x7FD]  }
0x47: {  	p0 =	sne.s32 s23, $0x0;
	s17 =	smov.u32 s30;
	p1 =	seq.s32 s30, s5  }
0x48: {  	s17 =	simm.s32 @p1 $0x0;
	p1 =	seq.s32 s7, s23;
	s23 =	simm.s32 $0x1  }
0x49: {  	s23 =	simm.s32 @!p0 $0x0;
	p0 =	seq.s32 s31, $0x1  }
.Ltmp2:
0x4a: {  	s30 =	sld [smem:$0x7FC];
	(pc) =	sbr.rel @p0 .LBB2_5-.Ltmp2, $4  }
0x4b: {  	p3 =	seq.s32 s12, $0x0  }
0x4c: {  	p6 =	por p3, p3;
	p5 =	slt.u32 s12, s7  }
0x4d: {  	p2 =	por p4, p4;
	p3 =	sne.s32 s13, s17;
	p4 =	seq.s32 s30, $0x1  }
0x4e: {  	p5 =	por !p5, !p3;
	p1 =	por p1, p4;
	p4 =	por p6, p6  }
0x4f: {  	p6 =	por $0x1, $0x1  }
.LBB2_7:
0x50: {  	p0 =	por !p1, !p6  }
0x51: {  	s25 =	simm.s32 $0x1;
	_ =	strace @!p0 $0x80000056;
	s24 =	sshll.u32 @!p0 s24, $0xB  }
0x52: {  	p2 =	por p2, !p6;
	s19 =	rddreg [dreg:$0x4];
	s24 =	sand.u32 @!p0 $0x1FFFF800, s24  }
0x53: {  	s21 =	sadd.s32 @!p0 $0x3, s21;
	s19 =	sadd.s32 @!p0 s19, s24;
	s24 =	simm.s32 @!p0 $0x0  }
0x54: {  	[hbm4b:s19+s24] =	stream.linear.scatter @!p0 [tilespmem:s22], [sflag:s21], $0x4000, $0x200038;
	[tilespmem:$0x8100] =	vst v63  }
0x55: {  	p1 =	por !p5, !p5;
	s25 =	simm.s32 @p0 $0x0;
	_ =	strace @!p0 $0x90000056  }
0x56: {  	s16 =	sadd.s32 @!p2 $0x3, s16;
	s17 =	sadd.s32 @p1 s3, s17;
	_ =	strace @!p2 $0x80000057  }
0x57: {  	s18 =	sand.u32 @p1 $0x1, s18;
	s17 =	sshll.u32 @p1 s17, $0x4;
	_ =	swait.ge @!p2 [sflag:s16], $0x4000  }
0x58: {  	s17 =	sand.u32 @p1 $0x1FFFFFF0, s17;
	s19 =	sadd.s32 @p6 s25, s20;
	[sflag:s16] =	ssyncset.done @!p2 $0x0  }
0x59: {  	s20 =	simm.s32 $0x0;
	s17 =	sadd.s32 @p1 s4, s17;
	[sflag:s16] =	ssyncadd.s32 @!p2 $0xFFFFC000  }
0x5a: {  	s20 =	smov.u32 @p6 s19;
	s19 =	sshll.u32 @p1 s18, $0x7;
	_ =	strace @!p2 $0x90000057  }
0x5b: {  	s16 =	sadd.s32 @p1 $0x1, s18;
	s18 =	simm.s32 @p1 $0x0;
	_ =	strace @p1 $0x80000053  }
0x5c: {  	[tilespmem:s19], [sflag:s16] =	stream.linear.gather @p1 [hbm4b:s17+s18], $0x80, $0x200038;
	[tilespmem:$0x8100] =	vst v63  }
0x5d: {  	s26 =	sand.u32 $0x1, s20;
	_ =	strace @p1 $0x90000053  }
0x5e: {  	s16 =	sadd.s32 $0x1, s26;
	_ =	strace $0x80000054  }
0x5f: {  	_ =	swait.ge [sflag:s16], $0x80  }
0x60: {  	[sflag:s16] =	ssyncset.done $0x0  }
0x61: {  	s15 =	sadd.s32 @p6 s25, s15;
	[sflag:s16] =	ssyncadd.s32 $0xFFFFFF80;
	s16 =	simm.s32 $0x0  }
0x62: {  	_ =	strace $0x90000054;
	s16 =	smov.u32 @p6 s15  }
0x63: {  	_ =	strace $0x80000055;
	s16 =	sand.u32 $0x1, s16  }
0x64: {  	s30 =	sshll.u32 s20, $0x7;
	s28 =	rddreg [dreg:$0x3];
	s31 =	sshll.u32 s16, $0xE  }
0x65: {  	s18 =	sand.u32 $0x80, s30;
	s29 =	rddreg [dreg:$0x2];
	s19 =	sor.u32 $0x100, s31  }
0x66: {  	[tilespmem:s19], [sflag:$0x5] =	stream.indirect.gather [hbm4b:s29+s28], $0x80, s18, s28, $0x2000b8;
	[tilespmem:$0x8100] =	vst v63  }
0x67: {  	_ =	swait.ge [sflag:s10], $0x4000  }
0x68: {  	p3 =	por p3, p3;
	[sflag:s10] =	ssyncset.done $0x0  }
0x69: {  	p5 =	seq.s32 s7, s12;
	s13 =	sadd.s32 s3, s13;
	[sflag:s10] =	ssyncadd.s32 $0xFFFFC000  }
0x6a: {  	s14 =	sadd.s32 @p6 s23, s14;
	p1 =	por p5, p3;
	_ =	strace $0x90000055  }
0x6b: {  	s17 =	simm.s32 $0x0;
	s13 =	sshll.u32 @p1 s13, $0xB;
	_ =	strace @p1 $0x80000056  }
0x6c: {  	s17 =	smov.u32 @p6 s14;
	s13 =	sand.u32 @p1 $0x1FFFF800, s13;
	s15 =	rddreg [dreg:$0x4]  }
0x6d: {  	s14 =	sadd.s32 @p1 $0x3, s16;
	s13 =	sadd.s32 @p1 s15, s13;
	s15 =	simm.s32 @p1 $0x0  }
0x6e: {  	[hbm4b:s13+s15] =	stream.linear.scatter @p1 [tilespmem:s19], [sflag:s14], $0x4000, $0x200038;
	[tilespmem:$0x8100] =	vst v63  }
0x6f: {  	p0 =	por p4, p4;
	s13 =	sand.u32 @!p4 $0x1, s17;
	_ =	strace @p1 $0x90000056  }
0x70: {  	s13 =	sadd.s32 @!p0 $0x3, s13;
	_ =	strace @!p0 $0x80000057  }
0x71: {  	p1 =	sne.s32 s12, $0x0;
	s12 =	simm.s32 $0x1;
	_ =	swait.ge @!p0 [sflag:s13], $0x4000  }
0x72: {  	s12 =	simm.s32 @!p1 $0x0;
	[sflag:s13] =	ssyncset.done @!p0 $0x0  }
0x73: {  	s11 =	sadd.s32 $0x1, s11;
	s12 =	sadd.s32 s12, s17;
	[sflag:s13] =	ssyncadd.s32 @!p0 $0xFFFFC000  }
0x74: {  	s12 =	sand.u32 $0x1, s12;
	_ =	strace @!p0 $0x90000057;
	p0 =	sne.s32 s11, s8  }
.Ltmp3:
0x75: {  	s12 =	sadd.s32 $0x3, s12;
	_ =	strace $0x80000058;
	(pc) =	sbr.rel @p0 .LBB2_1-.Ltmp3, $4  }
.Ltmp4:
0x76: {  	_ =	swait.ge [sflag:s12], $0x4000;
	(pc) =	sbr.rel @!p0 .LBB2_8-.Ltmp4, $4  }
0x77: {  	[sflag:s12] =	ssyncset.done $0x0  }
0x78: {  	[sflag:s12] =	ssyncadd.s32 $0xFFFFC000  }
0x79: {  	_ =	strace $0x90000058  }
0x7a: {  	_ = 	snop  }
.LBB2_2:
.Ltmp5:
0x7b: {  	(pc) =	sbr.rel .LBB2_7-.Ltmp5, $4  }
0x7c: {  	_ = 	snop  }
0x7d: {  	s14 =	simm.s32 $0x0  }
0x7e: {  	s12 =	simm.s32 $0x0;
	s15 =	simm.s32 $0x0;
	s17 =	smov.u32 s13  }
0x7f: {  	s20 =	simm.s32 $0x0;
	s18 =	simm.s32 $0x1;
	s13 =	simm.s32 $0x0  }
.LBB2_4:
.Ltmp6:
0x80: {  	(pc) =	sbr.rel .LBB2_7-.Ltmp6, $3  }
0x81: {  	_ =	sdelay $0x1  }
0x82: {  	s14 =	simm.s32 $0x0  }
0x83: {  	s15 =	simm.s32 $0x0;
	s20 =	simm.s32 $0x0;
	p6 =	por $0x1, $0x1  }
.LBB2_8:
0x84: {  	_ =	sfence.sel $0x180000  }
0x85: {  	[bflag:$0x0] =	sbarrier.arrive $0xFFFF  }
0x86: {  	p0 =	sne.s32 s1, $0x0;
	_ =	strace $0x90000051  }
0x87: {  	s0 =	sadd.s32 @!p0 $0x100000, s0;
	[bflag:$0x2] =	sbarrier.arrive $0xFFFF  }
0x88: {  	[sflag:s0] =	ssyncadd.tile.s32 @!p0 $0x1;
	_ =	shalt  }
.Lfunc_end2:
_tile_overlayer_lowered:
.L_overlay_start_2:
0x89: {  	(tag) =	ssettag $0x2  }
0x8a: {  	s0 =	rddreg [dreg:$0x0];
	s2 =	stileid.u32  }
0x8b: {  	s1 =	rddreg [dreg:$0x1];
	p0 =	sne.s32 s2, $0x0  }
0x8c: {  	s3 =	rddreg [dreg:$0x2];
	[bflag:$0x3] =	sbarrier.arrive $0xFFFF;
	s2 =	simm.s32 @!p0 $0x1C01  }
0x8d: {  	[timem:s3], [sflag:s2] =	dma.local @!p0 [hbm:s0], s1  }
0x8e: {  	s0 =	simm.s32 @!p0 $0x1  }
0x8f: {  	_ =	swait.ge @!p0 [sflag:s0], s1  }
0x90: {  	s1 =	ssub.s32 @!p0 $0x0, s1;
	[sflag:s0] =	ssyncset.done @!p0 $0x0  }
0x91: {  	[sflag:s0] =	ssyncadd.s32 @!p0 s1  }
0x92: {  	[bflag:$0x3] =	sbarrier.arrive $0xFFFF  }
0x93: {  	_ =	shalt  }

// kernel: kernel.19.cloned.1.call-start
scs
__scs_entry_jumppad:
0x0: {  	(pc) =	sbr.rel $0x88, $3  }
0x1: {  	(tag) =	ssettag $0x0;
	lr =	simm.s32 $0x1  }
0x2: {  	[smem:$0x3F97] =	sst lr;
	_ =	strace $0xD0000000  }
0x3: {  	_ = 	snop  }
0x4: {  	_ = 	snop  }
0x5: {  	_ = 	snop  }
0x6: {  	_ = 	snop  }
0x7: {  	_ = 	snop  }
__scs_overlays_trampoline_lowered:
0x8: {  	[smem:$0x3FA6] =	sst s0  }
0x9: {  	[smem:$0x3FA7] =	sst s1  }
0xa: {  	[smem:$0x3FA8] =	sst s2  }
0xb: {  	[smem:$0x3FA9] =	sst s3  }
0xc: {  	[smem:$0x3FAA] =	sst s4  }
0xd: {  	[smem:$0x3FAB] =	sst s5  }
0xe: {  	[smem:$0x3FAC] =	sst s6  }
0xf: {  	[smem:$0x3FAD] =	sst s7  }
0x10: {  	[smem:$0x3FAE] =	sst s8  }
0x11: {  	[smem:$0x3FAF] =	sst s9;
	s0 =	simm.s32 @!p0 $0x0  }
0x12: {  	s1 =	sld [smem:$0x3F95];
	s0 =	simm.s32 @p0 $0x1  }
0x13: {  	[smem:$0x3FB0] =	sst s0;
	s0 =	simm.s32 @!p1 $0x0  }
0x14: {  	s2 =	sld [smem:$0x3F94];
	s0 =	simm.s32 @p1 $0x1  }
0x15: {  	[smem:$0x3FB1] =	sst s0;
	s0 =	simm.s32 @!p2 $0x0  }
0x16: {  	s3 =	sld [smem:$0x3FDB];
	s0 =	simm.s32 @p2 $0x1  }
0x17: {  	s4 =	simm.s32 $0x1BF5;
	[smem:$0x3FB3] =	sst s0  }
0x18: {  	s0 =	sld [smem:$0x3F96];
	_ =	swait.ge [sflag:s4], $0x0  }
0x19: {  	s7 =	sld [smem:$0x3F97]  }
0x1a: {  	s8 =	sadd.s32 $0xFFFFE003, lr  }
0x1b: {  	s9 =	sadd.s32 $0xFFFFFEF7, lr;
	s5 =	simm.s32 $0xFFFFFFFF;
	p2 =	slt.u32 s8, $0xFFFFF086  }
0x1c: {  	p1 =	slt.u32 s9, $0xF7A;
	s5 =	simm.s32 @!p2 $0x0  }
0x1d: {  	s5 =	simm.s32 @p1 $0x1;
	p0 =	seq.s32 s7, s2  }
0x1e: {  	s7 =	smul.u32 @!p0 $0xF7A, s2;
	p2 =	seq.s32 @!p0 s5, $0x0  }
0x1f: {  	s9 =	smul.u32 $0xF7A, s1;
	s8 =	simm.s32 @!p0 $0x1BF5;
	p2 =	por !p2, p0  }
0x20: {  	[sflag:s8] =	ssyncset.s32 @!p0 $0xFFFFF086;
	s6 =	sadd.s32 @!p0 s3, s7;
	s7 =	simm.s32 @!p0 $0x108  }
0x21: {  	s3 =	sadd.s32 s3, s9;
	s6 =	sadd.s32 @!p0 $0x88, s6;
	s7 =	simm.s32 @p2 $0x1082  }
0x22: {  	[simem:s7], [sflag:s8] =	dma.local @!p0 [hbm:s6], $0xF7A  }
0x23: {  	s9 =	sor.u32 $0xD0000000, s2;
	s6 =	simm.s32 $0x108;
	_ =	swait.ge @!p0 [sflag:s8], $0x0  }
0x24: {  	s3 =	sadd.s32 $0x88, s3;
	s6 =	simm.s32 @!p1 $0x1082;
	[sflag:s4] =	ssyncset.s32 $0xFFFFF086  }
0x25: {  	[simem:s6], [sflag:s4] =	dma.local [hbm:s3], $0xF7A  }
0x26: {  	[smem:$0x3F97] =	sst s1;
	(tag) =	ssettag s2;
	_ =	strace s9  }
0x27: {  	s1 =	sld [smem:$0x3FA7]  }
0x28: {  	s2 =	sld [smem:$0x3FA8]  }
0x29: {  	s4 =	sld [smem:$0x3FAA]  }
0x2a: {  	p0 =	seq.s32 s5, $0x0;
	s5 =	sld [smem:$0x3FAB]  }
0x2b: {  	s6 =	sld [smem:$0x3FAC]  }
0x2c: {  	s7 =	sld [smem:$0x3FAD]  }
0x2d: {  	s3 =	simm.s32 $0x108;
	s8 =	sld [smem:$0x3FAE]  }
0x2e: {  	s3 =	simm.s32 @!p0 $0x1082;
	s9 =	sld [smem:$0x3FAF]  }
0x2f: {  	lr =	sadd.s32 s0, s3;
	s0 =	sld [smem:$0x3FA6]  }
0x30: {  	s3 =	sld [smem:$0x3FA9]  }
0x31: {  	[smem:$0x3FB2] =	sst s10  }
0x32: {  	s10 =	sld [smem:$0x3FB0];
	_ =	sdelay $0x3  }
0x33: {  	p0 =	seq.s32 s10, $0x1;
	s10 =	sld [smem:$0x3FB2];
	_ =	sdelay $0x3  }
0x34: {  	[smem:$0x3FB2] =	sst s10  }
0x35: {  	s10 =	sld [smem:$0x3FB1];
	_ =	sdelay $0x3  }
0x36: {  	p1 =	seq.s32 s10, $0x1;
	s10 =	sld [smem:$0x3FB2];
	_ =	sdelay $0x3  }
0x37: {  	[smem:$0x3FB2] =	sst s10  }
0x38: {  	s10 =	sld [smem:$0x3FB3]  }
0x39: {  	_ = 	snop;
	(pc) =	sbr.ind lr, $3  }
0x3a: {  	_ = 	snop  }
0x3b: {  	_ = 	snop  }
0x3c: {  	p2 =	seq.s32 s10, $0x1;
	s10 =	sld [smem:$0x3FB2]  }
0x3d: {  	_ =	shalt  }
0x3e: {  	_ =	shalt  }
0x3f: {  	_ =	shalt  }
0x40: {  	_ =	shalt  }
0x41: {  	_ =	shalt  }
0x42: {  	_ =	shalt  }
0x43: {  	_ =	shalt  }
0x44: {  	_ =	shalt  }
0x45: {  	_ =	shalt  }
0x46: {  	_ =	shalt  }
0x47: {  	_ =	shalt  }
0x48: {  	_ =	shalt  }
0x49: {  	_ =	shalt  }
0x4a: {  	_ =	shalt  }
0x4b: {  	_ =	shalt  }
0x4c: {  	_ =	shalt  }
0x4d: {  	_ =	shalt  }
0x4e: {  	_ =	shalt  }
0x4f: {  	_ =	shalt  }
0x50: {  	_ =	shalt  }
0x51: {  	_ =	shalt  }
0x52: {  	_ =	shalt  }
0x53: {  	_ =	shalt  }
0x54: {  	_ =	shalt  }
0x55: {  	_ =	shalt  }
0x56: {  	_ =	shalt  }
0x57: {  	_ =	shalt  }
0x58: {  	_ =	shalt  }
0x59: {  	_ =	shalt  }
0x5a: {  	_ =	shalt  }
0x5b: {  	_ =	shalt  }
0x5c: {  	_ =	shalt  }
0x5d: {  	_ =	shalt  }
0x5e: {  	_ =	shalt  }
0x5f: {  	_ =	shalt  }
0x60: {  	_ =	shalt  }
0x61: {  	_ =	shalt  }
0x62: {  	_ =	shalt  }
0x63: {  	_ =	shalt  }
0x64: {  	_ =	shalt  }
0x65: {  	_ =	shalt  }
0x66: {  	_ =	shalt  }
0x67: {  	_ =	shalt  }
0x68: {  	_ =	shalt  }
0x69: {  	_ =	shalt  }
0x6a: {  	_ =	shalt  }
0x6b: {  	_ =	shalt  }
0x6c: {  	_ =	shalt  }
0x6d: {  	_ =	shalt  }
0x6e: {  	_ =	shalt  }
0x6f: {  	_ =	shalt  }
0x70: {  	_ =	shalt  }
0x71: {  	_ =	shalt  }
0x72: {  	_ =	shalt  }
0x73: {  	_ =	shalt  }
0x74: {  	_ =	shalt  }
0x75: {  	_ =	shalt  }
0x76: {  	_ =	shalt  }
0x77: {  	_ =	shalt  }
0x78: {  	_ =	shalt  }
0x79: {  	_ =	shalt  }
0x7a: {  	_ =	shalt  }
0x7b: {  	_ =	shalt  }
0x7c: {  	_ =	shalt  }
0x7d: {  	_ =	shalt  }
0x7e: {  	_ =	shalt  }
0x7f: {  	_ =	shalt  }
0x80: {  	_ =	shalt  }
0x81: {  	_ =	shalt  }
0x82: {  	_ =	shalt  }
0x83: {  	_ =	shalt  }
0x84: {  	_ =	shalt  }
0x85: {  	_ =	shalt  }
0x86: {  	_ =	shalt  }
0x87: {  	_ =	shalt  }
.Lfunc_end0:
.L_simem_size_0:
called_computation.1_lowered:
.L_overlay_start_0:
0x88: {  	s2 =	sld [smem:$0x3FD9]  }
0x89: {  	s3 =	sld [smem:$0x3FFE];
	_ =	sdelay $0x1  }
0x8a: {  	s1 =	srdreg.scid  }
0x8b: {  	s0 =	sand.u32 $0x1, s1  }
0x8c: {  	s16 =	sshll.u32 s0, $0xA;
	s2 =	sadd.s32 s3, s2  }
0x8d: {  	s2 =	sadd.s32 s2, s16  }
0x8e: {  	[smem:$0x3FBE] =	sst s2  }
0x8f: {  	_ = 	snop  }
0x90: {  	(tm) =	ssettm $0x1  }
0x91: {  	s17 =	sld [smem:$0x3FFB];
	_ =	sdelay $0x3  }
0x92: {  	_ =	strace s17  }
0x93: {  	s2 =	sld [smem:$0x3FFC];
	_ =	sdelay $0x3  }
0x94: {  	_ =	strace s2  }
0x95: {  	s2 =	sld [smem:$0x3FFD];
	_ =	sdelay $0x3  }
0x96: {  	_ =	strace s2  }
0x97: {  	_ =	strace $0x8FFFFFFF  }
0x98: {  	s18 =	sld [smem:$0x3FDB];
	_ =	sdelay $0x1  }
0x99: {  	s19 =	simm.s32 $_scs_section_size  }
0x9a: {  	s4 =	simm.s32 $_size__tile_overlayer_lowered;
	s5 =	simm.s32 $_tile_overlayer_lowered  }
0x9b: {  	s22 =	simm.s32 $0x1BFF;
	s21 =	sshll.u32 s5, $0x1;
	s2 =	sadd.s32 s19, s18  }
0x9c: {  	s6 =	simm.s32 $0x0;
	s20 =	sshll.u32 s4, $0x1;
	s4 =	sadd.s32 s21, s2  }
0x9d: {  	[timem:s6], [sflag:s22] =	dma.local [hbm:s4], s20  }
0x9e: {  	_ =	swait.ge [sflag:s22], s20  }
0x9f: {  	s3 =	ssub.s32 $0x0, s20;
	[sflag:s22] =	ssyncset.done $0x0  }
0xa0: {  	[sflag:s22] =	ssyncadd.s32 s3;
	_ =	sdelay $0x1  }
0xa1: {  	s23 =	simm.s32 $0x1B8B  }
0xa2: {  	_ =	swait.ge [sflag:s23], $0x1  }
0xa3: {  	[sflag:s23] =	ssyncset.done $0x0  }
0xa4: {  	s25 =	simm.s32 $0x1B8E;
	s24 =	sld [smem:$0x3FFE];
	[sflag:s23] =	ssyncadd.s32 $0xFFFFFFFF  }
0xa5: {  	s26 =	simm.s32 $execute0_lowered;
	[smem:$0x3FD2] =	sst s25  }
0xa6: {  	s4 =	sshll.u32 s26, $0x1;
	_ =	strace $0x80000046;
	[dreg:$0x1] =	wrdreg $0xFFFFFFFF  }
0xa7: {  	s28 =	simm.s32 $_size_execute0_lowered;
	s2 =	sadd.s32 s2, s4;
	[dreg:$0x0] =	wrdreg $0x0  }
0xa8: {  	s4 =	sshll.u32 s28, $0x1;
	[dreg:$0x2] =	wrdreg s2  }
0xa9: {  	[dreg:$0x3] =	wrdreg s4  }
0xaa: {  	[dreg:$0x4] =	wrdreg $0xC0  }
0xab: {  	_ =	task [dreg:s6], $0x5FFFF  }
0xac: {  	[dreg:$0x1] =	wrdreg $0xFFFFFFFF  }
0xad: {  	[dreg:$0x0] =	wrdreg $0x60  }
0xae: {  	[dreg:$0x2] =	wrdreg s24  }
0xaf: {  	[dreg:$0x3] =	wrdreg $0xA  }
0xb0: {  	_ =	task.clear_ibuf [dreg:s6], $0x4FFFF;
	_ =	strace $0x90000046  }
0xb1: {  	s29 =	simm.s32 $0xA;
	_ =	strace $0x8000004F  }
0xb2: {  	_ =	swait.ge [sflag:s29], $0x1  }
0xb3: {  	[sflag:s29] =	ssyncadd.s32 $0xFFFFFFFF  }
0xb4: {  	_ =	strace $0x9000004F  }
0xb5: {  	_ =	sfence  }
0xb6: {  	s30 =	sld [smem:$0x0];
	_ =	sdelay $0x2  }
0xb7: {  	s31 =	sshll.u32 s1, $0xD;
	s1 =	sshrl.u32 s1, $0x2  }
0xb8: {  	s3 =	sand.u32 $0x4000, s31;
	s1 =	sadd.s32 s1, s30  }
0xb9: {  	s0 =	sor.u32 s3, s0;
	s1 =	sshll.u32 s1, $0x11  }
0xba: {  	s0 =	sor.u32 s1, s0  }
0xbb: {  	s0 =	sadd.s32 $0x8F2B, s0  }
0xbc: {  	[sflag:s0] =	ssyncadd.remote.s32 $0x1  }
0xbd: {  	_ =	sfence.sel $0xFFFF  }
0xbe: {  	[dreg:$0x0] =	wrdreg $0xFFFFFFFF;
	(pc) =	sbr.abs _section_cstart, $3  }
0xbf: {  	[dreg:$0x1] =	wrdreg $0xFFFFFFFF  }
0xc0: {  	_ =	task.clear_ibuf [dreg:s6], $0x2FFFF;
	_ =	strace $0x9FFFFFFF  }
0xc1: {  	(tm) =	ssettm $0x7FFFFFFF  }
tec
execute0_lowered:
.L_overlay_start_1:
0x0: {  	(tag) =	ssettag $0x1  }
0x1: {  	s0 =	srdreg.scid  }
0x2: {  	s5 =	rddreg [dreg:$0x0];
	s1 =	stileid.u32;
	s6 =	sand.u32 $0x1, s0  }
0x3: {  	s2 =	simm.s32 $0x0;
	s10 =	simm.s32 $0x5;
	s3 =	sshll.u32 s6, $0x4  }
0x4: {  	s11 =	simm.s32 $0x0;
	s0 =	rddreg [dreg:$0x1];
	s4 =	sor.u32 s1, s3  }
0x5: {  	[smem:$0x7FF] =	sst s2;
	s9 =	sadd.s32 $0xA9C00, s5;
	s7 =	smul.u32 $0x27, s4  }
0x6: {  	_ =	strace $0x80000047;
	[dreg:$0x2] =	wrdreg s9;
	s8 =	smul.u32 $0x28, s4  }
0x7: {  	s30 =	ssub.s32 $0x2, s6;
	p0 =	slt.u32 s4, $0x2;
	s4 =	sadd.s32 $0x2, s7  }
0x8: {  	s6 =	simm.s32 $0x28;
	s3 =	sadd.s32 $0x5BA00, s5;
	s4 =	smov.u32 @p0 s8  }
0x9: {  	v2 =	vlaneseq.u32;
	s5 =	sadd.s32 $0x56A00, s5;
	s31 =	sshrl.u32 s30, $0x1;
	s8 =	sshll.u32 s4, $0x4  }
0xa: {  	vm0 =	vmmov $0xffff;
	v1 =	vshrl.u32 v2, $0x3;
	s9 =	ssub.s32 s30, s31;
	s6 =	simm.s32 @!p0 $0x27;
	s8 =	sand.u32 $0x1FFFFFF0, s8  }
0xb: {  	v0 =	vand.u32 $0x7, v2;
	v2 =	vor.u32 $0x8, v2;
	v1 =	vmul.u32 $0x8, v1;
	s9 =	smax.u32 s9, $0x1;
	s7 =	sadd.s32 s5, s8;
	s8 =	sadd.s32 $0xFFFFFFFF, s6  }
.LBB2_1:
0xc: {  	_ =	strace $0x80000048;
	s13 =	simm.s32 $0x0  }
0xd: {  	s12 =	simm.s32 $0x0;
	s14 =	simm.s32 $0x0;
	s15 =	simm.s32 $0x0  }
0xe: {  	[tilespmem:s2], [sflag:$0x1] =	stream.linear.gather [hbm4b:s7+s2], $0x80, $0x200038;
	[tilespmem:$0x10100] =	vst v63  }
0xf: {  	s16 =	simm.s32 $0x1;
	s17 =	simm.s32 $0x0;
	_ =	strace $0x90000048  }
.LBB2_2:
0x10: {  	s18 =	smov.u32 s13;
	s13 =	sadd.s32 $0x1, s13  }
0x11: {  	p0 =	seq.s32 s13, s6  }
0x12: {  	s13 =	simm.s32 @p0 $0x0  }
0x13: {  	p6 =	slt.u32 s17, s8;
	p1 =	sne.s32 s18, s13  }
0x14: {  	p0 =	por !p6, !p1  }
0x15: {  	p0 =	por !p0, !p0  }
0x16: {  	s19 =	sadd.s32 @p0 s4, s13  }
0x17: {  	s20 =	sand.u32 @p0 $0x1, s16;
	s19 =	sshll.u32 @p0 s19, $0x4  }
0x18: {  	_ =	strace @p0 $0x80000049;
	s22 =	simm.s32 @p0 $0x0;
	s19 =	sand.u32 @p0 $0x1FFFFFF0, s19  }
0x19: {  	s21 =	sshll.u32 @p0 s20, $0x7;
	s20 =	sadd.s32 @p0 $0x1, s20;
	s19 =	sadd.s32 @p0 s5, s19  }
0x1a: {  	[tilespmem:s21], [sflag:s20] =	stream.linear.gather @p0 [hbm4b:s19+s22], $0x80, $0x200038;
	[tilespmem:$0x10100] =	vst v63  }
0x1b: {  	s23 =	sand.u32 $0x1, s15;
	_ =	strace @p0 $0x90000049  }
0x1c: {  	s19 =	sadd.s32 $0x1, s23;
	_ =	strace $0x8000004A  }
0x1d: {  	_ =	swait.ge [sflag:s19], $0x80  }
0x1e: {  	[sflag:s19] =	ssyncset.done $0x0  }
0x1f: {  	[sflag:s19] =	ssyncadd.s32 $0xFFFFFF80  }
0x20: {  	s24 =	sshll.u32 s15, $0x7;
	_ =	strace $0x9000004A  }
0x21: {  	s22 =	sand.u32 $0x80, s24;
	_ =	strace $0x8000004B  }
0x22: {  	v3 =	vld [tilespmem:s22+$0x0];
	_ =	sdelay $0x4  }
0x23: {  	v4 =	vshll.u32 v3, $0x1  }
0x24: {  	v3 =	vand.u32 $0x7, v3;
	v4 =	vand.u32 $0xFFFFFFF0, v4  }
0x25: {  	v3 =	vor.u32 v3, v4  }
0x26: {  	v4 =	vperm.xlane v3, v0;
	_ =	sdelay $0x1  }
0x27: {  	v3 =	vperm.xlane v3, v2;
	v4 =	vadd.s32 v1, v4;
	_ =	sdelay $0x1  }
0x28: {  	s19 =	sand.u32 $0x1, s14;
	v3 =	vadd.s32 v1, v3  }
0x29: {  	s21 =	sshll.u32 s19, $0xF  }
0x2a: {  	s20 =	sor.u32 $0x100, s21  }
0x2b: {  	[tilespmem:s20], [sflag:$0x5] =	stream.indirect_vreg.gather [hbm4b:s3+s2], $0x80, v4, vm0, $0x2000b8;
	[tilespmem:$0x10100] =	vst v63  }
0x2c: {  	s23 =	sor.u32 $0x900, s21  }
0x2d: {  	[tilespmem:s23], [sflag:$0x5] =	stream.indirect_vreg.gather [hbm4b:s3+s2], $0x80, v3, vm0, $0x2000b8;
	[tilespmem:$0x10100] =	vst v63  }
0x2e: {  	v3 =	vld [tilespmem:s22+$0x10];
	_ =	sdelay $0x4  }
0x2f: {  	v57 =	vshll.u32 v3, $0x1  }
0x30: {  	v3 =	vand.u32 $0x7, v3;
	v4 =	vand.u32 $0xFFFFFFF0, v57  }
0x31: {  	v3 =	vor.u32 v3, v4  }
0x32: {  	v4 =	vperm.xlane v3, v0;
	_ =	sdelay $0x1  }
0x33: {  	v3 =	vperm.xlane v3, v2;
	v4 =	vadd.s32 v1, v4;
	_ =	sdelay $0x1  }
0x34: {  	v3 =	vadd.s32 v1, v3;
	_ =	sdelay $0x1  }
0x35: {  	s25 =	sor.u32 $0x1100, s21  }
0x36: {  	[tilespmem:s25], [sflag:$0x5] =	stream.indirect_vreg.gather [hbm4b:s3+s2], $0x80, v4, vm0, $0x2000b8;
	[tilespmem:$0x10100] =	vst v63  }
0x37: {  	s26 =	sor.u32 $0x1900, s21  }
0x38: {  	[tilespmem:s26], [sflag:$0x5] =	stream.indirect_vreg.gather [hbm4b:s3+s2], $0x80, v3, vm0, $0x2000b8;
	[tilespmem:$0x10100] =	vst v63  }
0x39: {  	v3 =	vld [tilespmem:s22+$0x20];
	_ =	sdelay $0x4  }
0x3a: {  	v58 =	vshll.u32 v3, $0x1  }
0x3b: {  	v3 =	vand.u32 $0x7, v3;
	v4 =	vand.u32 $0xFFFFFFF0, v58  }
0x3c: {  	v3 =	vor.u32 v3, v4  }
0x3d: {  	v4 =	vperm.xlane v3, v0;
	_ =	sdelay $0x1  }
0x3e: {  	v3 =	vperm.xlane v3, v2;
	v4 =	vadd.s32 v1, v4;
	_ =	sdelay $0x1  }
0x3f: {  	v3 =	vadd.s32 v1, v3;
	_ =	sdelay $0x1  }
0x40: {  	s28 =	sor.u32 $0x2100, s21  }
0x41: {  	[tilespmem:s28], [sflag:$0x5] =	stream.indirect_vreg.gather [hbm4b:s3+s2], $0x80, v4, vm0, $0x2000b8;
	[tilespmem:$0x10100] =	vst v63  }
0x42: {  	s29 =	sor.u32 $0x2900, s21  }
0x43: {  	[tilespmem:s29], [sflag:$0x5] =	stream.indirect_vreg.gather [hbm4b:s3+s2], $0x80, v3, vm0, $0x2000b8;
	[tilespmem:$0x10100] =	vst v63  }
0x44: {  	v3 =	vld [tilespmem:s22+$0x30];
	_ =	sdelay $0x4  }
0x45: {  	v59 =	vshll.u32 v3, $0x1  }
0x46: {  	v3 =	vand.u32 $0x7, v3;
	v4 =	vand.u32 $0xFFFFFFF0, v59  }
0x47: {  	v3 =	vor.u32 v3, v4  }
0x48: {  	v4 =	vperm.xlane v3, v0;
	_ =	sdelay $0x1  }
0x49: {  	v3 =	vperm.xlane v3, v2;
	v4 =	vadd.s32 v1, v4;
	_ =	sdelay $0x1  }
0x4a: {  	v3 =	vadd.s32 v1, v3;
	_ =	sdelay $0x1  }
0x4b: {  	s30 =	sor.u32 $0x3100, s21  }
0x4c: {  	[tilespmem:s30], [sflag:$0x5] =	stream.indirect_vreg.gather [hbm4b:s3+s2], $0x80, v4, vm0, $0x2000b8;
	[tilespmem:$0x10100] =	vst v63  }
0x4d: {  	s31 =	sor.u32 $0x3900, s21  }
0x4e: {  	[tilespmem:s31], [sflag:$0x5] =	stream.indirect_vreg.gather [hbm4b:s3+s2], $0x80, v3, vm0, $0x2000b8;
	[tilespmem:$0x10100] =	vst v63  }
0x4f: {  	v3 =	vld [tilespmem:s22+$0x40];
	_ =	sdelay $0x4  }
0x50: {  	v60 =	vshll.u32 v3, $0x1  }
0x51: {  	v3 =	vand.u32 $0x7, v3;
	v4 =	vand.u32 $0xFFFFFFF0, v60  }
0x52: {  	v3 =	vor.u32 v3, v4  }
0x53: {  	v4 =	vperm.xlane v3, v0;
	_ =	sdelay $0x1  }
0x54: {  	v3 =	vperm.xlane v3, v2;
	v4 =	vadd.s32 v1, v4;
	_ =	sdelay $0x1  }
0x55: {  	v3 =	vadd.s32 v1, v3;
	_ =	sdelay $0x1  }
0x56: {  	s24 =	sor.u32 $0x4100, s21  }
0x57: {  	[tilespmem:s24], [sflag:$0x5] =	stream.indirect_vreg.gather [hbm4b:s3+s2], $0x80, v4, vm0, $0x2000b8;
	[tilespmem:$0x10100] =	vst v63  }
0x58: {  	s25 =	sor.u32 $0x4900, s21  }
0x59: {  	[tilespmem:s25], [sflag:$0x5] =	stream.indirect_vreg.gather [hbm4b:s3+s2], $0x80, v3, vm0, $0x2000b8;
	[tilespmem:$0x10100] =	vst v63  }
0x5a: {  	v3 =	vld [tilespmem:s22+$0x50];
	_ =	sdelay $0x4  }
0x5b: {  	v61 =	vshll.u32 v3, $0x1  }
0x5c: {  	v3 =	vand.u32 $0x7, v3;
	v4 =	vand.u32 $0xFFFFFFF0, v61  }
0x5d: {  	v3 =	vor.u32 v3, v4  }
0x5e: {  	v4 =	vperm.xlane v3, v0;
	_ =	sdelay $0x1  }
0x5f: {  	v3 =	vperm.xlane v3, v2;
	v4 =	vadd.s32 v1, v4;
	_ =	sdelay $0x1  }
0x60: {  	v3 =	vadd.s32 v1, v3;
	_ =	sdelay $0x1  }
0x61: {  	s26 =	sor.u32 $0x5100, s21  }
0x62: {  	[tilespmem:s26], [sflag:$0x5] =	stream.indirect_vreg.gather [hbm4b:s3+s2], $0x80, v4, vm0, $0x2000b8;
	[tilespmem:$0x10100] =	vst v63  }
0x63: {  	s28 =	sor.u32 $0x5900, s21  }
0x64: {  	[tilespmem:s28], [sflag:$0x5] =	stream.indirect_vreg.gather [hbm4b:s3+s2], $0x80, v3, vm0, $0x2000b8;
	[tilespmem:$0x10100] =	vst v63  }
0x65: {  	v3 =	vld [tilespmem:s22+$0x60];
	_ =	sdelay $0x4  }
0x66: {  	v62 =	vshll.u32 v3, $0x1  }
0x67: {  	v3 =	vand.u32 $0x7, v3;
	v4 =	vand.u32 $0xFFFFFFF0, v62  }
0x68: {  	v3 =	vor.u32 v3, v4  }
0x69: {  	v4 =	vperm.xlane v3, v0;
	_ =	sdelay $0x1  }
0x6a: {  	v3 =	vperm.xlane v3, v2;
	v4 =	vadd.s32 v1, v4;
	_ =	sdelay $0x1  }
0x6b: {  	v3 =	vadd.s32 v1, v3;
	_ =	sdelay $0x1  }
0x6c: {  	s29 =	sor.u32 $0x6100, s21  }
0x6d: {  	[tilespmem:s29], [sflag:$0x5] =	stream.indirect_vreg.gather [hbm4b:s3+s2], $0x80, v4, vm0, $0x2000b8;
	[tilespmem:$0x10100] =	vst v63  }
0x6e: {  	s30 =	sor.u32 $0x6900, s21  }
0x6f: {  	[tilespmem:s30], [sflag:$0x5] =	stream.indirect_vreg.gather [hbm4b:s3+s2], $0x80, v3, vm0, $0x2000b8;
	[tilespmem:$0x10100] =	vst v63  }
0x70: {  	v3 =	vld [tilespmem:s22+$0x70];
	_ =	sdelay $0x4  }
0x71: {  	v63 =	vshll.u32 v3, $0x1  }
0x72: {  	v3 =	vand.u32 $0x7, v3;
	v4 =	vand.u32 $0xFFFFFFF0, v63  }
0x73: {  	v3 =	vor.u32 v3, v4  }
0x74: {  	v4 =	vperm.xlane v3, v0;
	_ =	sdelay $0x1  }
0x75: {  	v3 =	vperm.xlane v3, v2;
	v4 =	vadd.s32 v1, v4;
	_ =	sdelay $0x1  }
0x76: {  	v3 =	vadd.s32 v1, v3;
	_ =	sdelay $0x1  }
0x77: {  	s31 =	sor.u32 $0x7100, s21  }
0x78: {  	[tilespmem:s31], [sflag:$0x5] =	stream.indirect_vreg.gather [hbm4b:s3+s2], $0x80, v4, vm0, $0x2000b8;
	[tilespmem:$0x10100] =	vst v63  }
0x79: {  	s21 =	sor.u32 $0x7900, s21  }
0x7a: {  	[tilespmem:s21], [sflag:$0x5] =	stream.indirect_vreg.gather [hbm4b:s3+s2], $0x80, v3, vm0, $0x2000b8;
	[tilespmem:$0x10100] =	vst v63  }
0x7b: {  	_ =	swait.ge [sflag:s10], $0x8000  }
0x7c: {  	p2 =	seq.s32 s8, s17;
	[sflag:s10] =	ssyncset.done $0x0  }
0x7d: {  	s18 =	sadd.s32 s4, s18;
	p1 =	por p2, p1;
	[sflag:s10] =	ssyncadd.s32 $0xFFFF8000  }
0x7e: {  	s18 =	sshll.u32 @p1 s18, $0xC;
	_ =	strace $0x9000004B  }
0x7f: {  	s18 =	sand.u32 @p1 $0x1FFFF000, s18;
	s22 =	simm.s32 $0x1;
	_ =	strace @p1 $0x8000004C  }
0x80: {  	s19 =	sadd.s32 @p1 $0x3, s19;
	s22 =	simm.s32 @!p0 $0x0;
	s21 =	rddreg [dreg:$0x2]  }
0x81: {  	p0 =	seq.s32 s17, $0x0;
	s18 =	sadd.s32 @p1 s21, s18;
	s21 =	simm.s32 @p1 $0x0  }
0x82: {  	[hbm4b:s18+s21] =	stream.linear.scatter @p1 [tilespmem:s20], [sflag:s19], $0x8000, $0x200038;
	[tilespmem:$0x10100] =	vst v63  }
0x83: {  	s18 =	simm.s32 $0x1;
	s20 =	simm.s32 $0x1;
	_ =	strace @p1 $0x9000004C  }
0x84: {  	s18 =	simm.s32 @!p1 $0x0;
	p1 =	sne.s32 s17, $0x0;
	s17 =	sadd.s32 $0x1, s17  }
0x85: {  	s19 =	sand.u32 @!p0 $0x1, s12;
	s20 =	simm.s32 @!p1 $0x0;
	p1 =	sne.s32 s6, s17  }
.Ltmp0:
0x86: {  	s19 =	sadd.s32 @!p0 $0x3, s19;
	_ =	strace @!p0 $0x8000004D;
	(pc) =	sbr.rel @p1 .LBB2_2-.Ltmp0, $4  }
0x87: {  	_ =	swait.ge @!p0 [sflag:s19], $0x8000  }
0x88: {  	[sflag:s19] =	ssyncset.done @!p0 $0x0  }
0x89: {  	s16 =	sadd.s32 s22, s16;
	s14 =	sadd.s32 s18, s14;
	[sflag:s19] =	ssyncadd.s32 @!p0 $0xFFFF8000  }
0x8a: {  	s15 =	sadd.s32 s18, s15;
	s12 =	sadd.s32 s20, s12;
	_ =	strace @!p0 $0x9000004D  }
0x8b: {  	s11 =	sadd.s32 $0x1, s11  }
0x8c: {  	s12 =	sand.u32 $0x1, s12;
	p0 =	sne.s32 s11, s9  }
.Ltmp1:
0x8d: {  	_ =	strace $0x8000004E;
	s12 =	sadd.s32 $0x3, s12;
	(pc) =	sbr.rel @p0 .LBB2_1-.Ltmp1, $4  }
0x8e: {  	_ =	swait.ge [sflag:s12], $0x8000  }
0x8f: {  	[sflag:s12] =	ssyncset.done $0x0  }
0x90: {  	[sflag:s12] =	ssyncadd.s32 $0xFFFF8000  }
0x91: {  	_ =	strace $0x9000004E  }
0x92: {  	_ =	sfence.sel $0x180000  }
0x93: {  	[bflag:$0x0] =	sbarrier.arrive $0xFFFF  }
0x94: {  	p0 =	sne.s32 s1, $0x0;
	_ =	strace $0x90000047  }
0x95: {  	s0 =	sadd.s32 @!p0 $0x100000, s0;
	[bflag:$0x2] =	sbarrier.arrive $0xFFFF  }
0x96: {  	[sflag:s0] =	ssyncadd.tile.s32 @!p0 $0x1;
	_ =	shalt  }
.Lfunc_end2:
_tile_overlayer_lowered:
.L_overlay_start_2:
0x97: {  	(tag) =	ssettag $0x2  }
0x98: {  	s0 =	rddreg [dreg:$0x0];
	s2 =	stileid.u32  }
0x99: {  	s1 =	rddreg [dreg:$0x1];
	p0 =	sne.s32 s2, $0x0  }
0x9a: {  	s3 =	rddreg [dreg:$0x2];
	[bflag:$0x3] =	sbarrier.arrive $0xFFFF;
	s2 =	simm.s32 @!p0 $0x1C01  }
0x9b: {  	[timem:s3], [sflag:s2] =	dma.local @!p0 [hbm:s0], s1  }
0x9c: {  	s0 =	simm.s32 @!p0 $0x1  }
0x9d: {  	_ =	swait.ge @!p0 [sflag:s0], s1  }
0x9e: {  	s1 =	ssub.s32 @!p0 $0x0, s1;
	[sflag:s0] =	ssyncset.done @!p0 $0x0  }
0x9f: {  	[sflag:s0] =	ssyncadd.s32 @!p0 s1  }
0xa0: {  	[bflag:$0x3] =	sbarrier.arrive $0xFFFF  }
0xa1: {  	_ =	shalt  }

// kernel: kernel.22.cloned.1.call-start
scs
__scs_entry_jumppad:
0x0: {  	(pc) =	sbr.rel $0x88, $3  }
0x1: {  	(tag) =	ssettag $0x0;
	lr =	simm.s32 $0x1  }
0x2: {  	[smem:$0x3F97] =	sst lr;
	_ =	strace $0xD0000000  }
0x3: {  	_ = 	snop  }
0x4: {  	_ = 	snop  }
0x5: {  	_ = 	snop  }
0x6: {  	_ = 	snop  }
0x7: {  	_ = 	snop  }
__scs_overlays_trampoline_lowered:
0x8: {  	[smem:$0x3FA6] =	sst s0  }
0x9: {  	[smem:$0x3FA7] =	sst s1  }
0xa: {  	[smem:$0x3FA8] =	sst s2  }
0xb: {  	[smem:$0x3FA9] =	sst s3  }
0xc: {  	[smem:$0x3FAA] =	sst s4  }
0xd: {  	[smem:$0x3FAB] =	sst s5  }
0xe: {  	[smem:$0x3FAC] =	sst s6  }
0xf: {  	[smem:$0x3FAD] =	sst s7  }
0x10: {  	[smem:$0x3FAE] =	sst s8  }
0x11: {  	[smem:$0x3FAF] =	sst s9;
	s0 =	simm.s32 @!p0 $0x0  }
0x12: {  	s1 =	sld [smem:$0x3F95];
	s0 =	simm.s32 @p0 $0x1  }
0x13: {  	[smem:$0x3FB0] =	sst s0;
	s0 =	simm.s32 @!p1 $0x0  }
0x14: {  	s2 =	sld [smem:$0x3F94];
	s0 =	simm.s32 @p1 $0x1  }
0x15: {  	[smem:$0x3FB1] =	sst s0;
	s0 =	simm.s32 @!p2 $0x0  }
0x16: {  	s3 =	sld [smem:$0x3FDB];
	s0 =	simm.s32 @p2 $0x1  }
0x17: {  	s4 =	simm.s32 $0x1BF5;
	[smem:$0x3FB3] =	sst s0  }
0x18: {  	s0 =	sld [smem:$0x3F96];
	_ =	swait.ge [sflag:s4], $0x0  }
0x19: {  	s7 =	sld [smem:$0x3F97]  }
0x1a: {  	s8 =	sadd.s32 $0xFFFFE003, lr  }
0x1b: {  	s9 =	sadd.s32 $0xFFFFFEF7, lr;
	s5 =	simm.s32 $0xFFFFFFFF;
	p2 =	slt.u32 s8, $0xFFFFF086  }
0x1c: {  	p1 =	slt.u32 s9, $0xF7A;
	s5 =	simm.s32 @!p2 $0x0  }
0x1d: {  	s5 =	simm.s32 @p1 $0x1;
	p0 =	seq.s32 s7, s2  }
0x1e: {  	s7 =	smul.u32 @!p0 $0xF7A, s2;
	p2 =	seq.s32 @!p0 s5, $0x0  }
0x1f: {  	s9 =	smul.u32 $0xF7A, s1;
	s8 =	simm.s32 @!p0 $0x1BF5;
	p2 =	por !p2, p0  }
0x20: {  	[sflag:s8] =	ssyncset.s32 @!p0 $0xFFFFF086;
	s6 =	sadd.s32 @!p0 s3, s7;
	s7 =	simm.s32 @!p0 $0x108  }
0x21: {  	s3 =	sadd.s32 s3, s9;
	s6 =	sadd.s32 @!p0 $0x88, s6;
	s7 =	simm.s32 @p2 $0x1082  }
0x22: {  	[simem:s7], [sflag:s8] =	dma.local @!p0 [hbm:s6], $0xF7A  }
0x23: {  	s9 =	sor.u32 $0xD0000000, s2;
	s6 =	simm.s32 $0x108;
	_ =	swait.ge @!p0 [sflag:s8], $0x0  }
0x24: {  	s3 =	sadd.s32 $0x88, s3;
	s6 =	simm.s32 @!p1 $0x1082;
	[sflag:s4] =	ssyncset.s32 $0xFFFFF086  }
0x25: {  	[simem:s6], [sflag:s4] =	dma.local [hbm:s3], $0xF7A  }
0x26: {  	[smem:$0x3F97] =	sst s1;
	(tag) =	ssettag s2;
	_ =	strace s9  }
0x27: {  	s1 =	sld [smem:$0x3FA7]  }
0x28: {  	s2 =	sld [smem:$0x3FA8]  }
0x29: {  	s4 =	sld [smem:$0x3FAA]  }
0x2a: {  	p0 =	seq.s32 s5, $0x0;
	s5 =	sld [smem:$0x3FAB]  }
0x2b: {  	s6 =	sld [smem:$0x3FAC]  }
0x2c: {  	s7 =	sld [smem:$0x3FAD]  }
0x2d: {  	s3 =	simm.s32 $0x108;
	s8 =	sld [smem:$0x3FAE]  }
0x2e: {  	s3 =	simm.s32 @!p0 $0x1082;
	s9 =	sld [smem:$0x3FAF]  }
0x2f: {  	lr =	sadd.s32 s0, s3;
	s0 =	sld [smem:$0x3FA6]  }
0x30: {  	s3 =	sld [smem:$0x3FA9]  }
0x31: {  	[smem:$0x3FB2] =	sst s10  }
0x32: {  	s10 =	sld [smem:$0x3FB0];
	_ =	sdelay $0x3  }
0x33: {  	p0 =	seq.s32 s10, $0x1;
	s10 =	sld [smem:$0x3FB2];
	_ =	sdelay $0x3  }
0x34: {  	[smem:$0x3FB2] =	sst s10  }
0x35: {  	s10 =	sld [smem:$0x3FB1];
	_ =	sdelay $0x3  }
0x36: {  	p1 =	seq.s32 s10, $0x1;
	s10 =	sld [smem:$0x3FB2];
	_ =	sdelay $0x3  }
0x37: {  	[smem:$0x3FB2] =	sst s10  }
0x38: {  	s10 =	sld [smem:$0x3FB3]  }
0x39: {  	_ = 	snop;
	(pc) =	sbr.ind lr, $3  }
0x3a: {  	_ = 	snop  }
0x3b: {  	_ = 	snop  }
0x3c: {  	p2 =	seq.s32 s10, $0x1;
	s10 =	sld [smem:$0x3FB2]  }
0x3d: {  	_ =	shalt  }
0x3e: {  	_ =	shalt  }
0x3f: {  	_ =	shalt  }
0x40: {  	_ =	shalt  }
0x41: {  	_ =	shalt  }
0x42: {  	_ =	shalt  }
0x43: {  	_ =	shalt  }
0x44: {  	_ =	shalt  }
0x45: {  	_ =	shalt  }
0x46: {  	_ =	shalt  }
0x47: {  	_ =	shalt  }
0x48: {  	_ =	shalt  }
0x49: {  	_ =	shalt  }
0x4a: {  	_ =	shalt  }
0x4b: {  	_ =	shalt  }
0x4c: {  	_ =	shalt  }
0x4d: {  	_ =	shalt  }
0x4e: {  	_ =	shalt  }
0x4f: {  	_ =	shalt  }
0x50: {  	_ =	shalt  }
0x51: {  	_ =	shalt  }
0x52: {  	_ =	shalt  }
0x53: {  	_ =	shalt  }
0x54: {  	_ =	shalt  }
0x55: {  	_ =	shalt  }
0x56: {  	_ =	shalt  }
0x57: {  	_ =	shalt  }
0x58: {  	_ =	shalt  }
0x59: {  	_ =	shalt  }
0x5a: {  	_ =	shalt  }
0x5b: {  	_ =	shalt  }
0x5c: {  	_ =	shalt  }
0x5d: {  	_ =	shalt  }
0x5e: {  	_ =	shalt  }
0x5f: {  	_ =	shalt  }
0x60: {  	_ =	shalt  }
0x61: {  	_ =	shalt  }
0x62: {  	_ =	shalt  }
0x63: {  	_ =	shalt  }
0x64: {  	_ =	shalt  }
0x65: {  	_ =	shalt  }
0x66: {  	_ =	shalt  }
0x67: {  	_ =	shalt  }
0x68: {  	_ =	shalt  }
0x69: {  	_ =	shalt  }
0x6a: {  	_ =	shalt  }
0x6b: {  	_ =	shalt  }
0x6c: {  	_ =	shalt  }
0x6d: {  	_ =	shalt  }
0x6e: {  	_ =	shalt  }
0x6f: {  	_ =	shalt  }
0x70: {  	_ =	shalt  }
0x71: {  	_ =	shalt  }
0x72: {  	_ =	shalt  }
0x73: {  	_ =	shalt  }
0x74: {  	_ =	shalt  }
0x75: {  	_ =	shalt  }
0x76: {  	_ =	shalt  }
0x77: {  	_ =	shalt  }
0x78: {  	_ =	shalt  }
0x79: {  	_ =	shalt  }
0x7a: {  	_ =	shalt  }
0x7b: {  	_ =	shalt  }
0x7c: {  	_ =	shalt  }
0x7d: {  	_ =	shalt  }
0x7e: {  	_ =	shalt  }
0x7f: {  	_ =	shalt  }
0x80: {  	_ =	shalt  }
0x81: {  	_ =	shalt  }
0x82: {  	_ =	shalt  }
0x83: {  	_ =	shalt  }
0x84: {  	_ =	shalt  }
0x85: {  	_ =	shalt  }
0x86: {  	_ =	shalt  }
0x87: {  	_ =	shalt  }
.Lfunc_end0:
.L_simem_size_0:
called_computation.2_lowered:
.L_overlay_start_0:
0x88: {  	s2 =	sld [smem:$0x3FD9]  }
0x89: {  	s3 =	sld [smem:$0x3FFE];
	_ =	sdelay $0x1  }
0x8a: {  	s1 =	srdreg.scid  }
0x8b: {  	s0 =	sand.u32 $0x1, s1  }
0x8c: {  	s17 =	sshll.u32 s0, $0xA;
	s2 =	sadd.s32 s3, s2  }
0x8d: {  	s2 =	sadd.s32 s2, s17  }
0x8e: {  	[smem:$0x3FBE] =	sst s2  }
0x8f: {  	_ = 	snop  }
0x90: {  	(tm) =	ssettm $0x1  }
0x91: {  	s18 =	sld [smem:$0x3FFB];
	_ =	sdelay $0x3  }
0x92: {  	_ =	strace s18  }
0x93: {  	s2 =	sld [smem:$0x3FFC];
	_ =	sdelay $0x3  }
0x94: {  	_ =	strace s2  }
0x95: {  	s2 =	sld [smem:$0x3FFD];
	_ =	sdelay $0x3  }
0x96: {  	_ =	strace s2  }
0x97: {  	_ =	strace $0x8FFFFFFF  }
0x98: {  	s19 =	sld [smem:$0x3FDB];
	_ =	sdelay $0x1  }
0x99: {  	s20 =	simm.s32 $_scs_section_size  }
0x9a: {  	s4 =	simm.s32 $_size__tile_overlayer_lowered;
	s5 =	simm.s32 $_tile_overlayer_lowered  }
0x9b: {  	s6 =	simm.s32 $0x1BFF;
	s21 =	sshll.u32 s5, $0x1;
	s3 =	sadd.s32 s20, s19  }
0x9c: {  	s22 =	simm.s32 $0x0;
	s4 =	sshll.u32 s4, $0x1;
	s5 =	sadd.s32 s21, s3  }
0x9d: {  	[timem:s22], [sflag:s6] =	dma.local [hbm:s5], s4  }
0x9e: {  	_ =	swait.ge [sflag:s6], s4  }
0x9f: {  	s4 =	ssub.s32 $0x0, s4;
	[sflag:s6] =	ssyncset.done $0x0  }
0xa0: {  	[sflag:s6] =	ssyncadd.s32 s4;
	_ =	sdelay $0x1  }
0xa1: {  	s23 =	simm.s32 $0x1B8B  }
0xa2: {  	_ =	swait.ge [sflag:s23], $0x1  }
0xa3: {  	[sflag:s23] =	ssyncset.done $0x0  }
0xa4: {  	[sflag:s23] =	ssyncadd.s32 $0xFFFFFFFF  }
0xa5: {  	s4 =	sld [smem:$0x0]  }
0xa6: {  	s5 =	sand.u32 $0xFFFFFFFE, s1  }
0xa7: {  	p0 =	sne.s32 s1, s5  }
0xa8: {  	s5 =	sshll.u32 @p0 s5, $0xE  }
0xa9: {  	s5 =	sadd.s32 @p0 $0x11B8D, s5;
	s6 =	sshll.u32 @p0 s4, $0x11  }
0xaa: {  	s5 =	sor.u32 @p0 s6, s5  }
0xab: {  	[sflag:s5] =	ssyncadd.remote.s32 @p0 $0x1;
	_ =	sdelay $0x1  }
0xac: {  	s5 =	simm.s32 @p0 $0x1B8D  }
0xad: {  	_ =	swait.eq @p0 [sflag:s5], $0x1  }
0xae: {  	[sflag:s5] =	ssyncadd.s32 @p0 $0xFFFFFFFF  }
0xaf: {  	s6 =	sshll.u32 @!p0 s1, $0xE  }
0xb0: {  	s6 =	sor.u32 @!p0 $0x4000, s6;
	s5 =	simm.s32 @!p0 $0x1B8D  }
0xb1: {  	s4 =	sshll.u32 @!p0 s4, $0x11;
	s6 =	sadd.s32 @!p0 $0x11B8D, s6;
	_ =	swait.eq @!p0 [sflag:s5], $0x1  }
0xb2: {  	s4 =	sor.u32 @!p0 s4, s6;
	[sflag:s5] =	ssyncadd.s32 @!p0 $0xFFFFFFFF  }
0xb3: {  	s25 =	simm.s32 $0x1B8E;
	s24 =	sld [smem:$0x3FFE];
	[sflag:s4] =	ssyncadd.remote.s32 @!p0 $0x1  }
0xb4: {  	s26 =	simm.s32 $execute0_lowered;
	[smem:$0x3FD2] =	sst s25  }
0xb5: {  	s5 =	sshll.u32 s26, $0x1;
	_ =	strace $0x80000064;
	[dreg:$0x1] =	wrdreg $0xFFFFFFFF  }
0xb6: {  	s28 =	simm.s32 $_size_execute0_lowered;
	s3 =	sadd.s32 s3, s5;
	[dreg:$0x0] =	wrdreg $0x0  }
0xb7: {  	s5 =	sshll.u32 s28, $0x1;
	[dreg:$0x2] =	wrdreg s3  }
0xb8: {  	[dreg:$0x3] =	wrdreg s5  }
0xb9: {  	[dreg:$0x4] =	wrdreg $0xC0  }
0xba: {  	_ =	task [dreg:s22], $0x5FFFF  }
0xbb: {  	[dreg:$0x1] =	wrdreg $0xFFFFFFFF  }
0xbc: {  	[dreg:$0x0] =	wrdreg $0x60  }
0xbd: {  	[dreg:$0x2] =	wrdreg s24  }
0xbe: {  	[dreg:$0x3] =	wrdreg $0xA  }
0xbf: {  	_ =	task.clear_ibuf [dreg:s22], $0x4FFFF;
	_ =	strace $0x90000064  }
0xc0: {  	s29 =	simm.s32 $0xA;
	_ =	strace $0x8000006D  }
0xc1: {  	_ =	swait.ge [sflag:s29], $0x1  }
0xc2: {  	[sflag:s29] =	ssyncadd.s32 $0xFFFFFFFF  }
0xc3: {  	_ =	strace $0x9000006D  }
0xc4: {  	_ =	sfence  }
0xc5: {  	s30 =	sld [smem:$0x0];
	_ =	sdelay $0x2  }
0xc6: {  	s31 =	sshll.u32 s1, $0xD;
	s1 =	sshrl.u32 s1, $0x2  }
0xc7: {  	s4 =	sand.u32 $0x4000, s31;
	s1 =	sadd.s32 s1, s30  }
0xc8: {  	s0 =	sor.u32 s4, s0;
	s1 =	sshll.u32 s1, $0x11  }
0xc9: {  	s0 =	sor.u32 s1, s0  }
0xca: {  	s0 =	sadd.s32 $0x8F2B, s0  }
0xcb: {  	[sflag:s0] =	ssyncadd.remote.s32 $0x1  }
0xcc: {  	_ =	sfence.sel $0xFFFF  }
0xcd: {  	[dreg:$0x0] =	wrdreg $0xFFFFFFFF;
	(pc) =	sbr.abs _section_cstart, $3  }
0xce: {  	[dreg:$0x1] =	wrdreg $0xFFFFFFFF  }
0xcf: {  	_ =	task.clear_ibuf [dreg:s22], $0x2FFFF;
	_ =	strace $0x9FFFFFFF  }
0xd0: {  	(tm) =	ssettm $0x7FFFFFFF  }
0xd1: {  	_ =	shalt  }
tec
execute0_lowered:
.L_overlay_start_1:
0x0: {  	(tag) =	ssettag $0x1  }
0x1: {  	s5 =	rddreg [dreg:$0x0];
	s1 =	srdreg.scid  }
0x2: {  	s0 =	rddreg [dreg:$0x1];
	s6 =	sand.u32 $0x1, s1  }
0x3: {  	s2 =	simm.s32 $0x0;
	s1 =	stileid.u32;
	s3 =	sshll.u32 s6, $0x4  }
0x4: {  	s10 =	simm.s32 $0x5;
	s11 =	simm.s32 $0x0;
	s4 =	sor.u32 s1, s3  }
0x5: {  	[smem:$0x7FF] =	sst s2;
	s9 =	sadd.s32 $0xF76E00, s5;
	s7 =	smul.u32 $0x27, s4  }
0x6: {  	_ =	strace $0x80000065;
	[dreg:$0x2] =	wrdreg s9;
	s8 =	smul.u32 $0x28, s4  }
0x7: {  	s30 =	ssub.s32 $0x2, s6;
	p0 =	slt.u32 s4, $0x2;
	s4 =	sadd.s32 $0x2, s7  }
0x8: {  	s6 =	simm.s32 $0x28;
	s3 =	sadd.s32 $0x1E2400, s5;
	s4 =	smov.u32 @p0 s8  }
0x9: {  	v2 =	vlaneseq.u32;
	s5 =	sadd.s32 $0x56A00, s5;
	s31 =	sshrl.u32 s30, $0x1;
	s8 =	sshll.u32 s4, $0x4  }
0xa: {  	vm0 =	vmmov $0xffff;
	v1 =	vshrl.u32 v2, $0x3;
	s9 =	ssub.s32 s30, s31;
	s6 =	simm.s32 @!p0 $0x27;
	s8 =	sand.u32 $0x1FFFFFF0, s8  }
0xb: {  	v0 =	vand.u32 $0x7, v2;
	v2 =	vor.u32 $0x8, v2;
	v1 =	vmul.u32 $0x8, v1;
	s9 =	smax.u32 s9, $0x1;
	s7 =	sadd.s32 s5, s8;
	s8 =	sadd.s32 $0xFFFFFFFF, s6  }
.LBB2_1:
0xc: {  	_ =	strace $0x80000066;
	s13 =	simm.s32 $0x0  }
0xd: {  	s12 =	simm.s32 $0x0;
	s14 =	simm.s32 $0x0;
	s15 =	simm.s32 $0x0  }
0xe: {  	[tilespmem:s2], [sflag:$0x1] =	stream.linear.gather [hbm4b:s7+s2], $0x80, $0x200038;
	[tilespmem:$0x10100] =	vst v63  }
0xf: {  	s16 =	simm.s32 $0x1;
	s17 =	simm.s32 $0x0;
	_ =	strace $0x90000066  }
.LBB2_2:
0x10: {  	s18 =	smov.u32 s13;
	s13 =	sadd.s32 $0x1, s13  }
0x11: {  	p0 =	seq.s32 s13, s6  }
0x12: {  	s13 =	simm.s32 @p0 $0x0  }
0x13: {  	p6 =	slt.u32 s17, s8;
	p1 =	sne.s32 s18, s13  }
0x14: {  	p0 =	por !p6, !p1  }
0x15: {  	p0 =	por !p0, !p0  }
0x16: {  	s19 =	sadd.s32 @p0 s4, s13  }
0x17: {  	s20 =	sand.u32 @p0 $0x1, s16;
	s19 =	sshll.u32 @p0 s19, $0x4  }
0x18: {  	_ =	strace @p0 $0x80000067;
	s22 =	simm.s32 @p0 $0x0;
	s19 =	sand.u32 @p0 $0x1FFFFFF0, s19  }
0x19: {  	s21 =	sshll.u32 @p0 s20, $0x7;
	s20 =	sadd.s32 @p0 $0x1, s20;
	s19 =	sadd.s32 @p0 s5, s19  }
0x1a: {  	[tilespmem:s21], [sflag:s20] =	stream.linear.gather @p0 [hbm4b:s19+s22], $0x80, $0x200038;
	[tilespmem:$0x10100] =	vst v63  }
0x1b: {  	s23 =	sand.u32 $0x1, s15;
	_ =	strace @p0 $0x90000067  }
0x1c: {  	s19 =	sadd.s32 $0x1, s23;
	_ =	strace $0x80000068  }
0x1d: {  	_ =	swait.ge [sflag:s19], $0x80  }
0x1e: {  	[sflag:s19] =	ssyncset.done $0x0  }
0x1f: {  	[sflag:s19] =	ssyncadd.s32 $0xFFFFFF80  }
0x20: {  	s24 =	sshll.u32 s15, $0x7;
	_ =	strace $0x90000068  }
0x21: {  	s22 =	sand.u32 $0x80, s24;
	_ =	strace $0x80000069  }
0x22: {  	v3 =	vld [tilespmem:s22+$0x0];
	_ =	sdelay $0x4  }
0x23: {  	v4 =	vshll.u32 v3, $0x1  }
0x24: {  	v3 =	vand.u32 $0x7, v3;
	v4 =	vand.u32 $0xFFFFFFF0, v4  }
0x25: {  	v3 =	vor.u32 v3, v4  }
0x26: {  	v4 =	vperm.xlane v3, v0;
	_ =	sdelay $0x1  }
0x27: {  	v3 =	vperm.xlane v3, v2;
	v4 =	vadd.s32 v1, v4;
	_ =	sdelay $0x1  }
0x28: {  	s19 =	sand.u32 $0x1, s14;
	v3 =	vadd.s32 v1, v3  }
0x29: {  	s21 =	sshll.u32 s19, $0xF  }
0x2a: {  	s20 =	sor.u32 $0x100, s21  }
0x2b: {  	[tilespmem:s20], [sflag:$0x5] =	stream.indirect_vreg.gather [hbm4b:s3+s2], $0x80, v4, vm0, $0x2000b8;
	[tilespmem:$0x10100] =	vst v63  }
0x2c: {  	s23 =	sor.u32 $0x900, s21  }
0x2d: {  	[tilespmem:s23], [sflag:$0x5] =	stream.indirect_vreg.gather [hbm4b:s3+s2], $0x80, v3, vm0, $0x2000b8;
	[tilespmem:$0x10100] =	vst v63  }
0x2e: {  	v3 =	vld [tilespmem:s22+$0x10];
	_ =	sdelay $0x4  }
0x2f: {  	v57 =	vshll.u32 v3, $0x1  }
0x30: {  	v3 =	vand.u32 $0x7, v3;
	v4 =	vand.u32 $0xFFFFFFF0, v57  }
0x31: {  	v3 =	vor.u32 v3, v4  }
0x32: {  	v4 =	vperm.xlane v3, v0;
	_ =	sdelay $0x1  }
0x33: {  	v3 =	vperm.xlane v3, v2;
	v4 =	vadd.s32 v1, v4;
	_ =	sdelay $0x1  }
0x34: {  	v3 =	vadd.s32 v1, v3;
	_ =	sdelay $0x1  }
0x35: {  	s25 =	sor.u32 $0x1100, s21  }
0x36: {  	[tilespmem:s25], [sflag:$0x5] =	stream.indirect_vreg.gather [hbm4b:s3+s2], $0x80, v4, vm0, $0x2000b8;
	[tilespmem:$0x10100] =	vst v63  }
0x37: {  	s26 =	sor.u32 $0x1900, s21  }
0x38: {  	[tilespmem:s26], [sflag:$0x5] =	stream.indirect_vreg.gather [hbm4b:s3+s2], $0x80, v3, vm0, $0x2000b8;
	[tilespmem:$0x10100] =	vst v63  }
0x39: {  	v3 =	vld [tilespmem:s22+$0x20];
	_ =	sdelay $0x4  }
0x3a: {  	v58 =	vshll.u32 v3, $0x1  }
0x3b: {  	v3 =	vand.u32 $0x7, v3;
	v4 =	vand.u32 $0xFFFFFFF0, v58  }
0x3c: {  	v3 =	vor.u32 v3, v4  }
0x3d: {  	v4 =	vperm.xlane v3, v0;
	_ =	sdelay $0x1  }
0x3e: {  	v3 =	vperm.xlane v3, v2;
	v4 =	vadd.s32 v1, v4;
	_ =	sdelay $0x1  }
0x3f: {  	v3 =	vadd.s32 v1, v3;
	_ =	sdelay $0x1  }
0x40: {  	s28 =	sor.u32 $0x2100, s21  }
0x41: {  	[tilespmem:s28], [sflag:$0x5] =	stream.indirect_vreg.gather [hbm4b:s3+s2], $0x80, v4, vm0, $0x2000b8;
	[tilespmem:$0x10100] =	vst v63  }
0x42: {  	s29 =	sor.u32 $0x2900, s21  }
0x43: {  	[tilespmem:s29], [sflag:$0x5] =	stream.indirect_vreg.gather [hbm4b:s3+s2], $0x80, v3, vm0, $0x2000b8;
	[tilespmem:$0x10100] =	vst v63  }
0x44: {  	v3 =	vld [tilespmem:s22+$0x30];
	_ =	sdelay $0x4  }
0x45: {  	v59 =	vshll.u32 v3, $0x1  }
0x46: {  	v3 =	vand.u32 $0x7, v3;
	v4 =	vand.u32 $0xFFFFFFF0, v59  }
0x47: {  	v3 =	vor.u32 v3, v4  }
0x48: {  	v4 =	vperm.xlane v3, v0;
	_ =	sdelay $0x1  }
0x49: {  	v3 =	vperm.xlane v3, v2;
	v4 =	vadd.s32 v1, v4;
	_ =	sdelay $0x1  }
0x4a: {  	v3 =	vadd.s32 v1, v3;
	_ =	sdelay $0x1  }
0x4b: {  	s30 =	sor.u32 $0x3100, s21  }
0x4c: {  	[tilespmem:s30], [sflag:$0x5] =	stream.indirect_vreg.gather [hbm4b:s3+s2], $0x80, v4, vm0, $0x2000b8;
	[tilespmem:$0x10100] =	vst v63  }
0x4d: {  	s31 =	sor.u32 $0x3900, s21  }
0x4e: {  	[tilespmem:s31], [sflag:$0x5] =	stream.indirect_vreg.gather [hbm4b:s3+s2], $0x80, v3, vm0, $0x2000b8;
	[tilespmem:$0x10100] =	vst v63  }
0x4f: {  	v3 =	vld [tilespmem:s22+$0x40];
	_ =	sdelay $0x4  }
0x50: {  	v60 =	vshll.u32 v3, $0x1  }
0x51: {  	v3 =	vand.u32 $0x7, v3;
	v4 =	vand.u32 $0xFFFFFFF0, v60  }
0x52: {  	v3 =	vor.u32 v3, v4  }
0x53: {  	v4 =	vperm.xlane v3, v0;
	_ =	sdelay $0x1  }
0x54: {  	v3 =	vperm.xlane v3, v2;
	v4 =	vadd.s32 v1, v4;
	_ =	sdelay $0x1  }
0x55: {  	v3 =	vadd.s32 v1, v3;
	_ =	sdelay $0x1  }
0x56: {  	s24 =	sor.u32 $0x4100, s21  }
0x57: {  	[tilespmem:s24], [sflag:$0x5] =	stream.indirect_vreg.gather [hbm4b:s3+s2], $0x80, v4, vm0, $0x2000b8;
	[tilespmem:$0x10100] =	vst v63  }
0x58: {  	s25 =	sor.u32 $0x4900, s21  }
0x59: {  	[tilespmem:s25], [sflag:$0x5] =	stream.indirect_vreg.gather [hbm4b:s3+s2], $0x80, v3, vm0, $0x2000b8;
	[tilespmem:$0x10100] =	vst v63  }
0x5a: {  	v3 =	vld [tilespmem:s22+$0x50];
	_ =	sdelay $0x4  }
0x5b: {  	v61 =	vshll.u32 v3, $0x1  }
0x5c: {  	v3 =	vand.u32 $0x7, v3;
	v4 =	vand.u32 $0xFFFFFFF0, v61  }
0x5d: {  	v3 =	vor.u32 v3, v4  }
0x5e: {  	v4 =	vperm.xlane v3, v0;
	_ =	sdelay $0x1  }
0x5f: {  	v3 =	vperm.xlane v3, v2;
	v4 =	vadd.s32 v1, v4;
	_ =	sdelay $0x1  }
0x60: {  	v3 =	vadd.s32 v1, v3;
	_ =	sdelay $0x1  }
0x61: {  	s26 =	sor.u32 $0x5100, s21  }
0x62: {  	[tilespmem:s26], [sflag:$0x5] =	stream.indirect_vreg.gather [hbm4b:s3+s2], $0x80, v4, vm0, $0x2000b8;
	[tilespmem:$0x10100] =	vst v63  }
0x63: {  	s28 =	sor.u32 $0x5900, s21  }
0x64: {  	[tilespmem:s28], [sflag:$0x5] =	stream.indirect_vreg.gather [hbm4b:s3+s2], $0x80, v3, vm0, $0x2000b8;
	[tilespmem:$0x10100] =	vst v63  }
0x65: {  	v3 =	vld [tilespmem:s22+$0x60];
	_ =	sdelay $0x4  }
0x66: {  	v62 =	vshll.u32 v3, $0x1  }
0x67: {  	v3 =	vand.u32 $0x7, v3;
	v4 =	vand.u32 $0xFFFFFFF0, v62  }
0x68: {  	v3 =	vor.u32 v3, v4  }
0x69: {  	v4 =	vperm.xlane v3, v0;
	_ =	sdelay $0x1  }
0x6a: {  	v3 =	vperm.xlane v3, v2;
	v4 =	vadd.s32 v1, v4;
	_ =	sdelay $0x1  }
0x6b: {  	v3 =	vadd.s32 v1, v3;
	_ =	sdelay $0x1  }
0x6c: {  	s29 =	sor.u32 $0x6100, s21  }
0x6d: {  	[tilespmem:s29], [sflag:$0x5] =	stream.indirect_vreg.gather [hbm4b:s3+s2], $0x80, v4, vm0, $0x2000b8;
	[tilespmem:$0x10100] =	vst v63  }
0x6e: {  	s30 =	sor.u32 $0x6900, s21  }
0x6f: {  	[tilespmem:s30], [sflag:$0x5] =	stream.indirect_vreg.gather [hbm4b:s3+s2], $0x80, v3, vm0, $0x2000b8;
	[tilespmem:$0x10100] =	vst v63  }
0x70: {  	v3 =	vld [tilespmem:s22+$0x70];
	_ =	sdelay $0x4  }
0x71: {  	v63 =	vshll.u32 v3, $0x1  }
0x72: {  	v3 =	vand.u32 $0x7, v3;
	v4 =	vand.u32 $0xFFFFFFF0, v63  }
0x73: {  	v3 =	vor.u32 v3, v4  }
0x74: {  	v4 =	vperm.xlane v3, v0;
	_ =	sdelay $0x1  }
0x75: {  	v3 =	vperm.xlane v3, v2;
	v4 =	vadd.s32 v1, v4;
	_ =	sdelay $0x1  }
0x76: {  	v3 =	vadd.s32 v1, v3;
	_ =	sdelay $0x1  }
0x77: {  	s31 =	sor.u32 $0x7100, s21  }
0x78: {  	[tilespmem:s31], [sflag:$0x5] =	stream.indirect_vreg.gather [hbm4b:s3+s2], $0x80, v4, vm0, $0x2000b8;
	[tilespmem:$0x10100] =	vst v63  }
0x79: {  	s21 =	sor.u32 $0x7900, s21  }
0x7a: {  	[tilespmem:s21], [sflag:$0x5] =	stream.indirect_vreg.gather [hbm4b:s3+s2], $0x80, v3, vm0, $0x2000b8;
	[tilespmem:$0x10100] =	vst v63  }
0x7b: {  	_ =	swait.ge [sflag:s10], $0x8000  }
0x7c: {  	p2 =	seq.s32 s8, s17;
	[sflag:s10] =	ssyncset.done $0x0  }
0x7d: {  	s18 =	sadd.s32 s4, s18;
	p1 =	por p2, p1;
	[sflag:s10] =	ssyncadd.s32 $0xFFFF8000  }
0x7e: {  	s18 =	sshll.u32 @p1 s18, $0xC;
	_ =	strace $0x90000069  }
0x7f: {  	s18 =	sand.u32 @p1 $0x1FFFF000, s18;
	s22 =	simm.s32 $0x1;
	_ =	strace @p1 $0x8000006A  }
0x80: {  	s19 =	sadd.s32 @p1 $0x3, s19;
	s22 =	simm.s32 @!p0 $0x0;
	s21 =	rddreg [dreg:$0x2]  }
0x81: {  	p0 =	seq.s32 s17, $0x0;
	s18 =	sadd.s32 @p1 s21, s18;
	s21 =	simm.s32 @p1 $0x0  }
0x82: {  	[hbm4b:s18+s21] =	stream.linear.scatter @p1 [tilespmem:s20], [sflag:s19], $0x8000, $0x200038;
	[tilespmem:$0x10100] =	vst v63  }
0x83: {  	s18 =	simm.s32 $0x1;
	s20 =	simm.s32 $0x1;
	_ =	strace @p1 $0x9000006A  }
0x84: {  	s18 =	simm.s32 @!p1 $0x0;
	p1 =	sne.s32 s17, $0x0;
	s17 =	sadd.s32 $0x1, s17  }
0x85: {  	s19 =	sand.u32 @!p0 $0x1, s12;
	s20 =	simm.s32 @!p1 $0x0;
	p1 =	sne.s32 s6, s17  }
.Ltmp0:
0x86: {  	s19 =	sadd.s32 @!p0 $0x3, s19;
	_ =	strace @!p0 $0x8000006B;
	(pc) =	sbr.rel @p1 .LBB2_2-.Ltmp0, $4  }
0x87: {  	_ =	swait.ge @!p0 [sflag:s19], $0x8000  }
0x88: {  	[sflag:s19] =	ssyncset.done @!p0 $0x0  }
0x89: {  	s16 =	sadd.s32 s22, s16;
	s14 =	sadd.s32 s18, s14;
	[sflag:s19] =	ssyncadd.s32 @!p0 $0xFFFF8000  }
0x8a: {  	s15 =	sadd.s32 s18, s15;
	s12 =	sadd.s32 s20, s12;
	_ =	strace @!p0 $0x9000006B  }
0x8b: {  	s11 =	sadd.s32 $0x1, s11  }
0x8c: {  	s12 =	sand.u32 $0x1, s12;
	p0 =	sne.s32 s11, s9  }
.Ltmp1:
0x8d: {  	_ =	strace $0x8000006C;
	s12 =	sadd.s32 $0x3, s12;
	(pc) =	sbr.rel @p0 .LBB2_1-.Ltmp1, $4  }
0x8e: {  	_ =	swait.ge [sflag:s12], $0x8000  }
0x8f: {  	[sflag:s12] =	ssyncset.done $0x0  }
0x90: {  	[sflag:s12] =	ssyncadd.s32 $0xFFFF8000  }
0x91: {  	_ =	strace $0x9000006C  }
0x92: {  	_ =	sfence.sel $0x180000  }
0x93: {  	[bflag:$0x0] =	sbarrier.arrive $0xFFFF  }
0x94: {  	p0 =	sne.s32 s1, $0x0;
	_ =	strace $0x90000065  }
0x95: {  	s0 =	sadd.s32 @!p0 $0x100000, s0;
	[bflag:$0x2] =	sbarrier.arrive $0xFFFF  }
0x96: {  	[sflag:s0] =	ssyncadd.tile.s32 @!p0 $0x1;
	_ =	shalt  }
.Lfunc_end2:
_tile_overlayer_lowered:
.L_overlay_start_2:
0x97: {  	(tag) =	ssettag $0x2  }
0x98: {  	s0 =	rddreg [dreg:$0x0];
	s2 =	stileid.u32  }
0x99: {  	s1 =	rddreg [dreg:$0x1];
	p0 =	sne.s32 s2, $0x0  }
0x9a: {  	s3 =	rddreg [dreg:$0x2];
	[bflag:$0x3] =	sbarrier.arrive $0xFFFF;
	s2 =	simm.s32 @!p0 $0x1C01  }
0x9b: {  	[timem:s3], [sflag:s2] =	dma.local @!p0 [hbm:s0], s1  }
0x9c: {  	s0 =	simm.s32 @!p0 $0x1  }
0x9d: {  	_ =	swait.ge @!p0 [sflag:s0], s1  }
0x9e: {  	s1 =	ssub.s32 @!p0 $0x0, s1;
	[sflag:s0] =	ssyncset.done @!p0 $0x0  }
0x9f: {  	[sflag:s0] =	ssyncadd.s32 @!p0 s1  }
0xa0: {  	[bflag:$0x3] =	sbarrier.arrive $0xFFFF  }
0xa1: {  	_ =	shalt  }

// kernel: kernel.25.cloned.1.call-start
scs
__scs_entry_jumppad:
0x0: {  	(pc) =	sbr.rel $0x88, $3  }
0x1: {  	(tag) =	ssettag $0x0;
	lr =	simm.s32 $0x1  }
0x2: {  	[smem:$0x3F97] =	sst lr;
	_ =	strace $0xD0000000  }
0x3: {  	_ = 	snop  }
0x4: {  	_ = 	snop  }
0x5: {  	_ = 	snop  }
0x6: {  	_ = 	snop  }
0x7: {  	_ = 	snop  }
__scs_overlays_trampoline_lowered:
0x8: {  	[smem:$0x3FA6] =	sst s0  }
0x9: {  	[smem:$0x3FA7] =	sst s1  }
0xa: {  	[smem:$0x3FA8] =	sst s2  }
0xb: {  	[smem:$0x3FA9] =	sst s3  }
0xc: {  	[smem:$0x3FAA] =	sst s4  }
0xd: {  	[smem:$0x3FAB] =	sst s5  }
0xe: {  	[smem:$0x3FAC] =	sst s6  }
0xf: {  	[smem:$0x3FAD] =	sst s7  }
0x10: {  	[smem:$0x3FAE] =	sst s8  }
0x11: {  	[smem:$0x3FAF] =	sst s9;
	s0 =	simm.s32 @!p0 $0x0  }
0x12: {  	s1 =	sld [smem:$0x3F95];
	s0 =	simm.s32 @p0 $0x1  }
0x13: {  	[smem:$0x3FB0] =	sst s0;
	s0 =	simm.s32 @!p1 $0x0  }
0x14: {  	s2 =	sld [smem:$0x3F94];
	s0 =	simm.s32 @p1 $0x1  }
0x15: {  	[smem:$0x3FB1] =	sst s0;
	s0 =	simm.s32 @!p2 $0x0  }
0x16: {  	s3 =	sld [smem:$0x3FDB];
	s0 =	simm.s32 @p2 $0x1  }
0x17: {  	s4 =	simm.s32 $0x1BF5;
	[smem:$0x3FB3] =	sst s0  }
0x18: {  	s0 =	sld [smem:$0x3F96];
	_ =	swait.ge [sflag:s4], $0x0  }
0x19: {  	s7 =	sld [smem:$0x3F97]  }
0x1a: {  	s8 =	sadd.s32 $0xFFFFE003, lr  }
0x1b: {  	s9 =	sadd.s32 $0xFFFFFEF7, lr;
	s5 =	simm.s32 $0xFFFFFFFF;
	p2 =	slt.u32 s8, $0xFFFFF086  }
0x1c: {  	p1 =	slt.u32 s9, $0xF7A;
	s5 =	simm.s32 @!p2 $0x0  }
0x1d: {  	s5 =	simm.s32 @p1 $0x1;
	p0 =	seq.s32 s7, s2  }
0x1e: {  	s7 =	smul.u32 @!p0 $0xF7A, s2;
	p2 =	seq.s32 @!p0 s5, $0x0  }
0x1f: {  	s9 =	smul.u32 $0xF7A, s1;
	s8 =	simm.s32 @!p0 $0x1BF5;
	p2 =	por !p2, p0  }
0x20: {  	[sflag:s8] =	ssyncset.s32 @!p0 $0xFFFFF086;
	s6 =	sadd.s32 @!p0 s3, s7;
	s7 =	simm.s32 @!p0 $0x108  }
0x21: {  	s3 =	sadd.s32 s3, s9;
	s6 =	sadd.s32 @!p0 $0x88, s6;
	s7 =	simm.s32 @p2 $0x1082  }
0x22: {  	[simem:s7], [sflag:s8] =	dma.local @!p0 [hbm:s6], $0xF7A  }
0x23: {  	s9 =	sor.u32 $0xD0000000, s2;
	s6 =	simm.s32 $0x108;
	_ =	swait.ge @!p0 [sflag:s8], $0x0  }
0x24: {  	s3 =	sadd.s32 $0x88, s3;
	s6 =	simm.s32 @!p1 $0x1082;
	[sflag:s4] =	ssyncset.s32 $0xFFFFF086  }
0x25: {  	[simem:s6], [sflag:s4] =	dma.local [hbm:s3], $0xF7A  }
0x26: {  	[smem:$0x3F97] =	sst s1;
	(tag) =	ssettag s2;
	_ =	strace s9  }
0x27: {  	s1 =	sld [smem:$0x3FA7]  }
0x28: {  	s2 =	sld [smem:$0x3FA8]  }
0x29: {  	s4 =	sld [smem:$0x3FAA]  }
0x2a: {  	p0 =	seq.s32 s5, $0x0;
	s5 =	sld [smem:$0x3FAB]  }
0x2b: {  	s6 =	sld [smem:$0x3FAC]  }
0x2c: {  	s7 =	sld [smem:$0x3FAD]  }
0x2d: {  	s3 =	simm.s32 $0x108;
	s8 =	sld [smem:$0x3FAE]  }
0x2e: {  	s3 =	simm.s32 @!p0 $0x1082;
	s9 =	sld [smem:$0x3FAF]  }
0x2f: {  	lr =	sadd.s32 s0, s3;
	s0 =	sld [smem:$0x3FA6]  }
0x30: {  	s3 =	sld [smem:$0x3FA9]  }
0x31: {  	[smem:$0x3FB2] =	sst s10  }
0x32: {  	s10 =	sld [smem:$0x3FB0];
	_ =	sdelay $0x3  }
0x33: {  	p0 =	seq.s32 s10, $0x1;
	s10 =	sld [smem:$0x3FB2];
	_ =	sdelay $0x3  }
0x34: {  	[smem:$0x3FB2] =	sst s10  }
0x35: {  	s10 =	sld [smem:$0x3FB1];
	_ =	sdelay $0x3  }
0x36: {  	p1 =	seq.s32 s10, $0x1;
	s10 =	sld [smem:$0x3FB2];
	_ =	sdelay $0x3  }
0x37: {  	[smem:$0x3FB2] =	sst s10  }
0x38: {  	s10 =	sld [smem:$0x3FB3]  }
0x39: {  	_ = 	snop;
	(pc) =	sbr.ind lr, $3  }
0x3a: {  	_ = 	snop  }
0x3b: {  	_ = 	snop  }
0x3c: {  	p2 =	seq.s32 s10, $0x1;
	s10 =	sld [smem:$0x3FB2]  }
0x3d: {  	_ =	shalt  }
0x3e: {  	_ =	shalt  }
0x3f: {  	_ =	shalt  }
0x40: {  	_ =	shalt  }
0x41: {  	_ =	shalt  }
0x42: {  	_ =	shalt  }
0x43: {  	_ =	shalt  }
0x44: {  	_ =	shalt  }
0x45: {  	_ =	shalt  }
0x46: {  	_ =	shalt  }
0x47: {  	_ =	shalt  }
0x48: {  	_ =	shalt  }
0x49: {  	_ =	shalt  }
0x4a: {  	_ =	shalt  }
0x4b: {  	_ =	shalt  }
0x4c: {  	_ =	shalt  }
0x4d: {  	_ =	shalt  }
0x4e: {  	_ =	shalt  }
0x4f: {  	_ =	shalt  }
0x50: {  	_ =	shalt  }
0x51: {  	_ =	shalt  }
0x52: {  	_ =	shalt  }
0x53: {  	_ =	shalt  }
0x54: {  	_ =	shalt  }
0x55: {  	_ =	shalt  }
0x56: {  	_ =	shalt  }
0x57: {  	_ =	shalt  }
0x58: {  	_ =	shalt  }
0x59: {  	_ =	shalt  }
0x5a: {  	_ =	shalt  }
0x5b: {  	_ =	shalt  }
0x5c: {  	_ =	shalt  }
0x5d: {  	_ =	shalt  }
0x5e: {  	_ =	shalt  }
0x5f: {  	_ =	shalt  }
0x60: {  	_ =	shalt  }
0x61: {  	_ =	shalt  }
0x62: {  	_ =	shalt  }
0x63: {  	_ =	shalt  }
0x64: {  	_ =	shalt  }
0x65: {  	_ =	shalt  }
0x66: {  	_ =	shalt  }
0x67: {  	_ =	shalt  }
0x68: {  	_ =	shalt  }
0x69: {  	_ =	shalt  }
0x6a: {  	_ =	shalt  }
0x6b: {  	_ =	shalt  }
0x6c: {  	_ =	shalt  }
0x6d: {  	_ =	shalt  }
0x6e: {  	_ =	shalt  }
0x6f: {  	_ =	shalt  }
0x70: {  	_ =	shalt  }
0x71: {  	_ =	shalt  }
0x72: {  	_ =	shalt  }
0x73: {  	_ =	shalt  }
0x74: {  	_ =	shalt  }
0x75: {  	_ =	shalt  }
0x76: {  	_ =	shalt  }
0x77: {  	_ =	shalt  }
0x78: {  	_ =	shalt  }
0x79: {  	_ =	shalt  }
0x7a: {  	_ =	shalt  }
0x7b: {  	_ =	shalt  }
0x7c: {  	_ =	shalt  }
0x7d: {  	_ =	shalt  }
0x7e: {  	_ =	shalt  }
0x7f: {  	_ =	shalt  }
0x80: {  	_ =	shalt  }
0x81: {  	_ =	shalt  }
0x82: {  	_ =	shalt  }
0x83: {  	_ =	shalt  }
0x84: {  	_ =	shalt  }
0x85: {  	_ =	shalt  }
0x86: {  	_ =	shalt  }
0x87: {  	_ =	shalt  }
.Lfunc_end0:
.L_simem_size_0:
called_computation.3_lowered:
.L_overlay_start_0:
0x88: {  	s2 =	sld [smem:$0x3FD9]  }
0x89: {  	s3 =	sld [smem:$0x3FFE];
	_ =	sdelay $0x1  }
0x8a: {  	s1 =	srdreg.scid  }
0x8b: {  	s0 =	sand.u32 $0x1, s1  }
0x8c: {  	s17 =	sshll.u32 s0, $0xA;
	s2 =	sadd.s32 s3, s2  }
0x8d: {  	s2 =	sadd.s32 s2, s17  }
0x8e: {  	[smem:$0x3FBE] =	sst s2  }
0x8f: {  	_ = 	snop  }
0x90: {  	s18 =	sld [smem:$0x3FD0];
	(tm) =	ssettm $0x1  }
0x91: {  	s19 =	sld [smem:$0x3FFB];
	_ =	sdelay $0x3  }
0x92: {  	_ =	strace s19  }
0x93: {  	s2 =	sld [smem:$0x3FFC];
	_ =	sdelay $0x3  }
0x94: {  	_ =	strace s2  }
0x95: {  	s2 =	sld [smem:$0x3FFD];
	_ =	sdelay $0x3  }
0x96: {  	_ =	strace s2  }
0x97: {  	_ =	strace $0x8FFFFFFF  }
0x98: {  	s20 =	sld [smem:$0x3FDB];
	_ =	sdelay $0x1  }
0x99: {  	s4 =	simm.s32 $_scs_section_size  }
0x9a: {  	s5 =	simm.s32 $_size__tile_overlayer_lowered;
	s6 =	simm.s32 $_tile_overlayer_lowered  }
0x9b: {  	s7 =	simm.s32 $0x1BFF;
	s21 =	sshll.u32 s6, $0x1;
	s4 =	sadd.s32 s4, s20  }
0x9c: {  	s22 =	simm.s32 $0x0;
	s5 =	sshll.u32 s5, $0x1;
	s6 =	sadd.s32 s21, s4  }
0x9d: {  	[timem:s22], [sflag:s7] =	dma.local [hbm:s6], s5  }
0x9e: {  	_ =	swait.ge [sflag:s7], s5  }
0x9f: {  	s5 =	ssub.s32 $0x0, s5;
	[sflag:s7] =	ssyncset.done $0x0  }
0xa0: {  	[sflag:s7] =	ssyncadd.s32 s5;
	_ =	sdelay $0x1  }
0xa1: {  	s23 =	simm.s32 $0x1B8B  }
0xa2: {  	_ =	swait.ge [sflag:s23], $0x1  }
0xa3: {  	[sflag:s23] =	ssyncset.done $0x0  }
0xa4: {  	[sflag:s23] =	ssyncadd.s32 $0xFFFFFFFF  }
0xa5: {  	s5 =	sld [smem:$0x0]  }
0xa6: {  	s6 =	sand.u32 $0xFFFFFFFE, s1  }
0xa7: {  	p0 =	sne.s32 s1, s6  }
0xa8: {  	s6 =	sshll.u32 @p0 s6, $0xE  }
0xa9: {  	s6 =	sadd.s32 @p0 $0x11B8D, s6;
	s7 =	sshll.u32 @p0 s5, $0x11  }
0xaa: {  	s6 =	sor.u32 @p0 s7, s6  }
0xab: {  	[sflag:s6] =	ssyncadd.remote.s32 @p0 $0x1;
	_ =	sdelay $0x1  }
0xac: {  	s6 =	simm.s32 @p0 $0x1B8D  }
0xad: {  	_ =	swait.eq @p0 [sflag:s6], $0x1  }
0xae: {  	[sflag:s6] =	ssyncadd.s32 @p0 $0xFFFFFFFF  }
0xaf: {  	s7 =	sshll.u32 @!p0 s1, $0xE  }
0xb0: {  	s7 =	sor.u32 @!p0 $0x4000, s7;
	s6 =	simm.s32 @!p0 $0x1B8D  }
0xb1: {  	s5 =	sshll.u32 @!p0 s5, $0x11;
	s7 =	sadd.s32 @!p0 $0x11B8D, s7;
	_ =	swait.eq @!p0 [sflag:s6], $0x1  }
0xb2: {  	s5 =	sor.u32 @!p0 s5, s7;
	[sflag:s6] =	ssyncadd.s32 @!p0 $0xFFFFFFFF  }
0xb3: {  	s25 =	simm.s32 $0x1B8E;
	s24 =	sld [smem:$0x3FFE];
	[sflag:s5] =	ssyncadd.remote.s32 @!p0 $0x1  }
0xb4: {  	s26 =	simm.s32 $execute0_lowered;
	[smem:$0x3FD2] =	sst s25  }
0xb5: {  	s6 =	sshll.u32 s26, $0x1;
	_ =	strace $0x8000005A;
	[dreg:$0x1] =	wrdreg $0xFFFFFFFF  }
0xb6: {  	s28 =	simm.s32 $_size_execute0_lowered;
	s4 =	sadd.s32 s4, s6;
	[dreg:$0x0] =	wrdreg $0x0  }
0xb7: {  	s6 =	sshll.u32 s28, $0x1;
	[dreg:$0x2] =	wrdreg s4  }
0xb8: {  	[dreg:$0x3] =	wrdreg s6  }
0xb9: {  	[dreg:$0x4] =	wrdreg $0xC0  }
0xba: {  	_ =	task [dreg:s22], $0x5FFFF  }
0xbb: {  	[dreg:$0x1] =	wrdreg $0xFFFFFFFF  }
0xbc: {  	[dreg:$0x0] =	wrdreg $0x60  }
0xbd: {  	[dreg:$0x2] =	wrdreg s18  }
0xbe: {  	[dreg:$0x3] =	wrdreg s24  }
0xbf: {  	[dreg:$0x4] =	wrdreg $0xB  }
0xc0: {  	_ =	task.clear_ibuf [dreg:s22], $0x5FFFF;
	_ =	strace $0x9000005A  }
0xc1: {  	s29 =	simm.s32 $0xB;
	_ =	strace $0x80000063  }
0xc2: {  	_ =	swait.ge [sflag:s29], $0x1  }
0xc3: {  	[sflag:s29] =	ssyncadd.s32 $0xFFFFFFFF  }
0xc4: {  	_ =	strace $0x90000063  }
0xc5: {  	_ =	sfence  }
0xc6: {  	s30 =	sld [smem:$0x0];
	_ =	sdelay $0x2  }
0xc7: {  	s31 =	sshll.u32 s1, $0xD;
	s1 =	sshrl.u32 s1, $0x2  }
0xc8: {  	s4 =	sand.u32 $0x4000, s31;
	s1 =	sadd.s32 s1, s30  }
0xc9: {  	s0 =	sor.u32 s4, s0;
	s1 =	sshll.u32 s1, $0x11  }
0xca: {  	s0 =	sor.u32 s1, s0  }
0xcb: {  	s0 =	sadd.s32 $0x8F2B, s0  }
0xcc: {  	[sflag:s0] =	ssyncadd.remote.s32 $0x1  }
0xcd: {  	_ =	sfence.sel $0xFFFF  }
0xce: {  	[dreg:$0x0] =	wrdreg $0xFFFFFFFF;
	(pc) =	sbr.abs _section_cstart, $3  }
0xcf: {  	[dreg:$0x1] =	wrdreg $0xFFFFFFFF  }
0xd0: {  	_ =	task.clear_ibuf [dreg:s22], $0x2FFFF;
	_ =	strace $0x9FFFFFFF  }
0xd1: {  	(tm) =	ssettm $0x7FFFFFFF  }
tec
execute0_lowered:
.L_overlay_start_1:
0x0: {  	(tag) =	ssettag $0x1  }
0x1: {  	s0 =	srdreg.scid;
	s2 =	rddreg [dreg:$0x0]  }
0x2: {  	s5 =	rddreg [dreg:$0x1];
	s6 =	sand.u32 $0x1, s0  }
0x3: {  	s1 =	stileid.u32;
	s3 =	simm.s32 $0x0;
	s4 =	sshll.u32 s6, $0x4  }
0x4: {  	s10 =	simm.s32 $0x5;
	s0 =	rddreg [dreg:$0x2];
	s4 =	sor.u32 s1, s4  }
0x5: {  	s11 =	simm.s32 $0x0;
	[smem:$0x7FF] =	sst s3;
	s7 =	smul.u32 $0x27, s4  }
0x6: {  	s9 =	sadd.s32 $0xA94E00, s5;
	s5 =	sadd.s32 $0x56A00, s5;
	s8 =	smul.u32 $0x28, s4  }
0x7: {  	_ =	strace $0x8000005B;
	p0 =	slt.u32 s4, $0x2;
	s4 =	sadd.s32 $0x2, s7  }
0x8: {  	[dreg:$0x3] =	wrdreg s9;
	s30 =	ssub.s32 $0x2, s6;
	s4 =	smov.u32 @p0 s8  }
0x9: {  	v2 =	vlaneseq.u32;
	s6 =	simm.s32 $0x28;
	s31 =	sshrl.u32 s30, $0x1;
	s8 =	sshll.u32 s4, $0x4  }
0xa: {  	vm0 =	vmmov $0xffff;
	v1 =	vshrl.u32 v2, $0x3;
	s9 =	ssub.s32 s30, s31;
	s6 =	simm.s32 @!p0 $0x27;
	s8 =	sand.u32 $0x1FFFFFF0, s8  }
0xb: {  	v0 =	vand.u32 $0x7, v2;
	v2 =	vor.u32 $0x8, v2;
	v1 =	vmul.u32 $0x8, v1;
	s9 =	smax.u32 s9, $0x1;
	s7 =	sadd.s32 s5, s8;
	s8 =	sadd.s32 $0xFFFFFFFF, s6  }
.LBB2_1:
0xc: {  	_ =	strace $0x8000005C;
	s13 =	simm.s32 $0x0  }
0xd: {  	s12 =	simm.s32 $0x0;
	s14 =	simm.s32 $0x0;
	s15 =	simm.s32 $0x0  }
0xe: {  	[tilespmem:s3], [sflag:$0x1] =	stream.linear.gather [hbm4b:s7+s3], $0x80, $0x200038;
	[tilespmem:$0x10100] =	vst v63  }
0xf: {  	s16 =	simm.s32 $0x1;
	s17 =	simm.s32 $0x0;
	_ =	strace $0x9000005C  }
.LBB2_2:
0x10: {  	s18 =	smov.u32 s13;
	s13 =	sadd.s32 $0x1, s13  }
0x11: {  	p0 =	seq.s32 s13, s6  }
0x12: {  	s13 =	simm.s32 @p0 $0x0  }
0x13: {  	p6 =	slt.u32 s17, s8;
	p1 =	sne.s32 s18, s13  }
0x14: {  	p0 =	por !p6, !p1  }
0x15: {  	p0 =	por !p0, !p0  }
0x16: {  	s19 =	sadd.s32 @p0 s4, s13  }
0x17: {  	s20 =	sand.u32 @p0 $0x1, s16;
	s19 =	sshll.u32 @p0 s19, $0x4  }
0x18: {  	_ =	strace @p0 $0x8000005D;
	s22 =	simm.s32 @p0 $0x0;
	s19 =	sand.u32 @p0 $0x1FFFFFF0, s19  }
0x19: {  	s21 =	sshll.u32 @p0 s20, $0x7;
	s20 =	sadd.s32 @p0 $0x1, s20;
	s19 =	sadd.s32 @p0 s5, s19  }
0x1a: {  	[tilespmem:s21], [sflag:s20] =	stream.linear.gather @p0 [hbm4b:s19+s22], $0x80, $0x200038;
	[tilespmem:$0x10100] =	vst v63  }
0x1b: {  	s23 =	sand.u32 $0x1, s15;
	_ =	strace @p0 $0x9000005D  }
0x1c: {  	s19 =	sadd.s32 $0x1, s23;
	_ =	strace $0x8000005E  }
0x1d: {  	_ =	swait.ge [sflag:s19], $0x80  }
0x1e: {  	[sflag:s19] =	ssyncset.done $0x0  }
0x1f: {  	[sflag:s19] =	ssyncadd.s32 $0xFFFFFF80  }
0x20: {  	s24 =	sshll.u32 s15, $0x7;
	_ =	strace $0x9000005E  }
0x21: {  	s22 =	sand.u32 $0x80, s24;
	_ =	strace $0x8000005F  }
0x22: {  	v3 =	vld [tilespmem:s22+$0x0];
	_ =	sdelay $0x4  }
0x23: {  	v4 =	vshll.u32 v3, $0x1  }
0x24: {  	v3 =	vand.u32 $0x7, v3;
	v4 =	vand.u32 $0xFFFFFFF0, v4  }
0x25: {  	v3 =	vor.u32 v3, v4  }
0x26: {  	v4 =	vperm.xlane v3, v0;
	_ =	sdelay $0x1  }
0x27: {  	v3 =	vperm.xlane v3, v2;
	v4 =	vadd.s32 v1, v4;
	_ =	sdelay $0x1  }
0x28: {  	s19 =	sand.u32 $0x1, s14;
	v3 =	vadd.s32 v1, v3  }
0x29: {  	s21 =	sshll.u32 s19, $0xF  }
0x2a: {  	s20 =	sor.u32 $0x100, s21  }
0x2b: {  	[tilespmem:s20], [sflag:$0x5] =	stream.indirect_vreg.gather [hbm4b:s2+s3], $0x80, v4, vm0, $0x2000b8;
	[tilespmem:$0x10100] =	vst v63  }
0x2c: {  	s23 =	sor.u32 $0x900, s21  }
0x2d: {  	[tilespmem:s23], [sflag:$0x5] =	stream.indirect_vreg.gather [hbm4b:s2+s3], $0x80, v3, vm0, $0x2000b8;
	[tilespmem:$0x10100] =	vst v63  }
0x2e: {  	v3 =	vld [tilespmem:s22+$0x10];
	_ =	sdelay $0x4  }
0x2f: {  	v57 =	vshll.u32 v3, $0x1  }
0x30: {  	v3 =	vand.u32 $0x7, v3;
	v4 =	vand.u32 $0xFFFFFFF0, v57  }
0x31: {  	v3 =	vor.u32 v3, v4  }
0x32: {  	v4 =	vperm.xlane v3, v0;
	_ =	sdelay $0x1  }
0x33: {  	v3 =	vperm.xlane v3, v2;
	v4 =	vadd.s32 v1, v4;
	_ =	sdelay $0x1  }
0x34: {  	v3 =	vadd.s32 v1, v3;
	_ =	sdelay $0x1  }
0x35: {  	s25 =	sor.u32 $0x1100, s21  }
0x36: {  	[tilespmem:s25], [sflag:$0x5] =	stream.indirect_vreg.gather [hbm4b:s2+s3], $0x80, v4, vm0, $0x2000b8;
	[tilespmem:$0x10100] =	vst v63  }
0x37: {  	s26 =	sor.u32 $0x1900, s21  }
0x38: {  	[tilespmem:s26], [sflag:$0x5] =	stream.indirect_vreg.gather [hbm4b:s2+s3], $0x80, v3, vm0, $0x2000b8;
	[tilespmem:$0x10100] =	vst v63  }
0x39: {  	v3 =	vld [tilespmem:s22+$0x20];
	_ =	sdelay $0x4  }
0x3a: {  	v58 =	vshll.u32 v3, $0x1  }
0x3b: {  	v3 =	vand.u32 $0x7, v3;
	v4 =	vand.u32 $0xFFFFFFF0, v58  }
0x3c: {  	v3 =	vor.u32 v3, v4  }
0x3d: {  	v4 =	vperm.xlane v3, v0;
	_ =	sdelay $0x1  }
0x3e: {  	v3 =	vperm.xlane v3, v2;
	v4 =	vadd.s32 v1, v4;
	_ =	sdelay $0x1  }
0x3f: {  	v3 =	vadd.s32 v1, v3;
	_ =	sdelay $0x1  }
0x40: {  	s28 =	sor.u32 $0x2100, s21  }
0x41: {  	[tilespmem:s28], [sflag:$0x5] =	stream.indirect_vreg.gather [hbm4b:s2+s3], $0x80, v4, vm0, $0x2000b8;
	[tilespmem:$0x10100] =	vst v63  }
0x42: {  	s29 =	sor.u32 $0x2900, s21  }
0x43: {  	[tilespmem:s29], [sflag:$0x5] =	stream.indirect_vreg.gather [hbm4b:s2+s3], $0x80, v3, vm0, $0x2000b8;
	[tilespmem:$0x10100] =	vst v63  }
0x44: {  	v3 =	vld [tilespmem:s22+$0x30];
	_ =	sdelay $0x4  }
0x45: {  	v59 =	vshll.u32 v3, $0x1  }
0x46: {  	v3 =	vand.u32 $0x7, v3;
	v4 =	vand.u32 $0xFFFFFFF0, v59  }
0x47: {  	v3 =	vor.u32 v3, v4  }
0x48: {  	v4 =	vperm.xlane v3, v0;
	_ =	sdelay $0x1  }
0x49: {  	v3 =	vperm.xlane v3, v2;
	v4 =	vadd.s32 v1, v4;
	_ =	sdelay $0x1  }
0x4a: {  	v3 =	vadd.s32 v1, v3;
	_ =	sdelay $0x1  }
0x4b: {  	s30 =	sor.u32 $0x3100, s21  }
0x4c: {  	[tilespmem:s30], [sflag:$0x5] =	stream.indirect_vreg.gather [hbm4b:s2+s3], $0x80, v4, vm0, $0x2000b8;
	[tilespmem:$0x10100] =	vst v63  }
0x4d: {  	s31 =	sor.u32 $0x3900, s21  }
0x4e: {  	[tilespmem:s31], [sflag:$0x5] =	stream.indirect_vreg.gather [hbm4b:s2+s3], $0x80, v3, vm0, $0x2000b8;
	[tilespmem:$0x10100] =	vst v63  }
0x4f: {  	v3 =	vld [tilespmem:s22+$0x40];
	_ =	sdelay $0x4  }
0x50: {  	v60 =	vshll.u32 v3, $0x1  }
0x51: {  	v3 =	vand.u32 $0x7, v3;
	v4 =	vand.u32 $0xFFFFFFF0, v60  }
0x52: {  	v3 =	vor.u32 v3, v4  }
0x53: {  	v4 =	vperm.xlane v3, v0;
	_ =	sdelay $0x1  }
0x54: {  	v3 =	vperm.xlane v3, v2;
	v4 =	vadd.s32 v1, v4;
	_ =	sdelay $0x1  }
0x55: {  	v3 =	vadd.s32 v1, v3;
	_ =	sdelay $0x1  }
0x56: {  	s24 =	sor.u32 $0x4100, s21  }
0x57: {  	[tilespmem:s24], [sflag:$0x5] =	stream.indirect_vreg.gather [hbm4b:s2+s3], $0x80, v4, vm0, $0x2000b8;
	[tilespmem:$0x10100] =	vst v63  }
0x58: {  	s25 =	sor.u32 $0x4900, s21  }
0x59: {  	[tilespmem:s25], [sflag:$0x5] =	stream.indirect_vreg.gather [hbm4b:s2+s3], $0x80, v3, vm0, $0x2000b8;
	[tilespmem:$0x10100] =	vst v63  }
0x5a: {  	v3 =	vld [tilespmem:s22+$0x50];
	_ =	sdelay $0x4  }
0x5b: {  	v61 =	vshll.u32 v3, $0x1  }
0x5c: {  	v3 =	vand.u32 $0x7, v3;
	v4 =	vand.u32 $0xFFFFFFF0, v61  }
0x5d: {  	v3 =	vor.u32 v3, v4  }
0x5e: {  	v4 =	vperm.xlane v3, v0;
	_ =	sdelay $0x1  }
0x5f: {  	v3 =	vperm.xlane v3, v2;
	v4 =	vadd.s32 v1, v4;
	_ =	sdelay $0x1  }
0x60: {  	v3 =	vadd.s32 v1, v3;
	_ =	sdelay $0x1  }
0x61: {  	s26 =	sor.u32 $0x5100, s21  }
0x62: {  	[tilespmem:s26], [sflag:$0x5] =	stream.indirect_vreg.gather [hbm4b:s2+s3], $0x80, v4, vm0, $0x2000b8;
	[tilespmem:$0x10100] =	vst v63  }
0x63: {  	s28 =	sor.u32 $0x5900, s21  }
0x64: {  	[tilespmem:s28], [sflag:$0x5] =	stream.indirect_vreg.gather [hbm4b:s2+s3], $0x80, v3, vm0, $0x2000b8;
	[tilespmem:$0x10100] =	vst v63  }
0x65: {  	v3 =	vld [tilespmem:s22+$0x60];
	_ =	sdelay $0x4  }
0x66: {  	v62 =	vshll.u32 v3, $0x1  }
0x67: {  	v3 =	vand.u32 $0x7, v3;
	v4 =	vand.u32 $0xFFFFFFF0, v62  }
0x68: {  	v3 =	vor.u32 v3, v4  }
0x69: {  	v4 =	vperm.xlane v3, v0;
	_ =	sdelay $0x1  }
0x6a: {  	v3 =	vperm.xlane v3, v2;
	v4 =	vadd.s32 v1, v4;
	_ =	sdelay $0x1  }
0x6b: {  	v3 =	vadd.s32 v1, v3;
	_ =	sdelay $0x1  }
0x6c: {  	s29 =	sor.u32 $0x6100, s21  }
0x6d: {  	[tilespmem:s29], [sflag:$0x5] =	stream.indirect_vreg.gather [hbm4b:s2+s3], $0x80, v4, vm0, $0x2000b8;
	[tilespmem:$0x10100] =	vst v63  }
0x6e: {  	s30 =	sor.u32 $0x6900, s21  }
0x6f: {  	[tilespmem:s30], [sflag:$0x5] =	stream.indirect_vreg.gather [hbm4b:s2+s3], $0x80, v3, vm0, $0x2000b8;
	[tilespmem:$0x10100] =	vst v63  }
0x70: {  	v3 =	vld [tilespmem:s22+$0x70];
	_ =	sdelay $0x4  }
0x71: {  	v63 =	vshll.u32 v3, $0x1  }
0x72: {  	v3 =	vand.u32 $0x7, v3;
	v4 =	vand.u32 $0xFFFFFFF0, v63  }
0x73: {  	v3 =	vor.u32 v3, v4  }
0x74: {  	v4 =	vperm.xlane v3, v0;
	_ =	sdelay $0x1  }
0x75: {  	v3 =	vperm.xlane v3, v2;
	v4 =	vadd.s32 v1, v4;
	_ =	sdelay $0x1  }
0x76: {  	v3 =	vadd.s32 v1, v3;
	_ =	sdelay $0x1  }
0x77: {  	s31 =	sor.u32 $0x7100, s21  }
0x78: {  	[tilespmem:s31], [sflag:$0x5] =	stream.indirect_vreg.gather [hbm4b:s2+s3], $0x80, v4, vm0, $0x2000b8;
	[tilespmem:$0x10100] =	vst v63  }
0x79: {  	s21 =	sor.u32 $0x7900, s21  }
0x7a: {  	[tilespmem:s21], [sflag:$0x5] =	stream.indirect_vreg.gather [hbm4b:s2+s3], $0x80, v3, vm0, $0x2000b8;
	[tilespmem:$0x10100] =	vst v63  }
0x7b: {  	_ =	swait.ge [sflag:s10], $0x8000  }
0x7c: {  	p2 =	seq.s32 s8, s17;
	[sflag:s10] =	ssyncset.done $0x0  }
0x7d: {  	s18 =	sadd.s32 s4, s18;
	p1 =	por p2, p1;
	[sflag:s10] =	ssyncadd.s32 $0xFFFF8000  }
0x7e: {  	s18 =	sshll.u32 @p1 s18, $0xC;
	_ =	strace $0x9000005F  }
0x7f: {  	s18 =	sand.u32 @p1 $0x1FFFF000, s18;
	s22 =	simm.s32 $0x1;
	_ =	strace @p1 $0x80000060  }
0x80: {  	s19 =	sadd.s32 @p1 $0x3, s19;
	s22 =	simm.s32 @!p0 $0x0;
	s21 =	rddreg [dreg:$0x3]  }
0x81: {  	p0 =	seq.s32 s17, $0x0;
	s18 =	sadd.s32 @p1 s21, s18;
	s21 =	simm.s32 @p1 $0x0  }
0x82: {  	[hbm4b:s18+s21] =	stream.linear.scatter @p1 [tilespmem:s20], [sflag:s19], $0x8000, $0x200038;
	[tilespmem:$0x10100] =	vst v63  }
0x83: {  	s18 =	simm.s32 $0x1;
	s20 =	simm.s32 $0x1;
	_ =	strace @p1 $0x90000060  }
0x84: {  	s18 =	simm.s32 @!p1 $0x0;
	p1 =	sne.s32 s17, $0x0;
	s17 =	sadd.s32 $0x1, s17  }
0x85: {  	s19 =	sand.u32 @!p0 $0x1, s12;
	s20 =	simm.s32 @!p1 $0x0;
	p1 =	sne.s32 s6, s17  }
.Ltmp0:
0x86: {  	s19 =	sadd.s32 @!p0 $0x3, s19;
	_ =	strace @!p0 $0x80000061;
	(pc) =	sbr.rel @p1 .LBB2_2-.Ltmp0, $4  }
0x87: {  	_ =	swait.ge @!p0 [sflag:s19], $0x8000  }
0x88: {  	[sflag:s19] =	ssyncset.done @!p0 $0x0  }
0x89: {  	s16 =	sadd.s32 s22, s16;
	s14 =	sadd.s32 s18, s14;
	[sflag:s19] =	ssyncadd.s32 @!p0 $0xFFFF8000  }
0x8a: {  	s15 =	sadd.s32 s18, s15;
	s12 =	sadd.s32 s20, s12;
	_ =	strace @!p0 $0x90000061  }
0x8b: {  	s11 =	sadd.s32 $0x1, s11  }
0x8c: {  	s12 =	sand.u32 $0x1, s12;
	p0 =	sne.s32 s11, s9  }
.Ltmp1:
0x8d: {  	_ =	strace $0x80000062;
	s12 =	sadd.s32 $0x3, s12;
	(pc) =	sbr.rel @p0 .LBB2_1-.Ltmp1, $4  }
0x8e: {  	_ =	swait.ge [sflag:s12], $0x8000  }
0x8f: {  	[sflag:s12] =	ssyncset.done $0x0  }
0x90: {  	[sflag:s12] =	ssyncadd.s32 $0xFFFF8000  }
0x91: {  	_ =	strace $0x90000062  }
0x92: {  	_ =	sfence.sel $0x180000  }
0x93: {  	[bflag:$0x0] =	sbarrier.arrive $0xFFFF  }
0x94: {  	p0 =	sne.s32 s1, $0x0;
	_ =	strace $0x9000005B  }
0x95: {  	s0 =	sadd.s32 @!p0 $0x100000, s0;
	[bflag:$0x2] =	sbarrier.arrive $0xFFFF  }
0x96: {  	[sflag:s0] =	ssyncadd.tile.s32 @!p0 $0x1;
	_ =	shalt  }
.Lfunc_end2:
_tile_overlayer_lowered:
.L_overlay_start_2:
0x97: {  	(tag) =	ssettag $0x2  }
0x98: {  	s0 =	rddreg [dreg:$0x0];
	s2 =	stileid.u32  }
0x99: {  	s1 =	rddreg [dreg:$0x1];
	p0 =	sne.s32 s2, $0x0  }
0x9a: {  	s3 =	rddreg [dreg:$0x2];
	[bflag:$0x3] =	sbarrier.arrive $0xFFFF;
	s2 =	simm.s32 @!p0 $0x1C01  }
0x9b: {  	[timem:s3], [sflag:s2] =	dma.local @!p0 [hbm:s0], s1  }
0x9c: {  	s0 =	simm.s32 @!p0 $0x1  }
0x9d: {  	_ =	swait.ge @!p0 [sflag:s0], s1  }
0x9e: {  	s1 =	ssub.s32 @!p0 $0x0, s1;
	[sflag:s0] =	ssyncset.done @!p0 $0x0  }
0x9f: {  	[sflag:s0] =	ssyncadd.s32 @!p0 s1  }
0xa0: {  	[bflag:$0x3] =	sbarrier.arrive $0xFFFF  }
0xa1: {  	_ =	shalt  }

</sc_bundles>
